<compile_context>
chip_gen: v7x
topology: tpu7x:2x2x1
jax: 0.10.2.dev20260603
libtpu: 0.0.44.dev20260713+nightly
codegen_flags: <defaults>
</compile_context>

<pallas_src>
import functools

import jax
import jax.numpy as jnp
from jax import lax
from jax.experimental import pallas as pl
from jax.experimental.pallas import tpu as pltpu
from jax.experimental.pallas import tpu_sc as plsc

NN = 50000
TT = 12
CC = 2
NPAD = 50048
SENT = NN
L = 125
NCH = 400
WARM = 64
S = L + WARM

EC = 128
NWORK = 32
E_TOTAL = 1600000 + NN
M_CHUNK = 2 * (-(-E_TOTAL // (NWORK * EC * 2)))
EPAD = NWORK * EC * M_CHUNK
EW = M_CHUNK * EC
EALLOC = EPAD + EC

BM = NPAD // 8


def _scan_body(x0_ref, x1_ref, wih_ref, bih_ref, whh_ref, bhh_ref, gru_ref):
    w00 = wih_ref[0, 0]; w01 = wih_ref[0, 1]
    w10 = wih_ref[1, 0]; w11 = wih_ref[1, 1]
    w20 = wih_ref[2, 0]; w21 = wih_ref[2, 1]
    b0 = bih_ref[0, 0]; b1 = bih_ref[0, 1]; b2 = bih_ref[0, 2]
    u0 = whh_ref[0, 0]; u1 = whh_ref[0, 1]; u2 = whh_ref[0, 2]
    c0 = bhh_ref[0, 0]; c1 = bhh_ref[0, 1]; c2 = bhh_ref[0, 2]
    lane0 = lax.broadcasted_iota(jnp.int32, (TT, NCH), 1) == 0

    def step(s, h):
        xs0 = x0_ref[pl.ds(s, 1)].reshape(TT, NCH)
        xs1 = x1_ref[pl.ds(s, 1)].reshape(TT, NCH)
        r = jax.nn.sigmoid(xs0 * w00 + xs1 * w01 + b0 + h * u0 + c0)
        z = jax.nn.sigmoid(xs0 * w10 + xs1 * w11 + b1 + h * u1 + c1)
        nt = jnp.tanh(xs0 * w20 + xs1 * w21 + b2 + r * (h * u2 + c2))
        h = (1.0 - z) * nt + z * h
        h = jnp.where(lane0 & (s < WARM), 0.0, h)

        @pl.when(s >= WARM)
        def _():
            gru_ref[pl.ds(s - WARM, 1)] = h.reshape(1, TT, NCH)
        return h

    lax.fori_loop(0, S, step, jnp.zeros((TT, NCH), jnp.float32))


def _scan_call(x0, x1, wih, bih, whh, bhh):
    return pl.pallas_call(
        _scan_body,
        in_specs=[
            pl.BlockSpec(memory_space=pltpu.VMEM),
            pl.BlockSpec(memory_space=pltpu.VMEM),
            pl.BlockSpec(memory_space=pltpu.SMEM),
            pl.BlockSpec(memory_space=pltpu.SMEM),
            pl.BlockSpec(memory_space=pltpu.SMEM),
            pl.BlockSpec(memory_space=pltpu.SMEM),
        ],
        out_specs=pl.BlockSpec(memory_space=pltpu.VMEM),
        out_shape=jax.ShapeDtypeStruct((L, TT, NCH), jnp.float32),
    )(x0, x1, wih, bih, whh, bhh)


def _feat_body(x24_ref, wg_ref, hf_ref):
    col = lax.broadcasted_iota(jnp.int32, (1, 16), 1)
    hf_ref[...] = jnp.dot(x24_ref[...], wg_ref[...],
                          preferred_element_type=jnp.float32) + \
        jnp.where(col == 12, 1.0, 0.0)


def _feat_call(x24p, wg16p):
    return pl.pallas_call(
        _feat_body,
        grid=(NPAD // BM,),
        in_specs=[
            pl.BlockSpec((BM, TT * CC), lambda i: (i, 0)),
            pl.BlockSpec((TT * CC, 16), lambda i: (0, 0)),
        ],
        out_specs=pl.BlockSpec((BM, 16), lambda i: (i, 0)),
        out_shape=jax.ShapeDtypeStruct((NPAD, 16), jnp.float32),
    )(x24p, wg16p)


def _edge_body(hf_hbm, src_hbm, dst_hbm, zeros_hbm,
               acc_hbm,
               srcb_a, dstb_a, srcb_b, dstb_b, sbuf,
               rows_sa, rows_da, rows_sb, rows_db, acc_sh,
               sem_sa, sem_da, sem_sb, sem_db):
    c = lax.axis_index("c")
    s = lax.axis_index("s")
    wid = s * 2 + c
    rows_per = NPAD // 16
    pltpu.sync_copy(zeros_hbm.at[pl.ds(s * rows_per, rows_per)],
                    acc_sh.at[pl.ds(s * rows_per, rows_per)])
    plsc.subcore_barrier()

    base0 = wid * EW
    lanes = lax.iota(jnp.int32, 16)
    c13 = jnp.full((16,), 13, jnp.int32)
    c14 = jnp.full((16,), 14, jnp.int32)

    def prefetch(base, srcb, dstb, rows_s, rows_d, sem_s, sem_d):
        pltpu.sync_copy(src_hbm.at[pl.ds(base, EC)], srcb)
        pltpu.sync_copy(dst_hbm.at[pl.ds(base, EC)], dstb)
        pltpu.async_copy(hf_hbm.at[srcb], rows_s, sem_s)
        pltpu.async_copy(hf_hbm.at[dstb], rows_d, sem_d)

    def drain(rows_s, rows_d, sem_s, sem_d):
        pltpu.make_async_copy(hf_hbm.at[pl.ds(0, EC)], rows_s, sem_s).wait()
        pltpu.make_async_copy(hf_hbm.at[pl.ds(0, EC)], rows_d, sem_d).wait()

    def do_chunk(dstb, rows_s, rows_d):
        for i in range(EC // 16):
            ri = lanes + (i * 16)
            asv = plsc.load_gather(rows_s, [ri, c13])
            adv = plsc.load_gather(rows_d, [ri, c14])
            al = asv + adv
            lr = jnp.where(al > 0.0, al, 0.2 * al)
            sbuf[pl.ds(i * 16, 16)] = jnp.exp(lr)
        for e in range(EC):
            se = plsc.load_gather(sbuf, [jnp.full((16,), e, jnp.int32)])
            rows_s[e, :] = rows_s[e, :] * se
        pltpu.sync_copy(rows_s, acc_sh.at[dstb], add=True)

    prefetch(base0, srcb_a, dstb_a, rows_sa, rows_da, sem_sa, sem_da)

    def pair(g2, carry):
        a = base0 + (2 * g2) * EC
        prefetch(a + EC, srcb_b, dstb_b, rows_sb, rows_db, sem_sb, sem_db)
        drain(rows_sa, rows_da, sem_sa, sem_da)
        do_chunk(dstb_a, rows_sa, rows_da)
        prefetch(a + 2 * EC, srcb_a, dstb_a, rows_sa, rows_da, sem_sa, sem_da)
        drain(rows_sb, rows_db, sem_sb, sem_db)
        do_chunk(dstb_b, rows_sb, rows_db)
        return carry

    lax.fori_loop(0, M_CHUNK // 2, pair, 0)
    drain(rows_sa, rows_da, sem_sa, sem_da)
    plsc.subcore_barrier()
    pltpu.sync_copy(acc_sh.at[pl.ds(s * rows_per, rows_per)],
                    acc_hbm.at[pl.ds(c * NPAD + s * rows_per, rows_per)])


def _edge_call(hf16, src, dst, zeros):
    mesh = plsc.VectorSubcoreMesh(core_axis_name="c", subcore_axis_name="s")
    k = functools.partial(
        pl.kernel,
        mesh=mesh,
        compiler_params=pltpu.CompilerParams(
            needs_layout_passes=False, use_tc_tiling_on_sc=False),
        out_type=jax.ShapeDtypeStruct((2 * NPAD, 16), jnp.float32),
        scratch_types=[
            pltpu.VMEM((EC,), jnp.int32),
            pltpu.VMEM((EC,), jnp.int32),
            pltpu.VMEM((EC,), jnp.int32),
            pltpu.VMEM((EC,), jnp.int32),
            pltpu.VMEM((EC,), jnp.float32),
            pltpu.VMEM((EC, 16), jnp.float32),
            pltpu.VMEM((EC, 16), jnp.float32),
            pltpu.VMEM((EC, 16), jnp.float32),
            pltpu.VMEM((EC, 16), jnp.float32),
            pltpu.VMEM_SHARED((NPAD, 16), jnp.float32),
            pltpu.SemaphoreType.DMA,
            pltpu.SemaphoreType.DMA,
            pltpu.SemaphoreType.DMA,
            pltpu.SemaphoreType.DMA,
        ],
    )(_edge_body)
    return k(hf16, src, dst, zeros)


def _combine_body(acc0_ref, acc1_ref, gru_ref, gb_ref, gam_ref, wlt_ref,
                  bl_ref, out_ref):
    acc = acc0_ref[...] + acc1_ref[...]
    asum = acc[:, 12:13]
    x_gat = acc[:, 0:12] / (asum + 1e-16) + gb_ref[...]
    gam = gam_ref[...]
    x_mk = jax.nn.sigmoid(gam) * x_gat + \
        jax.nn.sigmoid(1.0 - gam) * gru_ref[...]
    out_ref[...] = jnp.dot(x_mk, wlt_ref[...],
                           preferred_element_type=jnp.float32) + bl_ref[...]


def _combine_call(acc0, acc1, gru, gb, gam, wlt, bl):
    return pl.pallas_call(
        _combine_body,
        grid=(NPAD // BM,),
        in_specs=[
            pl.BlockSpec((BM, 16), lambda i: (i, 0)),
            pl.BlockSpec((BM, 16), lambda i: (i, 0)),
            pl.BlockSpec((BM, TT), lambda i: (i, 0)),
            pl.BlockSpec((1, TT), lambda i: (0, 0)),
            pl.BlockSpec((1, TT), lambda i: (0, 0)),
            pl.BlockSpec((TT, 16), lambda i: (0, 0)),
            pl.BlockSpec((1, 16), lambda i: (0, 0)),
        ],
        out_specs=pl.BlockSpec((BM, 16), lambda i: (i, 0)),
        out_shape=jax.ShapeDtypeStruct((NPAD, 16), jnp.float32),
    )(acc0, acc1, gru, gb, gam, wlt, bl)


@jax.jit
def _run(x, edge_index, W_ih, W_hh, b_ih, b_hh, W_gat, att_src, att_dst,
         gat_bias, gamma, W_lin, b_lin):
    xf = x.reshape(NN, TT, CC)

    xfp = jnp.concatenate([jnp.zeros((WARM, TT, CC), x.dtype), xf], axis=0)
    r1 = xfp[:NN].reshape(NCH, L, TT, CC)[:, :WARM]
    r2 = xfp[WARM:WARM + NN].reshape(NCH, L, TT, CC)
    xw = jnp.concatenate([r1, r2], axis=1)
    xw = xw.transpose(1, 2, 3, 0)
    x0 = xw[:, :, 0, :]
    x1 = xw[:, :, 1, :]

    gru_raw = _scan_call(x0, x1, W_ih, b_ih[None, :], W_hh.T, b_hh[None, :])

    wg16 = jnp.concatenate(
        [W_gat.T, jnp.zeros((TT * CC, 4), jnp.float32)], axis=1)
    proj = jnp.eye(16, dtype=jnp.float32)
    proj = proj.at[0:TT, 13].set(att_src)
    proj = proj.at[0:TT, 14].set(att_dst)
    wg16p = wg16 @ proj
    x24p = jnp.concatenate(
        [xf.reshape(NN, TT * CC),
         jnp.zeros((NPAD - NN, TT * CC), jnp.float32)], axis=0)

    hf16 = _feat_call(x24p, wg16p)

    loops = jnp.arange(NN, dtype=jnp.int32)
    pad = jnp.full((EALLOC - E_TOTAL,), SENT, jnp.int32)
    src = jnp.concatenate([edge_index[0], loops, pad])
    dst = jnp.concatenate([edge_index[1], loops, pad])
    zeros = jnp.zeros((NPAD, 16), jnp.float32)

    acc = _edge_call(hf16, src, dst, zeros)

    x_gru = jnp.concatenate(
        [gru_raw.transpose(2, 0, 1).reshape(NN, TT),
         jnp.zeros((NPAD - NN, TT), jnp.float32)], axis=0)
    out = _combine_call(acc[0:NPAD], acc[NPAD:2 * NPAD], x_gru,
                        gat_bias[None, :], gamma[None, :], W_lin.T,
                        b_lin[None, :])
    return out[0:NN].reshape(1, NN, 16)


def kernel(x, edge_index, W_ih, W_hh, b_ih, b_hh, W_gat, att_src, att_dst,
           gat_bias, gamma, W_lin, b_lin):
    return _run(x, edge_index, W_ih, W_hh, b_ih, b_hh, W_gat, att_src,
                att_dst, gat_bias, gamma, W_lin, b_lin)

# --- scband reference (transcript-rebuilt; emitter-appended) ---
"""Pipeline reference for scband-meta-learner-62740882260595 (READ-ONLY COPY).

The authoritative reference and input builder live on the scoring server;
editing this copy changes nothing except your own understanding.
"""

import jax, jax.numpy as jnp
import numpy as np

B, N, T, C = 1, 50000, 12, 2
PRED = 12
D_MK = 16
E = 1600000


def setup_inputs(seed: int = 0) -> dict:
    key = jax.random.key(seed)
    ks = jax.random.split(key, 14)
    x = jax.random.normal(ks[0], (B, N, T, C), dtype=jnp.float32)
    edge_index = jax.random.randint(ks[1], (2, E), 0, B * N, dtype=jnp.int32)
    s = 0.1
    W_ih = jax.random.normal(ks[2], (3, C), dtype=jnp.float32) * s
    W_hh = jax.random.normal(ks[3], (3, 1), dtype=jnp.float32) * s
    b_ih = jax.random.normal(ks[4], (3,), dtype=jnp.float32) * s
    b_hh = jax.random.normal(ks[5], (3,), dtype=jnp.float32) * s
    W_gat = jax.random.normal(ks[6], (PRED, T * C), dtype=jnp.float32) * s
    att_src = jax.random.normal(ks[7], (PRED,), dtype=jnp.float32) * s
    att_dst = jax.random.normal(ks[8], (PRED,), dtype=jnp.float32) * s
    gat_bias = jax.random.normal(ks[9], (PRED,), dtype=jnp.float32) * s
    gamma = jax.random.normal(ks[10], (PRED,), dtype=jnp.float32) * s
    W_lin = jax.random.normal(ks[11], (D_MK, PRED), dtype=jnp.float32) * s
    b_lin = jax.random.normal(ks[12], (D_MK,), dtype=jnp.float32) * s
    return {"x": x, "edge_index": edge_index, "W_ih": W_ih, "W_hh": W_hh, "b_ih": b_ih, "b_hh": b_hh, "W_gat": W_gat, "att_src": att_src, "att_dst": att_dst, "gat_bias": gat_bias, "gamma": gamma, "W_lin": W_lin, "b_lin": b_lin}


def reference(x, edge_index, W_ih, W_hh, b_ih, b_hh, W_gat, att_src, att_dst, gat_bias, gamma, W_lin, b_lin):
    b, n, t, c = x.shape
    Nn = b * n
    # GRU branch (faithful to torch nn.GRU with batch_first=False: dim0 is seq)
    x_gru_in = x.reshape(Nn, t, c)
    h0 = jnp.zeros((t, 1), dtype=x.dtype)

    def step(h, xs):
        gi = xs @ W_ih.T + b_ih
        gh = h @ W_hh.T + b_hh
        r = jax.nn.sigmoid(gi[:, 0:1] + gh[:, 0:1])
        z = jax.nn.sigmoid(gi[:, 1:2] + gh[:, 1:2])
        nt = jnp.tanh(gi[:, 2:3] + r * gh[:, 2:3])
        hn = (1.0 - z) * nt + z * h
        return hn, hn

    _, outs = jax.lax.scan(step, h0, x_gru_in)
    x_gru = outs[..., 0]  # [Nn, t]

    # GATConv branch (heads=1, concat=True, add_self_loops=True, negative_slope=0.2)
    x_gat_in = x.reshape(Nn, t * c)
    loops = jnp.arange(Nn, dtype=edge_index.dtype)
    ei = jnp.concatenate([edge_index, jnp.stack([loops, loops])], axis=1)
    src, dst = ei[0], ei[1]
    hfeat = x_gat_in @ W_gat.T  # [Nn, PRED]
    a_src = hfeat @ att_src
    a_dst = hfeat @ att_dst
    alpha = jax.nn.leaky_relu(a_src[src] + a_dst[dst], 0.2)
    amax = jax.ops.segment_max(alpha, dst, num_segments=Nn)
    aexp = jnp.exp(alpha - amax[dst])
    asum = jax.ops.segment_sum(aexp, dst, num_segments=Nn)
    coef = aexp / (asum[dst] + 1e-16)
    x_gat = jax.ops.segment_sum(coef[:, None] * hfeat[src], dst, num_segments=Nn) + gat_bias

    x_mk = jax.nn.sigmoid(gamma) * x_gat + jax.nn.sigmoid(1.0 - gamma) * x_gru
    x_mk = x_mk @ W_lin.T + b_lin
    return x_mk.reshape(b, n, -1)

if __name__ == "__main__":
    import jax
    _d = setup_inputs()
    print(jax.jit(kernel)(*tuple(_d.values())))

</pallas_src>

<mosaic_0001>
#map = affine_map<(d0, d1) -> (0, 0)>
#map1 = affine_map<(d0, d1) -> (0)>
module attributes {stable_mosaic.version = 14 : i64} {
  func.func @_edge_body(%arg0: i32, %arg1: i32, %arg2: memref<50048x16xf32, #tpu.memory_space<hbm>>, %arg3: memref<1654912xi32, #tpu.memory_space<hbm>>, %arg4: memref<1654912xi32, #tpu.memory_space<hbm>>, %arg5: memref<50048x16xf32, #tpu.memory_space<hbm>>, %arg6: memref<100096x16xf32, #tpu.memory_space<hbm>>, %arg7: memref<128xi32, #tpu.memory_space<vmem>>, %arg8: memref<128xi32, #tpu.memory_space<vmem>>, %arg9: memref<128xi32, #tpu.memory_space<vmem>>, %arg10: memref<128xi32, #tpu.memory_space<vmem>>, %arg11: memref<128xf32, #tpu.memory_space<vmem>>, %arg12: memref<128x16xf32, #tpu.memory_space<vmem>>, %arg13: memref<128x16xf32, #tpu.memory_space<vmem>>, %arg14: memref<128x16xf32, #tpu.memory_space<vmem>>, %arg15: memref<128x16xf32, #tpu.memory_space<vmem>>, %arg16: memref<50048x16xf32, #tpu.memory_space<vmem_shared>>, %arg17: memref<!tpu.dma_semaphore, #tpu.memory_space<semaphore_mem>>, %arg18: memref<!tpu.dma_semaphore, #tpu.memory_space<semaphore_mem>>, %arg19: memref<!tpu.dma_semaphore, #tpu.memory_space<semaphore_mem>>, %arg20: memref<!tpu.dma_semaphore, #tpu.memory_space<semaphore_mem>>) attributes {dimension_semantics = [#tpu.dimension_semantics<core_parallel>, #tpu.dimension_semantics<subcore_parallel>], iteration_bounds = array<i64: 2, 16>, scalar_prefetch = 0 : i64, scratch_operands = 14 : i64, tpu.core_type = #tpu.core_type<sc_vector_subcore>, window_params = [{transform_indices = #map}, {transform_indices = #map1}, {transform_indices = #map1}, {transform_indices = #map}, {transform_indices = #map}]} {
    %mul3A = arith.constant 2 : i32
    %mul3A_0 = arith.muli %arg1, %mul3A : i32
    %add3A = arith.addi %mul3A_0, %arg0 : i32
    %mul3A_1 = arith.constant 3128 : i32
    %mul3A_2 = arith.muli %arg1, %mul3A_1 : i32
    %mul3A_3 = arith.constant 3128 : i32
    %mul3A_4 = arith.muli %arg1, %mul3A_3 : i32
    "tpu.region"() ({
      %run_scoped3A = tpu.sem_alloc : memref<!tpu.dma_semaphore, #tpu.memory_space<semaphore_mem>>
      %dma_start3A_39 = arith.constant 0 : i32
      %dma_start3A_40 = tpu.memref_slice %arg16[%mul3A_4, %dma_start3A_39] : memref<50048x16xf32, #tpu.memory_space<vmem_shared>> -> memref<3128x16xf32, #tpu.memory_space<vmem_shared>>
      %dma_start3A_41 = arith.constant 0 : i32
      %dma_start3A_42 = tpu.memref_slice %arg5[%mul3A_2, %dma_start3A_41] : memref<50048x16xf32, #tpu.memory_space<hbm>> -> memref<3128x16xf32, #tpu.memory_space<hbm>>
      tpu.enqueue_dma source(%dma_start3A_42 : memref<3128x16xf32, #tpu.memory_space<hbm>>) target(%dma_start3A_40 : memref<3128x16xf32, #tpu.memory_space<vmem_shared>>) target_semaphore(%run_scoped3A : memref<!tpu.dma_semaphore, #tpu.memory_space<semaphore_mem>>)
      %dma_wait3A_43 = arith.constant 0 : i32
      %dma_wait3A_44 = tpu.memref_slice %arg16[%mul3A_4, %dma_wait3A_43] : memref<50048x16xf32, #tpu.memory_space<vmem_shared>> -> memref<3128x16xf32, #tpu.memory_space<vmem_shared>>
      %dma_wait3A_45 = arith.constant 0 : i32
      %dma_wait3A_46 = tpu.memref_slice %arg5[%mul3A_2, %dma_wait3A_45] : memref<50048x16xf32, #tpu.memory_space<hbm>> -> memref<3128x16xf32, #tpu.memory_space<hbm>>
      tpu.wait_dma2 semaphore(%run_scoped3A : memref<!tpu.dma_semaphore, #tpu.memory_space<semaphore_mem>>) src(%dma_wait3A_46 : memref<3128x16xf32, #tpu.memory_space<hbm>>) dst(%dma_wait3A_44 : memref<3128x16xf32, #tpu.memory_space<vmem_shared>>)
      tpu.yield
    }) : () -> ()
    %barrier3A = arith.constant 0 : index
    tpu.barrier barrier_id(%barrier3A)
    %mul3A_5 = arith.constant 51712 : i32
    %mul3A_6 = arith.muli %add3A, %mul3A_5 : i32
    %iota3A = tpu.iota {dimensions = array<i32: 0>} : vector<16xi32>
    %broadcast_in_dim3A = arith.constant 13 : i32
    %broadcast_in_dim3A_7 = vector.broadcast %broadcast_in_dim3A : i32 to vector<16xi32>
    %broadcast_in_dim3A_8 = arith.constant 14 : i32
    %broadcast_in_dim3A_9 = vector.broadcast %broadcast_in_dim3A_8 : i32 to vector<16xi32>
    "tpu.region"() ({
      %run_scoped3A = tpu.sem_alloc : memref<!tpu.dma_semaphore, #tpu.memory_space<semaphore_mem>>
      %dma_start3A_39 = tpu.memref_slice %arg3[%mul3A_6] : memref<1654912xi32, #tpu.memory_space<hbm>> -> memref<128xi32, #tpu.memory_space<hbm>>
      %dma_start3A_40 = tpu.memref_slice %arg3[%mul3A_6] : memref<1654912xi32, #tpu.memory_space<hbm>> -> memref<128xi32, #tpu.memory_space<hbm>>
      tpu.enqueue_dma source(%dma_start3A_40 : memref<128xi32, #tpu.memory_space<hbm>>) target(%arg7 : memref<128xi32, #tpu.memory_space<vmem>>) target_semaphore(%run_scoped3A : memref<!tpu.dma_semaphore, #tpu.memory_space<semaphore_mem>>)
      %dma_wait3A_41 = tpu.memref_slice %arg3[%mul3A_6] : memref<1654912xi32, #tpu.memory_space<hbm>> -> memref<128xi32, #tpu.memory_space<hbm>>
      %dma_wait3A_42 = tpu.memref_slice %arg3[%mul3A_6] : memref<1654912xi32, #tpu.memory_space<hbm>> -> memref<128xi32, #tpu.memory_space<hbm>>
      tpu.wait_dma2 semaphore(%run_scoped3A : memref<!tpu.dma_semaphore, #tpu.memory_space<semaphore_mem>>) src(%dma_wait3A_42 : memref<128xi32, #tpu.memory_space<hbm>>) dst(%arg7 : memref<128xi32, #tpu.memory_space<vmem>>)
      tpu.yield
    }) : () -> ()
    "tpu.region"() ({
      %run_scoped3A = tpu.sem_alloc : memref<!tpu.dma_semaphore, #tpu.memory_space<semaphore_mem>>
      %dma_start3A_39 = tpu.memref_slice %arg4[%mul3A_6] : memref<1654912xi32, #tpu.memory_space<hbm>> -> memref<128xi32, #tpu.memory_space<hbm>>
      %dma_start3A_40 = tpu.memref_slice %arg4[%mul3A_6] : memref<1654912xi32, #tpu.memory_space<hbm>> -> memref<128xi32, #tpu.memory_space<hbm>>
      tpu.enqueue_dma source(%dma_start3A_40 : memref<128xi32, #tpu.memory_space<hbm>>) target(%arg8 : memref<128xi32, #tpu.memory_space<vmem>>) target_semaphore(%run_scoped3A : memref<!tpu.dma_semaphore, #tpu.memory_space<semaphore_mem>>)
      %dma_wait3A_41 = tpu.memref_slice %arg4[%mul3A_6] : memref<1654912xi32, #tpu.memory_space<hbm>> -> memref<128xi32, #tpu.memory_space<hbm>>
      %dma_wait3A_42 = tpu.memref_slice %arg4[%mul3A_6] : memref<1654912xi32, #tpu.memory_space<hbm>> -> memref<128xi32, #tpu.memory_space<hbm>>
      tpu.wait_dma2 semaphore(%run_scoped3A : memref<!tpu.dma_semaphore, #tpu.memory_space<semaphore_mem>>) src(%dma_wait3A_42 : memref<128xi32, #tpu.memory_space<hbm>>) dst(%arg8 : memref<128xi32, #tpu.memory_space<vmem>>)
      tpu.yield
    }) : () -> ()
    %dma_start3A = arith.constant 0 : i32
    %dma_start3A_10 = arith.constant 0 : i32
    %dma_start3A_11 = tpu.memref_slice %arg2[%dma_start3A, %dma_start3A_10] : memref<50048x16xf32, #tpu.memory_space<hbm>> -> memref<50048x16xf32, #tpu.memory_space<hbm>>
    tpu.enqueue_indirect_dma source(%dma_start3A_11 : memref<50048x16xf32, #tpu.memory_space<hbm>>) target(%arg12 : memref<128x16xf32, #tpu.memory_space<vmem>>) offsets(%arg7 : memref<128xi32, #tpu.memory_space<vmem>>) semaphore(%arg17 : memref<!tpu.dma_semaphore, #tpu.memory_space<semaphore_mem>>)
    %dma_start3A_12 = arith.constant 0 : i32
    %dma_start3A_13 = arith.constant 0 : i32
    %dma_start3A_14 = tpu.memref_slice %arg2[%dma_start3A_12, %dma_start3A_13] : memref<50048x16xf32, #tpu.memory_space<hbm>> -> memref<50048x16xf32, #tpu.memory_space<hbm>>
    tpu.enqueue_indirect_dma source(%dma_start3A_14 : memref<50048x16xf32, #tpu.memory_space<hbm>>) target(%arg13 : memref<128x16xf32, #tpu.memory_space<vmem>>) offsets(%arg8 : memref<128xi32, #tpu.memory_space<vmem>>) semaphore(%arg18 : memref<!tpu.dma_semaphore, #tpu.memory_space<semaphore_mem>>)
    %scan3A = arith.constant 0 : i32
    %scan3A_15 = arith.constant 0 : i32
    %scan3A_16 = arith.constant 202 : i32
    %scan3A_17 = arith.addi %scan3A_15, %scan3A_16 : i32
    %scan3A_18 = arith.constant 1 : i32
    scf.for %scan3A_39 = %scan3A_15 to %scan3A_17 step %scan3A_18  : i32 {
      %mul3A_40 = arith.constant 2 : i32
      %mul3A_41 = arith.muli %mul3A_40, %scan3A_39 : i32
      %mul3A_42 = arith.constant 128 : i32
      %mul3A_43 = arith.muli %mul3A_41, %mul3A_42 : i32
      %add3A_44 = arith.addi %mul3A_6, %mul3A_43 : i32
      %add3A_45 = arith.constant 128 : i32
      %add3A_46 = arith.addi %add3A_44, %add3A_45 : i32
      "tpu.region"() ({
        %run_scoped3A = tpu.sem_alloc : memref<!tpu.dma_semaphore, #tpu.memory_space<semaphore_mem>>
        %dma_start3A_3407 = tpu.memref_slice %arg3[%add3A_46] : memref<1654912xi32, #tpu.memory_space<hbm>> -> memref<128xi32, #tpu.memory_space<hbm>>
        %dma_start3A_3408 = tpu.memref_slice %arg3[%add3A_46] : memref<1654912xi32, #tpu.memory_space<hbm>> -> memref<128xi32, #tpu.memory_space<hbm>>
        tpu.enqueue_dma source(%dma_start3A_3408 : memref<128xi32, #tpu.memory_space<hbm>>) target(%arg9 : memref<128xi32, #tpu.memory_space<vmem>>) target_semaphore(%run_scoped3A : memref<!tpu.dma_semaphore, #tpu.memory_space<semaphore_mem>>)
        %dma_wait3A_3409 = tpu.memref_slice %arg3[%add3A_46] : memref<1654912xi32, #tpu.memory_space<hbm>> -> memref<128xi32, #tpu.memory_space<hbm>>
        %dma_wait3A_3410 = tpu.memref_slice %arg3[%add3A_46] : memref<1654912xi32, #tpu.memory_space<hbm>> -> memref<128xi32, #tpu.memory_space<hbm>>
        tpu.wait_dma2 semaphore(%run_scoped3A : memref<!tpu.dma_semaphore, #tpu.memory_space<semaphore_mem>>) src(%dma_wait3A_3410 : memref<128xi32, #tpu.memory_space<hbm>>) dst(%arg9 : memref<128xi32, #tpu.memory_space<vmem>>)
        tpu.yield
      }) : () -> ()
      "tpu.region"() ({
        %run_scoped3A = tpu.sem_alloc : memref<!tpu.dma_semaphore, #tpu.memory_space<semaphore_mem>>
        %dma_start3A_3407 = tpu.memref_slice %arg4[%add3A_46] : memref<1654912xi32, #tpu.memory_space<hbm>> -> memref<128xi32, #tpu.memory_space<hbm>>
        %dma_start3A_3408 = tpu.memref_slice %arg4[%add3A_46] : memref<1654912xi32, #tpu.memory_space<hbm>> -> memref<128xi32, #tpu.memory_space<hbm>>
        tpu.enqueue_dma source(%dma_start3A_3408 : memref<128xi32, #tpu.memory_space<hbm>>) target(%arg10 : memref<128xi32, #tpu.memory_space<vmem>>) target_semaphore(%run_scoped3A : memref<!tpu.dma_semaphore, #tpu.memory_space<semaphore_mem>>)
        %dma_wait3A_3409 = tpu.memref_slice %arg4[%add3A_46] : memref<1654912xi32, #tpu.memory_space<hbm>> -> memref<128xi32, #tpu.memory_space<hbm>>
        %dma_wait3A_3410 = tpu.memref_slice %arg4[%add3A_46] : memref<1654912xi32, #tpu.memory_space<hbm>> -> memref<128xi32, #tpu.memory_space<hbm>>
        tpu.wait_dma2 semaphore(%run_scoped3A : memref<!tpu.dma_semaphore, #tpu.memory_space<semaphore_mem>>) src(%dma_wait3A_3410 : memref<128xi32, #tpu.memory_space<hbm>>) dst(%arg10 : memref<128xi32, #tpu.memory_space<vmem>>)
        tpu.yield
      }) : () -> ()
      %dma_start3A_47 = arith.constant 0 : i32
      %dma_start3A_48 = arith.constant 0 : i32
      %dma_start3A_49 = tpu.memref_slice %arg2[%dma_start3A_47, %dma_start3A_48] : memref<50048x16xf32, #tpu.memory_space<hbm>> -> memref<50048x16xf32, #tpu.memory_space<hbm>>
      tpu.enqueue_indirect_dma source(%dma_start3A_49 : memref<50048x16xf32, #tpu.memory_space<hbm>>) target(%arg14 : memref<128x16xf32, #tpu.memory_space<vmem>>) offsets(%arg9 : memref<128xi32, #tpu.memory_space<vmem>>) semaphore(%arg19 : memref<!tpu.dma_semaphore, #tpu.memory_space<semaphore_mem>>)
      %dma_start3A_50 = arith.constant 0 : i32
      %dma_start3A_51 = arith.constant 0 : i32
      %dma_start3A_52 = tpu.memref_slice %arg2[%dma_start3A_50, %dma_start3A_51] : memref<50048x16xf32, #tpu.memory_space<hbm>> -> memref<50048x16xf32, #tpu.memory_space<hbm>>
      tpu.enqueue_indirect_dma source(%dma_start3A_52 : memref<50048x16xf32, #tpu.memory_space<hbm>>) target(%arg15 : memref<128x16xf32, #tpu.memory_space<vmem>>) offsets(%arg10 : memref<128xi32, #tpu.memory_space<vmem>>) semaphore(%arg20 : memref<!tpu.dma_semaphore, #tpu.memory_space<semaphore_mem>>)
      %dma_wait3A_53 = arith.constant 0 : i32
      %dma_wait3A_54 = arith.constant 0 : i32
      %dma_wait3A_55 = tpu.memref_slice %arg2[%dma_wait3A_53, %dma_wait3A_54] : memref<50048x16xf32, #tpu.memory_space<hbm>> -> memref<128x16xf32, #tpu.memory_space<hbm>>
      %dma_wait3A_56 = arith.constant 0 : i32
      %dma_wait3A_57 = arith.constant 0 : i32
      %dma_wait3A_58 = tpu.memref_slice %arg2[%dma_wait3A_56, %dma_wait3A_57] : memref<50048x16xf32, #tpu.memory_space<hbm>> -> memref<128x16xf32, #tpu.memory_space<hbm>>
      tpu.wait_dma2 semaphore(%arg17 : memref<!tpu.dma_semaphore, #tpu.memory_space<semaphore_mem>>) src(%dma_wait3A_58 : memref<128x16xf32, #tpu.memory_space<hbm>>) dst(%arg12 : memref<128x16xf32, #tpu.memory_space<vmem>>)
      %dma_wait3A_59 = arith.constant 0 : i32
      %dma_wait3A_60 = arith.constant 0 : i32
      %dma_wait3A_61 = tpu.memref_slice %arg2[%dma_wait3A_59, %dma_wait3A_60] : memref<50048x16xf32, #tpu.memory_space<hbm>> -> memref<128x16xf32, #tpu.memory_space<hbm>>
      %dma_wait3A_62 = arith.constant 0 : i32
      %dma_wait3A_63 = arith.constant 0 : i32
      %dma_wait3A_64 = tpu.memref_slice %arg2[%dma_wait3A_62, %dma_wait3A_63] : memref<50048x16xf32, #tpu.memory_space<hbm>> -> memref<128x16xf32, #tpu.memory_space<hbm>>
      tpu.wait_dma2 semaphore(%arg18 : memref<!tpu.dma_semaphore, #tpu.memory_space<semaphore_mem>>) src(%dma_wait3A_64 : memref<128x16xf32, #tpu.memory_space<hbm>>) dst(%arg13 : memref<128x16xf32, #tpu.memory_space<vmem>>)
      %add3A_65 = arith.constant 0 : i32
      %add3A_66 = vector.broadcast %add3A_65 : i32 to vector<16xi32>
      %add3A_67 = arith.addi %iota3A, %add3A_66 : vector<16xi32>
      %gather3A = tpu.vector_load_idx %arg12[%add3A_67, %broadcast_in_dim3A_7] : memref<128x16xf32, #tpu.memory_space<vmem>>[vector<16xi32>, vector<16xi32>], vector<16xf32>,
      %gather3A_68 = tpu.vector_load_idx %arg13[%add3A_67, %broadcast_in_dim3A_9] : memref<128x16xf32, #tpu.memory_space<vmem>>[vector<16xi32>, vector<16xi32>], vector<16xf32>,
      %add3A_69 = arith.addf %gather3A, %gather3A_68 : vector<16xf32>
      %gt3A = arith.constant 0.000000e+00 : f32
      %gt3A_70 = vector.broadcast %gt3A : f32 to vector<16xf32>
      %gt3A_71 = arith.cmpf ogt, %add3A_69, %gt3A_70 : vector<16xf32>
      %mul3A_72 = arith.constant 2.000000e-01 : f32
      %mul3A_73 = vector.broadcast %mul3A_72 : f32 to vector<16xf32>
      %mul3A_74 = arith.mulf %mul3A_73, %add3A_69 : vector<16xf32>
      %select_n3A = arith.select %gt3A_71, %add3A_69, %mul3A_74 : vector<16xi1>, vector<16xf32>
      %exp3A = math.exp %select_n3A : vector<16xf32>
      %swap3A = arith.constant 0 : index
      %swap3A_75 = tpu.vector_load %arg11[%swap3A] {strides = array<i32>} : memref<128xf32, #tpu.memory_space<vmem>>, vector<16xf32>,
      tpu.vector_store %arg11[%swap3A], %exp3A {strides = array<i32>} : memref<128xf32, #tpu.memory_space<vmem>>, vector<16xf32>,
      %add3A_76 = arith.constant 16 : i32
      %add3A_77 = vector.broadcast %add3A_76 : i32 to vector<16xi32>
      %add3A_78 = arith.addi %iota3A, %add3A_77 : vector<16xi32>
      %gather3A_79 = tpu.vector_load_idx %arg12[%add3A_78, %broadcast_in_dim3A_7] : memref<128x16xf32, #tpu.memory_space<vmem>>[vector<16xi32>, vector<16xi32>], vector<16xf32>,
      %gather3A_80 = tpu.vector_load_idx %arg13[%add3A_78, %broadcast_in_dim3A_9] : memref<128x16xf32, #tpu.memory_space<vmem>>[vector<16xi32>, vector<16xi32>], vector<16xf32>,
      %add3A_81 = arith.addf %gather3A_79, %gather3A_80 : vector<16xf32>
      %gt3A_82 = arith.constant 0.000000e+00 : f32
      %gt3A_83 = vector.broadcast %gt3A_82 : f32 to vector<16xf32>
      %gt3A_84 = arith.cmpf ogt, %add3A_81, %gt3A_83 : vector<16xf32>
      %mul3A_85 = arith.constant 2.000000e-01 : f32
      %mul3A_86 = vector.broadcast %mul3A_85 : f32 to vector<16xf32>
      %mul3A_87 = arith.mulf %mul3A_86, %add3A_81 : vector<16xf32>
      %select_n3A_88 = arith.select %gt3A_84, %add3A_81, %mul3A_87 : vector<16xi1>, vector<16xf32>
      %exp3A_89 = math.exp %select_n3A_88 : vector<16xf32>
      %swap3A_90 = arith.constant 16 : index
      %swap3A_91 = tpu.vector_load %arg11[%swap3A_90] {strides = array<i32>} : memref<128xf32, #tpu.memory_space<vmem>>, vector<16xf32>,
      tpu.vector_store %arg11[%swap3A_90], %exp3A_89 {strides = array<i32>} : memref<128xf32, #tpu.memory_space<vmem>>, vector<16xf32>,
      %add3A_92 = arith.constant 32 : i32
      %add3A_93 = vector.broadcast %add3A_92 : i32 to vector<16xi32>
      %add3A_94 = arith.addi %iota3A, %add3A_93 : vector<16xi32>
      %gather3A_95 = tpu.vector_load_idx %arg12[%add3A_94, %broadcast_in_dim3A_7] : memref<128x16xf32, #tpu.memory_space<vmem>>[vector<16xi32>, vector<16xi32>], vector<16xf32>,
      %gather3A_96 = tpu.vector_load_idx %arg13[%add3A_94, %broadcast_in_dim3A_9] : memref<128x16xf32, #tpu.memory_space<vmem>>[vector<16xi32>, vector<16xi32>], vector<16xf32>,
      %add3A_97 = arith.addf %gather3A_95, %gather3A_96 : vector<16xf32>
      %gt3A_98 = arith.constant 0.000000e+00 : f32
      %gt3A_99 = vector.broadcast %gt3A_98 : f32 to vector<16xf32>
      %gt3A_100 = arith.cmpf ogt, %add3A_97, %gt3A_99 : vector<16xf32>
      %mul3A_101 = arith.constant 2.000000e-01 : f32
      %mul3A_102 = vector.broadcast %mul3A_101 : f32 to vector<16xf32>
      %mul3A_103 = arith.mulf %mul3A_102, %add3A_97 : vector<16xf32>
      %select_n3A_104 = arith.select %gt3A_100, %add3A_97, %mul3A_103 : vector<16xi1>, vector<16xf32>
      %exp3A_105 = math.exp %select_n3A_104 : vector<16xf32>
      %swap3A_106 = arith.constant 32 : index
      %swap3A_107 = tpu.vector_load %arg11[%swap3A_106] {strides = array<i32>} : memref<128xf32, #tpu.memory_space<vmem>>, vector<16xf32>,
      tpu.vector_store %arg11[%swap3A_106], %exp3A_105 {strides = array<i32>} : memref<128xf32, #tpu.memory_space<vmem>>, vector<16xf32>,
      %add3A_108 = arith.constant 48 : i32
      %add3A_109 = vector.broadcast %add3A_108 : i32 to vector<16xi32>
      %add3A_110 = arith.addi %iota3A, %add3A_109 : vector<16xi32>
      %gather3A_111 = tpu.vector_load_idx %arg12[%add3A_110, %broadcast_in_dim3A_7] : memref<128x16xf32, #tpu.memory_space<vmem>>[vector<16xi32>, vector<16xi32>], vector<16xf32>,
      %gather3A_112 = tpu.vector_load_idx %arg13[%add3A_110, %broadcast_in_dim3A_9] : memref<128x16xf32, #tpu.memory_space<vmem>>[vector<16xi32>, vector<16xi32>], vector<16xf32>,
      %add3A_113 = arith.addf %gather3A_111, %gather3A_112 : vector<16xf32>
      %gt3A_114 = arith.constant 0.000000e+00 : f32
      %gt3A_115 = vector.broadcast %gt3A_114 : f32 to vector<16xf32>
      %gt3A_116 = arith.cmpf ogt, %add3A_113, %gt3A_115 : vector<16xf32>
      %mul3A_117 = arith.constant 2.000000e-01 : f32
      %mul3A_118 = vector.broadcast %mul3A_117 : f32 to vector<16xf32>
      %mul3A_119 = arith.mulf %mul3A_118, %add3A_113 : vector<16xf32>
      %select_n3A_120 = arith.select %gt3A_116, %add3A_113, %mul3A_119 : vector<16xi1>, vector<16xf32>
      %exp3A_121 = math.exp %select_n3A_120 : vector<16xf32>
      %swap3A_122 = arith.constant 48 : index
      %swap3A_123 = tpu.vector_load %arg11[%swap3A_122] {strides = array<i32>} : memref<128xf32, #tpu.memory_space<vmem>>, vector<16xf32>,
      tpu.vector_store %arg11[%swap3A_122], %exp3A_121 {strides = array<i32>} : memref<128xf32, #tpu.memory_space<vmem>>, vector<16xf32>,
      %add3A_124 = arith.constant 64 : i32
      %add3A_125 = vector.broadcast %add3A_124 : i32 to vector<16xi32>
      %add3A_126 = arith.addi %iota3A, %add3A_125 : vector<16xi32>
      %gather3A_127 = tpu.vector_load_idx %arg12[%add3A_126, %broadcast_in_dim3A_7] : memref<128x16xf32, #tpu.memory_space<vmem>>[vector<16xi32>, vector<16xi32>], vector<16xf32>,
      %gather3A_128 = tpu.vector_load_idx %arg13[%add3A_126, %broadcast_in_dim3A_9] : memref<128x16xf32, #tpu.memory_space<vmem>>[vector<16xi32>, vector<16xi32>], vector<16xf32>,
      %add3A_129 = arith.addf %gather3A_127, %gather3A_128 : vector<16xf32>
      %gt3A_130 = arith.constant 0.000000e+00 : f32
      %gt3A_131 = vector.broadcast %gt3A_130 : f32 to vector<16xf32>
      %gt3A_132 = arith.cmpf ogt, %add3A_129, %gt3A_131 : vector<16xf32>
      %mul3A_133 = arith.constant 2.000000e-01 : f32
      %mul3A_134 = vector.broadcast %mul3A_133 : f32 to vector<16xf32>
      %mul3A_135 = arith.mulf %mul3A_134, %add3A_129 : vector<16xf32>
      %select_n3A_136 = arith.select %gt3A_132, %add3A_129, %mul3A_135 : vector<16xi1>, vector<16xf32>
      %exp3A_137 = math.exp %select_n3A_136 : vector<16xf32>
      %swap3A_138 = arith.constant 64 : index
      %swap3A_139 = tpu.vector_load %arg11[%swap3A_138] {strides = array<i32>} : memref<128xf32, #tpu.memory_space<vmem>>, vector<16xf32>,
      tpu.vector_store %arg11[%swap3A_138], %exp3A_137 {strides = array<i32>} : memref<128xf32, #tpu.memory_space<vmem>>, vector<16xf32>,
      %add3A_140 = arith.constant 80 : i32
      %add3A_141 = vector.broadcast %add3A_140 : i32 to vector<16xi32>
      %add3A_142 = arith.addi %iota3A, %add3A_141 : vector<16xi32>
      %gather3A_143 = tpu.vector_load_idx %arg12[%add3A_142, %broadcast_in_dim3A_7] : memref<128x16xf32, #tpu.memory_space<vmem>>[vector<16xi32>, vector<16xi32>], vector<16xf32>,
      %gather3A_144 = tpu.vector_load_idx %arg13[%add3A_142, %broadcast_in_dim3A_9] : memref<128x16xf32, #tpu.memory_space<vmem>>[vector<16xi32>, vector<16xi32>], vector<16xf32>,
      %add3A_145 = arith.addf %gather3A_143, %gather3A_144 : vector<16xf32>
      %gt3A_146 = arith.constant 0.000000e+00 : f32
      %gt3A_147 = vector.broadcast %gt3A_146 : f32 to vector<16xf32>
      %gt3A_148 = arith.cmpf ogt, %add3A_145, %gt3A_147 : vector<16xf32>
      %mul3A_149 = arith.constant 2.000000e-01 : f32
      %mul3A_150 = vector.broadcast %mul3A_149 : f32 to vector<16xf32>
      %mul3A_151 = arith.mulf %mul3A_150, %add3A_145 : vector<16xf32>
      %select_n3A_152 = arith.select %gt3A_148, %add3A_145, %mul3A_151 : vector<16xi1>, vector<16xf32>
      %exp3A_153 = math.exp %select_n3A_152 : vector<16xf32>
      %swap3A_154 = arith.constant 80 : index
      %swap3A_155 = tpu.vector_load %arg11[%swap3A_154] {strides = array<i32>} : memref<128xf32, #tpu.memory_space<vmem>>, vector<16xf32>,
      tpu.vector_store %arg11[%swap3A_154], %exp3A_153 {strides = array<i32>} : memref<128xf32, #tpu.memory_space<vmem>>, vector<16xf32>,
      %add3A_156 = arith.constant 96 : i32
      %add3A_157 = vector.broadcast %add3A_156 : i32 to vector<16xi32>
      %add3A_158 = arith.addi %iota3A, %add3A_157 : vector<16xi32>
      %gather3A_159 = tpu.vector_load_idx %arg12[%add3A_158, %broadcast_in_dim3A_7] : memref<128x16xf32, #tpu.memory_space<vmem>>[vector<16xi32>, vector<16xi32>], vector<16xf32>,
      %gather3A_160 = tpu.vector_load_idx %arg13[%add3A_158, %broadcast_in_dim3A_9] : memref<128x16xf32, #tpu.memory_space<vmem>>[vector<16xi32>, vector<16xi32>], vector<16xf32>,
      %add3A_161 = arith.addf %gather3A_159, %gather3A_160 : vector<16xf32>
      %gt3A_162 = arith.constant 0.000000e+00 : f32
      %gt3A_163 = vector.broadcast %gt3A_162 : f32 to vector<16xf32>
      %gt3A_164 = arith.cmpf ogt, %add3A_161, %gt3A_163 : vector<16xf32>
      %mul3A_165 = arith.constant 2.000000e-01 : f32
      %mul3A_166 = vector.broadcast %mul3A_165 : f32 to vector<16xf32>
      %mul3A_167 = arith.mulf %mul3A_166, %add3A_161 : vector<16xf32>
      %select_n3A_168 = arith.select %gt3A_164, %add3A_161, %mul3A_167 : vector<16xi1>, vector<16xf32>
      %exp3A_169 = math.exp %select_n3A_168 : vector<16xf32>
      %swap3A_170 = arith.constant 96 : index
      %swap3A_171 = tpu.vector_load %arg11[%swap3A_170] {strides = array<i32>} : memref<128xf32, #tpu.memory_space<vmem>>, vector<16xf32>,
      tpu.vector_store %arg11[%swap3A_170], %exp3A_169 {strides = array<i32>} : memref<128xf32, #tpu.memory_space<vmem>>, vector<16xf32>,
      %add3A_172 = arith.constant 112 : i32
      %add3A_173 = vector.broadcast %add3A_172 : i32 to vector<16xi32>
      %add3A_174 = arith.addi %iota3A, %add3A_173 : vector<16xi32>
      %gather3A_175 = tpu.vector_load_idx %arg12[%add3A_174, %broadcast_in_dim3A_7] : memref<128x16xf32, #tpu.memory_space<vmem>>[vector<16xi32>, vector<16xi32>], vector<16xf32>,
      %gather3A_176 = tpu.vector_load_idx %arg13[%add3A_174, %broadcast_in_dim3A_9] : memref<128x16xf32, #tpu.memory_space<vmem>>[vector<16xi32>, vector<16xi32>], vector<16xf32>,
      %add3A_177 = arith.addf %gather3A_175, %gather3A_176 : vector<16xf32>
      %gt3A_178 = arith.constant 0.000000e+00 : f32
      %gt3A_179 = vector.broadcast %gt3A_178 : f32 to vector<16xf32>
      %gt3A_180 = arith.cmpf ogt, %add3A_177, %gt3A_179 : vector<16xf32>
      %mul3A_181 = arith.constant 2.000000e-01 : f32
      %mul3A_182 = vector.broadcast %mul3A_181 : f32 to vector<16xf32>
      %mul3A_183 = arith.mulf %mul3A_182, %add3A_177 : vector<16xf32>
      %select_n3A_184 = arith.select %gt3A_180, %add3A_177, %mul3A_183 : vector<16xi1>, vector<16xf32>
      %exp3A_185 = math.exp %select_n3A_184 : vector<16xf32>
      %swap3A_186 = arith.constant 112 : index
      %swap3A_187 = tpu.vector_load %arg11[%swap3A_186] {strides = array<i32>} : memref<128xf32, #tpu.memory_space<vmem>>, vector<16xf32>,
      tpu.vector_store %arg11[%swap3A_186], %exp3A_185 {strides = array<i32>} : memref<128xf32, #tpu.memory_space<vmem>>, vector<16xf32>,
      %broadcast_in_dim3A_188 = arith.constant 0 : i32
      %broadcast_in_dim3A_189 = vector.broadcast %broadcast_in_dim3A_188 : i32 to vector<16xi32>
      %gather3A_190 = tpu.vector_load_idx %arg11[%broadcast_in_dim3A_189] : memref<128xf32, #tpu.memory_space<vmem>>[vector<16xi32>], vector<16xf32>,
      %get3A = arith.constant 0 : i32
      %get3A_191 = arith.index_cast %get3A : i32 to index
      %get3A_192 = arith.constant 0 : index
      %get3A_193 = tpu.vector_load %arg12[%get3A_191, %get3A_192] {strides = array<i32>} : memref<128x16xf32, #tpu.memory_space<vmem>>, vector<16xf32>,
      %mul3A_194 = arith.mulf %get3A_193, %gather3A_190 : vector<16xf32>
      %swap3A_195 = arith.constant 0 : i32
      %swap3A_196 = arith.index_cast %swap3A_195 : i32 to index
      %swap3A_197 = arith.constant 0 : index
      %swap3A_198 = tpu.vector_load %arg12[%swap3A_196, %swap3A_197] {strides = array<i32>} : memref<128x16xf32, #tpu.memory_space<vmem>>, vector<16xf32>,
      tpu.vector_store %arg12[%swap3A_196, %swap3A_197], %mul3A_194 {strides = array<i32>} : memref<128x16xf32, #tpu.memory_space<vmem>>, vector<16xf32>,
      %broadcast_in_dim3A_199 = arith.constant 1 : i32
      %broadcast_in_dim3A_200 = vector.broadcast %broadcast_in_dim3A_199 : i32 to vector<16xi32>
      %gather3A_201 = tpu.vector_load_idx %arg11[%broadcast_in_dim3A_200] : memref<128xf32, #tpu.memory_space<vmem>>[vector<16xi32>], vector<16xf32>,
      %get3A_202 = arith.constant 1 : i32
      %get3A_203 = arith.index_cast %get3A_202 : i32 to index
      %get3A_204 = arith.constant 0 : index
      %get3A_205 = tpu.vector_load %arg12[%get3A_203, %get3A_204] {strides = array<i32>} : memref<128x16xf32, #tpu.memory_space<vmem>>, vector<16xf32>,
      %mul3A_206 = arith.mulf %get3A_205, %gather3A_201 : vector<16xf32>
      %swap3A_207 = arith.constant 1 : i32
      %swap3A_208 = arith.index_cast %swap3A_207 : i32 to index
      %swap3A_209 = arith.constant 0 : index
      %swap3A_210 = tpu.vector_load %arg12[%swap3A_208, %swap3A_209] {strides = array<i32>} : memref<128x16xf32, #tpu.memory_space<vmem>>, vector<16xf32>,
      tpu.vector_store %arg12[%swap3A_208, %swap3A_209], %mul3A_206 {strides = array<i32>} : memref<128x16xf32, #tpu.memory_space<vmem>>, vector<16xf32>,
      %broadcast_in_dim3A_211 = arith.constant 2 : i32
      %broadcast_in_dim3A_212 = vector.broadcast %broadcast_in_dim3A_211 : i32 to vector<16xi32>
      %gather3A_213 = tpu.vector_load_idx %arg11[%broadcast_in_dim3A_212] : memref<128xf32, #tpu.memory_space<vmem>>[vector<16xi32>], vector<16xf32>,
      %get3A_214 = arith.constant 2 : i32
      %get3A_215 = arith.index_cast %get3A_214 : i32 to index
      %get3A_216 = arith.constant 0 : index
      %get3A_217 = tpu.vector_load %arg12[%get3A_215, %get3A_216] {strides = array<i32>} : memref<128x16xf32, #tpu.memory_space<vmem>>, vector<16xf32>,
      %mul3A_218 = arith.mulf %get3A_217, %gather3A_213 : vector<16xf32>
      %swap3A_219 = arith.constant 2 : i32
      %swap3A_220 = arith.index_cast %swap3A_219 : i32 to index
      %swap3A_221 = arith.constant 0 : index
      %swap3A_222 = tpu.vector_load %arg12[%swap3A_220, %swap3A_221] {strides = array<i32>} : memref<128x16xf32, #tpu.memory_space<vmem>>, vector<16xf32>,
      tpu.vector_store %arg12[%swap3A_220, %swap3A_221], %mul3A_218 {strides = array<i32>} : memref<128x16xf32, #tpu.memory_space<vmem>>, vector<16xf32>,
      %broadcast_in_dim3A_223 = arith.constant 3 : i32
      %broadcast_in_dim3A_224 = vector.broadcast %broadcast_in_dim3A_223 : i32 to vector<16xi32>
      %gather3A_225 = tpu.vector_load_idx %arg11[%broadcast_in_dim3A_224] : memref<128xf32, #tpu.memory_space<vmem>>[vector<16xi32>], vector<16xf32>,
      %get3A_226 = arith.constant 3 : i32
      %get3A_227 = arith.index_cast %get3A_226 : i32 to index
      %get3A_228 = arith.constant 0 : index
      %get3A_229 = tpu.vector_load %arg12[%get3A_227, %get3A_228] {strides = array<i32>} : memref<128x16xf32, #tpu.memory_space<vmem>>, vector<16xf32>,
      %mul3A_230 = arith.mulf %get3A_229, %gather3A_225 : vector<16xf32>
      %swap3A_231 = arith.constant 3 : i32
      %swap3A_232 = arith.index_cast %swap3A_231 : i32 to index
      %swap3A_233 = arith.constant 0 : index
      %swap3A_234 = tpu.vector_load %arg12[%swap3A_232, %swap3A_233] {strides = array<i32>} : memref<128x16xf32, #tpu.memory_space<vmem>>, vector<16xf32>,
      tpu.vector_store %arg12[%swap3A_232, %swap3A_233], %mul3A_230 {strides = array<i32>} : memref<128x16xf32, #tpu.memory_space<vmem>>, vector<16xf32>,
      %broadcast_in_dim3A_235 = arith.constant 4 : i32
      %broadcast_in_dim3A_236 = vector.broadcast %broadcast_in_dim3A_235 : i32 to vector<16xi32>
      %gather3A_237 = tpu.vector_load_idx %arg11[%broadcast_in_dim3A_236] : memref<128xf32, #tpu.memory_space<vmem>>[vector<16xi32>], vector<16xf32>,
      %get3A_238 = arith.constant 4 : i32
      %get3A_239 = arith.index_cast %get3A_238 : i32 to index
      %get3A_240 = arith.constant 0 : index
      %get3A_241 = tpu.vector_load %arg12[%get3A_239, %get3A_240] {strides = array<i32>} : memref<128x16xf32, #tpu.memory_space<vmem>>, vector<16xf32>,
      %mul3A_242 = arith.mulf %get3A_241, %gather3A_237 : vector<16xf32>
      %swap3A_243 = arith.constant 4 : i32
      %swap3A_244 = arith.index_cast %swap3A_243 : i32 to index
      %swap3A_245 = arith.constant 0 : index
      %swap3A_246 = tpu.vector_load %arg12[%swap3A_244, %swap3A_245] {strides = array<i32>} : memref<128x16xf32, #tpu.memory_space<vmem>>, vector<16xf32>,
      tpu.vector_store %arg12[%swap3A_244, %swap3A_245], %mul3A_242 {strides = array<i32>} : memref<128x16xf32, #tpu.memory_space<vmem>>, vector<16xf32>,
      %broadcast_in_dim3A_247 = arith.constant 5 : i32
      %broadcast_in_dim3A_248 = vector.broadcast %broadcast_in_dim3A_247 : i32 to vector<16xi32>
      %gather3A_249 = tpu.vector_load_idx %arg11[%broadcast_in_dim3A_248] : memref<128xf32, #tpu.memory_space<vmem>>[vector<16xi32>], vector<16xf32>,
      %get3A_250 = arith.constant 5 : i32
      %get3A_251 = arith.index_cast %get3A_250 : i32 to index
      %get3A_252 = arith.constant 0 : index
      %get3A_253 = tpu.vector_load %arg12[%get3A_251, %get3A_252] {strides = array<i32>} : memref<128x16xf32, #tpu.memory_space<vmem>>, vector<16xf32>,
      %mul3A_254 = arith.mulf %get3A_253, %gather3A_249 : vector<16xf32>
      %swap3A_255 = arith.constant 5 : i32
      %swap3A_256 = arith.index_cast %swap3A_255 : i32 to index
      %swap3A_257 = arith.constant 0 : index
      %swap3A_258 = tpu.vector_load %arg12[%swap3A_256, %swap3A_257] {strides = array<i32>} : memref<128x16xf32, #tpu.memory_space<vmem>>, vector<16xf32>,
      tpu.vector_store %arg12[%swap3A_256, %swap3A_257], %mul3A_254 {strides = array<i32>} : memref<128x16xf32, #tpu.memory_space<vmem>>, vector<16xf32>,
      %broadcast_in_dim3A_259 = arith.constant 6 : i32
      %broadcast_in_dim3A_260 = vector.broadcast %broadcast_in_dim3A_259 : i32 to vector<16xi32>
      %gather3A_261 = tpu.vector_load_idx %arg11[%broadcast_in_dim3A_260] : memref<128xf32, #tpu.memory_space<vmem>>[vector<16xi32>], vector<16xf32>,
      %get3A_262 = arith.constant 6 : i32
      %get3A_263 = arith.index_cast %get3A_262 : i32 to index
      %get3A_264 = arith.constant 0 : index
      %get3A_265 = tpu.vector_load %arg12[%get3A_263, %get3A_264] {strides = array<i32>} : memref<128x16xf32, #tpu.memory_space<vmem>>, vector<16xf32>,
      %mul3A_266 = arith.mulf %get3A_265, %gather3A_261 : vector<16xf32>
      %swap3A_267 = arith.constant 6 : i32
      %swap3A_268 = arith.index_cast %swap3A_267 : i32 to index
      %swap3A_269 = arith.constant 0 : index
      %swap3A_270 = tpu.vector_load %arg12[%swap3A_268, %swap3A_269] {strides = array<i32>} : memref<128x16xf32, #tpu.memory_space<vmem>>, vector<16xf32>,
      tpu.vector_store %arg12[%swap3A_268, %swap3A_269], %mul3A_266 {strides = array<i32>} : memref<128x16xf32, #tpu.memory_space<vmem>>, vector<16xf32>,
      %broadcast_in_dim3A_271 = arith.constant 7 : i32
      %broadcast_in_dim3A_272 = vector.broadcast %broadcast_in_dim3A_271 : i32 to vector<16xi32>
      %gather3A_273 = tpu.vector_load_idx %arg11[%broadcast_in_dim3A_272] : memref<128xf32, #tpu.memory_space<vmem>>[vector<16xi32>], vector<16xf32>,
      %get3A_274 = arith.constant 7 : i32
      %get3A_275 = arith.index_cast %get3A_274 : i32 to index
      %get3A_276 = arith.constant 0 : index
      %get3A_277 = tpu.vector_load %arg12[%get3A_275, %get3A_276] {strides = array<i32>} : memref<128x16xf32, #tpu.memory_space<vmem>>, vector<16xf32>,
      %mul3A_278 = arith.mulf %get3A_277, %gather3A_273 : vector<16xf32>
      %swap3A_279 = arith.constant 7 : i32
      %swap3A_280 = arith.index_cast %swap3A_279 : i32 to index
      %swap3A_281 = arith.constant 0 : index
      %swap3A_282 = tpu.vector_load %arg12[%swap3A_280, %swap3A_281] {strides = array<i32>} : memref<128x16xf32, #tpu.memory_space<vmem>>, vector<16xf32>,
      tpu.vector_store %arg12[%swap3A_280, %swap3A_281], %mul3A_278 {strides = array<i32>} : memref<128x16xf32, #tpu.memory_space<vmem>>, vector<16xf32>,
      %broadcast_in_dim3A_283 = arith.constant 8 : i32
      %broadcast_in_dim3A_284 = vector.broadcast %broadcast_in_dim3A_283 : i32 to vector<16xi32>
      %gather3A_285 = tpu.vector_load_idx %arg11[%broadcast_in_dim3A_284] : memref<128xf32, #tpu.memory_space<vmem>>[vector<16xi32>], vector<16xf32>,
      %get3A_286 = arith.constant 8 : i32
      %get3A_287 = arith.index_cast %get3A_286 : i32 to index
      %get3A_288 = arith.constant 0 : index
      %get3A_289 = tpu.vector_load %arg12[%get3A_287, %get3A_288] {strides = array<i32>} : memref<128x16xf32, #tpu.memory_space<vmem>>, vector<16xf32>,
      %mul3A_290 = arith.mulf %get3A_289, %gather3A_285 : vector<16xf32>
      %swap3A_291 = arith.constant 8 : i32
      %swap3A_292 = arith.index_cast %swap3A_291 : i32 to index
      %swap3A_293 = arith.constant 0 : index
      %swap3A_294 = tpu.vector_load %arg12[%swap3A_292, %swap3A_293] {strides = array<i32>} : memref<128x16xf32, #tpu.memory_space<vmem>>, vector<16xf32>,
      tpu.vector_store %arg12[%swap3A_292, %swap3A_293], %mul3A_290 {strides = array<i32>} : memref<128x16xf32, #tpu.memory_space<vmem>>, vector<16xf32>,
      %broadcast_in_dim3A_295 = arith.constant 9 : i32
      %broadcast_in_dim3A_296 = vector.broadcast %broadcast_in_dim3A_295 : i32 to vector<16xi32>
      %gather3A_297 = tpu.vector_load_idx %arg11[%broadcast_in_dim3A_296] : memref<128xf32, #tpu.memory_space<vmem>>[vector<16xi32>], vector<16xf32>,
      %get3A_298 = arith.constant 9 : i32
      %get3A_299 = arith.index_cast %get3A_298 : i32 to index
      %get3A_300 = arith.constant 0 : index
      %get3A_301 = tpu.vector_load %arg12[%get3A_299, %get3A_300] {strides = array<i32>} : memref<128x16xf32, #tpu.memory_space<vmem>>, vector<16xf32>,
      %mul3A_302 = arith.mulf %get3A_301, %gather3A_297 : vector<16xf32>
      %swap3A_303 = arith.constant 9 : i32
      %swap3A_304 = arith.index_cast %swap3A_303 : i32 to index
      %swap3A_305 = arith.constant 0 : index
      %swap3A_306 = tpu.vector_load %arg12[%swap3A_304, %swap3A_305] {strides = array<i32>} : memref<128x16xf32, #tpu.memory_space<vmem>>, vector<16xf32>,
      tpu.vector_store %arg12[%swap3A_304, %swap3A_305], %mul3A_302 {strides = array<i32>} : memref<128x16xf32, #tpu.memory_space<vmem>>, vector<16xf32>,
      %broadcast_in_dim3A_307 = arith.constant 10 : i32
      %broadcast_in_dim3A_308 = vector.broadcast %broadcast_in_dim3A_307 : i32 to vector<16xi32>
      %gather3A_309 = tpu.vector_load_idx %arg11[%broadcast_in_dim3A_308] : memref<128xf32, #tpu.memory_space<vmem>>[vector<16xi32>], vector<16xf32>,
      %get3A_310 = arith.constant 10 : i32
      %get3A_311 = arith.index_cast %get3A_310 : i32 to index
      %get3A_312 = arith.constant 0 : index
      %get3A_313 = tpu.vector_load %arg12[%get3A_311, %get3A_312] {strides = array<i32>} : memref<128x16xf32, #tpu.memory_space<vmem>>, vector<16xf32>,
      %mul3A_314 = arith.mulf %get3A_313, %gather3A_309 : vector<16xf32>
      %swap3A_315 = arith.constant 10 : i32
      %swap3A_316 = arith.index_cast %swap3A_315 : i32 to index
      %swap3A_317 = arith.constant 0 : index
      %swap3A_318 = tpu.vector_load %arg12[%swap3A_316, %swap3A_317] {strides = array<i32>} : memref<128x16xf32, #tpu.memory_space<vmem>>, vector<16xf32>,
      tpu.vector_store %arg12[%swap3A_316, %swap3A_317], %mul3A_314 {strides = array<i32>} : memref<128x16xf32, #tpu.memory_space<vmem>>, vector<16xf32>,
      %broadcast_in_dim3A_319 = arith.constant 11 : i32
      %broadcast_in_dim3A_320 = vector.broadcast %broadcast_in_dim3A_319 : i32 to vector<16xi32>
      %gather3A_321 = tpu.vector_load_idx %arg11[%broadcast_in_dim3A_320] : memref<128xf32, #tpu.memory_space<vmem>>[vector<16xi32>], vector<16xf32>,
      %get3A_322 = arith.constant 11 : i32
      %get3A_323 = arith.index_cast %get3A_322 : i32 to index
      %get3A_324 = arith.constant 0 : index
      %get3A_325 = tpu.vector_load %arg12[%get3A_323, %get3A_324] {strides = array<i32>} : memref<128x16xf32, #tpu.memory_space<vmem>>, vector<16xf32>,
      %mul3A_326 = arith.mulf %get3A_325, %gather3A_321 : vector<16xf32>
      %swap3A_327 = arith.constant 11 : i32
      %swap3A_328 = arith.index_cast %swap3A_327 : i32 to index
      %swap3A_329 = arith.constant 0 : index
      %swap3A_330 = tpu.vector_load %arg12[%swap3A_328, %swap3A_329] {strides = array<i32>} : memref<128x16xf32, #tpu.memory_space<vmem>>, vector<16xf32>,
      tpu.vector_store %arg12[%swap3A_328, %swap3A_329], %mul3A_326 {strides = array<i32>} : memref<128x16xf32, #tpu.memory_space<vmem>>, vector<16xf32>,
      %broadcast_in_dim3A_331 = arith.constant 12 : i32
      %broadcast_in_dim3A_332 = vector.broadcast %broadcast_in_dim3A_331 : i32 to vector<16xi32>
      %gather3A_333 = tpu.vector_load_idx %arg11[%broadcast_in_dim3A_332] : memref<128xf32, #tpu.memory_space<vmem>>[vector<16xi32>], vector<16xf32>,
      %get3A_334 = arith.constant 12 : i32
      %get3A_335 = arith.index_cast %get3A_334 : i32 to index
      %get3A_336 = arith.constant 0 : index
      %get3A_337 = tpu.vector_load %arg12[%get3A_335, %get3A_336] {strides = array<i32>} : memref<128x16xf32, #tpu.memory_space<vmem>>, vector<16xf32>,
      %mul3A_338 = arith.mulf %get3A_337, %gather3A_333 : vector<16xf32>
      %swap3A_339 = arith.constant 12 : i32
      %swap3A_340 = arith.index_cast %swap3A_339 : i32 to index
      %swap3A_341 = arith.constant 0 : index
      %swap3A_342 = tpu.vector_load %arg12[%swap3A_340, %swap3A_341] {strides = array<i32>} : memref<128x16xf32, #tpu.memory_space<vmem>>, vector<16xf32>,
      tpu.vector_store %arg12[%swap3A_340, %swap3A_341], %mul3A_338 {strides = array<i32>} : memref<128x16xf32, #tpu.memory_space<vmem>>, vector<16xf32>,
      %broadcast_in_dim3A_343 = arith.constant 13 : i32
      %broadcast_in_dim3A_344 = vector.broadcast %broadcast_in_dim3A_343 : i32 to vector<16xi32>
      %gather3A_345 = tpu.vector_load_idx %arg11[%broadcast_in_dim3A_344] : memref<128xf32, #tpu.memory_space<vmem>>[vector<16xi32>], vector<16xf32>,
      %get3A_346 = arith.constant 13 : i32
      %get3A_347 = arith.index_cast %get3A_346 : i32 to index
      %get3A_348 = arith.constant 0 : index
      %get3A_349 = tpu.vector_load %arg12[%get3A_347, %get3A_348] {strides = array<i32>} : memref<128x16xf32, #tpu.memory_space<vmem>>, vector<16xf32>,
      %mul3A_350 = arith.mulf %get3A_349, %gather3A_345 : vector<16xf32>
      %swap3A_351 = arith.constant 13 : i32
      %swap3A_352 = arith.index_cast %swap3A_351 : i32 to index
      %swap3A_353 = arith.constant 0 : index
      %swap3A_354 = tpu.vector_load %arg12[%swap3A_352, %swap3A_353] {strides = array<i32>} : memref<128x16xf32, #tpu.memory_space<vmem>>, vector<16xf32>,
      tpu.vector_store %arg12[%swap3A_352, %swap3A_353], %mul3A_350 {strides = array<i32>} : memref<128x16xf32, #tpu.memory_space<vmem>>, vector<16xf32>,
      %broadcast_in_dim3A_355 = arith.constant 14 : i32
      %broadcast_in_dim3A_356 = vector.broadcast %broadcast_in_dim3A_355 : i32 to vector<16xi32>
      %gather3A_357 = tpu.vector_load_idx %arg11[%broadcast_in_dim3A_356] : memref<128xf32, #tpu.memory_space<vmem>>[vector<16xi32>], vector<16xf32>,
      %get3A_358 = arith.constant 14 : i32
      %get3A_359 = arith.index_cast %get3A_358 : i32 to index
      %get3A_360 = arith.constant 0 : index
      %get3A_361 = tpu.vector_load %arg12[%get3A_359, %get3A_360] {strides = array<i32>} : memref<128x16xf32, #tpu.memory_space<vmem>>, vector<16xf32>,
      %mul3A_362 = arith.mulf %get3A_361, %gather3A_357 : vector<16xf32>
      %swap3A_363 = arith.constant 14 : i32
      %swap3A_364 = arith.index_cast %swap3A_363 : i32 to index
      %swap3A_365 = arith.constant 0 : index
      %swap3A_366 = tpu.vector_load %arg12[%swap3A_364, %swap3A_365] {strides = array<i32>} : memref<128x16xf32, #tpu.memory_space<vmem>>, vector<16xf32>,
      tpu.vector_store %arg12[%swap3A_364, %swap3A_365], %mul3A_362 {strides = array<i32>} : memref<128x16xf32, #tpu.memory_space<vmem>>, vector<16xf32>,
      %broadcast_in_dim3A_367 = arith.constant 15 : i32
      %broadcast_in_dim3A_368 = vector.broadcast %broadcast_in_dim3A_367 : i32 to vector<16xi32>
      %gather3A_369 = tpu.vector_load_idx %arg11[%broadcast_in_dim3A_368] : memref<128xf32, #tpu.memory_space<vmem>>[vector<16xi32>], vector<16xf32>,
      %get3A_370 = arith.constant 15 : i32
      %get3A_371 = arith.index_cast %get3A_370 : i32 to index
      %get3A_372 = arith.constant 0 : index
      %get3A_373 = tpu.vector_load %arg12[%get3A_371, %get3A_372] {strides = array<i32>} : memref<128x16xf32, #tpu.memory_space<vmem>>, vector<16xf32>,
      %mul3A_374 = arith.mulf %get3A_373, %gather3A_369 : vector<16xf32>
      %swap3A_375 = arith.constant 15 : i32
      %swap3A_376 = arith.index_cast %swap3A_375 : i32 to index
      %swap3A_377 = arith.constant 0 : index
      %swap3A_378 = tpu.vector_load %arg12[%swap3A_376, %swap3A_377] {strides = array<i32>} : memref<128x16xf32, #tpu.memory_space<vmem>>, vector<16xf32>,
      tpu.vector_store %arg12[%swap3A_376, %swap3A_377], %mul3A_374 {strides = array<i32>} : memref<128x16xf32, #tpu.memory_space<vmem>>, vector<16xf32>,
      %broadcast_in_dim3A_379 = arith.constant 16 : i32
      %broadcast_in_dim3A_380 = vector.broadcast %broadcast_in_dim3A_379 : i32 to vector<16xi32>
      %gather3A_381 = tpu.vector_load_idx %arg11[%broadcast_in_dim3A_380] : memref<128xf32, #tpu.memory_space<vmem>>[vector<16xi32>], vector<16xf32>,
      %get3A_382 = arith.constant 16 : i32
      %get3A_383 = arith.index_cast %get3A_382 : i32 to index
      %get3A_384 = arith.constant 0 : index
      %get3A_385 = tpu.vector_load %arg12[%get3A_383, %get3A_384] {strides = array<i32>} : memref<128x16xf32, #tpu.memory_space<vmem>>, vector<16xf32>,
      %mul3A_386 = arith.mulf %get3A_385, %gather3A_381 : vector<16xf32>
      %swap3A_387 = arith.constant 16 : i32
      %swap3A_388 = arith.index_cast %swap3A_387 : i32 to index
      %swap3A_389 = arith.constant 0 : index
      %swap3A_390 = tpu.vector_load %arg12[%swap3A_388, %swap3A_389] {strides = array<i32>} : memref<128x16xf32, #tpu.memory_space<vmem>>, vector<16xf32>,
      tpu.vector_store %arg12[%swap3A_388, %swap3A_389], %mul3A_386 {strides = array<i32>} : memref<128x16xf32, #tpu.memory_space<vmem>>, vector<16xf32>,
      %broadcast_in_dim3A_391 = arith.constant 17 : i32
      %broadcast_in_dim3A_392 = vector.broadcast %broadcast_in_dim3A_391 : i32 to vector<16xi32>
      %gather3A_393 = tpu.vector_load_idx %arg11[%broadcast_in_dim3A_392] : memref<128xf32, #tpu.memory_space<vmem>>[vector<16xi32>], vector<16xf32>,
      %get3A_394 = arith.constant 17 : i32
      %get3A_395 = arith.index_cast %get3A_394 : i32 to index
      %get3A_396 = arith.constant 0 : index
      %get3A_397 = tpu.vector_load %arg12[%get3A_395, %get3A_396] {strides = array<i32>} : memref<128x16xf32, #tpu.memory_space<vmem>>, vector<16xf32>,
      %mul3A_398 = arith.mulf %get3A_397, %gather3A_393 : vector<16xf32>
      %swap3A_399 = arith.constant 17 : i32
      %swap3A_400 = arith.index_cast %swap3A_399 : i32 to index
      %swap3A_401 = arith.constant 0 : index
      %swap3A_402 = tpu.vector_load %arg12[%swap3A_400, %swap3A_401] {strides = array<i32>} : memref<128x16xf32, #tpu.memory_space<vmem>>, vector<16xf32>,
      tpu.vector_store %arg12[%swap3A_400, %swap3A_401], %mul3A_398 {strides = array<i32>} : memref<128x16xf32, #tpu.memory_space<vmem>>, vector<16xf32>,
      %broadcast_in_dim3A_403 = arith.constant 18 : i32
      %broadcast_in_dim3A_404 = vector.broadcast %broadcast_in_dim3A_403 : i32 to vector<16xi32>
      %gather3A_405 = tpu.vector_load_idx %arg11[%broadcast_in_dim3A_404] : memref<128xf32, #tpu.memory_space<vmem>>[vector<16xi32>], vector<16xf32>,
      %get3A_406 = arith.constant 18 : i32
      %get3A_407 = arith.index_cast %get3A_406 : i32 to index
      %get3A_408 = arith.constant 0 : index
      %get3A_409 = tpu.vector_load %arg12[%get3A_407, %get3A_408] {strides = array<i32>} : memref<128x16xf32, #tpu.memory_space<vmem>>, vector<16xf32>,
      %mul3A_410 = arith.mulf %get3A_409, %gather3A_405 : vector<16xf32>
      %swap3A_411 = arith.constant 18 : i32
      %swap3A_412 = arith.index_cast %swap3A_411 : i32 to index
      %swap3A_413 = arith.constant 0 : index
      %swap3A_414 = tpu.vector_load %arg12[%swap3A_412, %swap3A_413] {strides = array<i32>} : memref<128x16xf32, #tpu.memory_space<vmem>>, vector<16xf32>,
      tpu.vector_store %arg12[%swap3A_412, %swap3A_413], %mul3A_410 {strides = array<i32>} : memref<128x16xf32, #tpu.memory_space<vmem>>, vector<16xf32>,
      %broadcast_in_dim3A_415 = arith.constant 19 : i32
      %broadcast_in_dim3A_416 = vector.broadcast %broadcast_in_dim3A_415 : i32 to vector<16xi32>
      %gather3A_417 = tpu.vector_load_idx %arg11[%broadcast_in_dim3A_416] : memref<128xf32, #tpu.memory_space<vmem>>[vector<16xi32>], vector<16xf32>,
      %get3A_418 = arith.constant 19 : i32
      %get3A_419 = arith.index_cast %get3A_418 : i32 to index
      %get3A_420 = arith.constant 0 : index
      %get3A_421 = tpu.vector_load %arg12[%get3A_419, %get3A_420] {strides = array<i32>} : memref<128x16xf32, #tpu.memory_space<vmem>>, vector<16xf32>,
      %mul3A_422 = arith.mulf %get3A_421, %gather3A_417 : vector<16xf32>
      %swap3A_423 = arith.constant 19 : i32
      %swap3A_424 = arith.index_cast %swap3A_423 : i32 to index
      %swap3A_425 = arith.constant 0 : index
      %swap3A_426 = tpu.vector_load %arg12[%swap3A_424, %swap3A_425] {strides = array<i32>} : memref<128x16xf32, #tpu.memory_space<vmem>>, vector<16xf32>,
      tpu.vector_store %arg12[%swap3A_424, %swap3A_425], %mul3A_422 {strides = array<i32>} : memref<128x16xf32, #tpu.memory_space<vmem>>, vector<16xf32>,
      %broadcast_in_dim3A_427 = arith.constant 20 : i32
      %broadcast_in_dim3A_428 = vector.broadcast %broadcast_in_dim3A_427 : i32 to vector<16xi32>
      %gather3A_429 = tpu.vector_load_idx %arg11[%broadcast_in_dim3A_428] : memref<128xf32, #tpu.memory_space<vmem>>[vector<16xi32>], vector<16xf32>,
      %get3A_430 = arith.constant 20 : i32
      %get3A_431 = arith.index_cast %get3A_430 : i32 to index
      %get3A_432 = arith.constant 0 : index
      %get3A_433 = tpu.vector_load %arg12[%get3A_431, %get3A_432] {strides = array<i32>} : memref<128x16xf32, #tpu.memory_space<vmem>>, vector<16xf32>,
      %mul3A_434 = arith.mulf %get3A_433, %gather3A_429 : vector<16xf32>
      %swap3A_435 = arith.constant 20 : i32
      %swap3A_436 = arith.index_cast %swap3A_435 : i32 to index
      %swap3A_437 = arith.constant 0 : index
      %swap3A_438 = tpu.vector_load %arg12[%swap3A_436, %swap3A_437] {strides = array<i32>} : memref<128x16xf32, #tpu.memory_space<vmem>>, vector<16xf32>,
      tpu.vector_store %arg12[%swap3A_436, %swap3A_437], %mul3A_434 {strides = array<i32>} : memref<128x16xf32, #tpu.memory_space<vmem>>, vector<16xf32>,
      %broadcast_in_dim3A_439 = arith.constant 21 : i32
      %broadcast_in_dim3A_440 = vector.broadcast %broadcast_in_dim3A_439 : i32 to vector<16xi32>
      %gather3A_441 = tpu.vector_load_idx %arg11[%broadcast_in_dim3A_440] : memref<128xf32, #tpu.memory_space<vmem>>[vector<16xi32>], vector<16xf32>,
      %get3A_442 = arith.constant 21 : i32
      %get3A_443 = arith.index_cast %get3A_442 : i32 to index
      %get3A_444 = arith.constant 0 : index
      %get3A_445 = tpu.vector_load %arg12[%get3A_443, %get3A_444] {strides = array<i32>} : memref<128x16xf32, #tpu.memory_space<vmem>>, vector<16xf32>,
      %mul3A_446 = arith.mulf %get3A_445, %gather3A_441 : vector<16xf32>
      %swap3A_447 = arith.constant 21 : i32
      %swap3A_448 = arith.index_cast %swap3A_447 : i32 to index
      %swap3A_449 = arith.constant 0 : index
      %swap3A_450 = tpu.vector_load %arg12[%swap3A_448, %swap3A_449] {strides = array<i32>} : memref<128x16xf32, #tpu.memory_space<vmem>>, vector<16xf32>,
      tpu.vector_store %arg12[%swap3A_448, %swap3A_449], %mul3A_446 {strides = array<i32>} : memref<128x16xf32, #tpu.memory_space<vmem>>, vector<16xf32>,
      %broadcast_in_dim3A_451 = arith.constant 22 : i32
      %broadcast_in_dim3A_452 = vector.broadcast %broadcast_in_dim3A_451 : i32 to vector<16xi32>
      %gather3A_453 = tpu.vector_load_idx %arg11[%broadcast_in_dim3A_452] : memref<128xf32, #tpu.memory_space<vmem>>[vector<16xi32>], vector<16xf32>,
      %get3A_454 = arith.constant 22 : i32
      %get3A_455 = arith.index_cast %get3A_454 : i32 to index
      %get3A_456 = arith.constant 0 : index
      %get3A_457 = tpu.vector_load %arg12[%get3A_455, %get3A_456] {strides = array<i32>} : memref<128x16xf32, #tpu.memory_space<vmem>>, vector<16xf32>,
      %mul3A_458 = arith.mulf %get3A_457, %gather3A_453 : vector<16xf32>
      %swap3A_459 = arith.constant 22 : i32
      %swap3A_460 = arith.index_cast %swap3A_459 : i32 to index
      %swap3A_461 = arith.constant 0 : index
      %swap3A_462 = tpu.vector_load %arg12[%swap3A_460, %swap3A_461] {strides = array<i32>} : memref<128x16xf32, #tpu.memory_space<vmem>>, vector<16xf32>,
      tpu.vector_store %arg12[%swap3A_460, %swap3A_461], %mul3A_458 {strides = array<i32>} : memref<128x16xf32, #tpu.memory_space<vmem>>, vector<16xf32>,
      %broadcast_in_dim3A_463 = arith.constant 23 : i32
      %broadcast_in_dim3A_464 = vector.broadcast %broadcast_in_dim3A_463 : i32 to vector<16xi32>
      %gather3A_465 = tpu.vector_load_idx %arg11[%broadcast_in_dim3A_464] : memref<128xf32, #tpu.memory_space<vmem>>[vector<16xi32>], vector<16xf32>,
      %get3A_466 = arith.constant 23 : i32
      %get3A_467 = arith.index_cast %get3A_466 : i32 to index
      %get3A_468 = arith.constant 0 : index
      %get3A_469 = tpu.vector_load %arg12[%get3A_467, %get3A_468] {strides = array<i32>} : memref<128x16xf32, #tpu.memory_space<vmem>>, vector<16xf32>,
      %mul3A_470 = arith.mulf %get3A_469, %gather3A_465 : vector<16xf32>
      %swap3A_471 = arith.constant 23 : i32
      %swap3A_472 = arith.index_cast %swap3A_471 : i32 to index
      %swap3A_473 = arith.constant 0 : index
      %swap3A_474 = tpu.vector_load %arg12[%swap3A_472, %swap3A_473] {strides = array<i32>} : memref<128x16xf32, #tpu.memory_space<vmem>>, vector<16xf32>,
      tpu.vector_store %arg12[%swap3A_472, %swap3A_473], %mul3A_470 {strides = array<i32>} : memref<128x16xf32, #tpu.memory_space<vmem>>, vector<16xf32>,
      %broadcast_in_dim3A_475 = arith.constant 24 : i32
      %broadcast_in_dim3A_476 = vector.broadcast %broadcast_in_dim3A_475 : i32 to vector<16xi32>
      %gather3A_477 = tpu.vector_load_idx %arg11[%broadcast_in_dim3A_476] : memref<128xf32, #tpu.memory_space<vmem>>[vector<16xi32>], vector<16xf32>,
      %get3A_478 = arith.constant 24 : i32
      %get3A_479 = arith.index_cast %get3A_478 : i32 to index
      %get3A_480 = arith.constant 0 : index
      %get3A_481 = tpu.vector_load %arg12[%get3A_479, %get3A_480] {strides = array<i32>} : memref<128x16xf32, #tpu.memory_space<vmem>>, vector<16xf32>,
      %mul3A_482 = arith.mulf %get3A_481, %gather3A_477 : vector<16xf32>
      %swap3A_483 = arith.constant 24 : i32
      %swap3A_484 = arith.index_cast %swap3A_483 : i32 to index
      %swap3A_485 = arith.constant 0 : index
      %swap3A_486 = tpu.vector_load %arg12[%swap3A_484, %swap3A_485] {strides = array<i32>} : memref<128x16xf32, #tpu.memory_space<vmem>>, vector<16xf32>,
      tpu.vector_store %arg12[%swap3A_484, %swap3A_485], %mul3A_482 {strides = array<i32>} : memref<128x16xf32, #tpu.memory_space<vmem>>, vector<16xf32>,
      %broadcast_in_dim3A_487 = arith.constant 25 : i32
      %broadcast_in_dim3A_488 = vector.broadcast %broadcast_in_dim3A_487 : i32 to vector<16xi32>
      %gather3A_489 = tpu.vector_load_idx %arg11[%broadcast_in_dim3A_488] : memref<128xf32, #tpu.memory_space<vmem>>[vector<16xi32>], vector<16xf32>,
      %get3A_490 = arith.constant 25 : i32
      %get3A_491 = arith.index_cast %get3A_490 : i32 to index
      %get3A_492 = arith.constant 0 : index
      %get3A_493 = tpu.vector_load %arg12[%get3A_491, %get3A_492] {strides = array<i32>} : memref<128x16xf32, #tpu.memory_space<vmem>>, vector<16xf32>,
      %mul3A_494 = arith.mulf %get3A_493, %gather3A_489 : vector<16xf32>
      %swap3A_495 = arith.constant 25 : i32
      %swap3A_496 = arith.index_cast %swap3A_495 : i32 to index
      %swap3A_497 = arith.constant 0 : index
      %swap3A_498 = tpu.vector_load %arg12[%swap3A_496, %swap3A_497] {strides = array<i32>} : memref<128x16xf32, #tpu.memory_space<vmem>>, vector<16xf32>,
      tpu.vector_store %arg12[%swap3A_496, %swap3A_497], %mul3A_494 {strides = array<i32>} : memref<128x16xf32, #tpu.memory_space<vmem>>, vector<16xf32>,
      %broadcast_in_dim3A_499 = arith.constant 26 : i32
      %broadcast_in_dim3A_500 = vector.broadcast %broadcast_in_dim3A_499 : i32 to vector<16xi32>
      %gather3A_501 = tpu.vector_load_idx %arg11[%broadcast_in_dim3A_500] : memref<128xf32, #tpu.memory_space<vmem>>[vector<16xi32>], vector<16xf32>,
      %get3A_502 = arith.constant 26 : i32
      %get3A_503 = arith.index_cast %get3A_502 : i32 to index
      %get3A_504 = arith.constant 0 : index
      %get3A_505 = tpu.vector_load %arg12[%get3A_503, %get3A_504] {strides = array<i32>} : memref<128x16xf32, #tpu.memory_space<vmem>>, vector<16xf32>,
      %mul3A_506 = arith.mulf %get3A_505, %gather3A_501 : vector<16xf32>
      %swap3A_507 = arith.constant 26 : i32
      %swap3A_508 = arith.index_cast %swap3A_507 : i32 to index
      %swap3A_509 = arith.constant 0 : index
      %swap3A_510 = tpu.vector_load %arg12[%swap3A_508, %swap3A_509] {strides = array<i32>} : memref<128x16xf32, #tpu.memory_space<vmem>>, vector<16xf32>,
      tpu.vector_store %arg12[%swap3A_508, %swap3A_509], %mul3A_506 {strides = array<i32>} : memref<128x16xf32, #tpu.memory_space<vmem>>, vector<16xf32>,
      %broadcast_in_dim3A_511 = arith.constant 27 : i32
      %broadcast_in_dim3A_512 = vector.broadcast %broadcast_in_dim3A_511 : i32 to vector<16xi32>
      %gather3A_513 = tpu.vector_load_idx %arg11[%broadcast_in_dim3A_512] : memref<128xf32, #tpu.memory_space<vmem>>[vector<16xi32>], vector<16xf32>,
      %get3A_514 = arith.constant 27 : i32
      %get3A_515 = arith.index_cast %get3A_514 : i32 to index
      %get3A_516 = arith.constant 0 : index
      %get3A_517 = tpu.vector_load %arg12[%get3A_515, %get3A_516] {strides = array<i32>} : memref<128x16xf32, #tpu.memory_space<vmem>>, vector<16xf32>,
      %mul3A_518 = arith.mulf %get3A_517, %gather3A_513 : vector<16xf32>
      %swap3A_519 = arith.constant 27 : i32
      %swap3A_520 = arith.index_cast %swap3A_519 : i32 to index
      %swap3A_521 = arith.constant 0 : index
      %swap3A_522 = tpu.vector_load %arg12[%swap3A_520, %swap3A_521] {strides = array<i32>} : memref<128x16xf32, #tpu.memory_space<vmem>>, vector<16xf32>,
      tpu.vector_store %arg12[%swap3A_520, %swap3A_521], %mul3A_518 {strides = array<i32>} : memref<128x16xf32, #tpu.memory_space<vmem>>, vector<16xf32>,
      %broadcast_in_dim3A_523 = arith.constant 28 : i32
      %broadcast_in_dim3A_524 = vector.broadcast %broadcast_in_dim3A_523 : i32 to vector<16xi32>
      %gather3A_525 = tpu.vector_load_idx %arg11[%broadcast_in_dim3A_524] : memref<128xf32, #tpu.memory_space<vmem>>[vector<16xi32>], vector<16xf32>,
      %get3A_526 = arith.constant 28 : i32
      %get3A_527 = arith.index_cast %get3A_526 : i32 to index
      %get3A_528 = arith.constant 0 : index
      %get3A_529 = tpu.vector_load %arg12[%get3A_527, %get3A_528] {strides = array<i32>} : memref<128x16xf32, #tpu.memory_space<vmem>>, vector<16xf32>,
      %mul3A_530 = arith.mulf %get3A_529, %gather3A_525 : vector<16xf32>
      %swap3A_531 = arith.constant 28 : i32
      %swap3A_532 = arith.index_cast %swap3A_531 : i32 to index
      %swap3A_533 = arith.constant 0 : index
      %swap3A_534 = tpu.vector_load %arg12[%swap3A_532, %swap3A_533] {strides = array<i32>} : memref<128x16xf32, #tpu.memory_space<vmem>>, vector<16xf32>,
      tpu.vector_store %arg12[%swap3A_532, %swap3A_533], %mul3A_530 {strides = array<i32>} : memref<128x16xf32, #tpu.memory_space<vmem>>, vector<16xf32>,
      %broadcast_in_dim3A_535 = arith.constant 29 : i32
      %broadcast_in_dim3A_536 = vector.broadcast %broadcast_in_dim3A_535 : i32 to vector<16xi32>
      %gather3A_537 = tpu.vector_load_idx %arg11[%broadcast_in_dim3A_536] : memref<128xf32, #tpu.memory_space<vmem>>[vector<16xi32>], vector<16xf32>,
      %get3A_538 = arith.constant 29 : i32
      %get3A_539 = arith.index_cast %get3A_538 : i32 to index
      %get3A_540 = arith.constant 0 : index
      %get3A_541 = tpu.vector_load %arg12[%get3A_539, %get3A_540] {strides = array<i32>} : memref<128x16xf32, #tpu.memory_space<vmem>>, vector<16xf32>,
      %mul3A_542 = arith.mulf %get3A_541, %gather3A_537 : vector<16xf32>
      %swap3A_543 = arith.constant 29 : i32
      %swap3A_544 = arith.index_cast %swap3A_543 : i32 to index
      %swap3A_545 = arith.constant 0 : index
      %swap3A_546 = tpu.vector_load %arg12[%swap3A_544, %swap3A_545] {strides = array<i32>} : memref<128x16xf32, #tpu.memory_space<vmem>>, vector<16xf32>,
      tpu.vector_store %arg12[%swap3A_544, %swap3A_545], %mul3A_542 {strides = array<i32>} : memref<128x16xf32, #tpu.memory_space<vmem>>, vector<16xf32>,
      %broadcast_in_dim3A_547 = arith.constant 30 : i32
      %broadcast_in_dim3A_548 = vector.broadcast %broadcast_in_dim3A_547 : i32 to vector<16xi32>
      %gather3A_549 = tpu.vector_load_idx %arg11[%broadcast_in_dim3A_548] : memref<128xf32, #tpu.memory_space<vmem>>[vector<16xi32>], vector<16xf32>,
      %get3A_550 = arith.constant 30 : i32
      %get3A_551 = arith.index_cast %get3A_550 : i32 to index
      %get3A_552 = arith.constant 0 : index
      %get3A_553 = tpu.vector_load %arg12[%get3A_551, %get3A_552] {strides = array<i32>} : memref<128x16xf32, #tpu.memory_space<vmem>>, vector<16xf32>,
      %mul3A_554 = arith.mulf %get3A_553, %gather3A_549 : vector<16xf32>
      %swap3A_555 = arith.constant 30 : i32
      %swap3A_556 = arith.index_cast %swap3A_555 : i32 to index
      %swap3A_557 = arith.constant 0 : index
      %swap3A_558 = tpu.vector_load %arg12[%swap3A_556, %swap3A_557] {strides = array<i32>} : memref<128x16xf32, #tpu.memory_space<vmem>>, vector<16xf32>,
      tpu.vector_store %arg12[%swap3A_556, %swap3A_557], %mul3A_554 {strides = array<i32>} : memref<128x16xf32, #tpu.memory_space<vmem>>, vector<16xf32>,
      %broadcast_in_dim3A_559 = arith.constant 31 : i32
      %broadcast_in_dim3A_560 = vector.broadcast %broadcast_in_dim3A_559 : i32 to vector<16xi32>
      %gather3A_561 = tpu.vector_load_idx %arg11[%broadcast_in_dim3A_560] : memref<128xf32, #tpu.memory_space<vmem>>[vector<16xi32>], vector<16xf32>,
      %get3A_562 = arith.constant 31 : i32
      %get3A_563 = arith.index_cast %get3A_562 : i32 to index
      %get3A_564 = arith.constant 0 : index
      %get3A_565 = tpu.vector_load %arg12[%get3A_563, %get3A_564] {strides = array<i32>} : memref<128x16xf32, #tpu.memory_space<vmem>>, vector<16xf32>,
      %mul3A_566 = arith.mulf %get3A_565, %gather3A_561 : vector<16xf32>
      %swap3A_567 = arith.constant 31 : i32
      %swap3A_568 = arith.index_cast %swap3A_567 : i32 to index
      %swap3A_569 = arith.constant 0 : index
      %swap3A_570 = tpu.vector_load %arg12[%swap3A_568, %swap3A_569] {strides = array<i32>} : memref<128x16xf32, #tpu.memory_space<vmem>>, vector<16xf32>,
      tpu.vector_store %arg12[%swap3A_568, %swap3A_569], %mul3A_566 {strides = array<i32>} : memref<128x16xf32, #tpu.memory_space<vmem>>, vector<16xf32>,
      %broadcast_in_dim3A_571 = arith.constant 32 : i32
      %broadcast_in_dim3A_572 = vector.broadcast %broadcast_in_dim3A_571 : i32 to vector<16xi32>
      %gather3A_573 = tpu.vector_load_idx %arg11[%broadcast_in_dim3A_572] : memref<128xf32, #tpu.memory_space<vmem>>[vector<16xi32>], vector<16xf32>,
      %get3A_574 = arith.constant 32 : i32
      %get3A_575 = arith.index_cast %get3A_574 : i32 to index
      %get3A_576 = arith.constant 0 : index
      %get3A_577 = tpu.vector_load %arg12[%get3A_575, %get3A_576] {strides = array<i32>} : memref<128x16xf32, #tpu.memory_space<vmem>>, vector<16xf32>,
      %mul3A_578 = arith.mulf %get3A_577, %gather3A_573 : vector<16xf32>
      %swap3A_579 = arith.constant 32 : i32
      %swap3A_580 = arith.index_cast %swap3A_579 : i32 to index
      %swap3A_581 = arith.constant 0 : index
      %swap3A_582 = tpu.vector_load %arg12[%swap3A_580, %swap3A_581] {strides = array<i32>} : memref<128x16xf32, #tpu.memory_space<vmem>>, vector<16xf32>,
      tpu.vector_store %arg12[%swap3A_580, %swap3A_581], %mul3A_578 {strides = array<i32>} : memref<128x16xf32, #tpu.memory_space<vmem>>, vector<16xf32>,
      %broadcast_in_dim3A_583 = arith.constant 33 : i32
      %broadcast_in_dim3A_584 = vector.broadcast %broadcast_in_dim3A_583 : i32 to vector<16xi32>
      %gather3A_585 = tpu.vector_load_idx %arg11[%broadcast_in_dim3A_584] : memref<128xf32, #tpu.memory_space<vmem>>[vector<16xi32>], vector<16xf32>,
      %get3A_586 = arith.constant 33 : i32
      %get3A_587 = arith.index_cast %get3A_586 : i32 to index
      %get3A_588 = arith.constant 0 : index
      %get3A_589 = tpu.vector_load %arg12[%get3A_587, %get3A_588] {strides = array<i32>} : memref<128x16xf32, #tpu.memory_space<vmem>>, vector<16xf32>,
      %mul3A_590 = arith.mulf %get3A_589, %gather3A_585 : vector<16xf32>
      %swap3A_591 = arith.constant 33 : i32
      %swap3A_592 = arith.index_cast %swap3A_591 : i32 to index
      %swap3A_593 = arith.constant 0 : index
      %swap3A_594 = tpu.vector_load %arg12[%swap3A_592, %swap3A_593] {strides = array<i32>} : memref<128x16xf32, #tpu.memory_space<vmem>>, vector<16xf32>,
      tpu.vector_store %arg12[%swap3A_592, %swap3A_593], %mul3A_590 {strides = array<i32>} : memref<128x16xf32, #tpu.memory_space<vmem>>, vector<16xf32>,
      %broadcast_in_dim3A_595 = arith.constant 34 : i32
      %broadcast_in_dim3A_596 = vector.broadcast %broadcast_in_dim3A_595 : i32 to vector<16xi32>
      %gather3A_597 = tpu.vector_load_idx %arg11[%broadcast_in_dim3A_596] : memref<128xf32, #tpu.memory_space<vmem>>[vector<16xi32>], vector<16xf32>,
      %get3A_598 = arith.constant 34 : i32
      %get3A_599 = arith.index_cast %get3A_598 : i32 to index
      %get3A_600 = arith.constant 0 : index
      %get3A_601 = tpu.vector_load %arg12[%get3A_599, %get3A_600] {strides = array<i32>} : memref<128x16xf32, #tpu.memory_space<vmem>>, vector<16xf32>,
      %mul3A_602 = arith.mulf %get3A_601, %gather3A_597 : vector<16xf32>
      %swap3A_603 = arith.constant 34 : i32
      %swap3A_604 = arith.index_cast %swap3A_603 : i32 to index
      %swap3A_605 = arith.constant 0 : index
      %swap3A_606 = tpu.vector_load %arg12[%swap3A_604, %swap3A_605] {strides = array<i32>} : memref<128x16xf32, #tpu.memory_space<vmem>>, vector<16xf32>,
      tpu.vector_store %arg12[%swap3A_604, %swap3A_605], %mul3A_602 {strides = array<i32>} : memref<128x16xf32, #tpu.memory_space<vmem>>, vector<16xf32>,
      %broadcast_in_dim3A_607 = arith.constant 35 : i32
      %broadcast_in_dim3A_608 = vector.broadcast %broadcast_in_dim3A_607 : i32 to vector<16xi32>
      %gather3A_609 = tpu.vector_load_idx %arg11[%broadcast_in_dim3A_608] : memref<128xf32, #tpu.memory_space<vmem>>[vector<16xi32>], vector<16xf32>,
      %get3A_610 = arith.constant 35 : i32
      %get3A_611 = arith.index_cast %get3A_610 : i32 to index
      %get3A_612 = arith.constant 0 : index
      %get3A_613 = tpu.vector_load %arg12[%get3A_611, %get3A_612] {strides = array<i32>} : memref<128x16xf32, #tpu.memory_space<vmem>>, vector<16xf32>,
      %mul3A_614 = arith.mulf %get3A_613, %gather3A_609 : vector<16xf32>
      %swap3A_615 = arith.constant 35 : i32
      %swap3A_616 = arith.index_cast %swap3A_615 : i32 to index
      %swap3A_617 = arith.constant 0 : index
      %swap3A_618 = tpu.vector_load %arg12[%swap3A_616, %swap3A_617] {strides = array<i32>} : memref<128x16xf32, #tpu.memory_space<vmem>>, vector<16xf32>,
      tpu.vector_store %arg12[%swap3A_616, %swap3A_617], %mul3A_614 {strides = array<i32>} : memref<128x16xf32, #tpu.memory_space<vmem>>, vector<16xf32>,
      %broadcast_in_dim3A_619 = arith.constant 36 : i32
      %broadcast_in_dim3A_620 = vector.broadcast %broadcast_in_dim3A_619 : i32 to vector<16xi32>
      %gather3A_621 = tpu.vector_load_idx %arg11[%broadcast_in_dim3A_620] : memref<128xf32, #tpu.memory_space<vmem>>[vector<16xi32>], vector<16xf32>,
      %get3A_622 = arith.constant 36 : i32
      %get3A_623 = arith.index_cast %get3A_622 : i32 to index
      %get3A_624 = arith.constant 0 : index
      %get3A_625 = tpu.vector_load %arg12[%get3A_623, %get3A_624] {strides = array<i32>} : memref<128x16xf32, #tpu.memory_space<vmem>>, vector<16xf32>,
      %mul3A_626 = arith.mulf %get3A_625, %gather3A_621 : vector<16xf32>
      %swap3A_627 = arith.constant 36 : i32
      %swap3A_628 = arith.index_cast %swap3A_627 : i32 to index
      %swap3A_629 = arith.constant 0 : index
      %swap3A_630 = tpu.vector_load %arg12[%swap3A_628, %swap3A_629] {strides = array<i32>} : memref<128x16xf32, #tpu.memory_space<vmem>>, vector<16xf32>,
      tpu.vector_store %arg12[%swap3A_628, %swap3A_629], %mul3A_626 {strides = array<i32>} : memref<128x16xf32, #tpu.memory_space<vmem>>, vector<16xf32>,
      %broadcast_in_dim3A_631 = arith.constant 37 : i32
      %broadcast_in_dim3A_632 = vector.broadcast %broadcast_in_dim3A_631 : i32 to vector<16xi32>
      %gather3A_633 = tpu.vector_load_idx %arg11[%broadcast_in_dim3A_632] : memref<128xf32, #tpu.memory_space<vmem>>[vector<16xi32>], vector<16xf32>,
      %get3A_634 = arith.constant 37 : i32
      %get3A_635 = arith.index_cast %get3A_634 : i32 to index
      %get3A_636 = arith.constant 0 : index
      %get3A_637 = tpu.vector_load %arg12[%get3A_635, %get3A_636] {strides = array<i32>} : memref<128x16xf32, #tpu.memory_space<vmem>>, vector<16xf32>,
      %mul3A_638 = arith.mulf %get3A_637, %gather3A_633 : vector<16xf32>
      %swap3A_639 = arith.constant 37 : i32
      %swap3A_640 = arith.index_cast %swap3A_639 : i32 to index
      %swap3A_641 = arith.constant 0 : index
      %swap3A_642 = tpu.vector_load %arg12[%swap3A_640, %swap3A_641] {strides = array<i32>} : memref<128x16xf32, #tpu.memory_space<vmem>>, vector<16xf32>,
      tpu.vector_store %arg12[%swap3A_640, %swap3A_641], %mul3A_638 {strides = array<i32>} : memref<128x16xf32, #tpu.memory_space<vmem>>, vector<16xf32>,
      %broadcast_in_dim3A_643 = arith.constant 38 : i32
      %broadcast_in_dim3A_644 = vector.broadcast %broadcast_in_dim3A_643 : i32 to vector<16xi32>
      %gather3A_645 = tpu.vector_load_idx %arg11[%broadcast_in_dim3A_644] : memref<128xf32, #tpu.memory_space<vmem>>[vector<16xi32>], vector<16xf32>,
      %get3A_646 = arith.constant 38 : i32
      %get3A_647 = arith.index_cast %get3A_646 : i32 to index
      %get3A_648 = arith.constant 0 : index
      %get3A_649 = tpu.vector_load %arg12[%get3A_647, %get3A_648] {strides = array<i32>} : memref<128x16xf32, #tpu.memory_space<vmem>>, vector<16xf32>,
      %mul3A_650 = arith.mulf %get3A_649, %gather3A_645 : vector<16xf32>
      %swap3A_651 = arith.constant 38 : i32
      %swap3A_652 = arith.index_cast %swap3A_651 : i32 to index
      %swap3A_653 = arith.constant 0 : index
      %swap3A_654 = tpu.vector_load %arg12[%swap3A_652, %swap3A_653] {strides = array<i32>} : memref<128x16xf32, #tpu.memory_space<vmem>>, vector<16xf32>,
      tpu.vector_store %arg12[%swap3A_652, %swap3A_653], %mul3A_650 {strides = array<i32>} : memref<128x16xf32, #tpu.memory_space<vmem>>, vector<16xf32>,
      %broadcast_in_dim3A_655 = arith.constant 39 : i32
      %broadcast_in_dim3A_656 = vector.broadcast %broadcast_in_dim3A_655 : i32 to vector<16xi32>
      %gather3A_657 = tpu.vector_load_idx %arg11[%broadcast_in_dim3A_656] : memref<128xf32, #tpu.memory_space<vmem>>[vector<16xi32>], vector<16xf32>,
      %get3A_658 = arith.constant 39 : i32
      %get3A_659 = arith.index_cast %get3A_658 : i32 to index
      %get3A_660 = arith.constant 0 : index
      %get3A_661 = tpu.vector_load %arg12[%get3A_659, %get3A_660] {strides = array<i32>} : memref<128x16xf32, #tpu.memory_space<vmem>>, vector<16xf32>,
      %mul3A_662 = arith.mulf %get3A_661, %gather3A_657 : vector<16xf32>
      %swap3A_663 = arith.constant 39 : i32
      %swap3A_664 = arith.index_cast %swap3A_663 : i32 to index
      %swap3A_665 = arith.constant 0 : index
      %swap3A_666 = tpu.vector_load %arg12[%swap3A_664, %swap3A_665] {strides = array<i32>} : memref<128x16xf32, #tpu.memory_space<vmem>>, vector<16xf32>,
      tpu.vector_store %arg12[%swap3A_664, %swap3A_665], %mul3A_662 {strides = array<i32>} : memref<128x16xf32, #tpu.memory_space<vmem>>, vector<16xf32>,
      %broadcast_in_dim3A_667 = arith.constant 40 : i32
      %broadcast_in_dim3A_668 = vector.broadcast %broadcast_in_dim3A_667 : i32 to vector<16xi32>
      %gather3A_669 = tpu.vector_load_idx %arg11[%broadcast_in_dim3A_668] : memref<128xf32, #tpu.memory_space<vmem>>[vector<16xi32>], vector<16xf32>,
      %get3A_670 = arith.constant 40 : i32
      %get3A_671 = arith.index_cast %get3A_670 : i32 to index
      %get3A_672 = arith.constant 0 : index
      %get3A_673 = tpu.vector_load %arg12[%get3A_671, %get3A_672] {strides = array<i32>} : memref<128x16xf32, #tpu.memory_space<vmem>>, vector<16xf32>,
      %mul3A_674 = arith.mulf %get3A_673, %gather3A_669 : vector<16xf32>
      %swap3A_675 = arith.constant 40 : i32
      %swap3A_676 = arith.index_cast %swap3A_675 : i32 to index
      %swap3A_677 = arith.constant 0 : index
      %swap3A_678 = tpu.vector_load %arg12[%swap3A_676, %swap3A_677] {strides = array<i32>} : memref<128x16xf32, #tpu.memory_space<vmem>>, vector<16xf32>,
      tpu.vector_store %arg12[%swap3A_676, %swap3A_677], %mul3A_674 {strides = array<i32>} : memref<128x16xf32, #tpu.memory_space<vmem>>, vector<16xf32>,
      %broadcast_in_dim3A_679 = arith.constant 41 : i32
      %broadcast_in_dim3A_680 = vector.broadcast %broadcast_in_dim3A_679 : i32 to vector<16xi32>
      %gather3A_681 = tpu.vector_load_idx %arg11[%broadcast_in_dim3A_680] : memref<128xf32, #tpu.memory_space<vmem>>[vector<16xi32>], vector<16xf32>,
      %get3A_682 = arith.constant 41 : i32
      %get3A_683 = arith.index_cast %get3A_682 : i32 to index
      %get3A_684 = arith.constant 0 : index
      %get3A_685 = tpu.vector_load %arg12[%get3A_683, %get3A_684] {strides = array<i32>} : memref<128x16xf32, #tpu.memory_space<vmem>>, vector<16xf32>,
      %mul3A_686 = arith.mulf %get3A_685, %gather3A_681 : vector<16xf32>
      %swap3A_687 = arith.constant 41 : i32
      %swap3A_688 = arith.index_cast %swap3A_687 : i32 to index
      %swap3A_689 = arith.constant 0 : index
      %swap3A_690 = tpu.vector_load %arg12[%swap3A_688, %swap3A_689] {strides = array<i32>} : memref<128x16xf32, #tpu.memory_space<vmem>>, vector<16xf32>,
      tpu.vector_store %arg12[%swap3A_688, %swap3A_689], %mul3A_686 {strides = array<i32>} : memref<128x16xf32, #tpu.memory_space<vmem>>, vector<16xf32>,
      %broadcast_in_dim3A_691 = arith.constant 42 : i32
      %broadcast_in_dim3A_692 = vector.broadcast %broadcast_in_dim3A_691 : i32 to vector<16xi32>
      %gather3A_693 = tpu.vector_load_idx %arg11[%broadcast_in_dim3A_692] : memref<128xf32, #tpu.memory_space<vmem>>[vector<16xi32>], vector<16xf32>,
      %get3A_694 = arith.constant 42 : i32
      %get3A_695 = arith.index_cast %get3A_694 : i32 to index
      %get3A_696 = arith.constant 0 : index
      %get3A_697 = tpu.vector_load %arg12[%get3A_695, %get3A_696] {strides = array<i32>} : memref<128x16xf32, #tpu.memory_space<vmem>>, vector<16xf32>,
      %mul3A_698 = arith.mulf %get3A_697, %gather3A_693 : vector<16xf32>
      %swap3A_699 = arith.constant 42 : i32
      %swap3A_700 = arith.index_cast %swap3A_699 : i32 to index
      %swap3A_701 = arith.constant 0 : index
      %swap3A_702 = tpu.vector_load %arg12[%swap3A_700, %swap3A_701] {strides = array<i32>} : memref<128x16xf32, #tpu.memory_space<vmem>>, vector<16xf32>,
      tpu.vector_store %arg12[%swap3A_700, %swap3A_701], %mul3A_698 {strides = array<i32>} : memref<128x16xf32, #tpu.memory_space<vmem>>, vector<16xf32>,
      %broadcast_in_dim3A_703 = arith.constant 43 : i32
      %broadcast_in_dim3A_704 = vector.broadcast %broadcast_in_dim3A_703 : i32 to vector<16xi32>
      %gather3A_705 = tpu.vector_load_idx %arg11[%broadcast_in_dim3A_704] : memref<128xf32, #tpu.memory_space<vmem>>[vector<16xi32>], vector<16xf32>,
      %get3A_706 = arith.constant 43 : i32
      %get3A_707 = arith.index_cast %get3A_706 : i32 to index
      %get3A_708 = arith.constant 0 : index
      %get3A_709 = tpu.vector_load %arg12[%get3A_707, %get3A_708] {strides = array<i32>} : memref<128x16xf32, #tpu.memory_space<vmem>>, vector<16xf32>,
      %mul3A_710 = arith.mulf %get3A_709, %gather3A_705 : vector<16xf32>
      %swap3A_711 = arith.constant 43 : i32
      %swap3A_712 = arith.index_cast %swap3A_711 : i32 to index
      %swap3A_713 = arith.constant 0 : index
      %swap3A_714 = tpu.vector_load %arg12[%swap3A_712, %swap3A_713] {strides = array<i32>} : memref<128x16xf32, #tpu.memory_space<vmem>>, vector<16xf32>,
      tpu.vector_store %arg12[%swap3A_712, %swap3A_713], %mul3A_710 {strides = array<i32>} : memref<128x16xf32, #tpu.memory_space<vmem>>, vector<16xf32>,
      %broadcast_in_dim3A_715 = arith.constant 44 : i32
      %broadcast_in_dim3A_716 = vector.broadcast %broadcast_in_dim3A_715 : i32 to vector<16xi32>
      %gather3A_717 = tpu.vector_load_idx %arg11[%broadcast_in_dim3A_716] : memref<128xf32, #tpu.memory_space<vmem>>[vector<16xi32>], vector<16xf32>,
      %get3A_718 = arith.constant 44 : i32
      %get3A_719 = arith.index_cast %get3A_718 : i32 to index
      %get3A_720 = arith.constant 0 : index
      %get3A_721 = tpu.vector_load %arg12[%get3A_719, %get3A_720] {strides = array<i32>} : memref<128x16xf32, #tpu.memory_space<vmem>>, vector<16xf32>,
      %mul3A_722 = arith.mulf %get3A_721, %gather3A_717 : vector<16xf32>
      %swap3A_723 = arith.constant 44 : i32
      %swap3A_724 = arith.index_cast %swap3A_723 : i32 to index
      %swap3A_725 = arith.constant 0 : index
      %swap3A_726 = tpu.vector_load %arg12[%swap3A_724, %swap3A_725] {strides = array<i32>} : memref<128x16xf32, #tpu.memory_space<vmem>>, vector<16xf32>,
      tpu.vector_store %arg12[%swap3A_724, %swap3A_725], %mul3A_722 {strides = array<i32>} : memref<128x16xf32, #tpu.memory_space<vmem>>, vector<16xf32>,
      %broadcast_in_dim3A_727 = arith.constant 45 : i32
      %broadcast_in_dim3A_728 = vector.broadcast %broadcast_in_dim3A_727 : i32 to vector<16xi32>
      %gather3A_729 = tpu.vector_load_idx %arg11[%broadcast_in_dim3A_728] : memref<128xf32, #tpu.memory_space<vmem>>[vector<16xi32>], vector<16xf32>,
      %get3A_730 = arith.constant 45 : i32
      %get3A_731 = arith.index_cast %get3A_730 : i32 to index
      %get3A_732 = arith.constant 0 : index
      %get3A_733 = tpu.vector_load %arg12[%get3A_731, %get3A_732] {strides = array<i32>} : memref<128x16xf32, #tpu.memory_space<vmem>>, vector<16xf32>,
      %mul3A_734 = arith.mulf %get3A_733, %gather3A_729 : vector<16xf32>
      %swap3A_735 = arith.constant 45 : i32
      %swap3A_736 = arith.index_cast %swap3A_735 : i32 to index
      %swap3A_737 = arith.constant 0 : index
      %swap3A_738 = tpu.vector_load %arg12[%swap3A_736, %swap3A_737] {strides = array<i32>} : memref<128x16xf32, #tpu.memory_space<vmem>>, vector<16xf32>,
      tpu.vector_store %arg12[%swap3A_736, %swap3A_737], %mul3A_734 {strides = array<i32>} : memref<128x16xf32, #tpu.memory_space<vmem>>, vector<16xf32>,
      %broadcast_in_dim3A_739 = arith.constant 46 : i32
      %broadcast_in_dim3A_740 = vector.broadcast %broadcast_in_dim3A_739 : i32 to vector<16xi32>
      %gather3A_741 = tpu.vector_load_idx %arg11[%broadcast_in_dim3A_740] : memref<128xf32, #tpu.memory_space<vmem>>[vector<16xi32>], vector<16xf32>,
      %get3A_742 = arith.constant 46 : i32
      %get3A_743 = arith.index_cast %get3A_742 : i32 to index
      %get3A_744 = arith.constant 0 : index
      %get3A_745 = tpu.vector_load %arg12[%get3A_743, %get3A_744] {strides = array<i32>} : memref<128x16xf32, #tpu.memory_space<vmem>>, vector<16xf32>,
      %mul3A_746 = arith.mulf %get3A_745, %gather3A_741 : vector<16xf32>
      %swap3A_747 = arith.constant 46 : i32
      %swap3A_748 = arith.index_cast %swap3A_747 : i32 to index
      %swap3A_749 = arith.constant 0 : index
      %swap3A_750 = tpu.vector_load %arg12[%swap3A_748, %swap3A_749] {strides = array<i32>} : memref<128x16xf32, #tpu.memory_space<vmem>>, vector<16xf32>,
      tpu.vector_store %arg12[%swap3A_748, %swap3A_749], %mul3A_746 {strides = array<i32>} : memref<128x16xf32, #tpu.memory_space<vmem>>, vector<16xf32>,
      %broadcast_in_dim3A_751 = arith.constant 47 : i32
      %broadcast_in_dim3A_752 = vector.broadcast %broadcast_in_dim3A_751 : i32 to vector<16xi32>
      %gather3A_753 = tpu.vector_load_idx %arg11[%broadcast_in_dim3A_752] : memref<128xf32, #tpu.memory_space<vmem>>[vector<16xi32>], vector<16xf32>,
      %get3A_754 = arith.constant 47 : i32
      %get3A_755 = arith.index_cast %get3A_754 : i32 to index
      %get3A_756 = arith.constant 0 : index
      %get3A_757 = tpu.vector_load %arg12[%get3A_755, %get3A_756] {strides = array<i32>} : memref<128x16xf32, #tpu.memory_space<vmem>>, vector<16xf32>,
      %mul3A_758 = arith.mulf %get3A_757, %gather3A_753 : vector<16xf32>
      %swap3A_759 = arith.constant 47 : i32
      %swap3A_760 = arith.index_cast %swap3A_759 : i32 to index
      %swap3A_761 = arith.constant 0 : index
      %swap3A_762 = tpu.vector_load %arg12[%swap3A_760, %swap3A_761] {strides = array<i32>} : memref<128x16xf32, #tpu.memory_space<vmem>>, vector<16xf32>,
      tpu.vector_store %arg12[%swap3A_760, %swap3A_761], %mul3A_758 {strides = array<i32>} : memref<128x16xf32, #tpu.memory_space<vmem>>, vector<16xf32>,
      %broadcast_in_dim3A_763 = arith.constant 48 : i32
      %broadcast_in_dim3A_764 = vector.broadcast %broadcast_in_dim3A_763 : i32 to vector<16xi32>
      %gather3A_765 = tpu.vector_load_idx %arg11[%broadcast_in_dim3A_764] : memref<128xf32, #tpu.memory_space<vmem>>[vector<16xi32>], vector<16xf32>,
      %get3A_766 = arith.constant 48 : i32
      %get3A_767 = arith.index_cast %get3A_766 : i32 to index
      %get3A_768 = arith.constant 0 : index
      %get3A_769 = tpu.vector_load %arg12[%get3A_767, %get3A_768] {strides = array<i32>} : memref<128x16xf32, #tpu.memory_space<vmem>>, vector<16xf32>,
      %mul3A_770 = arith.mulf %get3A_769, %gather3A_765 : vector<16xf32>
      %swap3A_771 = arith.constant 48 : i32
      %swap3A_772 = arith.index_cast %swap3A_771 : i32 to index
      %swap3A_773 = arith.constant 0 : index
      %swap3A_774 = tpu.vector_load %arg12[%swap3A_772, %swap3A_773] {strides = array<i32>} : memref<128x16xf32, #tpu.memory_space<vmem>>, vector<16xf32>,
      tpu.vector_store %arg12[%swap3A_772, %swap3A_773], %mul3A_770 {strides = array<i32>} : memref<128x16xf32, #tpu.memory_space<vmem>>, vector<16xf32>,
      %broadcast_in_dim3A_775 = arith.constant 49 : i32
      %broadcast_in_dim3A_776 = vector.broadcast %broadcast_in_dim3A_775 : i32 to vector<16xi32>
      %gather3A_777 = tpu.vector_load_idx %arg11[%broadcast_in_dim3A_776] : memref<128xf32, #tpu.memory_space<vmem>>[vector<16xi32>], vector<16xf32>,
      %get3A_778 = arith.constant 49 : i32
      %get3A_779 = arith.index_cast %get3A_778 : i32 to index
      %get3A_780 = arith.constant 0 : index
      %get3A_781 = tpu.vector_load %arg12[%get3A_779, %get3A_780] {strides = array<i32>} : memref<128x16xf32, #tpu.memory_space<vmem>>, vector<16xf32>,
      %mul3A_782 = arith.mulf %get3A_781, %gather3A_777 : vector<16xf32>
      %swap3A_783 = arith.constant 49 : i32
      %swap3A_784 = arith.index_cast %swap3A_783 : i32 to index
      %swap3A_785 = arith.constant 0 : index
      %swap3A_786 = tpu.vector_load %arg12[%swap3A_784, %swap3A_785] {strides = array<i32>} : memref<128x16xf32, #tpu.memory_space<vmem>>, vector<16xf32>,
      tpu.vector_store %arg12[%swap3A_784, %swap3A_785], %mul3A_782 {strides = array<i32>} : memref<128x16xf32, #tpu.memory_space<vmem>>, vector<16xf32>,
      %broadcast_in_dim3A_787 = arith.constant 50 : i32
      %broadcast_in_dim3A_788 = vector.broadcast %broadcast_in_dim3A_787 : i32 to vector<16xi32>
      %gather3A_789 = tpu.vector_load_idx %arg11[%broadcast_in_dim3A_788] : memref<128xf32, #tpu.memory_space<vmem>>[vector<16xi32>], vector<16xf32>,
      %get3A_790 = arith.constant 50 : i32
      %get3A_791 = arith.index_cast %get3A_790 : i32 to index
      %get3A_792 = arith.constant 0 : index
      %get3A_793 = tpu.vector_load %arg12[%get3A_791, %get3A_792] {strides = array<i32>} : memref<128x16xf32, #tpu.memory_space<vmem>>, vector<16xf32>,
      %mul3A_794 = arith.mulf %get3A_793, %gather3A_789 : vector<16xf32>
      %swap3A_795 = arith.constant 50 : i32
      %swap3A_796 = arith.index_cast %swap3A_795 : i32 to index
      %swap3A_797 = arith.constant 0 : index
      %swap3A_798 = tpu.vector_load %arg12[%swap3A_796, %swap3A_797] {strides = array<i32>} : memref<128x16xf32, #tpu.memory_space<vmem>>, vector<16xf32>,
      tpu.vector_store %arg12[%swap3A_796, %swap3A_797], %mul3A_794 {strides = array<i32>} : memref<128x16xf32, #tpu.memory_space<vmem>>, vector<16xf32>,
      %broadcast_in_dim3A_799 = arith.constant 51 : i32
      %broadcast_in_dim3A_800 = vector.broadcast %broadcast_in_dim3A_799 : i32 to vector<16xi32>
      %gather3A_801 = tpu.vector_load_idx %arg11[%broadcast_in_dim3A_800] : memref<128xf32, #tpu.memory_space<vmem>>[vector<16xi32>], vector<16xf32>,
      %get3A_802 = arith.constant 51 : i32
      %get3A_803 = arith.index_cast %get3A_802 : i32 to index
      %get3A_804 = arith.constant 0 : index
      %get3A_805 = tpu.vector_load %arg12[%get3A_803, %get3A_804] {strides = array<i32>} : memref<128x16xf32, #tpu.memory_space<vmem>>, vector<16xf32>,
      %mul3A_806 = arith.mulf %get3A_805, %gather3A_801 : vector<16xf32>
      %swap3A_807 = arith.constant 51 : i32
      %swap3A_808 = arith.index_cast %swap3A_807 : i32 to index
      %swap3A_809 = arith.constant 0 : index
      %swap3A_810 = tpu.vector_load %arg12[%swap3A_808, %swap3A_809] {strides = array<i32>} : memref<128x16xf32, #tpu.memory_space<vmem>>, vector<16xf32>,
      tpu.vector_store %arg12[%swap3A_808, %swap3A_809], %mul3A_806 {strides = array<i32>} : memref<128x16xf32, #tpu.memory_space<vmem>>, vector<16xf32>,
      %broadcast_in_dim3A_811 = arith.constant 52 : i32
      %broadcast_in_dim3A_812 = vector.broadcast %broadcast_in_dim3A_811 : i32 to vector<16xi32>
      %gather3A_813 = tpu.vector_load_idx %arg11[%broadcast_in_dim3A_812] : memref<128xf32, #tpu.memory_space<vmem>>[vector<16xi32>], vector<16xf32>,
      %get3A_814 = arith.constant 52 : i32
      %get3A_815 = arith.index_cast %get3A_814 : i32 to index
      %get3A_816 = arith.constant 0 : index
      %get3A_817 = tpu.vector_load %arg12[%get3A_815, %get3A_816] {strides = array<i32>} : memref<128x16xf32, #tpu.memory_space<vmem>>, vector<16xf32>,
      %mul3A_818 = arith.mulf %get3A_817, %gather3A_813 : vector<16xf32>
      %swap3A_819 = arith.constant 52 : i32
      %swap3A_820 = arith.index_cast %swap3A_819 : i32 to index
      %swap3A_821 = arith.constant 0 : index
      %swap3A_822 = tpu.vector_load %arg12[%swap3A_820, %swap3A_821] {strides = array<i32>} : memref<128x16xf32, #tpu.memory_space<vmem>>, vector<16xf32>,
      tpu.vector_store %arg12[%swap3A_820, %swap3A_821], %mul3A_818 {strides = array<i32>} : memref<128x16xf32, #tpu.memory_space<vmem>>, vector<16xf32>,
      %broadcast_in_dim3A_823 = arith.constant 53 : i32
      %broadcast_in_dim3A_824 = vector.broadcast %broadcast_in_dim3A_823 : i32 to vector<16xi32>
      %gather3A_825 = tpu.vector_load_idx %arg11[%broadcast_in_dim3A_824] : memref<128xf32, #tpu.memory_space<vmem>>[vector<16xi32>], vector<16xf32>,
      %get3A_826 = arith.constant 53 : i32
      %get3A_827 = arith.index_cast %get3A_826 : i32 to index
      %get3A_828 = arith.constant 0 : index
      %get3A_829 = tpu.vector_load %arg12[%get3A_827, %get3A_828] {strides = array<i32>} : memref<128x16xf32, #tpu.memory_space<vmem>>, vector<16xf32>,
      %mul3A_830 = arith.mulf %get3A_829, %gather3A_825 : vector<16xf32>
      %swap3A_831 = arith.constant 53 : i32
      %swap3A_832 = arith.index_cast %swap3A_831 : i32 to index
      %swap3A_833 = arith.constant 0 : index
      %swap3A_834 = tpu.vector_load %arg12[%swap3A_832, %swap3A_833] {strides = array<i32>} : memref<128x16xf32, #tpu.memory_space<vmem>>, vector<16xf32>,
      tpu.vector_store %arg12[%swap3A_832, %swap3A_833], %mul3A_830 {strides = array<i32>} : memref<128x16xf32, #tpu.memory_space<vmem>>, vector<16xf32>,
      %broadcast_in_dim3A_835 = arith.constant 54 : i32
      %broadcast_in_dim3A_836 = vector.broadcast %broadcast_in_dim3A_835 : i32 to vector<16xi32>
      %gather3A_837 = tpu.vector_load_idx %arg11[%broadcast_in_dim3A_836] : memref<128xf32, #tpu.memory_space<vmem>>[vector<16xi32>], vector<16xf32>,
      %get3A_838 = arith.constant 54 : i32
      %get3A_839 = arith.index_cast %get3A_838 : i32 to index
      %get3A_840 = arith.constant 0 : index
      %get3A_841 = tpu.vector_load %arg12[%get3A_839, %get3A_840] {strides = array<i32>} : memref<128x16xf32, #tpu.memory_space<vmem>>, vector<16xf32>,
      %mul3A_842 = arith.mulf %get3A_841, %gather3A_837 : vector<16xf32>
      %swap3A_843 = arith.constant 54 : i32
      %swap3A_844 = arith.index_cast %swap3A_843 : i32 to index
      %swap3A_845 = arith.constant 0 : index
      %swap3A_846 = tpu.vector_load %arg12[%swap3A_844, %swap3A_845] {strides = array<i32>} : memref<128x16xf32, #tpu.memory_space<vmem>>, vector<16xf32>,
      tpu.vector_store %arg12[%swap3A_844, %swap3A_845], %mul3A_842 {strides = array<i32>} : memref<128x16xf32, #tpu.memory_space<vmem>>, vector<16xf32>,
      %broadcast_in_dim3A_847 = arith.constant 55 : i32
      %broadcast_in_dim3A_848 = vector.broadcast %broadcast_in_dim3A_847 : i32 to vector<16xi32>
      %gather3A_849 = tpu.vector_load_idx %arg11[%broadcast_in_dim3A_848] : memref<128xf32, #tpu.memory_space<vmem>>[vector<16xi32>], vector<16xf32>,
      %get3A_850 = arith.constant 55 : i32
      %get3A_851 = arith.index_cast %get3A_850 : i32 to index
      %get3A_852 = arith.constant 0 : index
      %get3A_853 = tpu.vector_load %arg12[%get3A_851, %get3A_852] {strides = array<i32>} : memref<128x16xf32, #tpu.memory_space<vmem>>, vector<16xf32>,
      %mul3A_854 = arith.mulf %get3A_853, %gather3A_849 : vector<16xf32>
      %swap3A_855 = arith.constant 55 : i32
      %swap3A_856 = arith.index_cast %swap3A_855 : i32 to index
      %swap3A_857 = arith.constant 0 : index
      %swap3A_858 = tpu.vector_load %arg12[%swap3A_856, %swap3A_857] {strides = array<i32>} : memref<128x16xf32, #tpu.memory_space<vmem>>, vector<16xf32>,
      tpu.vector_store %arg12[%swap3A_856, %swap3A_857], %mul3A_854 {strides = array<i32>} : memref<128x16xf32, #tpu.memory_space<vmem>>, vector<16xf32>,
      %broadcast_in_dim3A_859 = arith.constant 56 : i32
      %broadcast_in_dim3A_860 = vector.broadcast %broadcast_in_dim3A_859 : i32 to vector<16xi32>
      %gather3A_861 = tpu.vector_load_idx %arg11[%broadcast_in_dim3A_860] : memref<128xf32, #tpu.memory_space<vmem>>[vector<16xi32>], vector<16xf32>,
      %get3A_862 = arith.constant 56 : i32
      %get3A_863 = arith.index_cast %get3A_862 : i32 to index
      %get3A_864 = arith.constant 0 : index
      %get3A_865 = tpu.vector_load %arg12[%get3A_863, %get3A_864] {strides = array<i32>} : memref<128x16xf32, #tpu.memory_space<vmem>>, vector<16xf32>,
      %mul3A_866 = arith.mulf %get3A_865, %gather3A_861 : vector<16xf32>
      %swap3A_867 = arith.constant 56 : i32
      %swap3A_868 = arith.index_cast %swap3A_867 : i32 to index
      %swap3A_869 = arith.constant 0 : index
      %swap3A_870 = tpu.vector_load %arg12[%swap3A_868, %swap3A_869] {strides = array<i32>} : memref<128x16xf32, #tpu.memory_space<vmem>>, vector<16xf32>,
      tpu.vector_store %arg12[%swap3A_868, %swap3A_869], %mul3A_866 {strides = array<i32>} : memref<128x16xf32, #tpu.memory_space<vmem>>, vector<16xf32>,
      %broadcast_in_dim3A_871 = arith.constant 57 : i32
      %broadcast_in_dim3A_872 = vector.broadcast %broadcast_in_dim3A_871 : i32 to vector<16xi32>
      %gather3A_873 = tpu.vector_load_idx %arg11[%broadcast_in_dim3A_872] : memref<128xf32, #tpu.memory_space<vmem>>[vector<16xi32>], vector<16xf32>,
      %get3A_874 = arith.constant 57 : i32
      %get3A_875 = arith.index_cast %get3A_874 : i32 to index
      %get3A_876 = arith.constant 0 : index
      %get3A_877 = tpu.vector_load %arg12[%get3A_875, %get3A_876] {strides = array<i32>} : memref<128x16xf32, #tpu.memory_space<vmem>>, vector<16xf32>,
      %mul3A_878 = arith.mulf %get3A_877, %gather3A_873 : vector<16xf32>
      %swap3A_879 = arith.constant 57 : i32
      %swap3A_880 = arith.index_cast %swap3A_879 : i32 to index
      %swap3A_881 = arith.constant 0 : index
      %swap3A_882 = tpu.vector_load %arg12[%swap3A_880, %swap3A_881] {strides = array<i32>} : memref<128x16xf32, #tpu.memory_space<vmem>>, vector<16xf32>,
      tpu.vector_store %arg12[%swap3A_880, %swap3A_881], %mul3A_878 {strides = array<i32>} : memref<128x16xf32, #tpu.memory_space<vmem>>, vector<16xf32>,
      %broadcast_in_dim3A_883 = arith.constant 58 : i32
      %broadcast_in_dim3A_884 = vector.broadcast %broadcast_in_dim3A_883 : i32 to vector<16xi32>
      %gather3A_885 = tpu.vector_load_idx %arg11[%broadcast_in_dim3A_884] : memref<128xf32, #tpu.memory_space<vmem>>[vector<16xi32>], vector<16xf32>,
      %get3A_886 = arith.constant 58 : i32
      %get3A_887 = arith.index_cast %get3A_886 : i32 to index
      %get3A_888 = arith.constant 0 : index
      %get3A_889 = tpu.vector_load %arg12[%get3A_887, %get3A_888] {strides = array<i32>} : memref<128x16xf32, #tpu.memory_space<vmem>>, vector<16xf32>,
      %mul3A_890 = arith.mulf %get3A_889, %gather3A_885 : vector<16xf32>
      %swap3A_891 = arith.constant 58 : i32
      %swap3A_892 = arith.index_cast %swap3A_891 : i32 to index
      %swap3A_893 = arith.constant 0 : index
      %swap3A_894 = tpu.vector_load %arg12[%swap3A_892, %swap3A_893] {strides = array<i32>} : memref<128x16xf32, #tpu.memory_space<vmem>>, vector<16xf32>,
      tpu.vector_store %arg12[%swap3A_892, %swap3A_893], %mul3A_890 {strides = array<i32>} : memref<128x16xf32, #tpu.memory_space<vmem>>, vector<16xf32>,
      %broadcast_in_dim3A_895 = arith.constant 59 : i32
      %broadcast_in_dim3A_896 = vector.broadcast %broadcast_in_dim3A_895 : i32 to vector<16xi32>
      %gather3A_897 = tpu.vector_load_idx %arg11[%broadcast_in_dim3A_896] : memref<128xf32, #tpu.memory_space<vmem>>[vector<16xi32>], vector<16xf32>,
      %get3A_898 = arith.constant 59 : i32
      %get3A_899 = arith.index_cast %get3A_898 : i32 to index
      %get3A_900 = arith.constant 0 : index
      %get3A_901 = tpu.vector_load %arg12[%get3A_899, %get3A_900] {strides = array<i32>} : memref<128x16xf32, #tpu.memory_space<vmem>>, vector<16xf32>,
      %mul3A_902 = arith.mulf %get3A_901, %gather3A_897 : vector<16xf32>
      %swap3A_903 = arith.constant 59 : i32
      %swap3A_904 = arith.index_cast %swap3A_903 : i32 to index
      %swap3A_905 = arith.constant 0 : index
      %swap3A_906 = tpu.vector_load %arg12[%swap3A_904, %swap3A_905] {strides = array<i32>} : memref<128x16xf32, #tpu.memory_space<vmem>>, vector<16xf32>,
      tpu.vector_store %arg12[%swap3A_904, %swap3A_905], %mul3A_902 {strides = array<i32>} : memref<128x16xf32, #tpu.memory_space<vmem>>, vector<16xf32>,
      %broadcast_in_dim3A_907 = arith.constant 60 : i32
      %broadcast_in_dim3A_908 = vector.broadcast %broadcast_in_dim3A_907 : i32 to vector<16xi32>
      %gather3A_909 = tpu.vector_load_idx %arg11[%broadcast_in_dim3A_908] : memref<128xf32, #tpu.memory_space<vmem>>[vector<16xi32>], vector<16xf32>,
      %get3A_910 = arith.constant 60 : i32
      %get3A_911 = arith.index_cast %get3A_910 : i32 to index
      %get3A_912 = arith.constant 0 : index
      %get3A_913 = tpu.vector_load %arg12[%get3A_911, %get3A_912] {strides = array<i32>} : memref<128x16xf32, #tpu.memory_space<vmem>>, vector<16xf32>,
      %mul3A_914 = arith.mulf %get3A_913, %gather3A_909 : vector<16xf32>
      %swap3A_915 = arith.constant 60 : i32
      %swap3A_916 = arith.index_cast %swap3A_915 : i32 to index
      %swap3A_917 = arith.constant 0 : index
      %swap3A_918 = tpu.vector_load %arg12[%swap3A_916, %swap3A_917] {strides = array<i32>} : memref<128x16xf32, #tpu.memory_space<vmem>>, vector<16xf32>,
      tpu.vector_store %arg12[%swap3A_916, %swap3A_917], %mul3A_914 {strides = array<i32>} : memref<128x16xf32, #tpu.memory_space<vmem>>, vector<16xf32>,
      %broadcast_in_dim3A_919 = arith.constant 61 : i32
      %broadcast_in_dim3A_920 = vector.broadcast %broadcast_in_dim3A_919 : i32 to vector<16xi32>
      %gather3A_921 = tpu.vector_load_idx %arg11[%broadcast_in_dim3A_920] : memref<128xf32, #tpu.memory_space<vmem>>[vector<16xi32>], vector<16xf32>,
      %get3A_922 = arith.constant 61 : i32
      %get3A_923 = arith.index_cast %get3A_922 : i32 to index
      %get3A_924 = arith.constant 0 : index
      %get3A_925 = tpu.vector_load %arg12[%get3A_923, %get3A_924] {strides = array<i32>} : memref<128x16xf32, #tpu.memory_space<vmem>>, vector<16xf32>,
      %mul3A_926 = arith.mulf %get3A_925, %gather3A_921 : vector<16xf32>
      %swap3A_927 = arith.constant 61 : i32
      %swap3A_928 = arith.index_cast %swap3A_927 : i32 to index
      %swap3A_929 = arith.constant 0 : index
      %swap3A_930 = tpu.vector_load %arg12[%swap3A_928, %swap3A_929] {strides = array<i32>} : memref<128x16xf32, #tpu.memory_space<vmem>>, vector<16xf32>,
      tpu.vector_store %arg12[%swap3A_928, %swap3A_929], %mul3A_926 {strides = array<i32>} : memref<128x16xf32, #tpu.memory_space<vmem>>, vector<16xf32>,
      %broadcast_in_dim3A_931 = arith.constant 62 : i32
      %broadcast_in_dim3A_932 = vector.broadcast %broadcast_in_dim3A_931 : i32 to vector<16xi32>
      %gather3A_933 = tpu.vector_load_idx %arg11[%broadcast_in_dim3A_932] : memref<128xf32, #tpu.memory_space<vmem>>[vector<16xi32>], vector<16xf32>,
      %get3A_934 = arith.constant 62 : i32
      %get3A_935 = arith.index_cast %get3A_934 : i32 to index
      %get3A_936 = arith.constant 0 : index
      %get3A_937 = tpu.vector_load %arg12[%get3A_935, %get3A_936] {strides = array<i32>} : memref<128x16xf32, #tpu.memory_space<vmem>>, vector<16xf32>,
      %mul3A_938 = arith.mulf %get3A_937, %gather3A_933 : vector<16xf32>
      %swap3A_939 = arith.constant 62 : i32
      %swap3A_940 = arith.index_cast %swap3A_939 : i32 to index
      %swap3A_941 = arith.constant 0 : index
      %swap3A_942 = tpu.vector_load %arg12[%swap3A_940, %swap3A_941] {strides = array<i32>} : memref<128x16xf32, #tpu.memory_space<vmem>>, vector<16xf32>,
      tpu.vector_store %arg12[%swap3A_940, %swap3A_941], %mul3A_938 {strides = array<i32>} : memref<128x16xf32, #tpu.memory_space<vmem>>, vector<16xf32>,
      %broadcast_in_dim3A_943 = arith.constant 63 : i32
      %broadcast_in_dim3A_944 = vector.broadcast %broadcast_in_dim3A_943 : i32 to vector<16xi32>
      %gather3A_945 = tpu.vector_load_idx %arg11[%broadcast_in_dim3A_944] : memref<128xf32, #tpu.memory_space<vmem>>[vector<16xi32>], vector<16xf32>,
      %get3A_946 = arith.constant 63 : i32
      %get3A_947 = arith.index_cast %get3A_946 : i32 to index
      %get3A_948 = arith.constant 0 : index
      %get3A_949 = tpu.vector_load %arg12[%get3A_947, %get3A_948] {strides = array<i32>} : memref<128x16xf32, #tpu.memory_space<vmem>>, vector<16xf32>,
      %mul3A_950 = arith.mulf %get3A_949, %gather3A_945 : vector<16xf32>
      %swap3A_951 = arith.constant 63 : i32
      %swap3A_952 = arith.index_cast %swap3A_951 : i32 to index
      %swap3A_953 = arith.constant 0 : index
      %swap3A_954 = tpu.vector_load %arg12[%swap3A_952, %swap3A_953] {strides = array<i32>} : memref<128x16xf32, #tpu.memory_space<vmem>>, vector<16xf32>,
      tpu.vector_store %arg12[%swap3A_952, %swap3A_953], %mul3A_950 {strides = array<i32>} : memref<128x16xf32, #tpu.memory_space<vmem>>, vector<16xf32>,
      %broadcast_in_dim3A_955 = arith.constant 64 : i32
      %broadcast_in_dim3A_956 = vector.broadcast %broadcast_in_dim3A_955 : i32 to vector<16xi32>
      %gather3A_957 = tpu.vector_load_idx %arg11[%broadcast_in_dim3A_956] : memref<128xf32, #tpu.memory_space<vmem>>[vector<16xi32>], vector<16xf32>,
      %get3A_958 = arith.constant 64 : i32
      %get3A_959 = arith.index_cast %get3A_958 : i32 to index
      %get3A_960 = arith.constant 0 : index
      %get3A_961 = tpu.vector_load %arg12[%get3A_959, %get3A_960] {strides = array<i32>} : memref<128x16xf32, #tpu.memory_space<vmem>>, vector<16xf32>,
      %mul3A_962 = arith.mulf %get3A_961, %gather3A_957 : vector<16xf32>
      %swap3A_963 = arith.constant 64 : i32
      %swap3A_964 = arith.index_cast %swap3A_963 : i32 to index
      %swap3A_965 = arith.constant 0 : index
      %swap3A_966 = tpu.vector_load %arg12[%swap3A_964, %swap3A_965] {strides = array<i32>} : memref<128x16xf32, #tpu.memory_space<vmem>>, vector<16xf32>,
      tpu.vector_store %arg12[%swap3A_964, %swap3A_965], %mul3A_962 {strides = array<i32>} : memref<128x16xf32, #tpu.memory_space<vmem>>, vector<16xf32>,
      %broadcast_in_dim3A_967 = arith.constant 65 : i32
      %broadcast_in_dim3A_968 = vector.broadcast %broadcast_in_dim3A_967 : i32 to vector<16xi32>
      %gather3A_969 = tpu.vector_load_idx %arg11[%broadcast_in_dim3A_968] : memref<128xf32, #tpu.memory_space<vmem>>[vector<16xi32>], vector<16xf32>,
      %get3A_970 = arith.constant 65 : i32
      %get3A_971 = arith.index_cast %get3A_970 : i32 to index
      %get3A_972 = arith.constant 0 : index
      %get3A_973 = tpu.vector_load %arg12[%get3A_971, %get3A_972] {strides = array<i32>} : memref<128x16xf32, #tpu.memory_space<vmem>>, vector<16xf32>,
      %mul3A_974 = arith.mulf %get3A_973, %gather3A_969 : vector<16xf32>
      %swap3A_975 = arith.constant 65 : i32
      %swap3A_976 = arith.index_cast %swap3A_975 : i32 to index
      %swap3A_977 = arith.constant 0 : index
      %swap3A_978 = tpu.vector_load %arg12[%swap3A_976, %swap3A_977] {strides = array<i32>} : memref<128x16xf32, #tpu.memory_space<vmem>>, vector<16xf32>,
      tpu.vector_store %arg12[%swap3A_976, %swap3A_977], %mul3A_974 {strides = array<i32>} : memref<128x16xf32, #tpu.memory_space<vmem>>, vector<16xf32>,
      %broadcast_in_dim3A_979 = arith.constant 66 : i32
      %broadcast_in_dim3A_980 = vector.broadcast %broadcast_in_dim3A_979 : i32 to vector<16xi32>
      %gather3A_981 = tpu.vector_load_idx %arg11[%broadcast_in_dim3A_980] : memref<128xf32, #tpu.memory_space<vmem>>[vector<16xi32>], vector<16xf32>,
      %get3A_982 = arith.constant 66 : i32
      %get3A_983 = arith.index_cast %get3A_982 : i32 to index
      %get3A_984 = arith.constant 0 : index
      %get3A_985 = tpu.vector_load %arg12[%get3A_983, %get3A_984] {strides = array<i32>} : memref<128x16xf32, #tpu.memory_space<vmem>>, vector<16xf32>,
      %mul3A_986 = arith.mulf %get3A_985, %gather3A_981 : vector<16xf32>
      %swap3A_987 = arith.constant 66 : i32
      %swap3A_988 = arith.index_cast %swap3A_987 : i32 to index
      %swap3A_989 = arith.constant 0 : index
      %swap3A_990 = tpu.vector_load %arg12[%swap3A_988, %swap3A_989] {strides = array<i32>} : memref<128x16xf32, #tpu.memory_space<vmem>>, vector<16xf32>,
      tpu.vector_store %arg12[%swap3A_988, %swap3A_989], %mul3A_986 {strides = array<i32>} : memref<128x16xf32, #tpu.memory_space<vmem>>, vector<16xf32>,
      %broadcast_in_dim3A_991 = arith.constant 67 : i32
      %broadcast_in_dim3A_992 = vector.broadcast %broadcast_in_dim3A_991 : i32 to vector<16xi32>
      %gather3A_993 = tpu.vector_load_idx %arg11[%broadcast_in_dim3A_992] : memref<128xf32, #tpu.memory_space<vmem>>[vector<16xi32>], vector<16xf32>,
      %get3A_994 = arith.constant 67 : i32
      %get3A_995 = arith.index_cast %get3A_994 : i32 to index
      %get3A_996 = arith.constant 0 : index
      %get3A_997 = tpu.vector_load %arg12[%get3A_995, %get3A_996] {strides = array<i32>} : memref<128x16xf32, #tpu.memory_space<vmem>>, vector<16xf32>,
      %mul3A_998 = arith.mulf %get3A_997, %gather3A_993 : vector<16xf32>
      %swap3A_999 = arith.constant 67 : i32
      %swap3A_1000 = arith.index_cast %swap3A_999 : i32 to index
      %swap3A_1001 = arith.constant 0 : index
      %swap3A_1002 = tpu.vector_load %arg12[%swap3A_1000, %swap3A_1001] {strides = array<i32>} : memref<128x16xf32, #tpu.memory_space<vmem>>, vector<16xf32>,
      tpu.vector_store %arg12[%swap3A_1000, %swap3A_1001], %mul3A_998 {strides = array<i32>} : memref<128x16xf32, #tpu.memory_space<vmem>>, vector<16xf32>,
      %broadcast_in_dim3A_1003 = arith.constant 68 : i32
      %broadcast_in_dim3A_1004 = vector.broadcast %broadcast_in_dim3A_1003 : i32 to vector<16xi32>
      %gather3A_1005 = tpu.vector_load_idx %arg11[%broadcast_in_dim3A_1004] : memref<128xf32, #tpu.memory_space<vmem>>[vector<16xi32>], vector<16xf32>,
      %get3A_1006 = arith.constant 68 : i32
      %get3A_1007 = arith.index_cast %get3A_1006 : i32 to index
      %get3A_1008 = arith.constant 0 : index
      %get3A_1009 = tpu.vector_load %arg12[%get3A_1007, %get3A_1008] {strides = array<i32>} : memref<128x16xf32, #tpu.memory_space<vmem>>, vector<16xf32>,
      %mul3A_1010 = arith.mulf %get3A_1009, %gather3A_1005 : vector<16xf32>
      %swap3A_1011 = arith.constant 68 : i32
      %swap3A_1012 = arith.index_cast %swap3A_1011 : i32 to index
      %swap3A_1013 = arith.constant 0 : index
      %swap3A_1014 = tpu.vector_load %arg12[%swap3A_1012, %swap3A_1013] {strides = array<i32>} : memref<128x16xf32, #tpu.memory_space<vmem>>, vector<16xf32>,
      tpu.vector_store %arg12[%swap3A_1012, %swap3A_1013], %mul3A_1010 {strides = array<i32>} : memref<128x16xf32, #tpu.memory_space<vmem>>, vector<16xf32>,
      %broadcast_in_dim3A_1015 = arith.constant 69 : i32
      %broadcast_in_dim3A_1016 = vector.broadcast %broadcast_in_dim3A_1015 : i32 to vector<16xi32>
      %gather3A_1017 = tpu.vector_load_idx %arg11[%broadcast_in_dim3A_1016] : memref<128xf32, #tpu.memory_space<vmem>>[vector<16xi32>], vector<16xf32>,
      %get3A_1018 = arith.constant 69 : i32
      %get3A_1019 = arith.index_cast %get3A_1018 : i32 to index
      %get3A_1020 = arith.constant 0 : index
      %get3A_1021 = tpu.vector_load %arg12[%get3A_1019, %get3A_1020] {strides = array<i32>} : memref<128x16xf32, #tpu.memory_space<vmem>>, vector<16xf32>,
      %mul3A_1022 = arith.mulf %get3A_1021, %gather3A_1017 : vector<16xf32>
      %swap3A_1023 = arith.constant 69 : i32
      %swap3A_1024 = arith.index_cast %swap3A_1023 : i32 to index
      %swap3A_1025 = arith.constant 0 : index
      %swap3A_1026 = tpu.vector_load %arg12[%swap3A_1024, %swap3A_1025] {strides = array<i32>} : memref<128x16xf32, #tpu.memory_space<vmem>>, vector<16xf32>,
      tpu.vector_store %arg12[%swap3A_1024, %swap3A_1025], %mul3A_1022 {strides = array<i32>} : memref<128x16xf32, #tpu.memory_space<vmem>>, vector<16xf32>,
      %broadcast_in_dim3A_1027 = arith.constant 70 : i32
      %broadcast_in_dim3A_1028 = vector.broadcast %broadcast_in_dim3A_1027 : i32 to vector<16xi32>
      %gather3A_1029 = tpu.vector_load_idx %arg11[%broadcast_in_dim3A_1028] : memref<128xf32, #tpu.memory_space<vmem>>[vector<16xi32>], vector<16xf32>,
      %get3A_1030 = arith.constant 70 : i32
      %get3A_1031 = arith.index_cast %get3A_1030 : i32 to index
      %get3A_1032 = arith.constant 0 : index
      %get3A_1033 = tpu.vector_load %arg12[%get3A_1031, %get3A_1032] {strides = array<i32>} : memref<128x16xf32, #tpu.memory_space<vmem>>, vector<16xf32>,
      %mul3A_1034 = arith.mulf %get3A_1033, %gather3A_1029 : vector<16xf32>
      %swap3A_1035 = arith.constant 70 : i32
      %swap3A_1036 = arith.index_cast %swap3A_1035 : i32 to index
      %swap3A_1037 = arith.constant 0 : index
      %swap3A_1038 = tpu.vector_load %arg12[%swap3A_1036, %swap3A_1037] {strides = array<i32>} : memref<128x16xf32, #tpu.memory_space<vmem>>, vector<16xf32>,
      tpu.vector_store %arg12[%swap3A_1036, %swap3A_1037], %mul3A_1034 {strides = array<i32>} : memref<128x16xf32, #tpu.memory_space<vmem>>, vector<16xf32>,
      %broadcast_in_dim3A_1039 = arith.constant 71 : i32
      %broadcast_in_dim3A_1040 = vector.broadcast %broadcast_in_dim3A_1039 : i32 to vector<16xi32>
      %gather3A_1041 = tpu.vector_load_idx %arg11[%broadcast_in_dim3A_1040] : memref<128xf32, #tpu.memory_space<vmem>>[vector<16xi32>], vector<16xf32>,
      %get3A_1042 = arith.constant 71 : i32
      %get3A_1043 = arith.index_cast %get3A_1042 : i32 to index
      %get3A_1044 = arith.constant 0 : index
      %get3A_1045 = tpu.vector_load %arg12[%get3A_1043, %get3A_1044] {strides = array<i32>} : memref<128x16xf32, #tpu.memory_space<vmem>>, vector<16xf32>,
      %mul3A_1046 = arith.mulf %get3A_1045, %gather3A_1041 : vector<16xf32>
      %swap3A_1047 = arith.constant 71 : i32
      %swap3A_1048 = arith.index_cast %swap3A_1047 : i32 to index
      %swap3A_1049 = arith.constant 0 : index
      %swap3A_1050 = tpu.vector_load %arg12[%swap3A_1048, %swap3A_1049] {strides = array<i32>} : memref<128x16xf32, #tpu.memory_space<vmem>>, vector<16xf32>,
      tpu.vector_store %arg12[%swap3A_1048, %swap3A_1049], %mul3A_1046 {strides = array<i32>} : memref<128x16xf32, #tpu.memory_space<vmem>>, vector<16xf32>,
      %broadcast_in_dim3A_1051 = arith.constant 72 : i32
      %broadcast_in_dim3A_1052 = vector.broadcast %broadcast_in_dim3A_1051 : i32 to vector<16xi32>
      %gather3A_1053 = tpu.vector_load_idx %arg11[%broadcast_in_dim3A_1052] : memref<128xf32, #tpu.memory_space<vmem>>[vector<16xi32>], vector<16xf32>,
      %get3A_1054 = arith.constant 72 : i32
      %get3A_1055 = arith.index_cast %get3A_1054 : i32 to index
      %get3A_1056 = arith.constant 0 : index
      %get3A_1057 = tpu.vector_load %arg12[%get3A_1055, %get3A_1056] {strides = array<i32>} : memref<128x16xf32, #tpu.memory_space<vmem>>, vector<16xf32>,
      %mul3A_1058 = arith.mulf %get3A_1057, %gather3A_1053 : vector<16xf32>
      %swap3A_1059 = arith.constant 72 : i32
      %swap3A_1060 = arith.index_cast %swap3A_1059 : i32 to index
      %swap3A_1061 = arith.constant 0 : index
      %swap3A_1062 = tpu.vector_load %arg12[%swap3A_1060, %swap3A_1061] {strides = array<i32>} : memref<128x16xf32, #tpu.memory_space<vmem>>, vector<16xf32>,
      tpu.vector_store %arg12[%swap3A_1060, %swap3A_1061], %mul3A_1058 {strides = array<i32>} : memref<128x16xf32, #tpu.memory_space<vmem>>, vector<16xf32>,
      %broadcast_in_dim3A_1063 = arith.constant 73 : i32
      %broadcast_in_dim3A_1064 = vector.broadcast %broadcast_in_dim3A_1063 : i32 to vector<16xi32>
      %gather3A_1065 = tpu.vector_load_idx %arg11[%broadcast_in_dim3A_1064] : memref<128xf32, #tpu.memory_space<vmem>>[vector<16xi32>], vector<16xf32>,
      %get3A_1066 = arith.constant 73 : i32
      %get3A_1067 = arith.index_cast %get3A_1066 : i32 to index
      %get3A_1068 = arith.constant 0 : index
      %get3A_1069 = tpu.vector_load %arg12[%get3A_1067, %get3A_1068] {strides = array<i32>} : memref<128x16xf32, #tpu.memory_space<vmem>>, vector<16xf32>,
      %mul3A_1070 = arith.mulf %get3A_1069, %gather3A_1065 : vector<16xf32>
      %swap3A_1071 = arith.constant 73 : i32
      %swap3A_1072 = arith.index_cast %swap3A_1071 : i32 to index
      %swap3A_1073 = arith.constant 0 : index
      %swap3A_1074 = tpu.vector_load %arg12[%swap3A_1072, %swap3A_1073] {strides = array<i32>} : memref<128x16xf32, #tpu.memory_space<vmem>>, vector<16xf32>,
      tpu.vector_store %arg12[%swap3A_1072, %swap3A_1073], %mul3A_1070 {strides = array<i32>} : memref<128x16xf32, #tpu.memory_space<vmem>>, vector<16xf32>,
      %broadcast_in_dim3A_1075 = arith.constant 74 : i32
      %broadcast_in_dim3A_1076 = vector.broadcast %broadcast_in_dim3A_1075 : i32 to vector<16xi32>
      %gather3A_1077 = tpu.vector_load_idx %arg11[%broadcast_in_dim3A_1076] : memref<128xf32, #tpu.memory_space<vmem>>[vector<16xi32>], vector<16xf32>,
      %get3A_1078 = arith.constant 74 : i32
      %get3A_1079 = arith.index_cast %get3A_1078 : i32 to index
      %get3A_1080 = arith.constant 0 : index
      %get3A_1081 = tpu.vector_load %arg12[%get3A_1079, %get3A_1080] {strides = array<i32>} : memref<128x16xf32, #tpu.memory_space<vmem>>, vector<16xf32>,
      %mul3A_1082 = arith.mulf %get3A_1081, %gather3A_1077 : vector<16xf32>
      %swap3A_1083 = arith.constant 74 : i32
      %swap3A_1084 = arith.index_cast %swap3A_1083 : i32 to index
      %swap3A_1085 = arith.constant 0 : index
      %swap3A_1086 = tpu.vector_load %arg12[%swap3A_1084, %swap3A_1085] {strides = array<i32>} : memref<128x16xf32, #tpu.memory_space<vmem>>, vector<16xf32>,
      tpu.vector_store %arg12[%swap3A_1084, %swap3A_1085], %mul3A_1082 {strides = array<i32>} : memref<128x16xf32, #tpu.memory_space<vmem>>, vector<16xf32>,
      %broadcast_in_dim3A_1087 = arith.constant 75 : i32
      %broadcast_in_dim3A_1088 = vector.broadcast %broadcast_in_dim3A_1087 : i32 to vector<16xi32>
      %gather3A_1089 = tpu.vector_load_idx %arg11[%broadcast_in_dim3A_1088] : memref<128xf32, #tpu.memory_space<vmem>>[vector<16xi32>], vector<16xf32>,
      %get3A_1090 = arith.constant 75 : i32
      %get3A_1091 = arith.index_cast %get3A_1090 : i32 to index
      %get3A_1092 = arith.constant 0 : index
      %get3A_1093 = tpu.vector_load %arg12[%get3A_1091, %get3A_1092] {strides = array<i32>} : memref<128x16xf32, #tpu.memory_space<vmem>>, vector<16xf32>,
      %mul3A_1094 = arith.mulf %get3A_1093, %gather3A_1089 : vector<16xf32>
      %swap3A_1095 = arith.constant 75 : i32
      %swap3A_1096 = arith.index_cast %swap3A_1095 : i32 to index
      %swap3A_1097 = arith.constant 0 : index
      %swap3A_1098 = tpu.vector_load %arg12[%swap3A_1096, %swap3A_1097] {strides = array<i32>} : memref<128x16xf32, #tpu.memory_space<vmem>>, vector<16xf32>,
      tpu.vector_store %arg12[%swap3A_1096, %swap3A_1097], %mul3A_1094 {strides = array<i32>} : memref<128x16xf32, #tpu.memory_space<vmem>>, vector<16xf32>,
      %broadcast_in_dim3A_1099 = arith.constant 76 : i32
      %broadcast_in_dim3A_1100 = vector.broadcast %broadcast_in_dim3A_1099 : i32 to vector<16xi32>
      %gather3A_1101 = tpu.vector_load_idx %arg11[%broadcast_in_dim3A_1100] : memref<128xf32, #tpu.memory_space<vmem>>[vector<16xi32>], vector<16xf32>,
      %get3A_1102 = arith.constant 76 : i32
      %get3A_1103 = arith.index_cast %get3A_1102 : i32 to index
      %get3A_1104 = arith.constant 0 : index
      %get3A_1105 = tpu.vector_load %arg12[%get3A_1103, %get3A_1104] {strides = array<i32>} : memref<128x16xf32, #tpu.memory_space<vmem>>, vector<16xf32>,
      %mul3A_1106 = arith.mulf %get3A_1105, %gather3A_1101 : vector<16xf32>
      %swap3A_1107 = arith.constant 76 : i32
      %swap3A_1108 = arith.index_cast %swap3A_1107 : i32 to index
      %swap3A_1109 = arith.constant 0 : index
      %swap3A_1110 = tpu.vector_load %arg12[%swap3A_1108, %swap3A_1109] {strides = array<i32>} : memref<128x16xf32, #tpu.memory_space<vmem>>, vector<16xf32>,
      tpu.vector_store %arg12[%swap3A_1108, %swap3A_1109], %mul3A_1106 {strides = array<i32>} : memref<128x16xf32, #tpu.memory_space<vmem>>, vector<16xf32>,
      %broadcast_in_dim3A_1111 = arith.constant 77 : i32
      %broadcast_in_dim3A_1112 = vector.broadcast %broadcast_in_dim3A_1111 : i32 to vector<16xi32>
      %gather3A_1113 = tpu.vector_load_idx %arg11[%broadcast_in_dim3A_1112] : memref<128xf32, #tpu.memory_space<vmem>>[vector<16xi32>], vector<16xf32>,
      %get3A_1114 = arith.constant 77 : i32
      %get3A_1115 = arith.index_cast %get3A_1114 : i32 to index
      %get3A_1116 = arith.constant 0 : index
      %get3A_1117 = tpu.vector_load %arg12[%get3A_1115, %get3A_1116] {strides = array<i32>} : memref<128x16xf32, #tpu.memory_space<vmem>>, vector<16xf32>,
      %mul3A_1118 = arith.mulf %get3A_1117, %gather3A_1113 : vector<16xf32>
      %swap3A_1119 = arith.constant 77 : i32
      %swap3A_1120 = arith.index_cast %swap3A_1119 : i32 to index
      %swap3A_1121 = arith.constant 0 : index
      %swap3A_1122 = tpu.vector_load %arg12[%swap3A_1120, %swap3A_1121] {strides = array<i32>} : memref<128x16xf32, #tpu.memory_space<vmem>>, vector<16xf32>,
      tpu.vector_store %arg12[%swap3A_1120, %swap3A_1121], %mul3A_1118 {strides = array<i32>} : memref<128x16xf32, #tpu.memory_space<vmem>>, vector<16xf32>,
      %broadcast_in_dim3A_1123 = arith.constant 78 : i32
      %broadcast_in_dim3A_1124 = vector.broadcast %broadcast_in_dim3A_1123 : i32 to vector<16xi32>
      %gather3A_1125 = tpu.vector_load_idx %arg11[%broadcast_in_dim3A_1124] : memref<128xf32, #tpu.memory_space<vmem>>[vector<16xi32>], vector<16xf32>,
      %get3A_1126 = arith.constant 78 : i32
      %get3A_1127 = arith.index_cast %get3A_1126 : i32 to index
      %get3A_1128 = arith.constant 0 : index
      %get3A_1129 = tpu.vector_load %arg12[%get3A_1127, %get3A_1128] {strides = array<i32>} : memref<128x16xf32, #tpu.memory_space<vmem>>, vector<16xf32>,
      %mul3A_1130 = arith.mulf %get3A_1129, %gather3A_1125 : vector<16xf32>
      %swap3A_1131 = arith.constant 78 : i32
      %swap3A_1132 = arith.index_cast %swap3A_1131 : i32 to index
      %swap3A_1133 = arith.constant 0 : index
      %swap3A_1134 = tpu.vector_load %arg12[%swap3A_1132, %swap3A_1133] {strides = array<i32>} : memref<128x16xf32, #tpu.memory_space<vmem>>, vector<16xf32>,
      tpu.vector_store %arg12[%swap3A_1132, %swap3A_1133], %mul3A_1130 {strides = array<i32>} : memref<128x16xf32, #tpu.memory_space<vmem>>, vector<16xf32>,
      %broadcast_in_dim3A_1135 = arith.constant 79 : i32
      %broadcast_in_dim3A_1136 = vector.broadcast %broadcast_in_dim3A_1135 : i32 to vector<16xi32>
      %gather3A_1137 = tpu.vector_load_idx %arg11[%broadcast_in_dim3A_1136] : memref<128xf32, #tpu.memory_space<vmem>>[vector<16xi32>], vector<16xf32>,
      %get3A_1138 = arith.constant 79 : i32
      %get3A_1139 = arith.index_cast %get3A_1138 : i32 to index
      %get3A_1140 = arith.constant 0 : index
      %get3A_1141 = tpu.vector_load %arg12[%get3A_1139, %get3A_1140] {strides = array<i32>} : memref<128x16xf32, #tpu.memory_space<vmem>>, vector<16xf32>,
      %mul3A_1142 = arith.mulf %get3A_1141, %gather3A_1137 : vector<16xf32>
      %swap3A_1143 = arith.constant 79 : i32
      %swap3A_1144 = arith.index_cast %swap3A_1143 : i32 to index
      %swap3A_1145 = arith.constant 0 : index
      %swap3A_1146 = tpu.vector_load %arg12[%swap3A_1144, %swap3A_1145] {strides = array<i32>} : memref<128x16xf32, #tpu.memory_space<vmem>>, vector<16xf32>,
      tpu.vector_store %arg12[%swap3A_1144, %swap3A_1145], %mul3A_1142 {strides = array<i32>} : memref<128x16xf32, #tpu.memory_space<vmem>>, vector<16xf32>,
      %broadcast_in_dim3A_1147 = arith.constant 80 : i32
      %broadcast_in_dim3A_1148 = vector.broadcast %broadcast_in_dim3A_1147 : i32 to vector<16xi32>
      %gather3A_1149 = tpu.vector_load_idx %arg11[%broadcast_in_dim3A_1148] : memref<128xf32, #tpu.memory_space<vmem>>[vector<16xi32>], vector<16xf32>,
      %get3A_1150 = arith.constant 80 : i32
      %get3A_1151 = arith.index_cast %get3A_1150 : i32 to index
      %get3A_1152 = arith.constant 0 : index
      %get3A_1153 = tpu.vector_load %arg12[%get3A_1151, %get3A_1152] {strides = array<i32>} : memref<128x16xf32, #tpu.memory_space<vmem>>, vector<16xf32>,
      %mul3A_1154 = arith.mulf %get3A_1153, %gather3A_1149 : vector<16xf32>
      %swap3A_1155 = arith.constant 80 : i32
      %swap3A_1156 = arith.index_cast %swap3A_1155 : i32 to index
      %swap3A_1157 = arith.constant 0 : index
      %swap3A_1158 = tpu.vector_load %arg12[%swap3A_1156, %swap3A_1157] {strides = array<i32>} : memref<128x16xf32, #tpu.memory_space<vmem>>, vector<16xf32>,
      tpu.vector_store %arg12[%swap3A_1156, %swap3A_1157], %mul3A_1154 {strides = array<i32>} : memref<128x16xf32, #tpu.memory_space<vmem>>, vector<16xf32>,
      %broadcast_in_dim3A_1159 = arith.constant 81 : i32
      %broadcast_in_dim3A_1160 = vector.broadcast %broadcast_in_dim3A_1159 : i32 to vector<16xi32>
      %gather3A_1161 = tpu.vector_load_idx %arg11[%broadcast_in_dim3A_1160] : memref<128xf32, #tpu.memory_space<vmem>>[vector<16xi32>], vector<16xf32>,
      %get3A_1162 = arith.constant 81 : i32
      %get3A_1163 = arith.index_cast %get3A_1162 : i32 to index
      %get3A_1164 = arith.constant 0 : index
      %get3A_1165 = tpu.vector_load %arg12[%get3A_1163, %get3A_1164] {strides = array<i32>} : memref<128x16xf32, #tpu.memory_space<vmem>>, vector<16xf32>,
      %mul3A_1166 = arith.mulf %get3A_1165, %gather3A_1161 : vector<16xf32>
      %swap3A_1167 = arith.constant 81 : i32
      %swap3A_1168 = arith.index_cast %swap3A_1167 : i32 to index
      %swap3A_1169 = arith.constant 0 : index
      %swap3A_1170 = tpu.vector_load %arg12[%swap3A_1168, %swap3A_1169] {strides = array<i32>} : memref<128x16xf32, #tpu.memory_space<vmem>>, vector<16xf32>,
      tpu.vector_store %arg12[%swap3A_1168, %swap3A_1169], %mul3A_1166 {strides = array<i32>} : memref<128x16xf32, #tpu.memory_space<vmem>>, vector<16xf32>,
      %broadcast_in_dim3A_1171 = arith.constant 82 : i32
      %broadcast_in_dim3A_1172 = vector.broadcast %broadcast_in_dim3A_1171 : i32 to vector<16xi32>
      %gather3A_1173 = tpu.vector_load_idx %arg11[%broadcast_in_dim3A_1172] : memref<128xf32, #tpu.memory_space<vmem>>[vector<16xi32>], vector<16xf32>,
      %get3A_1174 = arith.constant 82 : i32
      %get3A_1175 = arith.index_cast %get3A_1174 : i32 to index
      %get3A_1176 = arith.constant 0 : index
      %get3A_1177 = tpu.vector_load %arg12[%get3A_1175, %get3A_1176] {strides = array<i32>} : memref<128x16xf32, #tpu.memory_space<vmem>>, vector<16xf32>,
      %mul3A_1178 = arith.mulf %get3A_1177, %gather3A_1173 : vector<16xf32>
      %swap3A_1179 = arith.constant 82 : i32
      %swap3A_1180 = arith.index_cast %swap3A_1179 : i32 to index
      %swap3A_1181 = arith.constant 0 : index
      %swap3A_1182 = tpu.vector_load %arg12[%swap3A_1180, %swap3A_1181] {strides = array<i32>} : memref<128x16xf32, #tpu.memory_space<vmem>>, vector<16xf32>,
      tpu.vector_store %arg12[%swap3A_1180, %swap3A_1181], %mul3A_1178 {strides = array<i32>} : memref<128x16xf32, #tpu.memory_space<vmem>>, vector<16xf32>,
      %broadcast_in_dim3A_1183 = arith.constant 83 : i32
      %broadcast_in_dim3A_1184 = vector.broadcast %broadcast_in_dim3A_1183 : i32 to vector<16xi32>
      %gather3A_1185 = tpu.vector_load_idx %arg11[%broadcast_in_dim3A_1184] : memref<128xf32, #tpu.memory_space<vmem>>[vector<16xi32>], vector<16xf32>,
      %get3A_1186 = arith.constant 83 : i32
      %get3A_1187 = arith.index_cast %get3A_1186 : i32 to index
      %get3A_1188 = arith.constant 0 : index
      %get3A_1189 = tpu.vector_load %arg12[%get3A_1187, %get3A_1188] {strides = array<i32>} : memref<128x16xf32, #tpu.memory_space<vmem>>, vector<16xf32>,
      %mul3A_1190 = arith.mulf %get3A_1189, %gather3A_1185 : vector<16xf32>
      %swap3A_1191 = arith.constant 83 : i32
      %swap3A_1192 = arith.index_cast %swap3A_1191 : i32 to index
      %swap3A_1193 = arith.constant 0 : index
      %swap3A_1194 = tpu.vector_load %arg12[%swap3A_1192, %swap3A_1193] {strides = array<i32>} : memref<128x16xf32, #tpu.memory_space<vmem>>, vector<16xf32>,
      tpu.vector_store %arg12[%swap3A_1192, %swap3A_1193], %mul3A_1190 {strides = array<i32>} : memref<128x16xf32, #tpu.memory_space<vmem>>, vector<16xf32>,
      %broadcast_in_dim3A_1195 = arith.constant 84 : i32
      %broadcast_in_dim3A_1196 = vector.broadcast %broadcast_in_dim3A_1195 : i32 to vector<16xi32>
      %gather3A_1197 = tpu.vector_load_idx %arg11[%broadcast_in_dim3A_1196] : memref<128xf32, #tpu.memory_space<vmem>>[vector<16xi32>], vector<16xf32>,
      %get3A_1198 = arith.constant 84 : i32
      %get3A_1199 = arith.index_cast %get3A_1198 : i32 to index
      %get3A_1200 = arith.constant 0 : index
      %get3A_1201 = tpu.vector_load %arg12[%get3A_1199, %get3A_1200] {strides = array<i32>} : memref<128x16xf32, #tpu.memory_space<vmem>>, vector<16xf32>,
      %mul3A_1202 = arith.mulf %get3A_1201, %gather3A_1197 : vector<16xf32>
      %swap3A_1203 = arith.constant 84 : i32
      %swap3A_1204 = arith.index_cast %swap3A_1203 : i32 to index
      %swap3A_1205 = arith.constant 0 : index
      %swap3A_1206 = tpu.vector_load %arg12[%swap3A_1204, %swap3A_1205] {strides = array<i32>} : memref<128x16xf32, #tpu.memory_space<vmem>>, vector<16xf32>,
      tpu.vector_store %arg12[%swap3A_1204, %swap3A_1205], %mul3A_1202 {strides = array<i32>} : memref<128x16xf32, #tpu.memory_space<vmem>>, vector<16xf32>,
      %broadcast_in_dim3A_1207 = arith.constant 85 : i32
      %broadcast_in_dim3A_1208 = vector.broadcast %broadcast_in_dim3A_1207 : i32 to vector<16xi32>
      %gather3A_1209 = tpu.vector_load_idx %arg11[%broadcast_in_dim3A_1208] : memref<128xf32, #tpu.memory_space<vmem>>[vector<16xi32>], vector<16xf32>,
      %get3A_1210 = arith.constant 85 : i32
      %get3A_1211 = arith.index_cast %get3A_1210 : i32 to index
      %get3A_1212 = arith.constant 0 : index
      %get3A_1213 = tpu.vector_load %arg12[%get3A_1211, %get3A_1212] {strides = array<i32>} : memref<128x16xf32, #tpu.memory_space<vmem>>, vector<16xf32>,
      %mul3A_1214 = arith.mulf %get3A_1213, %gather3A_1209 : vector<16xf32>
      %swap3A_1215 = arith.constant 85 : i32
      %swap3A_1216 = arith.index_cast %swap3A_1215 : i32 to index
      %swap3A_1217 = arith.constant 0 : index
      %swap3A_1218 = tpu.vector_load %arg12[%swap3A_1216, %swap3A_1217] {strides = array<i32>} : memref<128x16xf32, #tpu.memory_space<vmem>>, vector<16xf32>,
      tpu.vector_store %arg12[%swap3A_1216, %swap3A_1217], %mul3A_1214 {strides = array<i32>} : memref<128x16xf32, #tpu.memory_space<vmem>>, vector<16xf32>,
      %broadcast_in_dim3A_1219 = arith.constant 86 : i32
      %broadcast_in_dim3A_1220 = vector.broadcast %broadcast_in_dim3A_1219 : i32 to vector<16xi32>
      %gather3A_1221 = tpu.vector_load_idx %arg11[%broadcast_in_dim3A_1220] : memref<128xf32, #tpu.memory_space<vmem>>[vector<16xi32>], vector<16xf32>,
      %get3A_1222 = arith.constant 86 : i32
      %get3A_1223 = arith.index_cast %get3A_1222 : i32 to index
      %get3A_1224 = arith.constant 0 : index
      %get3A_1225 = tpu.vector_load %arg12[%get3A_1223, %get3A_1224] {strides = array<i32>} : memref<128x16xf32, #tpu.memory_space<vmem>>, vector<16xf32>,
      %mul3A_1226 = arith.mulf %get3A_1225, %gather3A_1221 : vector<16xf32>
      %swap3A_1227 = arith.constant 86 : i32
      %swap3A_1228 = arith.index_cast %swap3A_1227 : i32 to index
      %swap3A_1229 = arith.constant 0 : index
      %swap3A_1230 = tpu.vector_load %arg12[%swap3A_1228, %swap3A_1229] {strides = array<i32>} : memref<128x16xf32, #tpu.memory_space<vmem>>, vector<16xf32>,
      tpu.vector_store %arg12[%swap3A_1228, %swap3A_1229], %mul3A_1226 {strides = array<i32>} : memref<128x16xf32, #tpu.memory_space<vmem>>, vector<16xf32>,
      %broadcast_in_dim3A_1231 = arith.constant 87 : i32
      %broadcast_in_dim3A_1232 = vector.broadcast %broadcast_in_dim3A_1231 : i32 to vector<16xi32>
      %gather3A_1233 = tpu.vector_load_idx %arg11[%broadcast_in_dim3A_1232] : memref<128xf32, #tpu.memory_space<vmem>>[vector<16xi32>], vector<16xf32>,
      %get3A_1234 = arith.constant 87 : i32
      %get3A_1235 = arith.index_cast %get3A_1234 : i32 to index
      %get3A_1236 = arith.constant 0 : index
      %get3A_1237 = tpu.vector_load %arg12[%get3A_1235, %get3A_1236] {strides = array<i32>} : memref<128x16xf32, #tpu.memory_space<vmem>>, vector<16xf32>,
      %mul3A_1238 = arith.mulf %get3A_1237, %gather3A_1233 : vector<16xf32>
      %swap3A_1239 = arith.constant 87 : i32
      %swap3A_1240 = arith.index_cast %swap3A_1239 : i32 to index
      %swap3A_1241 = arith.constant 0 : index
      %swap3A_1242 = tpu.vector_load %arg12[%swap3A_1240, %swap3A_1241] {strides = array<i32>} : memref<128x16xf32, #tpu.memory_space<vmem>>, vector<16xf32>,
      tpu.vector_store %arg12[%swap3A_1240, %swap3A_1241], %mul3A_1238 {strides = array<i32>} : memref<128x16xf32, #tpu.memory_space<vmem>>, vector<16xf32>,
      %broadcast_in_dim3A_1243 = arith.constant 88 : i32
      %broadcast_in_dim3A_1244 = vector.broadcast %broadcast_in_dim3A_1243 : i32 to vector<16xi32>
      %gather3A_1245 = tpu.vector_load_idx %arg11[%broadcast_in_dim3A_1244] : memref<128xf32, #tpu.memory_space<vmem>>[vector<16xi32>], vector<16xf32>,
      %get3A_1246 = arith.constant 88 : i32
      %get3A_1247 = arith.index_cast %get3A_1246 : i32 to index
      %get3A_1248 = arith.constant 0 : index
      %get3A_1249 = tpu.vector_load %arg12[%get3A_1247, %get3A_1248] {strides = array<i32>} : memref<128x16xf32, #tpu.memory_space<vmem>>, vector<16xf32>,
      %mul3A_1250 = arith.mulf %get3A_1249, %gather3A_1245 : vector<16xf32>
      %swap3A_1251 = arith.constant 88 : i32
      %swap3A_1252 = arith.index_cast %swap3A_1251 : i32 to index
      %swap3A_1253 = arith.constant 0 : index
      %swap3A_1254 = tpu.vector_load %arg12[%swap3A_1252, %swap3A_1253] {strides = array<i32>} : memref<128x16xf32, #tpu.memory_space<vmem>>, vector<16xf32>,
      tpu.vector_store %arg12[%swap3A_1252, %swap3A_1253], %mul3A_1250 {strides = array<i32>} : memref<128x16xf32, #tpu.memory_space<vmem>>, vector<16xf32>,
      %broadcast_in_dim3A_1255 = arith.constant 89 : i32
      %broadcast_in_dim3A_1256 = vector.broadcast %broadcast_in_dim3A_1255 : i32 to vector<16xi32>
      %gather3A_1257 = tpu.vector_load_idx %arg11[%broadcast_in_dim3A_1256] : memref<128xf32, #tpu.memory_space<vmem>>[vector<16xi32>], vector<16xf32>,
      %get3A_1258 = arith.constant 89 : i32
      %get3A_1259 = arith.index_cast %get3A_1258 : i32 to index
      %get3A_1260 = arith.constant 0 : index
      %get3A_1261 = tpu.vector_load %arg12[%get3A_1259, %get3A_1260] {strides = array<i32>} : memref<128x16xf32, #tpu.memory_space<vmem>>, vector<16xf32>,
      %mul3A_1262 = arith.mulf %get3A_1261, %gather3A_1257 : vector<16xf32>
      %swap3A_1263 = arith.constant 89 : i32
      %swap3A_1264 = arith.index_cast %swap3A_1263 : i32 to index
      %swap3A_1265 = arith.constant 0 : index
      %swap3A_1266 = tpu.vector_load %arg12[%swap3A_1264, %swap3A_1265] {strides = array<i32>} : memref<128x16xf32, #tpu.memory_space<vmem>>, vector<16xf32>,
      tpu.vector_store %arg12[%swap3A_1264, %swap3A_1265], %mul3A_1262 {strides = array<i32>} : memref<128x16xf32, #tpu.memory_space<vmem>>, vector<16xf32>,
      %broadcast_in_dim3A_1267 = arith.constant 90 : i32
      %broadcast_in_dim3A_1268 = vector.broadcast %broadcast_in_dim3A_1267 : i32 to vector<16xi32>
      %gather3A_1269 = tpu.vector_load_idx %arg11[%broadcast_in_dim3A_1268] : memref<128xf32, #tpu.memory_space<vmem>>[vector<16xi32>], vector<16xf32>,
      %get3A_1270 = arith.constant 90 : i32
      %get3A_1271 = arith.index_cast %get3A_1270 : i32 to index
      %get3A_1272 = arith.constant 0 : index
      %get3A_1273 = tpu.vector_load %arg12[%get3A_1271, %get3A_1272] {strides = array<i32>} : memref<128x16xf32, #tpu.memory_space<vmem>>, vector<16xf32>,
      %mul3A_1274 = arith.mulf %get3A_1273, %gather3A_1269 : vector<16xf32>
      %swap3A_1275 = arith.constant 90 : i32
      %swap3A_1276 = arith.index_cast %swap3A_1275 : i32 to index
      %swap3A_1277 = arith.constant 0 : index
      %swap3A_1278 = tpu.vector_load %arg12[%swap3A_1276, %swap3A_1277] {strides = array<i32>} : memref<128x16xf32, #tpu.memory_space<vmem>>, vector<16xf32>,
      tpu.vector_store %arg12[%swap3A_1276, %swap3A_1277], %mul3A_1274 {strides = array<i32>} : memref<128x16xf32, #tpu.memory_space<vmem>>, vector<16xf32>,
      %broadcast_in_dim3A_1279 = arith.constant 91 : i32
      %broadcast_in_dim3A_1280 = vector.broadcast %broadcast_in_dim3A_1279 : i32 to vector<16xi32>
      %gather3A_1281 = tpu.vector_load_idx %arg11[%broadcast_in_dim3A_1280] : memref<128xf32, #tpu.memory_space<vmem>>[vector<16xi32>], vector<16xf32>,
      %get3A_1282 = arith.constant 91 : i32
      %get3A_1283 = arith.index_cast %get3A_1282 : i32 to index
      %get3A_1284 = arith.constant 0 : index
      %get3A_1285 = tpu.vector_load %arg12[%get3A_1283, %get3A_1284] {strides = array<i32>} : memref<128x16xf32, #tpu.memory_space<vmem>>, vector<16xf32>,
      %mul3A_1286 = arith.mulf %get3A_1285, %gather3A_1281 : vector<16xf32>
      %swap3A_1287 = arith.constant 91 : i32
      %swap3A_1288 = arith.index_cast %swap3A_1287 : i32 to index
      %swap3A_1289 = arith.constant 0 : index
      %swap3A_1290 = tpu.vector_load %arg12[%swap3A_1288, %swap3A_1289] {strides = array<i32>} : memref<128x16xf32, #tpu.memory_space<vmem>>, vector<16xf32>,
      tpu.vector_store %arg12[%swap3A_1288, %swap3A_1289], %mul3A_1286 {strides = array<i32>} : memref<128x16xf32, #tpu.memory_space<vmem>>, vector<16xf32>,
      %broadcast_in_dim3A_1291 = arith.constant 92 : i32
      %broadcast_in_dim3A_1292 = vector.broadcast %broadcast_in_dim3A_1291 : i32 to vector<16xi32>
      %gather3A_1293 = tpu.vector_load_idx %arg11[%broadcast_in_dim3A_1292] : memref<128xf32, #tpu.memory_space<vmem>>[vector<16xi32>], vector<16xf32>,
      %get3A_1294 = arith.constant 92 : i32
      %get3A_1295 = arith.index_cast %get3A_1294 : i32 to index
      %get3A_1296 = arith.constant 0 : index
      %get3A_1297 = tpu.vector_load %arg12[%get3A_1295, %get3A_1296] {strides = array<i32>} : memref<128x16xf32, #tpu.memory_space<vmem>>, vector<16xf32>,
      %mul3A_1298 = arith.mulf %get3A_1297, %gather3A_1293 : vector<16xf32>
      %swap3A_1299 = arith.constant 92 : i32
      %swap3A_1300 = arith.index_cast %swap3A_1299 : i32 to index
      %swap3A_1301 = arith.constant 0 : index
      %swap3A_1302 = tpu.vector_load %arg12[%swap3A_1300, %swap3A_1301] {strides = array<i32>} : memref<128x16xf32, #tpu.memory_space<vmem>>, vector<16xf32>,
      tpu.vector_store %arg12[%swap3A_1300, %swap3A_1301], %mul3A_1298 {strides = array<i32>} : memref<128x16xf32, #tpu.memory_space<vmem>>, vector<16xf32>,
      %broadcast_in_dim3A_1303 = arith.constant 93 : i32
      %broadcast_in_dim3A_1304 = vector.broadcast %broadcast_in_dim3A_1303 : i32 to vector<16xi32>
      %gather3A_1305 = tpu.vector_load_idx %arg11[%broadcast_in_dim3A_1304] : memref<128xf32, #tpu.memory_space<vmem>>[vector<16xi32>], vector<16xf32>,
      %get3A_1306 = arith.constant 93 : i32
      %get3A_1307 = arith.index_cast %get3A_1306 : i32 to index
      %get3A_1308 = arith.constant 0 : index
      %get3A_1309 = tpu.vector_load %arg12[%get3A_1307, %get3A_1308] {strides = array<i32>} : memref<128x16xf32, #tpu.memory_space<vmem>>, vector<16xf32>,
      %mul3A_1310 = arith.mulf %get3A_1309, %gather3A_1305 : vector<16xf32>
      %swap3A_1311 = arith.constant 93 : i32
      %swap3A_1312 = arith.index_cast %swap3A_1311 : i32 to index
      %swap3A_1313 = arith.constant 0 : index
      %swap3A_1314 = tpu.vector_load %arg12[%swap3A_1312, %swap3A_1313] {strides = array<i32>} : memref<128x16xf32, #tpu.memory_space<vmem>>, vector<16xf32>,
      tpu.vector_store %arg12[%swap3A_1312, %swap3A_1313], %mul3A_1310 {strides = array<i32>} : memref<128x16xf32, #tpu.memory_space<vmem>>, vector<16xf32>,
      %broadcast_in_dim3A_1315 = arith.constant 94 : i32
      %broadcast_in_dim3A_1316 = vector.broadcast %broadcast_in_dim3A_1315 : i32 to vector<16xi32>
      %gather3A_1317 = tpu.vector_load_idx %arg11[%broadcast_in_dim3A_1316] : memref<128xf32, #tpu.memory_space<vmem>>[vector<16xi32>], vector<16xf32>,
      %get3A_1318 = arith.constant 94 : i32
      %get3A_1319 = arith.index_cast %get3A_1318 : i32 to index
      %get3A_1320 = arith.constant 0 : index
      %get3A_1321 = tpu.vector_load %arg12[%get3A_1319, %get3A_1320] {strides = array<i32>} : memref<128x16xf32, #tpu.memory_space<vmem>>, vector<16xf32>,
      %mul3A_1322 = arith.mulf %get3A_1321, %gather3A_1317 : vector<16xf32>
      %swap3A_1323 = arith.constant 94 : i32
      %swap3A_1324 = arith.index_cast %swap3A_1323 : i32 to index
      %swap3A_1325 = arith.constant 0 : index
      %swap3A_1326 = tpu.vector_load %arg12[%swap3A_1324, %swap3A_1325] {strides = array<i32>} : memref<128x16xf32, #tpu.memory_space<vmem>>, vector<16xf32>,
      tpu.vector_store %arg12[%swap3A_1324, %swap3A_1325], %mul3A_1322 {strides = array<i32>} : memref<128x16xf32, #tpu.memory_space<vmem>>, vector<16xf32>,
      %broadcast_in_dim3A_1327 = arith.constant 95 : i32
      %broadcast_in_dim3A_1328 = vector.broadcast %broadcast_in_dim3A_1327 : i32 to vector<16xi32>
      %gather3A_1329 = tpu.vector_load_idx %arg11[%broadcast_in_dim3A_1328] : memref<128xf32, #tpu.memory_space<vmem>>[vector<16xi32>], vector<16xf32>,
      %get3A_1330 = arith.constant 95 : i32
      %get3A_1331 = arith.index_cast %get3A_1330 : i32 to index
      %get3A_1332 = arith.constant 0 : index
      %get3A_1333 = tpu.vector_load %arg12[%get3A_1331, %get3A_1332] {strides = array<i32>} : memref<128x16xf32, #tpu.memory_space<vmem>>, vector<16xf32>,
      %mul3A_1334 = arith.mulf %get3A_1333, %gather3A_1329 : vector<16xf32>
      %swap3A_1335 = arith.constant 95 : i32
      %swap3A_1336 = arith.index_cast %swap3A_1335 : i32 to index
      %swap3A_1337 = arith.constant 0 : index
      %swap3A_1338 = tpu.vector_load %arg12[%swap3A_1336, %swap3A_1337] {strides = array<i32>} : memref<128x16xf32, #tpu.memory_space<vmem>>, vector<16xf32>,
      tpu.vector_store %arg12[%swap3A_1336, %swap3A_1337], %mul3A_1334 {strides = array<i32>} : memref<128x16xf32, #tpu.memory_space<vmem>>, vector<16xf32>,
      %broadcast_in_dim3A_1339 = arith.constant 96 : i32
      %broadcast_in_dim3A_1340 = vector.broadcast %broadcast_in_dim3A_1339 : i32 to vector<16xi32>
      %gather3A_1341 = tpu.vector_load_idx %arg11[%broadcast_in_dim3A_1340] : memref<128xf32, #tpu.memory_space<vmem>>[vector<16xi32>], vector<16xf32>,
      %get3A_1342 = arith.constant 96 : i32
      %get3A_1343 = arith.index_cast %get3A_1342 : i32 to index
      %get3A_1344 = arith.constant 0 : index
      %get3A_1345 = tpu.vector_load %arg12[%get3A_1343, %get3A_1344] {strides = array<i32>} : memref<128x16xf32, #tpu.memory_space<vmem>>, vector<16xf32>,
      %mul3A_1346 = arith.mulf %get3A_1345, %gather3A_1341 : vector<16xf32>
      %swap3A_1347 = arith.constant 96 : i32
      %swap3A_1348 = arith.index_cast %swap3A_1347 : i32 to index
      %swap3A_1349 = arith.constant 0 : index
      %swap3A_1350 = tpu.vector_load %arg12[%swap3A_1348, %swap3A_1349] {strides = array<i32>} : memref<128x16xf32, #tpu.memory_space<vmem>>, vector<16xf32>,
      tpu.vector_store %arg12[%swap3A_1348, %swap3A_1349], %mul3A_1346 {strides = array<i32>} : memref<128x16xf32, #tpu.memory_space<vmem>>, vector<16xf32>,
      %broadcast_in_dim3A_1351 = arith.constant 97 : i32
      %broadcast_in_dim3A_1352 = vector.broadcast %broadcast_in_dim3A_1351 : i32 to vector<16xi32>
      %gather3A_1353 = tpu.vector_load_idx %arg11[%broadcast_in_dim3A_1352] : memref<128xf32, #tpu.memory_space<vmem>>[vector<16xi32>], vector<16xf32>,
      %get3A_1354 = arith.constant 97 : i32
      %get3A_1355 = arith.index_cast %get3A_1354 : i32 to index
      %get3A_1356 = arith.constant 0 : index
      %get3A_1357 = tpu.vector_load %arg12[%get3A_1355, %get3A_1356] {strides = array<i32>} : memref<128x16xf32, #tpu.memory_space<vmem>>, vector<16xf32>,
      %mul3A_1358 = arith.mulf %get3A_1357, %gather3A_1353 : vector<16xf32>
      %swap3A_1359 = arith.constant 97 : i32
      %swap3A_1360 = arith.index_cast %swap3A_1359 : i32 to index
      %swap3A_1361 = arith.constant 0 : index
      %swap3A_1362 = tpu.vector_load %arg12[%swap3A_1360, %swap3A_1361] {strides = array<i32>} : memref<128x16xf32, #tpu.memory_space<vmem>>, vector<16xf32>,
      tpu.vector_store %arg12[%swap3A_1360, %swap3A_1361], %mul3A_1358 {strides = array<i32>} : memref<128x16xf32, #tpu.memory_space<vmem>>, vector<16xf32>,
      %broadcast_in_dim3A_1363 = arith.constant 98 : i32
      %broadcast_in_dim3A_1364 = vector.broadcast %broadcast_in_dim3A_1363 : i32 to vector<16xi32>
      %gather3A_1365 = tpu.vector_load_idx %arg11[%broadcast_in_dim3A_1364] : memref<128xf32, #tpu.memory_space<vmem>>[vector<16xi32>], vector<16xf32>,
      %get3A_1366 = arith.constant 98 : i32
      %get3A_1367 = arith.index_cast %get3A_1366 : i32 to index
      %get3A_1368 = arith.constant 0 : index
      %get3A_1369 = tpu.vector_load %arg12[%get3A_1367, %get3A_1368] {strides = array<i32>} : memref<128x16xf32, #tpu.memory_space<vmem>>, vector<16xf32>,
      %mul3A_1370 = arith.mulf %get3A_1369, %gather3A_1365 : vector<16xf32>
      %swap3A_1371 = arith.constant 98 : i32
      %swap3A_1372 = arith.index_cast %swap3A_1371 : i32 to index
      %swap3A_1373 = arith.constant 0 : index
      %swap3A_1374 = tpu.vector_load %arg12[%swap3A_1372, %swap3A_1373] {strides = array<i32>} : memref<128x16xf32, #tpu.memory_space<vmem>>, vector<16xf32>,
      tpu.vector_store %arg12[%swap3A_1372, %swap3A_1373], %mul3A_1370 {strides = array<i32>} : memref<128x16xf32, #tpu.memory_space<vmem>>, vector<16xf32>,
      %broadcast_in_dim3A_1375 = arith.constant 99 : i32
      %broadcast_in_dim3A_1376 = vector.broadcast %broadcast_in_dim3A_1375 : i32 to vector<16xi32>
      %gather3A_1377 = tpu.vector_load_idx %arg11[%broadcast_in_dim3A_1376] : memref<128xf32, #tpu.memory_space<vmem>>[vector<16xi32>], vector<16xf32>,
      %get3A_1378 = arith.constant 99 : i32
      %get3A_1379 = arith.index_cast %get3A_1378 : i32 to index
      %get3A_1380 = arith.constant 0 : index
      %get3A_1381 = tpu.vector_load %arg12[%get3A_1379, %get3A_1380] {strides = array<i32>} : memref<128x16xf32, #tpu.memory_space<vmem>>, vector<16xf32>,
      %mul3A_1382 = arith.mulf %get3A_1381, %gather3A_1377 : vector<16xf32>
      %swap3A_1383 = arith.constant 99 : i32
      %swap3A_1384 = arith.index_cast %swap3A_1383 : i32 to index
      %swap3A_1385 = arith.constant 0 : index
      %swap3A_1386 = tpu.vector_load %arg12[%swap3A_1384, %swap3A_1385] {strides = array<i32>} : memref<128x16xf32, #tpu.memory_space<vmem>>, vector<16xf32>,
      tpu.vector_store %arg12[%swap3A_1384, %swap3A_1385], %mul3A_1382 {strides = array<i32>} : memref<128x16xf32, #tpu.memory_space<vmem>>, vector<16xf32>,
      %broadcast_in_dim3A_1387 = arith.constant 100 : i32
      %broadcast_in_dim3A_1388 = vector.broadcast %broadcast_in_dim3A_1387 : i32 to vector<16xi32>
      %gather3A_1389 = tpu.vector_load_idx %arg11[%broadcast_in_dim3A_1388] : memref<128xf32, #tpu.memory_space<vmem>>[vector<16xi32>], vector<16xf32>,
      %get3A_1390 = arith.constant 100 : i32
      %get3A_1391 = arith.index_cast %get3A_1390 : i32 to index
      %get3A_1392 = arith.constant 0 : index
      %get3A_1393 = tpu.vector_load %arg12[%get3A_1391, %get3A_1392] {strides = array<i32>} : memref<128x16xf32, #tpu.memory_space<vmem>>, vector<16xf32>,
      %mul3A_1394 = arith.mulf %get3A_1393, %gather3A_1389 : vector<16xf32>
      %swap3A_1395 = arith.constant 100 : i32
      %swap3A_1396 = arith.index_cast %swap3A_1395 : i32 to index
      %swap3A_1397 = arith.constant 0 : index
      %swap3A_1398 = tpu.vector_load %arg12[%swap3A_1396, %swap3A_1397] {strides = array<i32>} : memref<128x16xf32, #tpu.memory_space<vmem>>, vector<16xf32>,
      tpu.vector_store %arg12[%swap3A_1396, %swap3A_1397], %mul3A_1394 {strides = array<i32>} : memref<128x16xf32, #tpu.memory_space<vmem>>, vector<16xf32>,
      %broadcast_in_dim3A_1399 = arith.constant 101 : i32
      %broadcast_in_dim3A_1400 = vector.broadcast %broadcast_in_dim3A_1399 : i32 to vector<16xi32>
      %gather3A_1401 = tpu.vector_load_idx %arg11[%broadcast_in_dim3A_1400] : memref<128xf32, #tpu.memory_space<vmem>>[vector<16xi32>], vector<16xf32>,
      %get3A_1402 = arith.constant 101 : i32
      %get3A_1403 = arith.index_cast %get3A_1402 : i32 to index
      %get3A_1404 = arith.constant 0 : index
      %get3A_1405 = tpu.vector_load %arg12[%get3A_1403, %get3A_1404] {strides = array<i32>} : memref<128x16xf32, #tpu.memory_space<vmem>>, vector<16xf32>,
      %mul3A_1406 = arith.mulf %get3A_1405, %gather3A_1401 : vector<16xf32>
      %swap3A_1407 = arith.constant 101 : i32
      %swap3A_1408 = arith.index_cast %swap3A_1407 : i32 to index
      %swap3A_1409 = arith.constant 0 : index
      %swap3A_1410 = tpu.vector_load %arg12[%swap3A_1408, %swap3A_1409] {strides = array<i32>} : memref<128x16xf32, #tpu.memory_space<vmem>>, vector<16xf32>,
      tpu.vector_store %arg12[%swap3A_1408, %swap3A_1409], %mul3A_1406 {strides = array<i32>} : memref<128x16xf32, #tpu.memory_space<vmem>>, vector<16xf32>,
      %broadcast_in_dim3A_1411 = arith.constant 102 : i32
      %broadcast_in_dim3A_1412 = vector.broadcast %broadcast_in_dim3A_1411 : i32 to vector<16xi32>
      %gather3A_1413 = tpu.vector_load_idx %arg11[%broadcast_in_dim3A_1412] : memref<128xf32, #tpu.memory_space<vmem>>[vector<16xi32>], vector<16xf32>,
      %get3A_1414 = arith.constant 102 : i32
      %get3A_1415 = arith.index_cast %get3A_1414 : i32 to index
      %get3A_1416 = arith.constant 0 : index
      %get3A_1417 = tpu.vector_load %arg12[%get3A_1415, %get3A_1416] {strides = array<i32>} : memref<128x16xf32, #tpu.memory_space<vmem>>, vector<16xf32>,
      %mul3A_1418 = arith.mulf %get3A_1417, %gather3A_1413 : vector<16xf32>
      %swap3A_1419 = arith.constant 102 : i32
      %swap3A_1420 = arith.index_cast %swap3A_1419 : i32 to index
      %swap3A_1421 = arith.constant 0 : index
      %swap3A_1422 = tpu.vector_load %arg12[%swap3A_1420, %swap3A_1421] {strides = array<i32>} : memref<128x16xf32, #tpu.memory_space<vmem>>, vector<16xf32>,
      tpu.vector_store %arg12[%swap3A_1420, %swap3A_1421], %mul3A_1418 {strides = array<i32>} : memref<128x16xf32, #tpu.memory_space<vmem>>, vector<16xf32>,
      %broadcast_in_dim3A_1423 = arith.constant 103 : i32
      %broadcast_in_dim3A_1424 = vector.broadcast %broadcast_in_dim3A_1423 : i32 to vector<16xi32>
      %gather3A_1425 = tpu.vector_load_idx %arg11[%broadcast_in_dim3A_1424] : memref<128xf32, #tpu.memory_space<vmem>>[vector<16xi32>], vector<16xf32>,
      %get3A_1426 = arith.constant 103 : i32
      %get3A_1427 = arith.index_cast %get3A_1426 : i32 to index
      %get3A_1428 = arith.constant 0 : index
      %get3A_1429 = tpu.vector_load %arg12[%get3A_1427, %get3A_1428] {strides = array<i32>} : memref<128x16xf32, #tpu.memory_space<vmem>>, vector<16xf32>,
      %mul3A_1430 = arith.mulf %get3A_1429, %gather3A_1425 : vector<16xf32>
      %swap3A_1431 = arith.constant 103 : i32
      %swap3A_1432 = arith.index_cast %swap3A_1431 : i32 to index
      %swap3A_1433 = arith.constant 0 : index
      %swap3A_1434 = tpu.vector_load %arg12[%swap3A_1432, %swap3A_1433] {strides = array<i32>} : memref<128x16xf32, #tpu.memory_space<vmem>>, vector<16xf32>,
      tpu.vector_store %arg12[%swap3A_1432, %swap3A_1433], %mul3A_1430 {strides = array<i32>} : memref<128x16xf32, #tpu.memory_space<vmem>>, vector<16xf32>,
      %broadcast_in_dim3A_1435 = arith.constant 104 : i32
      %broadcast_in_dim3A_1436 = vector.broadcast %broadcast_in_dim3A_1435 : i32 to vector<16xi32>
      %gather3A_1437 = tpu.vector_load_idx %arg11[%broadcast_in_dim3A_1436] : memref<128xf32, #tpu.memory_space<vmem>>[vector<16xi32>], vector<16xf32>,
      %get3A_1438 = arith.constant 104 : i32
      %get3A_1439 = arith.index_cast %get3A_1438 : i32 to index
      %get3A_1440 = arith.constant 0 : index
      %get3A_1441 = tpu.vector_load %arg12[%get3A_1439, %get3A_1440] {strides = array<i32>} : memref<128x16xf32, #tpu.memory_space<vmem>>, vector<16xf32>,
      %mul3A_1442 = arith.mulf %get3A_1441, %gather3A_1437 : vector<16xf32>
      %swap3A_1443 = arith.constant 104 : i32
      %swap3A_1444 = arith.index_cast %swap3A_1443 : i32 to index
      %swap3A_1445 = arith.constant 0 : index
      %swap3A_1446 = tpu.vector_load %arg12[%swap3A_1444, %swap3A_1445] {strides = array<i32>} : memref<128x16xf32, #tpu.memory_space<vmem>>, vector<16xf32>,
      tpu.vector_store %arg12[%swap3A_1444, %swap3A_1445], %mul3A_1442 {strides = array<i32>} : memref<128x16xf32, #tpu.memory_space<vmem>>, vector<16xf32>,
      %broadcast_in_dim3A_1447 = arith.constant 105 : i32
      %broadcast_in_dim3A_1448 = vector.broadcast %broadcast_in_dim3A_1447 : i32 to vector<16xi32>
      %gather3A_1449 = tpu.vector_load_idx %arg11[%broadcast_in_dim3A_1448] : memref<128xf32, #tpu.memory_space<vmem>>[vector<16xi32>], vector<16xf32>,
      %get3A_1450 = arith.constant 105 : i32
      %get3A_1451 = arith.index_cast %get3A_1450 : i32 to index
      %get3A_1452 = arith.constant 0 : index
      %get3A_1453 = tpu.vector_load %arg12[%get3A_1451, %get3A_1452] {strides = array<i32>} : memref<128x16xf32, #tpu.memory_space<vmem>>, vector<16xf32>,
      %mul3A_1454 = arith.mulf %get3A_1453, %gather3A_1449 : vector<16xf32>
      %swap3A_1455 = arith.constant 105 : i32
      %swap3A_1456 = arith.index_cast %swap3A_1455 : i32 to index
      %swap3A_1457 = arith.constant 0 : index
      %swap3A_1458 = tpu.vector_load %arg12[%swap3A_1456, %swap3A_1457] {strides = array<i32>} : memref<128x16xf32, #tpu.memory_space<vmem>>, vector<16xf32>,
      tpu.vector_store %arg12[%swap3A_1456, %swap3A_1457], %mul3A_1454 {strides = array<i32>} : memref<128x16xf32, #tpu.memory_space<vmem>>, vector<16xf32>,
      %broadcast_in_dim3A_1459 = arith.constant 106 : i32
      %broadcast_in_dim3A_1460 = vector.broadcast %broadcast_in_dim3A_1459 : i32 to vector<16xi32>
      %gather3A_1461 = tpu.vector_load_idx %arg11[%broadcast_in_dim3A_1460] : memref<128xf32, #tpu.memory_space<vmem>>[vector<16xi32>], vector<16xf32>,
      %get3A_1462 = arith.constant 106 : i32
      %get3A_1463 = arith.index_cast %get3A_1462 : i32 to index
      %get3A_1464 = arith.constant 0 : index
      %get3A_1465 = tpu.vector_load %arg12[%get3A_1463, %get3A_1464] {strides = array<i32>} : memref<128x16xf32, #tpu.memory_space<vmem>>, vector<16xf32>,
      %mul3A_1466 = arith.mulf %get3A_1465, %gather3A_1461 : vector<16xf32>
      %swap3A_1467 = arith.constant 106 : i32
      %swap3A_1468 = arith.index_cast %swap3A_1467 : i32 to index
      %swap3A_1469 = arith.constant 0 : index
      %swap3A_1470 = tpu.vector_load %arg12[%swap3A_1468, %swap3A_1469] {strides = array<i32>} : memref<128x16xf32, #tpu.memory_space<vmem>>, vector<16xf32>,
      tpu.vector_store %arg12[%swap3A_1468, %swap3A_1469], %mul3A_1466 {strides = array<i32>} : memref<128x16xf32, #tpu.memory_space<vmem>>, vector<16xf32>,
      %broadcast_in_dim3A_1471 = arith.constant 107 : i32
      %broadcast_in_dim3A_1472 = vector.broadcast %broadcast_in_dim3A_1471 : i32 to vector<16xi32>
      %gather3A_1473 = tpu.vector_load_idx %arg11[%broadcast_in_dim3A_1472] : memref<128xf32, #tpu.memory_space<vmem>>[vector<16xi32>], vector<16xf32>,
      %get3A_1474 = arith.constant 107 : i32
      %get3A_1475 = arith.index_cast %get3A_1474 : i32 to index
      %get3A_1476 = arith.constant 0 : index
      %get3A_1477 = tpu.vector_load %arg12[%get3A_1475, %get3A_1476] {strides = array<i32>} : memref<128x16xf32, #tpu.memory_space<vmem>>, vector<16xf32>,
      %mul3A_1478 = arith.mulf %get3A_1477, %gather3A_1473 : vector<16xf32>
      %swap3A_1479 = arith.constant 107 : i32
      %swap3A_1480 = arith.index_cast %swap3A_1479 : i32 to index
      %swap3A_1481 = arith.constant 0 : index
      %swap3A_1482 = tpu.vector_load %arg12[%swap3A_1480, %swap3A_1481] {strides = array<i32>} : memref<128x16xf32, #tpu.memory_space<vmem>>, vector<16xf32>,
      tpu.vector_store %arg12[%swap3A_1480, %swap3A_1481], %mul3A_1478 {strides = array<i32>} : memref<128x16xf32, #tpu.memory_space<vmem>>, vector<16xf32>,
      %broadcast_in_dim3A_1483 = arith.constant 108 : i32
      %broadcast_in_dim3A_1484 = vector.broadcast %broadcast_in_dim3A_1483 : i32 to vector<16xi32>
      %gather3A_1485 = tpu.vector_load_idx %arg11[%broadcast_in_dim3A_1484] : memref<128xf32, #tpu.memory_space<vmem>>[vector<16xi32>], vector<16xf32>,
      %get3A_1486 = arith.constant 108 : i32
      %get3A_1487 = arith.index_cast %get3A_1486 : i32 to index
      %get3A_1488 = arith.constant 0 : index
      %get3A_1489 = tpu.vector_load %arg12[%get3A_1487, %get3A_1488] {strides = array<i32>} : memref<128x16xf32, #tpu.memory_space<vmem>>, vector<16xf32>,
      %mul3A_1490 = arith.mulf %get3A_1489, %gather3A_1485 : vector<16xf32>
      %swap3A_1491 = arith.constant 108 : i32
      %swap3A_1492 = arith.index_cast %swap3A_1491 : i32 to index
      %swap3A_1493 = arith.constant 0 : index
      %swap3A_1494 = tpu.vector_load %arg12[%swap3A_1492, %swap3A_1493] {strides = array<i32>} : memref<128x16xf32, #tpu.memory_space<vmem>>, vector<16xf32>,
      tpu.vector_store %arg12[%swap3A_1492, %swap3A_1493], %mul3A_1490 {strides = array<i32>} : memref<128x16xf32, #tpu.memory_space<vmem>>, vector<16xf32>,
      %broadcast_in_dim3A_1495 = arith.constant 109 : i32
      %broadcast_in_dim3A_1496 = vector.broadcast %broadcast_in_dim3A_1495 : i32 to vector<16xi32>
      %gather3A_1497 = tpu.vector_load_idx %arg11[%broadcast_in_dim3A_1496] : memref<128xf32, #tpu.memory_space<vmem>>[vector<16xi32>], vector<16xf32>,
      %get3A_1498 = arith.constant 109 : i32
      %get3A_1499 = arith.index_cast %get3A_1498 : i32 to index
      %get3A_1500 = arith.constant 0 : index
      %get3A_1501 = tpu.vector_load %arg12[%get3A_1499, %get3A_1500] {strides = array<i32>} : memref<128x16xf32, #tpu.memory_space<vmem>>, vector<16xf32>,
      %mul3A_1502 = arith.mulf %get3A_1501, %gather3A_1497 : vector<16xf32>
      %swap3A_1503 = arith.constant 109 : i32
      %swap3A_1504 = arith.index_cast %swap3A_1503 : i32 to index
      %swap3A_1505 = arith.constant 0 : index
      %swap3A_1506 = tpu.vector_load %arg12[%swap3A_1504, %swap3A_1505] {strides = array<i32>} : memref<128x16xf32, #tpu.memory_space<vmem>>, vector<16xf32>,
      tpu.vector_store %arg12[%swap3A_1504, %swap3A_1505], %mul3A_1502 {strides = array<i32>} : memref<128x16xf32, #tpu.memory_space<vmem>>, vector<16xf32>,
      %broadcast_in_dim3A_1507 = arith.constant 110 : i32
      %broadcast_in_dim3A_1508 = vector.broadcast %broadcast_in_dim3A_1507 : i32 to vector<16xi32>
      %gather3A_1509 = tpu.vector_load_idx %arg11[%broadcast_in_dim3A_1508] : memref<128xf32, #tpu.memory_space<vmem>>[vector<16xi32>], vector<16xf32>,
      %get3A_1510 = arith.constant 110 : i32
      %get3A_1511 = arith.index_cast %get3A_1510 : i32 to index
      %get3A_1512 = arith.constant 0 : index
      %get3A_1513 = tpu.vector_load %arg12[%get3A_1511, %get3A_1512] {strides = array<i32>} : memref<128x16xf32, #tpu.memory_space<vmem>>, vector<16xf32>,
      %mul3A_1514 = arith.mulf %get3A_1513, %gather3A_1509 : vector<16xf32>
      %swap3A_1515 = arith.constant 110 : i32
      %swap3A_1516 = arith.index_cast %swap3A_1515 : i32 to index
      %swap3A_1517 = arith.constant 0 : index
      %swap3A_1518 = tpu.vector_load %arg12[%swap3A_1516, %swap3A_1517] {strides = array<i32>} : memref<128x16xf32, #tpu.memory_space<vmem>>, vector<16xf32>,
      tpu.vector_store %arg12[%swap3A_1516, %swap3A_1517], %mul3A_1514 {strides = array<i32>} : memref<128x16xf32, #tpu.memory_space<vmem>>, vector<16xf32>,
      %broadcast_in_dim3A_1519 = arith.constant 111 : i32
      %broadcast_in_dim3A_1520 = vector.broadcast %broadcast_in_dim3A_1519 : i32 to vector<16xi32>
      %gather3A_1521 = tpu.vector_load_idx %arg11[%broadcast_in_dim3A_1520] : memref<128xf32, #tpu.memory_space<vmem>>[vector<16xi32>], vector<16xf32>,
      %get3A_1522 = arith.constant 111 : i32
      %get3A_1523 = arith.index_cast %get3A_1522 : i32 to index
      %get3A_1524 = arith.constant 0 : index
      %get3A_1525 = tpu.vector_load %arg12[%get3A_1523, %get3A_1524] {strides = array<i32>} : memref<128x16xf32, #tpu.memory_space<vmem>>, vector<16xf32>,
      %mul3A_1526 = arith.mulf %get3A_1525, %gather3A_1521 : vector<16xf32>
      %swap3A_1527 = arith.constant 111 : i32
      %swap3A_1528 = arith.index_cast %swap3A_1527 : i32 to index
      %swap3A_1529 = arith.constant 0 : index
      %swap3A_1530 = tpu.vector_load %arg12[%swap3A_1528, %swap3A_1529] {strides = array<i32>} : memref<128x16xf32, #tpu.memory_space<vmem>>, vector<16xf32>,
      tpu.vector_store %arg12[%swap3A_1528, %swap3A_1529], %mul3A_1526 {strides = array<i32>} : memref<128x16xf32, #tpu.memory_space<vmem>>, vector<16xf32>,
      %broadcast_in_dim3A_1531 = arith.constant 112 : i32
      %broadcast_in_dim3A_1532 = vector.broadcast %broadcast_in_dim3A_1531 : i32 to vector<16xi32>
      %gather3A_1533 = tpu.vector_load_idx %arg11[%broadcast_in_dim3A_1532] : memref<128xf32, #tpu.memory_space<vmem>>[vector<16xi32>], vector<16xf32>,
      %get3A_1534 = arith.constant 112 : i32
      %get3A_1535 = arith.index_cast %get3A_1534 : i32 to index
      %get3A_1536 = arith.constant 0 : index
      %get3A_1537 = tpu.vector_load %arg12[%get3A_1535, %get3A_1536] {strides = array<i32>} : memref<128x16xf32, #tpu.memory_space<vmem>>, vector<16xf32>,
      %mul3A_1538 = arith.mulf %get3A_1537, %gather3A_1533 : vector<16xf32>
      %swap3A_1539 = arith.constant 112 : i32
      %swap3A_1540 = arith.index_cast %swap3A_1539 : i32 to index
      %swap3A_1541 = arith.constant 0 : index
      %swap3A_1542 = tpu.vector_load %arg12[%swap3A_1540, %swap3A_1541] {strides = array<i32>} : memref<128x16xf32, #tpu.memory_space<vmem>>, vector<16xf32>,
      tpu.vector_store %arg12[%swap3A_1540, %swap3A_1541], %mul3A_1538 {strides = array<i32>} : memref<128x16xf32, #tpu.memory_space<vmem>>, vector<16xf32>,
      %broadcast_in_dim3A_1543 = arith.constant 113 : i32
      %broadcast_in_dim3A_1544 = vector.broadcast %broadcast_in_dim3A_1543 : i32 to vector<16xi32>
      %gather3A_1545 = tpu.vector_load_idx %arg11[%broadcast_in_dim3A_1544] : memref<128xf32, #tpu.memory_space<vmem>>[vector<16xi32>], vector<16xf32>,
      %get3A_1546 = arith.constant 113 : i32
      %get3A_1547 = arith.index_cast %get3A_1546 : i32 to index
      %get3A_1548 = arith.constant 0 : index
      %get3A_1549 = tpu.vector_load %arg12[%get3A_1547, %get3A_1548] {strides = array<i32>} : memref<128x16xf32, #tpu.memory_space<vmem>>, vector<16xf32>,
      %mul3A_1550 = arith.mulf %get3A_1549, %gather3A_1545 : vector<16xf32>
      %swap3A_1551 = arith.constant 113 : i32
      %swap3A_1552 = arith.index_cast %swap3A_1551 : i32 to index
      %swap3A_1553 = arith.constant 0 : index
      %swap3A_1554 = tpu.vector_load %arg12[%swap3A_1552, %swap3A_1553] {strides = array<i32>} : memref<128x16xf32, #tpu.memory_space<vmem>>, vector<16xf32>,
      tpu.vector_store %arg12[%swap3A_1552, %swap3A_1553], %mul3A_1550 {strides = array<i32>} : memref<128x16xf32, #tpu.memory_space<vmem>>, vector<16xf32>,
      %broadcast_in_dim3A_1555 = arith.constant 114 : i32
      %broadcast_in_dim3A_1556 = vector.broadcast %broadcast_in_dim3A_1555 : i32 to vector<16xi32>
      %gather3A_1557 = tpu.vector_load_idx %arg11[%broadcast_in_dim3A_1556] : memref<128xf32, #tpu.memory_space<vmem>>[vector<16xi32>], vector<16xf32>,
      %get3A_1558 = arith.constant 114 : i32
      %get3A_1559 = arith.index_cast %get3A_1558 : i32 to index
      %get3A_1560 = arith.constant 0 : index
      %get3A_1561 = tpu.vector_load %arg12[%get3A_1559, %get3A_1560] {strides = array<i32>} : memref<128x16xf32, #tpu.memory_space<vmem>>, vector<16xf32>,
      %mul3A_1562 = arith.mulf %get3A_1561, %gather3A_1557 : vector<16xf32>
      %swap3A_1563 = arith.constant 114 : i32
      %swap3A_1564 = arith.index_cast %swap3A_1563 : i32 to index
      %swap3A_1565 = arith.constant 0 : index
      %swap3A_1566 = tpu.vector_load %arg12[%swap3A_1564, %swap3A_1565] {strides = array<i32>} : memref<128x16xf32, #tpu.memory_space<vmem>>, vector<16xf32>,
      tpu.vector_store %arg12[%swap3A_1564, %swap3A_1565], %mul3A_1562 {strides = array<i32>} : memref<128x16xf32, #tpu.memory_space<vmem>>, vector<16xf32>,
      %broadcast_in_dim3A_1567 = arith.constant 115 : i32
      %broadcast_in_dim3A_1568 = vector.broadcast %broadcast_in_dim3A_1567 : i32 to vector<16xi32>
      %gather3A_1569 = tpu.vector_load_idx %arg11[%broadcast_in_dim3A_1568] : memref<128xf32, #tpu.memory_space<vmem>>[vector<16xi32>], vector<16xf32>,
      %get3A_1570 = arith.constant 115 : i32
      %get3A_1571 = arith.index_cast %get3A_1570 : i32 to index
      %get3A_1572 = arith.constant 0 : index
      %get3A_1573 = tpu.vector_load %arg12[%get3A_1571, %get3A_1572] {strides = array<i32>} : memref<128x16xf32, #tpu.memory_space<vmem>>, vector<16xf32>,
      %mul3A_1574 = arith.mulf %get3A_1573, %gather3A_1569 : vector<16xf32>
      %swap3A_1575 = arith.constant 115 : i32
      %swap3A_1576 = arith.index_cast %swap3A_1575 : i32 to index
      %swap3A_1577 = arith.constant 0 : index
      %swap3A_1578 = tpu.vector_load %arg12[%swap3A_1576, %swap3A_1577] {strides = array<i32>} : memref<128x16xf32, #tpu.memory_space<vmem>>, vector<16xf32>,
      tpu.vector_store %arg12[%swap3A_1576, %swap3A_1577], %mul3A_1574 {strides = array<i32>} : memref<128x16xf32, #tpu.memory_space<vmem>>, vector<16xf32>,
      %broadcast_in_dim3A_1579 = arith.constant 116 : i32
      %broadcast_in_dim3A_1580 = vector.broadcast %broadcast_in_dim3A_1579 : i32 to vector<16xi32>
      %gather3A_1581 = tpu.vector_load_idx %arg11[%broadcast_in_dim3A_1580] : memref<128xf32, #tpu.memory_space<vmem>>[vector<16xi32>], vector<16xf32>,
      %get3A_1582 = arith.constant 116 : i32
      %get3A_1583 = arith.index_cast %get3A_1582 : i32 to index
      %get3A_1584 = arith.constant 0 : index
      %get3A_1585 = tpu.vector_load %arg12[%get3A_1583, %get3A_1584] {strides = array<i32>} : memref<128x16xf32, #tpu.memory_space<vmem>>, vector<16xf32>,
      %mul3A_1586 = arith.mulf %get3A_1585, %gather3A_1581 : vector<16xf32>
      %swap3A_1587 = arith.constant 116 : i32
      %swap3A_1588 = arith.index_cast %swap3A_1587 : i32 to index
      %swap3A_1589 = arith.constant 0 : index
      %swap3A_1590 = tpu.vector_load %arg12[%swap3A_1588, %swap3A_1589] {strides = array<i32>} : memref<128x16xf32, #tpu.memory_space<vmem>>, vector<16xf32>,
      tpu.vector_store %arg12[%swap3A_1588, %swap3A_1589], %mul3A_1586 {strides = array<i32>} : memref<128x16xf32, #tpu.memory_space<vmem>>, vector<16xf32>,
      %broadcast_in_dim3A_1591 = arith.constant 117 : i32
      %broadcast_in_dim3A_1592 = vector.broadcast %broadcast_in_dim3A_1591 : i32 to vector<16xi32>
      %gather3A_1593 = tpu.vector_load_idx %arg11[%broadcast_in_dim3A_1592] : memref<128xf32, #tpu.memory_space<vmem>>[vector<16xi32>], vector<16xf32>,
      %get3A_1594 = arith.constant 117 : i32
      %get3A_1595 = arith.index_cast %get3A_1594 : i32 to index
      %get3A_1596 = arith.constant 0 : index
      %get3A_1597 = tpu.vector_load %arg12[%get3A_1595, %get3A_1596] {strides = array<i32>} : memref<128x16xf32, #tpu.memory_space<vmem>>, vector<16xf32>,
      %mul3A_1598 = arith.mulf %get3A_1597, %gather3A_1593 : vector<16xf32>
      %swap3A_1599 = arith.constant 117 : i32
      %swap3A_1600 = arith.index_cast %swap3A_1599 : i32 to index
      %swap3A_1601 = arith.constant 0 : index
      %swap3A_1602 = tpu.vector_load %arg12[%swap3A_1600, %swap3A_1601] {strides = array<i32>} : memref<128x16xf32, #tpu.memory_space<vmem>>, vector<16xf32>,
      tpu.vector_store %arg12[%swap3A_1600, %swap3A_1601], %mul3A_1598 {strides = array<i32>} : memref<128x16xf32, #tpu.memory_space<vmem>>, vector<16xf32>,
      %broadcast_in_dim3A_1603 = arith.constant 118 : i32
      %broadcast_in_dim3A_1604 = vector.broadcast %broadcast_in_dim3A_1603 : i32 to vector<16xi32>
      %gather3A_1605 = tpu.vector_load_idx %arg11[%broadcast_in_dim3A_1604] : memref<128xf32, #tpu.memory_space<vmem>>[vector<16xi32>], vector<16xf32>,
      %get3A_1606 = arith.constant 118 : i32
      %get3A_1607 = arith.index_cast %get3A_1606 : i32 to index
      %get3A_1608 = arith.constant 0 : index
      %get3A_1609 = tpu.vector_load %arg12[%get3A_1607, %get3A_1608] {strides = array<i32>} : memref<128x16xf32, #tpu.memory_space<vmem>>, vector<16xf32>,
      %mul3A_1610 = arith.mulf %get3A_1609, %gather3A_1605 : vector<16xf32>
      %swap3A_1611 = arith.constant 118 : i32
      %swap3A_1612 = arith.index_cast %swap3A_1611 : i32 to index
      %swap3A_1613 = arith.constant 0 : index
      %swap3A_1614 = tpu.vector_load %arg12[%swap3A_1612, %swap3A_1613] {strides = array<i32>} : memref<128x16xf32, #tpu.memory_space<vmem>>, vector<16xf32>,
      tpu.vector_store %arg12[%swap3A_1612, %swap3A_1613], %mul3A_1610 {strides = array<i32>} : memref<128x16xf32, #tpu.memory_space<vmem>>, vector<16xf32>,
      %broadcast_in_dim3A_1615 = arith.constant 119 : i32
      %broadcast_in_dim3A_1616 = vector.broadcast %broadcast_in_dim3A_1615 : i32 to vector<16xi32>
      %gather3A_1617 = tpu.vector_load_idx %arg11[%broadcast_in_dim3A_1616] : memref<128xf32, #tpu.memory_space<vmem>>[vector<16xi32>], vector<16xf32>,
      %get3A_1618 = arith.constant 119 : i32
      %get3A_1619 = arith.index_cast %get3A_1618 : i32 to index
      %get3A_1620 = arith.constant 0 : index
      %get3A_1621 = tpu.vector_load %arg12[%get3A_1619, %get3A_1620] {strides = array<i32>} : memref<128x16xf32, #tpu.memory_space<vmem>>, vector<16xf32>,
      %mul3A_1622 = arith.mulf %get3A_1621, %gather3A_1617 : vector<16xf32>
      %swap3A_1623 = arith.constant 119 : i32
      %swap3A_1624 = arith.index_cast %swap3A_1623 : i32 to index
      %swap3A_1625 = arith.constant 0 : index
      %swap3A_1626 = tpu.vector_load %arg12[%swap3A_1624, %swap3A_1625] {strides = array<i32>} : memref<128x16xf32, #tpu.memory_space<vmem>>, vector<16xf32>,
      tpu.vector_store %arg12[%swap3A_1624, %swap3A_1625], %mul3A_1622 {strides = array<i32>} : memref<128x16xf32, #tpu.memory_space<vmem>>, vector<16xf32>,
      %broadcast_in_dim3A_1627 = arith.constant 120 : i32
      %broadcast_in_dim3A_1628 = vector.broadcast %broadcast_in_dim3A_1627 : i32 to vector<16xi32>
      %gather3A_1629 = tpu.vector_load_idx %arg11[%broadcast_in_dim3A_1628] : memref<128xf32, #tpu.memory_space<vmem>>[vector<16xi32>], vector<16xf32>,
      %get3A_1630 = arith.constant 120 : i32
      %get3A_1631 = arith.index_cast %get3A_1630 : i32 to index
      %get3A_1632 = arith.constant 0 : index
      %get3A_1633 = tpu.vector_load %arg12[%get3A_1631, %get3A_1632] {strides = array<i32>} : memref<128x16xf32, #tpu.memory_space<vmem>>, vector<16xf32>,
      %mul3A_1634 = arith.mulf %get3A_1633, %gather3A_1629 : vector<16xf32>
      %swap3A_1635 = arith.constant 120 : i32
      %swap3A_1636 = arith.index_cast %swap3A_1635 : i32 to index
      %swap3A_1637 = arith.constant 0 : index
      %swap3A_1638 = tpu.vector_load %arg12[%swap3A_1636, %swap3A_1637] {strides = array<i32>} : memref<128x16xf32, #tpu.memory_space<vmem>>, vector<16xf32>,
      tpu.vector_store %arg12[%swap3A_1636, %swap3A_1637], %mul3A_1634 {strides = array<i32>} : memref<128x16xf32, #tpu.memory_space<vmem>>, vector<16xf32>,
      %broadcast_in_dim3A_1639 = arith.constant 121 : i32
      %broadcast_in_dim3A_1640 = vector.broadcast %broadcast_in_dim3A_1639 : i32 to vector<16xi32>
      %gather3A_1641 = tpu.vector_load_idx %arg11[%broadcast_in_dim3A_1640] : memref<128xf32, #tpu.memory_space<vmem>>[vector<16xi32>], vector<16xf32>,
      %get3A_1642 = arith.constant 121 : i32
      %get3A_1643 = arith.index_cast %get3A_1642 : i32 to index
      %get3A_1644 = arith.constant 0 : index
      %get3A_1645 = tpu.vector_load %arg12[%get3A_1643, %get3A_1644] {strides = array<i32>} : memref<128x16xf32, #tpu.memory_space<vmem>>, vector<16xf32>,
      %mul3A_1646 = arith.mulf %get3A_1645, %gather3A_1641 : vector<16xf32>
      %swap3A_1647 = arith.constant 121 : i32
      %swap3A_1648 = arith.index_cast %swap3A_1647 : i32 to index
      %swap3A_1649 = arith.constant 0 : index
      %swap3A_1650 = tpu.vector_load %arg12[%swap3A_1648, %swap3A_1649] {strides = array<i32>} : memref<128x16xf32, #tpu.memory_space<vmem>>, vector<16xf32>,
      tpu.vector_store %arg12[%swap3A_1648, %swap3A_1649], %mul3A_1646 {strides = array<i32>} : memref<128x16xf32, #tpu.memory_space<vmem>>, vector<16xf32>,
      %broadcast_in_dim3A_1651 = arith.constant 122 : i32
      %broadcast_in_dim3A_1652 = vector.broadcast %broadcast_in_dim3A_1651 : i32 to vector<16xi32>
      %gather3A_1653 = tpu.vector_load_idx %arg11[%broadcast_in_dim3A_1652] : memref<128xf32, #tpu.memory_space<vmem>>[vector<16xi32>], vector<16xf32>,
      %get3A_1654 = arith.constant 122 : i32
      %get3A_1655 = arith.index_cast %get3A_1654 : i32 to index
      %get3A_1656 = arith.constant 0 : index
      %get3A_1657 = tpu.vector_load %arg12[%get3A_1655, %get3A_1656] {strides = array<i32>} : memref<128x16xf32, #tpu.memory_space<vmem>>, vector<16xf32>,
      %mul3A_1658 = arith.mulf %get3A_1657, %gather3A_1653 : vector<16xf32>
      %swap3A_1659 = arith.constant 122 : i32
      %swap3A_1660 = arith.index_cast %swap3A_1659 : i32 to index
      %swap3A_1661 = arith.constant 0 : index
      %swap3A_1662 = tpu.vector_load %arg12[%swap3A_1660, %swap3A_1661] {strides = array<i32>} : memref<128x16xf32, #tpu.memory_space<vmem>>, vector<16xf32>,
      tpu.vector_store %arg12[%swap3A_1660, %swap3A_1661], %mul3A_1658 {strides = array<i32>} : memref<128x16xf32, #tpu.memory_space<vmem>>, vector<16xf32>,
      %broadcast_in_dim3A_1663 = arith.constant 123 : i32
      %broadcast_in_dim3A_1664 = vector.broadcast %broadcast_in_dim3A_1663 : i32 to vector<16xi32>
      %gather3A_1665 = tpu.vector_load_idx %arg11[%broadcast_in_dim3A_1664] : memref<128xf32, #tpu.memory_space<vmem>>[vector<16xi32>], vector<16xf32>,
      %get3A_1666 = arith.constant 123 : i32
      %get3A_1667 = arith.index_cast %get3A_1666 : i32 to index
      %get3A_1668 = arith.constant 0 : index
      %get3A_1669 = tpu.vector_load %arg12[%get3A_1667, %get3A_1668] {strides = array<i32>} : memref<128x16xf32, #tpu.memory_space<vmem>>, vector<16xf32>,
      %mul3A_1670 = arith.mulf %get3A_1669, %gather3A_1665 : vector<16xf32>
      %swap3A_1671 = arith.constant 123 : i32
      %swap3A_1672 = arith.index_cast %swap3A_1671 : i32 to index
      %swap3A_1673 = arith.constant 0 : index
      %swap3A_1674 = tpu.vector_load %arg12[%swap3A_1672, %swap3A_1673] {strides = array<i32>} : memref<128x16xf32, #tpu.memory_space<vmem>>, vector<16xf32>,
      tpu.vector_store %arg12[%swap3A_1672, %swap3A_1673], %mul3A_1670 {strides = array<i32>} : memref<128x16xf32, #tpu.memory_space<vmem>>, vector<16xf32>,
      %broadcast_in_dim3A_1675 = arith.constant 124 : i32
      %broadcast_in_dim3A_1676 = vector.broadcast %broadcast_in_dim3A_1675 : i32 to vector<16xi32>
      %gather3A_1677 = tpu.vector_load_idx %arg11[%broadcast_in_dim3A_1676] : memref<128xf32, #tpu.memory_space<vmem>>[vector<16xi32>], vector<16xf32>,
      %get3A_1678 = arith.constant 124 : i32
      %get3A_1679 = arith.index_cast %get3A_1678 : i32 to index
      %get3A_1680 = arith.constant 0 : index
      %get3A_1681 = tpu.vector_load %arg12[%get3A_1679, %get3A_1680] {strides = array<i32>} : memref<128x16xf32, #tpu.memory_space<vmem>>, vector<16xf32>,
      %mul3A_1682 = arith.mulf %get3A_1681, %gather3A_1677 : vector<16xf32>
      %swap3A_1683 = arith.constant 124 : i32
      %swap3A_1684 = arith.index_cast %swap3A_1683 : i32 to index
      %swap3A_1685 = arith.constant 0 : index
      %swap3A_1686 = tpu.vector_load %arg12[%swap3A_1684, %swap3A_1685] {strides = array<i32>} : memref<128x16xf32, #tpu.memory_space<vmem>>, vector<16xf32>,
      tpu.vector_store %arg12[%swap3A_1684, %swap3A_1685], %mul3A_1682 {strides = array<i32>} : memref<128x16xf32, #tpu.memory_space<vmem>>, vector<16xf32>,
      %broadcast_in_dim3A_1687 = arith.constant 125 : i32
      %broadcast_in_dim3A_1688 = vector.broadcast %broadcast_in_dim3A_1687 : i32 to vector<16xi32>
      %gather3A_1689 = tpu.vector_load_idx %arg11[%broadcast_in_dim3A_1688] : memref<128xf32, #tpu.memory_space<vmem>>[vector<16xi32>], vector<16xf32>,
      %get3A_1690 = arith.constant 125 : i32
      %get3A_1691 = arith.index_cast %get3A_1690 : i32 to index
      %get3A_1692 = arith.constant 0 : index
      %get3A_1693 = tpu.vector_load %arg12[%get3A_1691, %get3A_1692] {strides = array<i32>} : memref<128x16xf32, #tpu.memory_space<vmem>>, vector<16xf32>,
      %mul3A_1694 = arith.mulf %get3A_1693, %gather3A_1689 : vector<16xf32>
      %swap3A_1695 = arith.constant 125 : i32
      %swap3A_1696 = arith.index_cast %swap3A_1695 : i32 to index
      %swap3A_1697 = arith.constant 0 : index
      %swap3A_1698 = tpu.vector_load %arg12[%swap3A_1696, %swap3A_1697] {strides = array<i32>} : memref<128x16xf32, #tpu.memory_space<vmem>>, vector<16xf32>,
      tpu.vector_store %arg12[%swap3A_1696, %swap3A_1697], %mul3A_1694 {strides = array<i32>} : memref<128x16xf32, #tpu.memory_space<vmem>>, vector<16xf32>,
      %broadcast_in_dim3A_1699 = arith.constant 126 : i32
      %broadcast_in_dim3A_1700 = vector.broadcast %broadcast_in_dim3A_1699 : i32 to vector<16xi32>
      %gather3A_1701 = tpu.vector_load_idx %arg11[%broadcast_in_dim3A_1700] : memref<128xf32, #tpu.memory_space<vmem>>[vector<16xi32>], vector<16xf32>,
      %get3A_1702 = arith.constant 126 : i32
      %get3A_1703 = arith.index_cast %get3A_1702 : i32 to index
      %get3A_1704 = arith.constant 0 : index
      %get3A_1705 = tpu.vector_load %arg12[%get3A_1703, %get3A_1704] {strides = array<i32>} : memref<128x16xf32, #tpu.memory_space<vmem>>, vector<16xf32>,
      %mul3A_1706 = arith.mulf %get3A_1705, %gather3A_1701 : vector<16xf32>
      %swap3A_1707 = arith.constant 126 : i32
      %swap3A_1708 = arith.index_cast %swap3A_1707 : i32 to index
      %swap3A_1709 = arith.constant 0 : index
      %swap3A_1710 = tpu.vector_load %arg12[%swap3A_1708, %swap3A_1709] {strides = array<i32>} : memref<128x16xf32, #tpu.memory_space<vmem>>, vector<16xf32>,
      tpu.vector_store %arg12[%swap3A_1708, %swap3A_1709], %mul3A_1706 {strides = array<i32>} : memref<128x16xf32, #tpu.memory_space<vmem>>, vector<16xf32>,
      %broadcast_in_dim3A_1711 = arith.constant 127 : i32
      %broadcast_in_dim3A_1712 = vector.broadcast %broadcast_in_dim3A_1711 : i32 to vector<16xi32>
      %gather3A_1713 = tpu.vector_load_idx %arg11[%broadcast_in_dim3A_1712] : memref<128xf32, #tpu.memory_space<vmem>>[vector<16xi32>], vector<16xf32>,
      %get3A_1714 = arith.constant 127 : i32
      %get3A_1715 = arith.index_cast %get3A_1714 : i32 to index
      %get3A_1716 = arith.constant 0 : index
      %get3A_1717 = tpu.vector_load %arg12[%get3A_1715, %get3A_1716] {strides = array<i32>} : memref<128x16xf32, #tpu.memory_space<vmem>>, vector<16xf32>,
      %mul3A_1718 = arith.mulf %get3A_1717, %gather3A_1713 : vector<16xf32>
      %swap3A_1719 = arith.constant 127 : i32
      %swap3A_1720 = arith.index_cast %swap3A_1719 : i32 to index
      %swap3A_1721 = arith.constant 0 : index
      %swap3A_1722 = tpu.vector_load %arg12[%swap3A_1720, %swap3A_1721] {strides = array<i32>} : memref<128x16xf32, #tpu.memory_space<vmem>>, vector<16xf32>,
      tpu.vector_store %arg12[%swap3A_1720, %swap3A_1721], %mul3A_1718 {strides = array<i32>} : memref<128x16xf32, #tpu.memory_space<vmem>>, vector<16xf32>,
      "tpu.region"() ({
        %run_scoped3A = tpu.sem_alloc : memref<!tpu.dma_semaphore, #tpu.memory_space<semaphore_mem>>
        %dma_start3A_3407 = arith.constant 0 : i32
        %dma_start3A_3408 = arith.constant 0 : i32
        %dma_start3A_3409 = tpu.memref_slice %arg16[%dma_start3A_3407, %dma_start3A_3408] : memref<50048x16xf32, #tpu.memory_space<vmem_shared>> -> memref<50048x16xf32, #tpu.memory_space<vmem_shared>>
        tpu.enqueue_indirect_dma source(%arg12 : memref<128x16xf32, #tpu.memory_space<vmem>>) target(%dma_start3A_3409 : memref<50048x16xf32, #tpu.memory_space<vmem_shared>>) offsets(%arg8 : memref<128xi32, #tpu.memory_space<vmem>>) semaphore(%run_scoped3A : memref<!tpu.dma_semaphore, #tpu.memory_space<semaphore_mem>>) {add = true}
        %dma_wait3A_3410 = arith.constant 0 : i32
        %dma_wait3A_3411 = arith.constant 0 : i32
        %dma_wait3A_3412 = tpu.memref_slice %arg16[%dma_wait3A_3410, %dma_wait3A_3411] : memref<50048x16xf32, #tpu.memory_space<vmem_shared>> -> memref<50048x16xf32, #tpu.memory_space<vmem_shared>>
        tpu.wait_indirect_dma semaphore(%run_scoped3A : memref<!tpu.dma_semaphore, #tpu.memory_space<semaphore_mem>>) src(%arg12 : memref<128x16xf32, #tpu.memory_space<vmem>>) dst(%dma_wait3A_3412 : memref<50048x16xf32, #tpu.memory_space<vmem_shared>>)
        tpu.yield
      }) : () -> ()
      %add3A_1723 = arith.constant 256 : i32
      %add3A_1724 = arith.addi %add3A_44, %add3A_1723 : i32
      "tpu.region"() ({
        %run_scoped3A = tpu.sem_alloc : memref<!tpu.dma_semaphore, #tpu.memory_space<semaphore_mem>>
        %dma_start3A_3407 = tpu.memref_slice %arg3[%add3A_1724] : memref<1654912xi32, #tpu.memory_space<hbm>> -> memref<128xi32, #tpu.memory_space<hbm>>
        %dma_start3A_3408 = tpu.memref_slice %arg3[%add3A_1724] : memref<1654912xi32, #tpu.memory_space<hbm>> -> memref<128xi32, #tpu.memory_space<hbm>>
        tpu.enqueue_dma source(%dma_start3A_3408 : memref<128xi32, #tpu.memory_space<hbm>>) target(%arg7 : memref<128xi32, #tpu.memory_space<vmem>>) target_semaphore(%run_scoped3A : memref<!tpu.dma_semaphore, #tpu.memory_space<semaphore_mem>>)
        %dma_wait3A_3409 = tpu.memref_slice %arg3[%add3A_1724] : memref<1654912xi32, #tpu.memory_space<hbm>> -> memref<128xi32, #tpu.memory_space<hbm>>
        %dma_wait3A_3410 = tpu.memref_slice %arg3[%add3A_1724] : memref<1654912xi32, #tpu.memory_space<hbm>> -> memref<128xi32, #tpu.memory_space<hbm>>
        tpu.wait_dma2 semaphore(%run_scoped3A : memref<!tpu.dma_semaphore, #tpu.memory_space<semaphore_mem>>) src(%dma_wait3A_3410 : memref<128xi32, #tpu.memory_space<hbm>>) dst(%arg7 : memref<128xi32, #tpu.memory_space<vmem>>)
        tpu.yield
      }) : () -> ()
      "tpu.region"() ({
        %run_scoped3A = tpu.sem_alloc : memref<!tpu.dma_semaphore, #tpu.memory_space<semaphore_mem>>
        %dma_start3A_3407 = tpu.memref_slice %arg4[%add3A_1724] : memref<1654912xi32, #tpu.memory_space<hbm>> -> memref<128xi32, #tpu.memory_space<hbm>>
        %dma_start3A_3408 = tpu.memref_slice %arg4[%add3A_1724] : memref<1654912xi32, #tpu.memory_space<hbm>> -> memref<128xi32, #tpu.memory_space<hbm>>
        tpu.enqueue_dma source(%dma_start3A_3408 : memref<128xi32, #tpu.memory_space<hbm>>) target(%arg8 : memref<128xi32, #tpu.memory_space<vmem>>) target_semaphore(%run_scoped3A : memref<!tpu.dma_semaphore, #tpu.memory_space<semaphore_mem>>)
        %dma_wait3A_3409 = tpu.memref_slice %arg4[%add3A_1724] : memref<1654912xi32, #tpu.memory_space<hbm>> -> memref<128xi32, #tpu.memory_space<hbm>>
        %dma_wait3A_3410 = tpu.memref_slice %arg4[%add3A_1724] : memref<1654912xi32, #tpu.memory_space<hbm>> -> memref<128xi32, #tpu.memory_space<hbm>>
        tpu.wait_dma2 semaphore(%run_scoped3A : memref<!tpu.dma_semaphore, #tpu.memory_space<semaphore_mem>>) src(%dma_wait3A_3410 : memref<128xi32, #tpu.memory_space<hbm>>) dst(%arg8 : memref<128xi32, #tpu.memory_space<vmem>>)
        tpu.yield
      }) : () -> ()
      %dma_start3A_1725 = arith.constant 0 : i32
      %dma_start3A_1726 = arith.constant 0 : i32
      %dma_start3A_1727 = tpu.memref_slice %arg2[%dma_start3A_1725, %dma_start3A_1726] : memref<50048x16xf32, #tpu.memory_space<hbm>> -> memref<50048x16xf32, #tpu.memory_space<hbm>>
      tpu.enqueue_indirect_dma source(%dma_start3A_1727 : memref<50048x16xf32, #tpu.memory_space<hbm>>) target(%arg12 : memref<128x16xf32, #tpu.memory_space<vmem>>) offsets(%arg7 : memref<128xi32, #tpu.memory_space<vmem>>) semaphore(%arg17 : memref<!tpu.dma_semaphore, #tpu.memory_space<semaphore_mem>>)
      %dma_start3A_1728 = arith.constant 0 : i32
      %dma_start3A_1729 = arith.constant 0 : i32
      %dma_start3A_1730 = tpu.memref_slice %arg2[%dma_start3A_1728, %dma_start3A_1729] : memref<50048x16xf32, #tpu.memory_space<hbm>> -> memref<50048x16xf32, #tpu.memory_space<hbm>>
      tpu.enqueue_indirect_dma source(%dma_start3A_1730 : memref<50048x16xf32, #tpu.memory_space<hbm>>) target(%arg13 : memref<128x16xf32, #tpu.memory_space<vmem>>) offsets(%arg8 : memref<128xi32, #tpu.memory_space<vmem>>) semaphore(%arg18 : memref<!tpu.dma_semaphore, #tpu.memory_space<semaphore_mem>>)
      %dma_wait3A_1731 = arith.constant 0 : i32
      %dma_wait3A_1732 = arith.constant 0 : i32
      %dma_wait3A_1733 = tpu.memref_slice %arg2[%dma_wait3A_1731, %dma_wait3A_1732] : memref<50048x16xf32, #tpu.memory_space<hbm>> -> memref<128x16xf32, #tpu.memory_space<hbm>>
      %dma_wait3A_1734 = arith.constant 0 : i32
      %dma_wait3A_1735 = arith.constant 0 : i32
      %dma_wait3A_1736 = tpu.memref_slice %arg2[%dma_wait3A_1734, %dma_wait3A_1735] : memref<50048x16xf32, #tpu.memory_space<hbm>> -> memref<128x16xf32, #tpu.memory_space<hbm>>
      tpu.wait_dma2 semaphore(%arg19 : memref<!tpu.dma_semaphore, #tpu.memory_space<semaphore_mem>>) src(%dma_wait3A_1736 : memref<128x16xf32, #tpu.memory_space<hbm>>) dst(%arg14 : memref<128x16xf32, #tpu.memory_space<vmem>>)
      %dma_wait3A_1737 = arith.constant 0 : i32
      %dma_wait3A_1738 = arith.constant 0 : i32
      %dma_wait3A_1739 = tpu.memref_slice %arg2[%dma_wait3A_1737, %dma_wait3A_1738] : memref<50048x16xf32, #tpu.memory_space<hbm>> -> memref<128x16xf32, #tpu.memory_space<hbm>>
      %dma_wait3A_1740 = arith.constant 0 : i32
      %dma_wait3A_1741 = arith.constant 0 : i32
      %dma_wait3A_1742 = tpu.memref_slice %arg2[%dma_wait3A_1740, %dma_wait3A_1741] : memref<50048x16xf32, #tpu.memory_space<hbm>> -> memref<128x16xf32, #tpu.memory_space<hbm>>
      tpu.wait_dma2 semaphore(%arg20 : memref<!tpu.dma_semaphore, #tpu.memory_space<semaphore_mem>>) src(%dma_wait3A_1742 : memref<128x16xf32, #tpu.memory_space<hbm>>) dst(%arg15 : memref<128x16xf32, #tpu.memory_space<vmem>>)
      %add3A_1743 = arith.constant 0 : i32
      %add3A_1744 = vector.broadcast %add3A_1743 : i32 to vector<16xi32>
      %add3A_1745 = arith.addi %iota3A, %add3A_1744 : vector<16xi32>
      %gather3A_1746 = tpu.vector_load_idx %arg14[%add3A_1745, %broadcast_in_dim3A_7] : memref<128x16xf32, #tpu.memory_space<vmem>>[vector<16xi32>, vector<16xi32>], vector<16xf32>,
      %gather3A_1747 = tpu.vector_load_idx %arg15[%add3A_1745, %broadcast_in_dim3A_9] : memref<128x16xf32, #tpu.memory_space<vmem>>[vector<16xi32>, vector<16xi32>], vector<16xf32>,
      %add3A_1748 = arith.addf %gather3A_1746, %gather3A_1747 : vector<16xf32>
      %gt3A_1749 = arith.constant 0.000000e+00 : f32
      %gt3A_1750 = vector.broadcast %gt3A_1749 : f32 to vector<16xf32>
      %gt3A_1751 = arith.cmpf ogt, %add3A_1748, %gt3A_1750 : vector<16xf32>
      %mul3A_1752 = arith.constant 2.000000e-01 : f32
      %mul3A_1753 = vector.broadcast %mul3A_1752 : f32 to vector<16xf32>
      %mul3A_1754 = arith.mulf %mul3A_1753, %add3A_1748 : vector<16xf32>
      %select_n3A_1755 = arith.select %gt3A_1751, %add3A_1748, %mul3A_1754 : vector<16xi1>, vector<16xf32>
      %exp3A_1756 = math.exp %select_n3A_1755 : vector<16xf32>
      %swap3A_1757 = arith.constant 0 : index
      %swap3A_1758 = tpu.vector_load %arg11[%swap3A_1757] {strides = array<i32>} : memref<128xf32, #tpu.memory_space<vmem>>, vector<16xf32>,
      tpu.vector_store %arg11[%swap3A_1757], %exp3A_1756 {strides = array<i32>} : memref<128xf32, #tpu.memory_space<vmem>>, vector<16xf32>,
      %add3A_1759 = arith.constant 16 : i32
      %add3A_1760 = vector.broadcast %add3A_1759 : i32 to vector<16xi32>
      %add3A_1761 = arith.addi %iota3A, %add3A_1760 : vector<16xi32>
      %gather3A_1762 = tpu.vector_load_idx %arg14[%add3A_1761, %broadcast_in_dim3A_7] : memref<128x16xf32, #tpu.memory_space<vmem>>[vector<16xi32>, vector<16xi32>], vector<16xf32>,
      %gather3A_1763 = tpu.vector_load_idx %arg15[%add3A_1761, %broadcast_in_dim3A_9] : memref<128x16xf32, #tpu.memory_space<vmem>>[vector<16xi32>, vector<16xi32>], vector<16xf32>,
      %add3A_1764 = arith.addf %gather3A_1762, %gather3A_1763 : vector<16xf32>
      %gt3A_1765 = arith.constant 0.000000e+00 : f32
      %gt3A_1766 = vector.broadcast %gt3A_1765 : f32 to vector<16xf32>
      %gt3A_1767 = arith.cmpf ogt, %add3A_1764, %gt3A_1766 : vector<16xf32>
      %mul3A_1768 = arith.constant 2.000000e-01 : f32
      %mul3A_1769 = vector.broadcast %mul3A_1768 : f32 to vector<16xf32>
      %mul3A_1770 = arith.mulf %mul3A_1769, %add3A_1764 : vector<16xf32>
      %select_n3A_1771 = arith.select %gt3A_1767, %add3A_1764, %mul3A_1770 : vector<16xi1>, vector<16xf32>
      %exp3A_1772 = math.exp %select_n3A_1771 : vector<16xf32>
      %swap3A_1773 = arith.constant 16 : index
      %swap3A_1774 = tpu.vector_load %arg11[%swap3A_1773] {strides = array<i32>} : memref<128xf32, #tpu.memory_space<vmem>>, vector<16xf32>,
      tpu.vector_store %arg11[%swap3A_1773], %exp3A_1772 {strides = array<i32>} : memref<128xf32, #tpu.memory_space<vmem>>, vector<16xf32>,
      %add3A_1775 = arith.constant 32 : i32
      %add3A_1776 = vector.broadcast %add3A_1775 : i32 to vector<16xi32>
      %add3A_1777 = arith.addi %iota3A, %add3A_1776 : vector<16xi32>
      %gather3A_1778 = tpu.vector_load_idx %arg14[%add3A_1777, %broadcast_in_dim3A_7] : memref<128x16xf32, #tpu.memory_space<vmem>>[vector<16xi32>, vector<16xi32>], vector<16xf32>,
      %gather3A_1779 = tpu.vector_load_idx %arg15[%add3A_1777, %broadcast_in_dim3A_9] : memref<128x16xf32, #tpu.memory_space<vmem>>[vector<16xi32>, vector<16xi32>], vector<16xf32>,
      %add3A_1780 = arith.addf %gather3A_1778, %gather3A_1779 : vector<16xf32>
      %gt3A_1781 = arith.constant 0.000000e+00 : f32
      %gt3A_1782 = vector.broadcast %gt3A_1781 : f32 to vector<16xf32>
      %gt3A_1783 = arith.cmpf ogt, %add3A_1780, %gt3A_1782 : vector<16xf32>
      %mul3A_1784 = arith.constant 2.000000e-01 : f32
      %mul3A_1785 = vector.broadcast %mul3A_1784 : f32 to vector<16xf32>
      %mul3A_1786 = arith.mulf %mul3A_1785, %add3A_1780 : vector<16xf32>
      %select_n3A_1787 = arith.select %gt3A_1783, %add3A_1780, %mul3A_1786 : vector<16xi1>, vector<16xf32>
      %exp3A_1788 = math.exp %select_n3A_1787 : vector<16xf32>
      %swap3A_1789 = arith.constant 32 : index
      %swap3A_1790 = tpu.vector_load %arg11[%swap3A_1789] {strides = array<i32>} : memref<128xf32, #tpu.memory_space<vmem>>, vector<16xf32>,
      tpu.vector_store %arg11[%swap3A_1789], %exp3A_1788 {strides = array<i32>} : memref<128xf32, #tpu.memory_space<vmem>>, vector<16xf32>,
      %add3A_1791 = arith.constant 48 : i32
      %add3A_1792 = vector.broadcast %add3A_1791 : i32 to vector<16xi32>
      %add3A_1793 = arith.addi %iota3A, %add3A_1792 : vector<16xi32>
      %gather3A_1794 = tpu.vector_load_idx %arg14[%add3A_1793, %broadcast_in_dim3A_7] : memref<128x16xf32, #tpu.memory_space<vmem>>[vector<16xi32>, vector<16xi32>], vector<16xf32>,
      %gather3A_1795 = tpu.vector_load_idx %arg15[%add3A_1793, %broadcast_in_dim3A_9] : memref<128x16xf32, #tpu.memory_space<vmem>>[vector<16xi32>, vector<16xi32>], vector<16xf32>,
      %add3A_1796 = arith.addf %gather3A_1794, %gather3A_1795 : vector<16xf32>
      %gt3A_1797 = arith.constant 0.000000e+00 : f32
      %gt3A_1798 = vector.broadcast %gt3A_1797 : f32 to vector<16xf32>
      %gt3A_1799 = arith.cmpf ogt, %add3A_1796, %gt3A_1798 : vector<16xf32>
      %mul3A_1800 = arith.constant 2.000000e-01 : f32
      %mul3A_1801 = vector.broadcast %mul3A_1800 : f32 to vector<16xf32>
      %mul3A_1802 = arith.mulf %mul3A_1801, %add3A_1796 : vector<16xf32>
      %select_n3A_1803 = arith.select %gt3A_1799, %add3A_1796, %mul3A_1802 : vector<16xi1>, vector<16xf32>
      %exp3A_1804 = math.exp %select_n3A_1803 : vector<16xf32>
      %swap3A_1805 = arith.constant 48 : index
      %swap3A_1806 = tpu.vector_load %arg11[%swap3A_1805] {strides = array<i32>} : memref<128xf32, #tpu.memory_space<vmem>>, vector<16xf32>,
      tpu.vector_store %arg11[%swap3A_1805], %exp3A_1804 {strides = array<i32>} : memref<128xf32, #tpu.memory_space<vmem>>, vector<16xf32>,
      %add3A_1807 = arith.constant 64 : i32
      %add3A_1808 = vector.broadcast %add3A_1807 : i32 to vector<16xi32>
      %add3A_1809 = arith.addi %iota3A, %add3A_1808 : vector<16xi32>
      %gather3A_1810 = tpu.vector_load_idx %arg14[%add3A_1809, %broadcast_in_dim3A_7] : memref<128x16xf32, #tpu.memory_space<vmem>>[vector<16xi32>, vector<16xi32>], vector<16xf32>,
      %gather3A_1811 = tpu.vector_load_idx %arg15[%add3A_1809, %broadcast_in_dim3A_9] : memref<128x16xf32, #tpu.memory_space<vmem>>[vector<16xi32>, vector<16xi32>], vector<16xf32>,
      %add3A_1812 = arith.addf %gather3A_1810, %gather3A_1811 : vector<16xf32>
      %gt3A_1813 = arith.constant 0.000000e+00 : f32
      %gt3A_1814 = vector.broadcast %gt3A_1813 : f32 to vector<16xf32>
      %gt3A_1815 = arith.cmpf ogt, %add3A_1812, %gt3A_1814 : vector<16xf32>
      %mul3A_1816 = arith.constant 2.000000e-01 : f32
      %mul3A_1817 = vector.broadcast %mul3A_1816 : f32 to vector<16xf32>
      %mul3A_1818 = arith.mulf %mul3A_1817, %add3A_1812 : vector<16xf32>
      %select_n3A_1819 = arith.select %gt3A_1815, %add3A_1812, %mul3A_1818 : vector<16xi1>, vector<16xf32>
      %exp3A_1820 = math.exp %select_n3A_1819 : vector<16xf32>
      %swap3A_1821 = arith.constant 64 : index
      %swap3A_1822 = tpu.vector_load %arg11[%swap3A_1821] {strides = array<i32>} : memref<128xf32, #tpu.memory_space<vmem>>, vector<16xf32>,
      tpu.vector_store %arg11[%swap3A_1821], %exp3A_1820 {strides = array<i32>} : memref<128xf32, #tpu.memory_space<vmem>>, vector<16xf32>,
      %add3A_1823 = arith.constant 80 : i32
      %add3A_1824 = vector.broadcast %add3A_1823 : i32 to vector<16xi32>
      %add3A_1825 = arith.addi %iota3A, %add3A_1824 : vector<16xi32>
      %gather3A_1826 = tpu.vector_load_idx %arg14[%add3A_1825, %broadcast_in_dim3A_7] : memref<128x16xf32, #tpu.memory_space<vmem>>[vector<16xi32>, vector<16xi32>], vector<16xf32>,
      %gather3A_1827 = tpu.vector_load_idx %arg15[%add3A_1825, %broadcast_in_dim3A_9] : memref<128x16xf32, #tpu.memory_space<vmem>>[vector<16xi32>, vector<16xi32>], vector<16xf32>,
      %add3A_1828 = arith.addf %gather3A_1826, %gather3A_1827 : vector<16xf32>
      %gt3A_1829 = arith.constant 0.000000e+00 : f32
      %gt3A_1830 = vector.broadcast %gt3A_1829 : f32 to vector<16xf32>
      %gt3A_1831 = arith.cmpf ogt, %add3A_1828, %gt3A_1830 : vector<16xf32>
      %mul3A_1832 = arith.constant 2.000000e-01 : f32
      %mul3A_1833 = vector.broadcast %mul3A_1832 : f32 to vector<16xf32>
      %mul3A_1834 = arith.mulf %mul3A_1833, %add3A_1828 : vector<16xf32>
      %select_n3A_1835 = arith.select %gt3A_1831, %add3A_1828, %mul3A_1834 : vector<16xi1>, vector<16xf32>
      %exp3A_1836 = math.exp %select_n3A_1835 : vector<16xf32>
      %swap3A_1837 = arith.constant 80 : index
      %swap3A_1838 = tpu.vector_load %arg11[%swap3A_1837] {strides = array<i32>} : memref<128xf32, #tpu.memory_space<vmem>>, vector<16xf32>,
      tpu.vector_store %arg11[%swap3A_1837], %exp3A_1836 {strides = array<i32>} : memref<128xf32, #tpu.memory_space<vmem>>, vector<16xf32>,
      %add3A_1839 = arith.constant 96 : i32
      %add3A_1840 = vector.broadcast %add3A_1839 : i32 to vector<16xi32>
      %add3A_1841 = arith.addi %iota3A, %add3A_1840 : vector<16xi32>
      %gather3A_1842 = tpu.vector_load_idx %arg14[%add3A_1841, %broadcast_in_dim3A_7] : memref<128x16xf32, #tpu.memory_space<vmem>>[vector<16xi32>, vector<16xi32>], vector<16xf32>,
      %gather3A_1843 = tpu.vector_load_idx %arg15[%add3A_1841, %broadcast_in_dim3A_9] : memref<128x16xf32, #tpu.memory_space<vmem>>[vector<16xi32>, vector<16xi32>], vector<16xf32>,
      %add3A_1844 = arith.addf %gather3A_1842, %gather3A_1843 : vector<16xf32>
      %gt3A_1845 = arith.constant 0.000000e+00 : f32
      %gt3A_1846 = vector.broadcast %gt3A_1845 : f32 to vector<16xf32>
      %gt3A_1847 = arith.cmpf ogt, %add3A_1844, %gt3A_1846 : vector<16xf32>
      %mul3A_1848 = arith.constant 2.000000e-01 : f32
      %mul3A_1849 = vector.broadcast %mul3A_1848 : f32 to vector<16xf32>
      %mul3A_1850 = arith.mulf %mul3A_1849, %add3A_1844 : vector<16xf32>
      %select_n3A_1851 = arith.select %gt3A_1847, %add3A_1844, %mul3A_1850 : vector<16xi1>, vector<16xf32>
      %exp3A_1852 = math.exp %select_n3A_1851 : vector<16xf32>
      %swap3A_1853 = arith.constant 96 : index
      %swap3A_1854 = tpu.vector_load %arg11[%swap3A_1853] {strides = array<i32>} : memref<128xf32, #tpu.memory_space<vmem>>, vector<16xf32>,
      tpu.vector_store %arg11[%swap3A_1853], %exp3A_1852 {strides = array<i32>} : memref<128xf32, #tpu.memory_space<vmem>>, vector<16xf32>,
      %add3A_1855 = arith.constant 112 : i32
      %add3A_1856 = vector.broadcast %add3A_1855 : i32 to vector<16xi32>
      %add3A_1857 = arith.addi %iota3A, %add3A_1856 : vector<16xi32>
      %gather3A_1858 = tpu.vector_load_idx %arg14[%add3A_1857, %broadcast_in_dim3A_7] : memref<128x16xf32, #tpu.memory_space<vmem>>[vector<16xi32>, vector<16xi32>], vector<16xf32>,
      %gather3A_1859 = tpu.vector_load_idx %arg15[%add3A_1857, %broadcast_in_dim3A_9] : memref<128x16xf32, #tpu.memory_space<vmem>>[vector<16xi32>, vector<16xi32>], vector<16xf32>,
      %add3A_1860 = arith.addf %gather3A_1858, %gather3A_1859 : vector<16xf32>
      %gt3A_1861 = arith.constant 0.000000e+00 : f32
      %gt3A_1862 = vector.broadcast %gt3A_1861 : f32 to vector<16xf32>
      %gt3A_1863 = arith.cmpf ogt, %add3A_1860, %gt3A_1862 : vector<16xf32>
      %mul3A_1864 = arith.constant 2.000000e-01 : f32
      %mul3A_1865 = vector.broadcast %mul3A_1864 : f32 to vector<16xf32>
      %mul3A_1866 = arith.mulf %mul3A_1865, %add3A_1860 : vector<16xf32>
      %select_n3A_1867 = arith.select %gt3A_1863, %add3A_1860, %mul3A_1866 : vector<16xi1>, vector<16xf32>
      %exp3A_1868 = math.exp %select_n3A_1867 : vector<16xf32>
      %swap3A_1869 = arith.constant 112 : index
      %swap3A_1870 = tpu.vector_load %arg11[%swap3A_1869] {strides = array<i32>} : memref<128xf32, #tpu.memory_space<vmem>>, vector<16xf32>,
      tpu.vector_store %arg11[%swap3A_1869], %exp3A_1868 {strides = array<i32>} : memref<128xf32, #tpu.memory_space<vmem>>, vector<16xf32>,
      %broadcast_in_dim3A_1871 = arith.constant 0 : i32
      %broadcast_in_dim3A_1872 = vector.broadcast %broadcast_in_dim3A_1871 : i32 to vector<16xi32>
      %gather3A_1873 = tpu.vector_load_idx %arg11[%broadcast_in_dim3A_1872] : memref<128xf32, #tpu.memory_space<vmem>>[vector<16xi32>], vector<16xf32>,
      %get3A_1874 = arith.constant 0 : i32
      %get3A_1875 = arith.index_cast %get3A_1874 : i32 to index
      %get3A_1876 = arith.constant 0 : index
      %get3A_1877 = tpu.vector_load %arg14[%get3A_1875, %get3A_1876] {strides = array<i32>} : memref<128x16xf32, #tpu.memory_space<vmem>>, vector<16xf32>,
      %mul3A_1878 = arith.mulf %get3A_1877, %gather3A_1873 : vector<16xf32>
      %swap3A_1879 = arith.constant 0 : i32
      %swap3A_1880 = arith.index_cast %swap3A_1879 : i32 to index
      %swap3A_1881 = arith.constant 0 : index
      %swap3A_1882 = tpu.vector_load %arg14[%swap3A_1880, %swap3A_1881] {strides = array<i32>} : memref<128x16xf32, #tpu.memory_space<vmem>>, vector<16xf32>,
      tpu.vector_store %arg14[%swap3A_1880, %swap3A_1881], %mul3A_1878 {strides = array<i32>} : memref<128x16xf32, #tpu.memory_space<vmem>>, vector<16xf32>,
      %broadcast_in_dim3A_1883 = arith.constant 1 : i32
      %broadcast_in_dim3A_1884 = vector.broadcast %broadcast_in_dim3A_1883 : i32 to vector<16xi32>
      %gather3A_1885 = tpu.vector_load_idx %arg11[%broadcast_in_dim3A_1884] : memref<128xf32, #tpu.memory_space<vmem>>[vector<16xi32>], vector<16xf32>,
      %get3A_1886 = arith.constant 1 : i32
      %get3A_1887 = arith.index_cast %get3A_1886 : i32 to index
      %get3A_1888 = arith.constant 0 : index
      %get3A_1889 = tpu.vector_load %arg14[%get3A_1887, %get3A_1888] {strides = array<i32>} : memref<128x16xf32, #tpu.memory_space<vmem>>, vector<16xf32>,
      %mul3A_1890 = arith.mulf %get3A_1889, %gather3A_1885 : vector<16xf32>
      %swap3A_1891 = arith.constant 1 : i32
      %swap3A_1892 = arith.index_cast %swap3A_1891 : i32 to index
      %swap3A_1893 = arith.constant 0 : index
      %swap3A_1894 = tpu.vector_load %arg14[%swap3A_1892, %swap3A_1893] {strides = array<i32>} : memref<128x16xf32, #tpu.memory_space<vmem>>, vector<16xf32>,
      tpu.vector_store %arg14[%swap3A_1892, %swap3A_1893], %mul3A_1890 {strides = array<i32>} : memref<128x16xf32, #tpu.memory_space<vmem>>, vector<16xf32>,
      %broadcast_in_dim3A_1895 = arith.constant 2 : i32
      %broadcast_in_dim3A_1896 = vector.broadcast %broadcast_in_dim3A_1895 : i32 to vector<16xi32>
      %gather3A_1897 = tpu.vector_load_idx %arg11[%broadcast_in_dim3A_1896] : memref<128xf32, #tpu.memory_space<vmem>>[vector<16xi32>], vector<16xf32>,
      %get3A_1898 = arith.constant 2 : i32
      %get3A_1899 = arith.index_cast %get3A_1898 : i32 to index
      %get3A_1900 = arith.constant 0 : index
      %get3A_1901 = tpu.vector_load %arg14[%get3A_1899, %get3A_1900] {strides = array<i32>} : memref<128x16xf32, #tpu.memory_space<vmem>>, vector<16xf32>,
      %mul3A_1902 = arith.mulf %get3A_1901, %gather3A_1897 : vector<16xf32>
      %swap3A_1903 = arith.constant 2 : i32
      %swap3A_1904 = arith.index_cast %swap3A_1903 : i32 to index
      %swap3A_1905 = arith.constant 0 : index
      %swap3A_1906 = tpu.vector_load %arg14[%swap3A_1904, %swap3A_1905] {strides = array<i32>} : memref<128x16xf32, #tpu.memory_space<vmem>>, vector<16xf32>,
      tpu.vector_store %arg14[%swap3A_1904, %swap3A_1905], %mul3A_1902 {strides = array<i32>} : memref<128x16xf32, #tpu.memory_space<vmem>>, vector<16xf32>,
      %broadcast_in_dim3A_1907 = arith.constant 3 : i32
      %broadcast_in_dim3A_1908 = vector.broadcast %broadcast_in_dim3A_1907 : i32 to vector<16xi32>
      %gather3A_1909 = tpu.vector_load_idx %arg11[%broadcast_in_dim3A_1908] : memref<128xf32, #tpu.memory_space<vmem>>[vector<16xi32>], vector<16xf32>,
      %get3A_1910 = arith.constant 3 : i32
      %get3A_1911 = arith.index_cast %get3A_1910 : i32 to index
      %get3A_1912 = arith.constant 0 : index
      %get3A_1913 = tpu.vector_load %arg14[%get3A_1911, %get3A_1912] {strides = array<i32>} : memref<128x16xf32, #tpu.memory_space<vmem>>, vector<16xf32>,
      %mul3A_1914 = arith.mulf %get3A_1913, %gather3A_1909 : vector<16xf32>
      %swap3A_1915 = arith.constant 3 : i32
      %swap3A_1916 = arith.index_cast %swap3A_1915 : i32 to index
      %swap3A_1917 = arith.constant 0 : index
      %swap3A_1918 = tpu.vector_load %arg14[%swap3A_1916, %swap3A_1917] {strides = array<i32>} : memref<128x16xf32, #tpu.memory_space<vmem>>, vector<16xf32>,
      tpu.vector_store %arg14[%swap3A_1916, %swap3A_1917], %mul3A_1914 {strides = array<i32>} : memref<128x16xf32, #tpu.memory_space<vmem>>, vector<16xf32>,
      %broadcast_in_dim3A_1919 = arith.constant 4 : i32
      %broadcast_in_dim3A_1920 = vector.broadcast %broadcast_in_dim3A_1919 : i32 to vector<16xi32>
      %gather3A_1921 = tpu.vector_load_idx %arg11[%broadcast_in_dim3A_1920] : memref<128xf32, #tpu.memory_space<vmem>>[vector<16xi32>], vector<16xf32>,
      %get3A_1922 = arith.constant 4 : i32
      %get3A_1923 = arith.index_cast %get3A_1922 : i32 to index
      %get3A_1924 = arith.constant 0 : index
      %get3A_1925 = tpu.vector_load %arg14[%get3A_1923, %get3A_1924] {strides = array<i32>} : memref<128x16xf32, #tpu.memory_space<vmem>>, vector<16xf32>,
      %mul3A_1926 = arith.mulf %get3A_1925, %gather3A_1921 : vector<16xf32>
      %swap3A_1927 = arith.constant 4 : i32
      %swap3A_1928 = arith.index_cast %swap3A_1927 : i32 to index
      %swap3A_1929 = arith.constant 0 : index
      %swap3A_1930 = tpu.vector_load %arg14[%swap3A_1928, %swap3A_1929] {strides = array<i32>} : memref<128x16xf32, #tpu.memory_space<vmem>>, vector<16xf32>,
      tpu.vector_store %arg14[%swap3A_1928, %swap3A_1929], %mul3A_1926 {strides = array<i32>} : memref<128x16xf32, #tpu.memory_space<vmem>>, vector<16xf32>,
      %broadcast_in_dim3A_1931 = arith.constant 5 : i32
      %broadcast_in_dim3A_1932 = vector.broadcast %broadcast_in_dim3A_1931 : i32 to vector<16xi32>
      %gather3A_1933 = tpu.vector_load_idx %arg11[%broadcast_in_dim3A_1932] : memref<128xf32, #tpu.memory_space<vmem>>[vector<16xi32>], vector<16xf32>,
      %get3A_1934 = arith.constant 5 : i32
      %get3A_1935 = arith.index_cast %get3A_1934 : i32 to index
      %get3A_1936 = arith.constant 0 : index
      %get3A_1937 = tpu.vector_load %arg14[%get3A_1935, %get3A_1936] {strides = array<i32>} : memref<128x16xf32, #tpu.memory_space<vmem>>, vector<16xf32>,
      %mul3A_1938 = arith.mulf %get3A_1937, %gather3A_1933 : vector<16xf32>
      %swap3A_1939 = arith.constant 5 : i32
      %swap3A_1940 = arith.index_cast %swap3A_1939 : i32 to index
      %swap3A_1941 = arith.constant 0 : index
      %swap3A_1942 = tpu.vector_load %arg14[%swap3A_1940, %swap3A_1941] {strides = array<i32>} : memref<128x16xf32, #tpu.memory_space<vmem>>, vector<16xf32>,
      tpu.vector_store %arg14[%swap3A_1940, %swap3A_1941], %mul3A_1938 {strides = array<i32>} : memref<128x16xf32, #tpu.memory_space<vmem>>, vector<16xf32>,
      %broadcast_in_dim3A_1943 = arith.constant 6 : i32
      %broadcast_in_dim3A_1944 = vector.broadcast %broadcast_in_dim3A_1943 : i32 to vector<16xi32>
      %gather3A_1945 = tpu.vector_load_idx %arg11[%broadcast_in_dim3A_1944] : memref<128xf32, #tpu.memory_space<vmem>>[vector<16xi32>], vector<16xf32>,
      %get3A_1946 = arith.constant 6 : i32
      %get3A_1947 = arith.index_cast %get3A_1946 : i32 to index
      %get3A_1948 = arith.constant 0 : index
      %get3A_1949 = tpu.vector_load %arg14[%get3A_1947, %get3A_1948] {strides = array<i32>} : memref<128x16xf32, #tpu.memory_space<vmem>>, vector<16xf32>,
      %mul3A_1950 = arith.mulf %get3A_1949, %gather3A_1945 : vector<16xf32>
      %swap3A_1951 = arith.constant 6 : i32
      %swap3A_1952 = arith.index_cast %swap3A_1951 : i32 to index
      %swap3A_1953 = arith.constant 0 : index
      %swap3A_1954 = tpu.vector_load %arg14[%swap3A_1952, %swap3A_1953] {strides = array<i32>} : memref<128x16xf32, #tpu.memory_space<vmem>>, vector<16xf32>,
      tpu.vector_store %arg14[%swap3A_1952, %swap3A_1953], %mul3A_1950 {strides = array<i32>} : memref<128x16xf32, #tpu.memory_space<vmem>>, vector<16xf32>,
      %broadcast_in_dim3A_1955 = arith.constant 7 : i32
      %broadcast_in_dim3A_1956 = vector.broadcast %broadcast_in_dim3A_1955 : i32 to vector<16xi32>
      %gather3A_1957 = tpu.vector_load_idx %arg11[%broadcast_in_dim3A_1956] : memref<128xf32, #tpu.memory_space<vmem>>[vector<16xi32>], vector<16xf32>,
      %get3A_1958 = arith.constant 7 : i32
      %get3A_1959 = arith.index_cast %get3A_1958 : i32 to index
      %get3A_1960 = arith.constant 0 : index
      %get3A_1961 = tpu.vector_load %arg14[%get3A_1959, %get3A_1960] {strides = array<i32>} : memref<128x16xf32, #tpu.memory_space<vmem>>, vector<16xf32>,
      %mul3A_1962 = arith.mulf %get3A_1961, %gather3A_1957 : vector<16xf32>
      %swap3A_1963 = arith.constant 7 : i32
      %swap3A_1964 = arith.index_cast %swap3A_1963 : i32 to index
      %swap3A_1965 = arith.constant 0 : index
      %swap3A_1966 = tpu.vector_load %arg14[%swap3A_1964, %swap3A_1965] {strides = array<i32>} : memref<128x16xf32, #tpu.memory_space<vmem>>, vector<16xf32>,
      tpu.vector_store %arg14[%swap3A_1964, %swap3A_1965], %mul3A_1962 {strides = array<i32>} : memref<128x16xf32, #tpu.memory_space<vmem>>, vector<16xf32>,
      %broadcast_in_dim3A_1967 = arith.constant 8 : i32
      %broadcast_in_dim3A_1968 = vector.broadcast %broadcast_in_dim3A_1967 : i32 to vector<16xi32>
      %gather3A_1969 = tpu.vector_load_idx %arg11[%broadcast_in_dim3A_1968] : memref<128xf32, #tpu.memory_space<vmem>>[vector<16xi32>], vector<16xf32>,
      %get3A_1970 = arith.constant 8 : i32
      %get3A_1971 = arith.index_cast %get3A_1970 : i32 to index
      %get3A_1972 = arith.constant 0 : index
      %get3A_1973 = tpu.vector_load %arg14[%get3A_1971, %get3A_1972] {strides = array<i32>} : memref<128x16xf32, #tpu.memory_space<vmem>>, vector<16xf32>,
      %mul3A_1974 = arith.mulf %get3A_1973, %gather3A_1969 : vector<16xf32>
      %swap3A_1975 = arith.constant 8 : i32
      %swap3A_1976 = arith.index_cast %swap3A_1975 : i32 to index
      %swap3A_1977 = arith.constant 0 : index
      %swap3A_1978 = tpu.vector_load %arg14[%swap3A_1976, %swap3A_1977] {strides = array<i32>} : memref<128x16xf32, #tpu.memory_space<vmem>>, vector<16xf32>,
      tpu.vector_store %arg14[%swap3A_1976, %swap3A_1977], %mul3A_1974 {strides = array<i32>} : memref<128x16xf32, #tpu.memory_space<vmem>>, vector<16xf32>,
      %broadcast_in_dim3A_1979 = arith.constant 9 : i32
      %broadcast_in_dim3A_1980 = vector.broadcast %broadcast_in_dim3A_1979 : i32 to vector<16xi32>
      %gather3A_1981 = tpu.vector_load_idx %arg11[%broadcast_in_dim3A_1980] : memref<128xf32, #tpu.memory_space<vmem>>[vector<16xi32>], vector<16xf32>,
      %get3A_1982 = arith.constant 9 : i32
      %get3A_1983 = arith.index_cast %get3A_1982 : i32 to index
      %get3A_1984 = arith.constant 0 : index
      %get3A_1985 = tpu.vector_load %arg14[%get3A_1983, %get3A_1984] {strides = array<i32>} : memref<128x16xf32, #tpu.memory_space<vmem>>, vector<16xf32>,
      %mul3A_1986 = arith.mulf %get3A_1985, %gather3A_1981 : vector<16xf32>
      %swap3A_1987 = arith.constant 9 : i32
      %swap3A_1988 = arith.index_cast %swap3A_1987 : i32 to index
      %swap3A_1989 = arith.constant 0 : index
      %swap3A_1990 = tpu.vector_load %arg14[%swap3A_1988, %swap3A_1989] {strides = array<i32>} : memref<128x16xf32, #tpu.memory_space<vmem>>, vector<16xf32>,
      tpu.vector_store %arg14[%swap3A_1988, %swap3A_1989], %mul3A_1986 {strides = array<i32>} : memref<128x16xf32, #tpu.memory_space<vmem>>, vector<16xf32>,
      %broadcast_in_dim3A_1991 = arith.constant 10 : i32
      %broadcast_in_dim3A_1992 = vector.broadcast %broadcast_in_dim3A_1991 : i32 to vector<16xi32>
      %gather3A_1993 = tpu.vector_load_idx %arg11[%broadcast_in_dim3A_1992] : memref<128xf32, #tpu.memory_space<vmem>>[vector<16xi32>], vector<16xf32>,
      %get3A_1994 = arith.constant 10 : i32
      %get3A_1995 = arith.index_cast %get3A_1994 : i32 to index
      %get3A_1996 = arith.constant 0 : index
      %get3A_1997 = tpu.vector_load %arg14[%get3A_1995, %get3A_1996] {strides = array<i32>} : memref<128x16xf32, #tpu.memory_space<vmem>>, vector<16xf32>,
      %mul3A_1998 = arith.mulf %get3A_1997, %gather3A_1993 : vector<16xf32>
      %swap3A_1999 = arith.constant 10 : i32
      %swap3A_2000 = arith.index_cast %swap3A_1999 : i32 to index
      %swap3A_2001 = arith.constant 0 : index
      %swap3A_2002 = tpu.vector_load %arg14[%swap3A_2000, %swap3A_2001] {strides = array<i32>} : memref<128x16xf32, #tpu.memory_space<vmem>>, vector<16xf32>,
      tpu.vector_store %arg14[%swap3A_2000, %swap3A_2001], %mul3A_1998 {strides = array<i32>} : memref<128x16xf32, #tpu.memory_space<vmem>>, vector<16xf32>,
      %broadcast_in_dim3A_2003 = arith.constant 11 : i32
      %broadcast_in_dim3A_2004 = vector.broadcast %broadcast_in_dim3A_2003 : i32 to vector<16xi32>
      %gather3A_2005 = tpu.vector_load_idx %arg11[%broadcast_in_dim3A_2004] : memref<128xf32, #tpu.memory_space<vmem>>[vector<16xi32>], vector<16xf32>,
      %get3A_2006 = arith.constant 11 : i32
      %get3A_2007 = arith.index_cast %get3A_2006 : i32 to index
      %get3A_2008 = arith.constant 0 : index
      %get3A_2009 = tpu.vector_load %arg14[%get3A_2007, %get3A_2008] {strides = array<i32>} : memref<128x16xf32, #tpu.memory_space<vmem>>, vector<16xf32>,
      %mul3A_2010 = arith.mulf %get3A_2009, %gather3A_2005 : vector<16xf32>
      %swap3A_2011 = arith.constant 11 : i32
      %swap3A_2012 = arith.index_cast %swap3A_2011 : i32 to index
      %swap3A_2013 = arith.constant 0 : index
      %swap3A_2014 = tpu.vector_load %arg14[%swap3A_2012, %swap3A_2013] {strides = array<i32>} : memref<128x16xf32, #tpu.memory_space<vmem>>, vector<16xf32>,
      tpu.vector_store %arg14[%swap3A_2012, %swap3A_2013], %mul3A_2010 {strides = array<i32>} : memref<128x16xf32, #tpu.memory_space<vmem>>, vector<16xf32>,
      %broadcast_in_dim3A_2015 = arith.constant 12 : i32
      %broadcast_in_dim3A_2016 = vector.broadcast %broadcast_in_dim3A_2015 : i32 to vector<16xi32>
      %gather3A_2017 = tpu.vector_load_idx %arg11[%broadcast_in_dim3A_2016] : memref<128xf32, #tpu.memory_space<vmem>>[vector<16xi32>], vector<16xf32>,
      %get3A_2018 = arith.constant 12 : i32
      %get3A_2019 = arith.index_cast %get3A_2018 : i32 to index
      %get3A_2020 = arith.constant 0 : index
      %get3A_2021 = tpu.vector_load %arg14[%get3A_2019, %get3A_2020] {strides = array<i32>} : memref<128x16xf32, #tpu.memory_space<vmem>>, vector<16xf32>,
      %mul3A_2022 = arith.mulf %get3A_2021, %gather3A_2017 : vector<16xf32>
      %swap3A_2023 = arith.constant 12 : i32
      %swap3A_2024 = arith.index_cast %swap3A_2023 : i32 to index
      %swap3A_2025 = arith.constant 0 : index
      %swap3A_2026 = tpu.vector_load %arg14[%swap3A_2024, %swap3A_2025] {strides = array<i32>} : memref<128x16xf32, #tpu.memory_space<vmem>>, vector<16xf32>,
      tpu.vector_store %arg14[%swap3A_2024, %swap3A_2025], %mul3A_2022 {strides = array<i32>} : memref<128x16xf32, #tpu.memory_space<vmem>>, vector<16xf32>,
      %broadcast_in_dim3A_2027 = arith.constant 13 : i32
      %broadcast_in_dim3A_2028 = vector.broadcast %broadcast_in_dim3A_2027 : i32 to vector<16xi32>
      %gather3A_2029 = tpu.vector_load_idx %arg11[%broadcast_in_dim3A_2028] : memref<128xf32, #tpu.memory_space<vmem>>[vector<16xi32>], vector<16xf32>,
      %get3A_2030 = arith.constant 13 : i32
      %get3A_2031 = arith.index_cast %get3A_2030 : i32 to index
      %get3A_2032 = arith.constant 0 : index
      %get3A_2033 = tpu.vector_load %arg14[%get3A_2031, %get3A_2032] {strides = array<i32>} : memref<128x16xf32, #tpu.memory_space<vmem>>, vector<16xf32>,
      %mul3A_2034 = arith.mulf %get3A_2033, %gather3A_2029 : vector<16xf32>
      %swap3A_2035 = arith.constant 13 : i32
      %swap3A_2036 = arith.index_cast %swap3A_2035 : i32 to index
      %swap3A_2037 = arith.constant 0 : index
      %swap3A_2038 = tpu.vector_load %arg14[%swap3A_2036, %swap3A_2037] {strides = array<i32>} : memref<128x16xf32, #tpu.memory_space<vmem>>, vector<16xf32>,
      tpu.vector_store %arg14[%swap3A_2036, %swap3A_2037], %mul3A_2034 {strides = array<i32>} : memref<128x16xf32, #tpu.memory_space<vmem>>, vector<16xf32>,
      %broadcast_in_dim3A_2039 = arith.constant 14 : i32
      %broadcast_in_dim3A_2040 = vector.broadcast %broadcast_in_dim3A_2039 : i32 to vector<16xi32>
      %gather3A_2041 = tpu.vector_load_idx %arg11[%broadcast_in_dim3A_2040] : memref<128xf32, #tpu.memory_space<vmem>>[vector<16xi32>], vector<16xf32>,
      %get3A_2042 = arith.constant 14 : i32
      %get3A_2043 = arith.index_cast %get3A_2042 : i32 to index
      %get3A_2044 = arith.constant 0 : index
      %get3A_2045 = tpu.vector_load %arg14[%get3A_2043, %get3A_2044] {strides = array<i32>} : memref<128x16xf32, #tpu.memory_space<vmem>>, vector<16xf32>,
      %mul3A_2046 = arith.mulf %get3A_2045, %gather3A_2041 : vector<16xf32>
      %swap3A_2047 = arith.constant 14 : i32
      %swap3A_2048 = arith.index_cast %swap3A_2047 : i32 to index
      %swap3A_2049 = arith.constant 0 : index
      %swap3A_2050 = tpu.vector_load %arg14[%swap3A_2048, %swap3A_2049] {strides = array<i32>} : memref<128x16xf32, #tpu.memory_space<vmem>>, vector<16xf32>,
      tpu.vector_store %arg14[%swap3A_2048, %swap3A_2049], %mul3A_2046 {strides = array<i32>} : memref<128x16xf32, #tpu.memory_space<vmem>>, vector<16xf32>,
      %broadcast_in_dim3A_2051 = arith.constant 15 : i32
      %broadcast_in_dim3A_2052 = vector.broadcast %broadcast_in_dim3A_2051 : i32 to vector<16xi32>
      %gather3A_2053 = tpu.vector_load_idx %arg11[%broadcast_in_dim3A_2052] : memref<128xf32, #tpu.memory_space<vmem>>[vector<16xi32>], vector<16xf32>,
      %get3A_2054 = arith.constant 15 : i32
      %get3A_2055 = arith.index_cast %get3A_2054 : i32 to index
      %get3A_2056 = arith.constant 0 : index
      %get3A_2057 = tpu.vector_load %arg14[%get3A_2055, %get3A_2056] {strides = array<i32>} : memref<128x16xf32, #tpu.memory_space<vmem>>, vector<16xf32>,
      %mul3A_2058 = arith.mulf %get3A_2057, %gather3A_2053 : vector<16xf32>
      %swap3A_2059 = arith.constant 15 : i32
      %swap3A_2060 = arith.index_cast %swap3A_2059 : i32 to index
      %swap3A_2061 = arith.constant 0 : index
      %swap3A_2062 = tpu.vector_load %arg14[%swap3A_2060, %swap3A_2061] {strides = array<i32>} : memref<128x16xf32, #tpu.memory_space<vmem>>, vector<16xf32>,
      tpu.vector_store %arg14[%swap3A_2060, %swap3A_2061], %mul3A_2058 {strides = array<i32>} : memref<128x16xf32, #tpu.memory_space<vmem>>, vector<16xf32>,
      %broadcast_in_dim3A_2063 = arith.constant 16 : i32
      %broadcast_in_dim3A_2064 = vector.broadcast %broadcast_in_dim3A_2063 : i32 to vector<16xi32>
      %gather3A_2065 = tpu.vector_load_idx %arg11[%broadcast_in_dim3A_2064] : memref<128xf32, #tpu.memory_space<vmem>>[vector<16xi32>], vector<16xf32>,
      %get3A_2066 = arith.constant 16 : i32
      %get3A_2067 = arith.index_cast %get3A_2066 : i32 to index
      %get3A_2068 = arith.constant 0 : index
      %get3A_2069 = tpu.vector_load %arg14[%get3A_2067, %get3A_2068] {strides = array<i32>} : memref<128x16xf32, #tpu.memory_space<vmem>>, vector<16xf32>,
      %mul3A_2070 = arith.mulf %get3A_2069, %gather3A_2065 : vector<16xf32>
      %swap3A_2071 = arith.constant 16 : i32
      %swap3A_2072 = arith.index_cast %swap3A_2071 : i32 to index
      %swap3A_2073 = arith.constant 0 : index
      %swap3A_2074 = tpu.vector_load %arg14[%swap3A_2072, %swap3A_2073] {strides = array<i32>} : memref<128x16xf32, #tpu.memory_space<vmem>>, vector<16xf32>,
      tpu.vector_store %arg14[%swap3A_2072, %swap3A_2073], %mul3A_2070 {strides = array<i32>} : memref<128x16xf32, #tpu.memory_space<vmem>>, vector<16xf32>,
      %broadcast_in_dim3A_2075 = arith.constant 17 : i32
      %broadcast_in_dim3A_2076 = vector.broadcast %broadcast_in_dim3A_2075 : i32 to vector<16xi32>
      %gather3A_2077 = tpu.vector_load_idx %arg11[%broadcast_in_dim3A_2076] : memref<128xf32, #tpu.memory_space<vmem>>[vector<16xi32>], vector<16xf32>,
      %get3A_2078 = arith.constant 17 : i32
      %get3A_2079 = arith.index_cast %get3A_2078 : i32 to index
      %get3A_2080 = arith.constant 0 : index
      %get3A_2081 = tpu.vector_load %arg14[%get3A_2079, %get3A_2080] {strides = array<i32>} : memref<128x16xf32, #tpu.memory_space<vmem>>, vector<16xf32>,
      %mul3A_2082 = arith.mulf %get3A_2081, %gather3A_2077 : vector<16xf32>
      %swap3A_2083 = arith.constant 17 : i32
      %swap3A_2084 = arith.index_cast %swap3A_2083 : i32 to index
      %swap3A_2085 = arith.constant 0 : index
      %swap3A_2086 = tpu.vector_load %arg14[%swap3A_2084, %swap3A_2085] {strides = array<i32>} : memref<128x16xf32, #tpu.memory_space<vmem>>, vector<16xf32>,
      tpu.vector_store %arg14[%swap3A_2084, %swap3A_2085], %mul3A_2082 {strides = array<i32>} : memref<128x16xf32, #tpu.memory_space<vmem>>, vector<16xf32>,
      %broadcast_in_dim3A_2087 = arith.constant 18 : i32
      %broadcast_in_dim3A_2088 = vector.broadcast %broadcast_in_dim3A_2087 : i32 to vector<16xi32>
      %gather3A_2089 = tpu.vector_load_idx %arg11[%broadcast_in_dim3A_2088] : memref<128xf32, #tpu.memory_space<vmem>>[vector<16xi32>], vector<16xf32>,
      %get3A_2090 = arith.constant 18 : i32
      %get3A_2091 = arith.index_cast %get3A_2090 : i32 to index
      %get3A_2092 = arith.constant 0 : index
      %get3A_2093 = tpu.vector_load %arg14[%get3A_2091, %get3A_2092] {strides = array<i32>} : memref<128x16xf32, #tpu.memory_space<vmem>>, vector<16xf32>,
      %mul3A_2094 = arith.mulf %get3A_2093, %gather3A_2089 : vector<16xf32>
      %swap3A_2095 = arith.constant 18 : i32
      %swap3A_2096 = arith.index_cast %swap3A_2095 : i32 to index
      %swap3A_2097 = arith.constant 0 : index
      %swap3A_2098 = tpu.vector_load %arg14[%swap3A_2096, %swap3A_2097] {strides = array<i32>} : memref<128x16xf32, #tpu.memory_space<vmem>>, vector<16xf32>,
      tpu.vector_store %arg14[%swap3A_2096, %swap3A_2097], %mul3A_2094 {strides = array<i32>} : memref<128x16xf32, #tpu.memory_space<vmem>>, vector<16xf32>,
      %broadcast_in_dim3A_2099 = arith.constant 19 : i32
      %broadcast_in_dim3A_2100 = vector.broadcast %broadcast_in_dim3A_2099 : i32 to vector<16xi32>
      %gather3A_2101 = tpu.vector_load_idx %arg11[%broadcast_in_dim3A_2100] : memref<128xf32, #tpu.memory_space<vmem>>[vector<16xi32>], vector<16xf32>,
      %get3A_2102 = arith.constant 19 : i32
      %get3A_2103 = arith.index_cast %get3A_2102 : i32 to index
      %get3A_2104 = arith.constant 0 : index
      %get3A_2105 = tpu.vector_load %arg14[%get3A_2103, %get3A_2104] {strides = array<i32>} : memref<128x16xf32, #tpu.memory_space<vmem>>, vector<16xf32>,
      %mul3A_2106 = arith.mulf %get3A_2105, %gather3A_2101 : vector<16xf32>
      %swap3A_2107 = arith.constant 19 : i32
      %swap3A_2108 = arith.index_cast %swap3A_2107 : i32 to index
      %swap3A_2109 = arith.constant 0 : index
      %swap3A_2110 = tpu.vector_load %arg14[%swap3A_2108, %swap3A_2109] {strides = array<i32>} : memref<128x16xf32, #tpu.memory_space<vmem>>, vector<16xf32>,
      tpu.vector_store %arg14[%swap3A_2108, %swap3A_2109], %mul3A_2106 {strides = array<i32>} : memref<128x16xf32, #tpu.memory_space<vmem>>, vector<16xf32>,
      %broadcast_in_dim3A_2111 = arith.constant 20 : i32
      %broadcast_in_dim3A_2112 = vector.broadcast %broadcast_in_dim3A_2111 : i32 to vector<16xi32>
      %gather3A_2113 = tpu.vector_load_idx %arg11[%broadcast_in_dim3A_2112] : memref<128xf32, #tpu.memory_space<vmem>>[vector<16xi32>], vector<16xf32>,
      %get3A_2114 = arith.constant 20 : i32
      %get3A_2115 = arith.index_cast %get3A_2114 : i32 to index
      %get3A_2116 = arith.constant 0 : index
      %get3A_2117 = tpu.vector_load %arg14[%get3A_2115, %get3A_2116] {strides = array<i32>} : memref<128x16xf32, #tpu.memory_space<vmem>>, vector<16xf32>,
      %mul3A_2118 = arith.mulf %get3A_2117, %gather3A_2113 : vector<16xf32>
      %swap3A_2119 = arith.constant 20 : i32
      %swap3A_2120 = arith.index_cast %swap3A_2119 : i32 to index
      %swap3A_2121 = arith.constant 0 : index
      %swap3A_2122 = tpu.vector_load %arg14[%swap3A_2120, %swap3A_2121] {strides = array<i32>} : memref<128x16xf32, #tpu.memory_space<vmem>>, vector<16xf32>,
      tpu.vector_store %arg14[%swap3A_2120, %swap3A_2121], %mul3A_2118 {strides = array<i32>} : memref<128x16xf32, #tpu.memory_space<vmem>>, vector<16xf32>,
      %broadcast_in_dim3A_2123 = arith.constant 21 : i32
      %broadcast_in_dim3A_2124 = vector.broadcast %broadcast_in_dim3A_2123 : i32 to vector<16xi32>
      %gather3A_2125 = tpu.vector_load_idx %arg11[%broadcast_in_dim3A_2124] : memref<128xf32, #tpu.memory_space<vmem>>[vector<16xi32>], vector<16xf32>,
      %get3A_2126 = arith.constant 21 : i32
      %get3A_2127 = arith.index_cast %get3A_2126 : i32 to index
      %get3A_2128 = arith.constant 0 : index
      %get3A_2129 = tpu.vector_load %arg14[%get3A_2127, %get3A_2128] {strides = array<i32>} : memref<128x16xf32, #tpu.memory_space<vmem>>, vector<16xf32>,
      %mul3A_2130 = arith.mulf %get3A_2129, %gather3A_2125 : vector<16xf32>
      %swap3A_2131 = arith.constant 21 : i32
      %swap3A_2132 = arith.index_cast %swap3A_2131 : i32 to index
      %swap3A_2133 = arith.constant 0 : index
      %swap3A_2134 = tpu.vector_load %arg14[%swap3A_2132, %swap3A_2133] {strides = array<i32>} : memref<128x16xf32, #tpu.memory_space<vmem>>, vector<16xf32>,
      tpu.vector_store %arg14[%swap3A_2132, %swap3A_2133], %mul3A_2130 {strides = array<i32>} : memref<128x16xf32, #tpu.memory_space<vmem>>, vector<16xf32>,
      %broadcast_in_dim3A_2135 = arith.constant 22 : i32
      %broadcast_in_dim3A_2136 = vector.broadcast %broadcast_in_dim3A_2135 : i32 to vector<16xi32>
      %gather3A_2137 = tpu.vector_load_idx %arg11[%broadcast_in_dim3A_2136] : memref<128xf32, #tpu.memory_space<vmem>>[vector<16xi32>], vector<16xf32>,
      %get3A_2138 = arith.constant 22 : i32
      %get3A_2139 = arith.index_cast %get3A_2138 : i32 to index
      %get3A_2140 = arith.constant 0 : index
      %get3A_2141 = tpu.vector_load %arg14[%get3A_2139, %get3A_2140] {strides = array<i32>} : memref<128x16xf32, #tpu.memory_space<vmem>>, vector<16xf32>,
      %mul3A_2142 = arith.mulf %get3A_2141, %gather3A_2137 : vector<16xf32>
      %swap3A_2143 = arith.constant 22 : i32
      %swap3A_2144 = arith.index_cast %swap3A_2143 : i32 to index
      %swap3A_2145 = arith.constant 0 : index
      %swap3A_2146 = tpu.vector_load %arg14[%swap3A_2144, %swap3A_2145] {strides = array<i32>} : memref<128x16xf32, #tpu.memory_space<vmem>>, vector<16xf32>,
      tpu.vector_store %arg14[%swap3A_2144, %swap3A_2145], %mul3A_2142 {strides = array<i32>} : memref<128x16xf32, #tpu.memory_space<vmem>>, vector<16xf32>,
      %broadcast_in_dim3A_2147 = arith.constant 23 : i32
      %broadcast_in_dim3A_2148 = vector.broadcast %broadcast_in_dim3A_2147 : i32 to vector<16xi32>
      %gather3A_2149 = tpu.vector_load_idx %arg11[%broadcast_in_dim3A_2148] : memref<128xf32, #tpu.memory_space<vmem>>[vector<16xi32>], vector<16xf32>,
      %get3A_2150 = arith.constant 23 : i32
      %get3A_2151 = arith.index_cast %get3A_2150 : i32 to index
      %get3A_2152 = arith.constant 0 : index
      %get3A_2153 = tpu.vector_load %arg14[%get3A_2151, %get3A_2152] {strides = array<i32>} : memref<128x16xf32, #tpu.memory_space<vmem>>, vector<16xf32>,
      %mul3A_2154 = arith.mulf %get3A_2153, %gather3A_2149 : vector<16xf32>
      %swap3A_2155 = arith.constant 23 : i32
      %swap3A_2156 = arith.index_cast %swap3A_2155 : i32 to index
      %swap3A_2157 = arith.constant 0 : index
      %swap3A_2158 = tpu.vector_load %arg14[%swap3A_2156, %swap3A_2157] {strides = array<i32>} : memref<128x16xf32, #tpu.memory_space<vmem>>, vector<16xf32>,
      tpu.vector_store %arg14[%swap3A_2156, %swap3A_2157], %mul3A_2154 {strides = array<i32>} : memref<128x16xf32, #tpu.memory_space<vmem>>, vector<16xf32>,
      %broadcast_in_dim3A_2159 = arith.constant 24 : i32
      %broadcast_in_dim3A_2160 = vector.broadcast %broadcast_in_dim3A_2159 : i32 to vector<16xi32>
      %gather3A_2161 = tpu.vector_load_idx %arg11[%broadcast_in_dim3A_2160] : memref<128xf32, #tpu.memory_space<vmem>>[vector<16xi32>], vector<16xf32>,
      %get3A_2162 = arith.constant 24 : i32
      %get3A_2163 = arith.index_cast %get3A_2162 : i32 to index
      %get3A_2164 = arith.constant 0 : index
      %get3A_2165 = tpu.vector_load %arg14[%get3A_2163, %get3A_2164] {strides = array<i32>} : memref<128x16xf32, #tpu.memory_space<vmem>>, vector<16xf32>,
      %mul3A_2166 = arith.mulf %get3A_2165, %gather3A_2161 : vector<16xf32>
      %swap3A_2167 = arith.constant 24 : i32
      %swap3A_2168 = arith.index_cast %swap3A_2167 : i32 to index
      %swap3A_2169 = arith.constant 0 : index
      %swap3A_2170 = tpu.vector_load %arg14[%swap3A_2168, %swap3A_2169] {strides = array<i32>} : memref<128x16xf32, #tpu.memory_space<vmem>>, vector<16xf32>,
      tpu.vector_store %arg14[%swap3A_2168, %swap3A_2169], %mul3A_2166 {strides = array<i32>} : memref<128x16xf32, #tpu.memory_space<vmem>>, vector<16xf32>,
      %broadcast_in_dim3A_2171 = arith.constant 25 : i32
      %broadcast_in_dim3A_2172 = vector.broadcast %broadcast_in_dim3A_2171 : i32 to vector<16xi32>
      %gather3A_2173 = tpu.vector_load_idx %arg11[%broadcast_in_dim3A_2172] : memref<128xf32, #tpu.memory_space<vmem>>[vector<16xi32>], vector<16xf32>,
      %get3A_2174 = arith.constant 25 : i32
      %get3A_2175 = arith.index_cast %get3A_2174 : i32 to index
      %get3A_2176 = arith.constant 0 : index
      %get3A_2177 = tpu.vector_load %arg14[%get3A_2175, %get3A_2176] {strides = array<i32>} : memref<128x16xf32, #tpu.memory_space<vmem>>, vector<16xf32>,
      %mul3A_2178 = arith.mulf %get3A_2177, %gather3A_2173 : vector<16xf32>
      %swap3A_2179 = arith.constant 25 : i32
      %swap3A_2180 = arith.index_cast %swap3A_2179 : i32 to index
      %swap3A_2181 = arith.constant 0 : index
      %swap3A_2182 = tpu.vector_load %arg14[%swap3A_2180, %swap3A_2181] {strides = array<i32>} : memref<128x16xf32, #tpu.memory_space<vmem>>, vector<16xf32>,
      tpu.vector_store %arg14[%swap3A_2180, %swap3A_2181], %mul3A_2178 {strides = array<i32>} : memref<128x16xf32, #tpu.memory_space<vmem>>, vector<16xf32>,
      %broadcast_in_dim3A_2183 = arith.constant 26 : i32
      %broadcast_in_dim3A_2184 = vector.broadcast %broadcast_in_dim3A_2183 : i32 to vector<16xi32>
      %gather3A_2185 = tpu.vector_load_idx %arg11[%broadcast_in_dim3A_2184] : memref<128xf32, #tpu.memory_space<vmem>>[vector<16xi32>], vector<16xf32>,
      %get3A_2186 = arith.constant 26 : i32
      %get3A_2187 = arith.index_cast %get3A_2186 : i32 to index
      %get3A_2188 = arith.constant 0 : index
      %get3A_2189 = tpu.vector_load %arg14[%get3A_2187, %get3A_2188] {strides = array<i32>} : memref<128x16xf32, #tpu.memory_space<vmem>>, vector<16xf32>,
      %mul3A_2190 = arith.mulf %get3A_2189, %gather3A_2185 : vector<16xf32>
      %swap3A_2191 = arith.constant 26 : i32
      %swap3A_2192 = arith.index_cast %swap3A_2191 : i32 to index
      %swap3A_2193 = arith.constant 0 : index
      %swap3A_2194 = tpu.vector_load %arg14[%swap3A_2192, %swap3A_2193] {strides = array<i32>} : memref<128x16xf32, #tpu.memory_space<vmem>>, vector<16xf32>,
      tpu.vector_store %arg14[%swap3A_2192, %swap3A_2193], %mul3A_2190 {strides = array<i32>} : memref<128x16xf32, #tpu.memory_space<vmem>>, vector<16xf32>,
      %broadcast_in_dim3A_2195 = arith.constant 27 : i32
      %broadcast_in_dim3A_2196 = vector.broadcast %broadcast_in_dim3A_2195 : i32 to vector<16xi32>
      %gather3A_2197 = tpu.vector_load_idx %arg11[%broadcast_in_dim3A_2196] : memref<128xf32, #tpu.memory_space<vmem>>[vector<16xi32>], vector<16xf32>,
      %get3A_2198 = arith.constant 27 : i32
      %get3A_2199 = arith.index_cast %get3A_2198 : i32 to index
      %get3A_2200 = arith.constant 0 : index
      %get3A_2201 = tpu.vector_load %arg14[%get3A_2199, %get3A_2200] {strides = array<i32>} : memref<128x16xf32, #tpu.memory_space<vmem>>, vector<16xf32>,
      %mul3A_2202 = arith.mulf %get3A_2201, %gather3A_2197 : vector<16xf32>
      %swap3A_2203 = arith.constant 27 : i32
      %swap3A_2204 = arith.index_cast %swap3A_2203 : i32 to index
      %swap3A_2205 = arith.constant 0 : index
      %swap3A_2206 = tpu.vector_load %arg14[%swap3A_2204, %swap3A_2205] {strides = array<i32>} : memref<128x16xf32, #tpu.memory_space<vmem>>, vector<16xf32>,
      tpu.vector_store %arg14[%swap3A_2204, %swap3A_2205], %mul3A_2202 {strides = array<i32>} : memref<128x16xf32, #tpu.memory_space<vmem>>, vector<16xf32>,
      %broadcast_in_dim3A_2207 = arith.constant 28 : i32
      %broadcast_in_dim3A_2208 = vector.broadcast %broadcast_in_dim3A_2207 : i32 to vector<16xi32>
      %gather3A_2209 = tpu.vector_load_idx %arg11[%broadcast_in_dim3A_2208] : memref<128xf32, #tpu.memory_space<vmem>>[vector<16xi32>], vector<16xf32>,
      %get3A_2210 = arith.constant 28 : i32
      %get3A_2211 = arith.index_cast %get3A_2210 : i32 to index
      %get3A_2212 = arith.constant 0 : index
      %get3A_2213 = tpu.vector_load %arg14[%get3A_2211, %get3A_2212] {strides = array<i32>} : memref<128x16xf32, #tpu.memory_space<vmem>>, vector<16xf32>,
      %mul3A_2214 = arith.mulf %get3A_2213, %gather3A_2209 : vector<16xf32>
      %swap3A_2215 = arith.constant 28 : i32
      %swap3A_2216 = arith.index_cast %swap3A_2215 : i32 to index
      %swap3A_2217 = arith.constant 0 : index
      %swap3A_2218 = tpu.vector_load %arg14[%swap3A_2216, %swap3A_2217] {strides = array<i32>} : memref<128x16xf32, #tpu.memory_space<vmem>>, vector<16xf32>,
      tpu.vector_store %arg14[%swap3A_2216, %swap3A_2217], %mul3A_2214 {strides = array<i32>} : memref<128x16xf32, #tpu.memory_space<vmem>>, vector<16xf32>,
      %broadcast_in_dim3A_2219 = arith.constant 29 : i32
      %broadcast_in_dim3A_2220 = vector.broadcast %broadcast_in_dim3A_2219 : i32 to vector<16xi32>
      %gather3A_2221 = tpu.vector_load_idx %arg11[%broadcast_in_dim3A_2220] : memref<128xf32, #tpu.memory_space<vmem>>[vector<16xi32>], vector<16xf32>,
      %get3A_2222 = arith.constant 29 : i32
      %get3A_2223 = arith.index_cast %get3A_2222 : i32 to index
      %get3A_2224 = arith.constant 0 : index
      %get3A_2225 = tpu.vector_load %arg14[%get3A_2223, %get3A_2224] {strides = array<i32>} : memref<128x16xf32, #tpu.memory_space<vmem>>, vector<16xf32>,
      %mul3A_2226 = arith.mulf %get3A_2225, %gather3A_2221 : vector<16xf32>
      %swap3A_2227 = arith.constant 29 : i32
      %swap3A_2228 = arith.index_cast %swap3A_2227 : i32 to index
      %swap3A_2229 = arith.constant 0 : index
      %swap3A_2230 = tpu.vector_load %arg14[%swap3A_2228, %swap3A_2229] {strides = array<i32>} : memref<128x16xf32, #tpu.memory_space<vmem>>, vector<16xf32>,
      tpu.vector_store %arg14[%swap3A_2228, %swap3A_2229], %mul3A_2226 {strides = array<i32>} : memref<128x16xf32, #tpu.memory_space<vmem>>, vector<16xf32>,
      %broadcast_in_dim3A_2231 = arith.constant 30 : i32
      %broadcast_in_dim3A_2232 = vector.broadcast %broadcast_in_dim3A_2231 : i32 to vector<16xi32>
      %gather3A_2233 = tpu.vector_load_idx %arg11[%broadcast_in_dim3A_2232] : memref<128xf32, #tpu.memory_space<vmem>>[vector<16xi32>], vector<16xf32>,
      %get3A_2234 = arith.constant 30 : i32
      %get3A_2235 = arith.index_cast %get3A_2234 : i32 to index
      %get3A_2236 = arith.constant 0 : index
      %get3A_2237 = tpu.vector_load %arg14[%get3A_2235, %get3A_2236] {strides = array<i32>} : memref<128x16xf32, #tpu.memory_space<vmem>>, vector<16xf32>,
      %mul3A_2238 = arith.mulf %get3A_2237, %gather3A_2233 : vector<16xf32>
      %swap3A_2239 = arith.constant 30 : i32
      %swap3A_2240 = arith.index_cast %swap3A_2239 : i32 to index
      %swap3A_2241 = arith.constant 0 : index
      %swap3A_2242 = tpu.vector_load %arg14[%swap3A_2240, %swap3A_2241] {strides = array<i32>} : memref<128x16xf32, #tpu.memory_space<vmem>>, vector<16xf32>,
      tpu.vector_store %arg14[%swap3A_2240, %swap3A_2241], %mul3A_2238 {strides = array<i32>} : memref<128x16xf32, #tpu.memory_space<vmem>>, vector<16xf32>,
      %broadcast_in_dim3A_2243 = arith.constant 31 : i32
      %broadcast_in_dim3A_2244 = vector.broadcast %broadcast_in_dim3A_2243 : i32 to vector<16xi32>
      %gather3A_2245 = tpu.vector_load_idx %arg11[%broadcast_in_dim3A_2244] : memref<128xf32, #tpu.memory_space<vmem>>[vector<16xi32>], vector<16xf32>,
      %get3A_2246 = arith.constant 31 : i32
      %get3A_2247 = arith.index_cast %get3A_2246 : i32 to index
      %get3A_2248 = arith.constant 0 : index
      %get3A_2249 = tpu.vector_load %arg14[%get3A_2247, %get3A_2248] {strides = array<i32>} : memref<128x16xf32, #tpu.memory_space<vmem>>, vector<16xf32>,
      %mul3A_2250 = arith.mulf %get3A_2249, %gather3A_2245 : vector<16xf32>
      %swap3A_2251 = arith.constant 31 : i32
      %swap3A_2252 = arith.index_cast %swap3A_2251 : i32 to index
      %swap3A_2253 = arith.constant 0 : index
      %swap3A_2254 = tpu.vector_load %arg14[%swap3A_2252, %swap3A_2253] {strides = array<i32>} : memref<128x16xf32, #tpu.memory_space<vmem>>, vector<16xf32>,
      tpu.vector_store %arg14[%swap3A_2252, %swap3A_2253], %mul3A_2250 {strides = array<i32>} : memref<128x16xf32, #tpu.memory_space<vmem>>, vector<16xf32>,
      %broadcast_in_dim3A_2255 = arith.constant 32 : i32
      %broadcast_in_dim3A_2256 = vector.broadcast %broadcast_in_dim3A_2255 : i32 to vector<16xi32>
      %gather3A_2257 = tpu.vector_load_idx %arg11[%broadcast_in_dim3A_2256] : memref<128xf32, #tpu.memory_space<vmem>>[vector<16xi32>], vector<16xf32>,
      %get3A_2258 = arith.constant 32 : i32
      %get3A_2259 = arith.index_cast %get3A_2258 : i32 to index
      %get3A_2260 = arith.constant 0 : index
      %get3A_2261 = tpu.vector_load %arg14[%get3A_2259, %get3A_2260] {strides = array<i32>} : memref<128x16xf32, #tpu.memory_space<vmem>>, vector<16xf32>,
      %mul3A_2262 = arith.mulf %get3A_2261, %gather3A_2257 : vector<16xf32>
      %swap3A_2263 = arith.constant 32 : i32
      %swap3A_2264 = arith.index_cast %swap3A_2263 : i32 to index
      %swap3A_2265 = arith.constant 0 : index
      %swap3A_2266 = tpu.vector_load %arg14[%swap3A_2264, %swap3A_2265] {strides = array<i32>} : memref<128x16xf32, #tpu.memory_space<vmem>>, vector<16xf32>,
      tpu.vector_store %arg14[%swap3A_2264, %swap3A_2265], %mul3A_2262 {strides = array<i32>} : memref<128x16xf32, #tpu.memory_space<vmem>>, vector<16xf32>,
      %broadcast_in_dim3A_2267 = arith.constant 33 : i32
      %broadcast_in_dim3A_2268 = vector.broadcast %broadcast_in_dim3A_2267 : i32 to vector<16xi32>
      %gather3A_2269 = tpu.vector_load_idx %arg11[%broadcast_in_dim3A_2268] : memref<128xf32, #tpu.memory_space<vmem>>[vector<16xi32>], vector<16xf32>,
      %get3A_2270 = arith.constant 33 : i32
      %get3A_2271 = arith.index_cast %get3A_2270 : i32 to index
      %get3A_2272 = arith.constant 0 : index
      %get3A_2273 = tpu.vector_load %arg14[%get3A_2271, %get3A_2272] {strides = array<i32>} : memref<128x16xf32, #tpu.memory_space<vmem>>, vector<16xf32>,
      %mul3A_2274 = arith.mulf %get3A_2273, %gather3A_2269 : vector<16xf32>
      %swap3A_2275 = arith.constant 33 : i32
      %swap3A_2276 = arith.index_cast %swap3A_2275 : i32 to index
      %swap3A_2277 = arith.constant 0 : index
      %swap3A_2278 = tpu.vector_load %arg14[%swap3A_2276, %swap3A_2277] {strides = array<i32>} : memref<128x16xf32, #tpu.memory_space<vmem>>, vector<16xf32>,
      tpu.vector_store %arg14[%swap3A_2276, %swap3A_2277], %mul3A_2274 {strides = array<i32>} : memref<128x16xf32, #tpu.memory_space<vmem>>, vector<16xf32>,
      %broadcast_in_dim3A_2279 = arith.constant 34 : i32
      %broadcast_in_dim3A_2280 = vector.broadcast %broadcast_in_dim3A_2279 : i32 to vector<16xi32>
      %gather3A_2281 = tpu.vector_load_idx %arg11[%broadcast_in_dim3A_2280] : memref<128xf32, #tpu.memory_space<vmem>>[vector<16xi32>], vector<16xf32>,
      %get3A_2282 = arith.constant 34 : i32
      %get3A_2283 = arith.index_cast %get3A_2282 : i32 to index
      %get3A_2284 = arith.constant 0 : index
      %get3A_2285 = tpu.vector_load %arg14[%get3A_2283, %get3A_2284] {strides = array<i32>} : memref<128x16xf32, #tpu.memory_space<vmem>>, vector<16xf32>,
      %mul3A_2286 = arith.mulf %get3A_2285, %gather3A_2281 : vector<16xf32>
      %swap3A_2287 = arith.constant 34 : i32
      %swap3A_2288 = arith.index_cast %swap3A_2287 : i32 to index
      %swap3A_2289 = arith.constant 0 : index
      %swap3A_2290 = tpu.vector_load %arg14[%swap3A_2288, %swap3A_2289] {strides = array<i32>} : memref<128x16xf32, #tpu.memory_space<vmem>>, vector<16xf32>,
      tpu.vector_store %arg14[%swap3A_2288, %swap3A_2289], %mul3A_2286 {strides = array<i32>} : memref<128x16xf32, #tpu.memory_space<vmem>>, vector<16xf32>,
      %broadcast_in_dim3A_2291 = arith.constant 35 : i32
      %broadcast_in_dim3A_2292 = vector.broadcast %broadcast_in_dim3A_2291 : i32 to vector<16xi32>
      %gather3A_2293 = tpu.vector_load_idx %arg11[%broadcast_in_dim3A_2292] : memref<128xf32, #tpu.memory_space<vmem>>[vector<16xi32>], vector<16xf32>,
      %get3A_2294 = arith.constant 35 : i32
      %get3A_2295 = arith.index_cast %get3A_2294 : i32 to index
      %get3A_2296 = arith.constant 0 : index
      %get3A_2297 = tpu.vector_load %arg14[%get3A_2295, %get3A_2296] {strides = array<i32>} : memref<128x16xf32, #tpu.memory_space<vmem>>, vector<16xf32>,
      %mul3A_2298 = arith.mulf %get3A_2297, %gather3A_2293 : vector<16xf32>
      %swap3A_2299 = arith.constant 35 : i32
      %swap3A_2300 = arith.index_cast %swap3A_2299 : i32 to index
      %swap3A_2301 = arith.constant 0 : index
      %swap3A_2302 = tpu.vector_load %arg14[%swap3A_2300, %swap3A_2301] {strides = array<i32>} : memref<128x16xf32, #tpu.memory_space<vmem>>, vector<16xf32>,
      tpu.vector_store %arg14[%swap3A_2300, %swap3A_2301], %mul3A_2298 {strides = array<i32>} : memref<128x16xf32, #tpu.memory_space<vmem>>, vector<16xf32>,
      %broadcast_in_dim3A_2303 = arith.constant 36 : i32
      %broadcast_in_dim3A_2304 = vector.broadcast %broadcast_in_dim3A_2303 : i32 to vector<16xi32>
      %gather3A_2305 = tpu.vector_load_idx %arg11[%broadcast_in_dim3A_2304] : memref<128xf32, #tpu.memory_space<vmem>>[vector<16xi32>], vector<16xf32>,
      %get3A_2306 = arith.constant 36 : i32
      %get3A_2307 = arith.index_cast %get3A_2306 : i32 to index
      %get3A_2308 = arith.constant 0 : index
      %get3A_2309 = tpu.vector_load %arg14[%get3A_2307, %get3A_2308] {strides = array<i32>} : memref<128x16xf32, #tpu.memory_space<vmem>>, vector<16xf32>,
      %mul3A_2310 = arith.mulf %get3A_2309, %gather3A_2305 : vector<16xf32>
      %swap3A_2311 = arith.constant 36 : i32
      %swap3A_2312 = arith.index_cast %swap3A_2311 : i32 to index
      %swap3A_2313 = arith.constant 0 : index
      %swap3A_2314 = tpu.vector_load %arg14[%swap3A_2312, %swap3A_2313] {strides = array<i32>} : memref<128x16xf32, #tpu.memory_space<vmem>>, vector<16xf32>,
      tpu.vector_store %arg14[%swap3A_2312, %swap3A_2313], %mul3A_2310 {strides = array<i32>} : memref<128x16xf32, #tpu.memory_space<vmem>>, vector<16xf32>,
      %broadcast_in_dim3A_2315 = arith.constant 37 : i32
      %broadcast_in_dim3A_2316 = vector.broadcast %broadcast_in_dim3A_2315 : i32 to vector<16xi32>
      %gather3A_2317 = tpu.vector_load_idx %arg11[%broadcast_in_dim3A_2316] : memref<128xf32, #tpu.memory_space<vmem>>[vector<16xi32>], vector<16xf32>,
      %get3A_2318 = arith.constant 37 : i32
      %get3A_2319 = arith.index_cast %get3A_2318 : i32 to index
      %get3A_2320 = arith.constant 0 : index
      %get3A_2321 = tpu.vector_load %arg14[%get3A_2319, %get3A_2320] {strides = array<i32>} : memref<128x16xf32, #tpu.memory_space<vmem>>, vector<16xf32>,
      %mul3A_2322 = arith.mulf %get3A_2321, %gather3A_2317 : vector<16xf32>
      %swap3A_2323 = arith.constant 37 : i32
      %swap3A_2324 = arith.index_cast %swap3A_2323 : i32 to index
      %swap3A_2325 = arith.constant 0 : index
      %swap3A_2326 = tpu.vector_load %arg14[%swap3A_2324, %swap3A_2325] {strides = array<i32>} : memref<128x16xf32, #tpu.memory_space<vmem>>, vector<16xf32>,
      tpu.vector_store %arg14[%swap3A_2324, %swap3A_2325], %mul3A_2322 {strides = array<i32>} : memref<128x16xf32, #tpu.memory_space<vmem>>, vector<16xf32>,
      %broadcast_in_dim3A_2327 = arith.constant 38 : i32
      %broadcast_in_dim3A_2328 = vector.broadcast %broadcast_in_dim3A_2327 : i32 to vector<16xi32>
      %gather3A_2329 = tpu.vector_load_idx %arg11[%broadcast_in_dim3A_2328] : memref<128xf32, #tpu.memory_space<vmem>>[vector<16xi32>], vector<16xf32>,
      %get3A_2330 = arith.constant 38 : i32
      %get3A_2331 = arith.index_cast %get3A_2330 : i32 to index
      %get3A_2332 = arith.constant 0 : index
      %get3A_2333 = tpu.vector_load %arg14[%get3A_2331, %get3A_2332] {strides = array<i32>} : memref<128x16xf32, #tpu.memory_space<vmem>>, vector<16xf32>,
      %mul3A_2334 = arith.mulf %get3A_2333, %gather3A_2329 : vector<16xf32>
      %swap3A_2335 = arith.constant 38 : i32
      %swap3A_2336 = arith.index_cast %swap3A_2335 : i32 to index
      %swap3A_2337 = arith.constant 0 : index
      %swap3A_2338 = tpu.vector_load %arg14[%swap3A_2336, %swap3A_2337] {strides = array<i32>} : memref<128x16xf32, #tpu.memory_space<vmem>>, vector<16xf32>,
      tpu.vector_store %arg14[%swap3A_2336, %swap3A_2337], %mul3A_2334 {strides = array<i32>} : memref<128x16xf32, #tpu.memory_space<vmem>>, vector<16xf32>,
      %broadcast_in_dim3A_2339 = arith.constant 39 : i32
      %broadcast_in_dim3A_2340 = vector.broadcast %broadcast_in_dim3A_2339 : i32 to vector<16xi32>
      %gather3A_2341 = tpu.vector_load_idx %arg11[%broadcast_in_dim3A_2340] : memref<128xf32, #tpu.memory_space<vmem>>[vector<16xi32>], vector<16xf32>,
      %get3A_2342 = arith.constant 39 : i32
      %get3A_2343 = arith.index_cast %get3A_2342 : i32 to index
      %get3A_2344 = arith.constant 0 : index
      %get3A_2345 = tpu.vector_load %arg14[%get3A_2343, %get3A_2344] {strides = array<i32>} : memref<128x16xf32, #tpu.memory_space<vmem>>, vector<16xf32>,
      %mul3A_2346 = arith.mulf %get3A_2345, %gather3A_2341 : vector<16xf32>
      %swap3A_2347 = arith.constant 39 : i32
      %swap3A_2348 = arith.index_cast %swap3A_2347 : i32 to index
      %swap3A_2349 = arith.constant 0 : index
      %swap3A_2350 = tpu.vector_load %arg14[%swap3A_2348, %swap3A_2349] {strides = array<i32>} : memref<128x16xf32, #tpu.memory_space<vmem>>, vector<16xf32>,
      tpu.vector_store %arg14[%swap3A_2348, %swap3A_2349], %mul3A_2346 {strides = array<i32>} : memref<128x16xf32, #tpu.memory_space<vmem>>, vector<16xf32>,
      %broadcast_in_dim3A_2351 = arith.constant 40 : i32
      %broadcast_in_dim3A_2352 = vector.broadcast %broadcast_in_dim3A_2351 : i32 to vector<16xi32>
      %gather3A_2353 = tpu.vector_load_idx %arg11[%broadcast_in_dim3A_2352] : memref<128xf32, #tpu.memory_space<vmem>>[vector<16xi32>], vector<16xf32>,
      %get3A_2354 = arith.constant 40 : i32
      %get3A_2355 = arith.index_cast %get3A_2354 : i32 to index
      %get3A_2356 = arith.constant 0 : index
      %get3A_2357 = tpu.vector_load %arg14[%get3A_2355, %get3A_2356] {strides = array<i32>} : memref<128x16xf32, #tpu.memory_space<vmem>>, vector<16xf32>,
      %mul3A_2358 = arith.mulf %get3A_2357, %gather3A_2353 : vector<16xf32>
      %swap3A_2359 = arith.constant 40 : i32
      %swap3A_2360 = arith.index_cast %swap3A_2359 : i32 to index
      %swap3A_2361 = arith.constant 0 : index
      %swap3A_2362 = tpu.vector_load %arg14[%swap3A_2360, %swap3A_2361] {strides = array<i32>} : memref<128x16xf32, #tpu.memory_space<vmem>>, vector<16xf32>,
      tpu.vector_store %arg14[%swap3A_2360, %swap3A_2361], %mul3A_2358 {strides = array<i32>} : memref<128x16xf32, #tpu.memory_space<vmem>>, vector<16xf32>,
      %broadcast_in_dim3A_2363 = arith.constant 41 : i32
      %broadcast_in_dim3A_2364 = vector.broadcast %broadcast_in_dim3A_2363 : i32 to vector<16xi32>
      %gather3A_2365 = tpu.vector_load_idx %arg11[%broadcast_in_dim3A_2364] : memref<128xf32, #tpu.memory_space<vmem>>[vector<16xi32>], vector<16xf32>,
      %get3A_2366 = arith.constant 41 : i32
      %get3A_2367 = arith.index_cast %get3A_2366 : i32 to index
      %get3A_2368 = arith.constant 0 : index
      %get3A_2369 = tpu.vector_load %arg14[%get3A_2367, %get3A_2368] {strides = array<i32>} : memref<128x16xf32, #tpu.memory_space<vmem>>, vector<16xf32>,
      %mul3A_2370 = arith.mulf %get3A_2369, %gather3A_2365 : vector<16xf32>
      %swap3A_2371 = arith.constant 41 : i32
      %swap3A_2372 = arith.index_cast %swap3A_2371 : i32 to index
      %swap3A_2373 = arith.constant 0 : index
      %swap3A_2374 = tpu.vector_load %arg14[%swap3A_2372, %swap3A_2373] {strides = array<i32>} : memref<128x16xf32, #tpu.memory_space<vmem>>, vector<16xf32>,
      tpu.vector_store %arg14[%swap3A_2372, %swap3A_2373], %mul3A_2370 {strides = array<i32>} : memref<128x16xf32, #tpu.memory_space<vmem>>, vector<16xf32>,
      %broadcast_in_dim3A_2375 = arith.constant 42 : i32
      %broadcast_in_dim3A_2376 = vector.broadcast %broadcast_in_dim3A_2375 : i32 to vector<16xi32>
      %gather3A_2377 = tpu.vector_load_idx %arg11[%broadcast_in_dim3A_2376] : memref<128xf32, #tpu.memory_space<vmem>>[vector<16xi32>], vector<16xf32>,
      %get3A_2378 = arith.constant 42 : i32
      %get3A_2379 = arith.index_cast %get3A_2378 : i32 to index
      %get3A_2380 = arith.constant 0 : index
      %get3A_2381 = tpu.vector_load %arg14[%get3A_2379, %get3A_2380] {strides = array<i32>} : memref<128x16xf32, #tpu.memory_space<vmem>>, vector<16xf32>,
      %mul3A_2382 = arith.mulf %get3A_2381, %gather3A_2377 : vector<16xf32>
      %swap3A_2383 = arith.constant 42 : i32
      %swap3A_2384 = arith.index_cast %swap3A_2383 : i32 to index
      %swap3A_2385 = arith.constant 0 : index
      %swap3A_2386 = tpu.vector_load %arg14[%swap3A_2384, %swap3A_2385] {strides = array<i32>} : memref<128x16xf32, #tpu.memory_space<vmem>>, vector<16xf32>,
      tpu.vector_store %arg14[%swap3A_2384, %swap3A_2385], %mul3A_2382 {strides = array<i32>} : memref<128x16xf32, #tpu.memory_space<vmem>>, vector<16xf32>,
      %broadcast_in_dim3A_2387 = arith.constant 43 : i32
      %broadcast_in_dim3A_2388 = vector.broadcast %broadcast_in_dim3A_2387 : i32 to vector<16xi32>
      %gather3A_2389 = tpu.vector_load_idx %arg11[%broadcast_in_dim3A_2388] : memref<128xf32, #tpu.memory_space<vmem>>[vector<16xi32>], vector<16xf32>,
      %get3A_2390 = arith.constant 43 : i32
      %get3A_2391 = arith.index_cast %get3A_2390 : i32 to index
      %get3A_2392 = arith.constant 0 : index
      %get3A_2393 = tpu.vector_load %arg14[%get3A_2391, %get3A_2392] {strides = array<i32>} : memref<128x16xf32, #tpu.memory_space<vmem>>, vector<16xf32>,
      %mul3A_2394 = arith.mulf %get3A_2393, %gather3A_2389 : vector<16xf32>
      %swap3A_2395 = arith.constant 43 : i32
      %swap3A_2396 = arith.index_cast %swap3A_2395 : i32 to index
      %swap3A_2397 = arith.constant 0 : index
      %swap3A_2398 = tpu.vector_load %arg14[%swap3A_2396, %swap3A_2397] {strides = array<i32>} : memref<128x16xf32, #tpu.memory_space<vmem>>, vector<16xf32>,
      tpu.vector_store %arg14[%swap3A_2396, %swap3A_2397], %mul3A_2394 {strides = array<i32>} : memref<128x16xf32, #tpu.memory_space<vmem>>, vector<16xf32>,
      %broadcast_in_dim3A_2399 = arith.constant 44 : i32
      %broadcast_in_dim3A_2400 = vector.broadcast %broadcast_in_dim3A_2399 : i32 to vector<16xi32>
      %gather3A_2401 = tpu.vector_load_idx %arg11[%broadcast_in_dim3A_2400] : memref<128xf32, #tpu.memory_space<vmem>>[vector<16xi32>], vector<16xf32>,
      %get3A_2402 = arith.constant 44 : i32
      %get3A_2403 = arith.index_cast %get3A_2402 : i32 to index
      %get3A_2404 = arith.constant 0 : index
      %get3A_2405 = tpu.vector_load %arg14[%get3A_2403, %get3A_2404] {strides = array<i32>} : memref<128x16xf32, #tpu.memory_space<vmem>>, vector<16xf32>,
      %mul3A_2406 = arith.mulf %get3A_2405, %gather3A_2401 : vector<16xf32>
      %swap3A_2407 = arith.constant 44 : i32
      %swap3A_2408 = arith.index_cast %swap3A_2407 : i32 to index
      %swap3A_2409 = arith.constant 0 : index
      %swap3A_2410 = tpu.vector_load %arg14[%swap3A_2408, %swap3A_2409] {strides = array<i32>} : memref<128x16xf32, #tpu.memory_space<vmem>>, vector<16xf32>,
      tpu.vector_store %arg14[%swap3A_2408, %swap3A_2409], %mul3A_2406 {strides = array<i32>} : memref<128x16xf32, #tpu.memory_space<vmem>>, vector<16xf32>,
      %broadcast_in_dim3A_2411 = arith.constant 45 : i32
      %broadcast_in_dim3A_2412 = vector.broadcast %broadcast_in_dim3A_2411 : i32 to vector<16xi32>
      %gather3A_2413 = tpu.vector_load_idx %arg11[%broadcast_in_dim3A_2412] : memref<128xf32, #tpu.memory_space<vmem>>[vector<16xi32>], vector<16xf32>,
      %get3A_2414 = arith.constant 45 : i32
      %get3A_2415 = arith.index_cast %get3A_2414 : i32 to index
      %get3A_2416 = arith.constant 0 : index
      %get3A_2417 = tpu.vector_load %arg14[%get3A_2415, %get3A_2416] {strides = array<i32>} : memref<128x16xf32, #tpu.memory_space<vmem>>, vector<16xf32>,
      %mul3A_2418 = arith.mulf %get3A_2417, %gather3A_2413 : vector<16xf32>
      %swap3A_2419 = arith.constant 45 : i32
      %swap3A_2420 = arith.index_cast %swap3A_2419 : i32 to index
      %swap3A_2421 = arith.constant 0 : index
      %swap3A_2422 = tpu.vector_load %arg14[%swap3A_2420, %swap3A_2421] {strides = array<i32>} : memref<128x16xf32, #tpu.memory_space<vmem>>, vector<16xf32>,
      tpu.vector_store %arg14[%swap3A_2420, %swap3A_2421], %mul3A_2418 {strides = array<i32>} : memref<128x16xf32, #tpu.memory_space<vmem>>, vector<16xf32>,
      %broadcast_in_dim3A_2423 = arith.constant 46 : i32
      %broadcast_in_dim3A_2424 = vector.broadcast %broadcast_in_dim3A_2423 : i32 to vector<16xi32>
      %gather3A_2425 = tpu.vector_load_idx %arg11[%broadcast_in_dim3A_2424] : memref<128xf32, #tpu.memory_space<vmem>>[vector<16xi32>], vector<16xf32>,
      %get3A_2426 = arith.constant 46 : i32
      %get3A_2427 = arith.index_cast %get3A_2426 : i32 to index
      %get3A_2428 = arith.constant 0 : index
      %get3A_2429 = tpu.vector_load %arg14[%get3A_2427, %get3A_2428] {strides = array<i32>} : memref<128x16xf32, #tpu.memory_space<vmem>>, vector<16xf32>,
      %mul3A_2430 = arith.mulf %get3A_2429, %gather3A_2425 : vector<16xf32>
      %swap3A_2431 = arith.constant 46 : i32
      %swap3A_2432 = arith.index_cast %swap3A_2431 : i32 to index
      %swap3A_2433 = arith.constant 0 : index
      %swap3A_2434 = tpu.vector_load %arg14[%swap3A_2432, %swap3A_2433] {strides = array<i32>} : memref<128x16xf32, #tpu.memory_space<vmem>>, vector<16xf32>,
      tpu.vector_store %arg14[%swap3A_2432, %swap3A_2433], %mul3A_2430 {strides = array<i32>} : memref<128x16xf32, #tpu.memory_space<vmem>>, vector<16xf32>,
      %broadcast_in_dim3A_2435 = arith.constant 47 : i32
      %broadcast_in_dim3A_2436 = vector.broadcast %broadcast_in_dim3A_2435 : i32 to vector<16xi32>
      %gather3A_2437 = tpu.vector_load_idx %arg11[%broadcast_in_dim3A_2436] : memref<128xf32, #tpu.memory_space<vmem>>[vector<16xi32>], vector<16xf32>,
      %get3A_2438 = arith.constant 47 : i32
      %get3A_2439 = arith.index_cast %get3A_2438 : i32 to index
      %get3A_2440 = arith.constant 0 : index
      %get3A_2441 = tpu.vector_load %arg14[%get3A_2439, %get3A_2440] {strides = array<i32>} : memref<128x16xf32, #tpu.memory_space<vmem>>, vector<16xf32>,
      %mul3A_2442 = arith.mulf %get3A_2441, %gather3A_2437 : vector<16xf32>
      %swap3A_2443 = arith.constant 47 : i32
      %swap3A_2444 = arith.index_cast %swap3A_2443 : i32 to index
      %swap3A_2445 = arith.constant 0 : index
      %swap3A_2446 = tpu.vector_load %arg14[%swap3A_2444, %swap3A_2445] {strides = array<i32>} : memref<128x16xf32, #tpu.memory_space<vmem>>, vector<16xf32>,
      tpu.vector_store %arg14[%swap3A_2444, %swap3A_2445], %mul3A_2442 {strides = array<i32>} : memref<128x16xf32, #tpu.memory_space<vmem>>, vector<16xf32>,
      %broadcast_in_dim3A_2447 = arith.constant 48 : i32
      %broadcast_in_dim3A_2448 = vector.broadcast %broadcast_in_dim3A_2447 : i32 to vector<16xi32>
      %gather3A_2449 = tpu.vector_load_idx %arg11[%broadcast_in_dim3A_2448] : memref<128xf32, #tpu.memory_space<vmem>>[vector<16xi32>], vector<16xf32>,
      %get3A_2450 = arith.constant 48 : i32
      %get3A_2451 = arith.index_cast %get3A_2450 : i32 to index
      %get3A_2452 = arith.constant 0 : index
      %get3A_2453 = tpu.vector_load %arg14[%get3A_2451, %get3A_2452] {strides = array<i32>} : memref<128x16xf32, #tpu.memory_space<vmem>>, vector<16xf32>,
      %mul3A_2454 = arith.mulf %get3A_2453, %gather3A_2449 : vector<16xf32>
      %swap3A_2455 = arith.constant 48 : i32
      %swap3A_2456 = arith.index_cast %swap3A_2455 : i32 to index
      %swap3A_2457 = arith.constant 0 : index
      %swap3A_2458 = tpu.vector_load %arg14[%swap3A_2456, %swap3A_2457] {strides = array<i32>} : memref<128x16xf32, #tpu.memory_space<vmem>>, vector<16xf32>,
      tpu.vector_store %arg14[%swap3A_2456, %swap3A_2457], %mul3A_2454 {strides = array<i32>} : memref<128x16xf32, #tpu.memory_space<vmem>>, vector<16xf32>,
      %broadcast_in_dim3A_2459 = arith.constant 49 : i32
      %broadcast_in_dim3A_2460 = vector.broadcast %broadcast_in_dim3A_2459 : i32 to vector<16xi32>
      %gather3A_2461 = tpu.vector_load_idx %arg11[%broadcast_in_dim3A_2460] : memref<128xf32, #tpu.memory_space<vmem>>[vector<16xi32>], vector<16xf32>,
      %get3A_2462 = arith.constant 49 : i32
      %get3A_2463 = arith.index_cast %get3A_2462 : i32 to index
      %get3A_2464 = arith.constant 0 : index
      %get3A_2465 = tpu.vector_load %arg14[%get3A_2463, %get3A_2464] {strides = array<i32>} : memref<128x16xf32, #tpu.memory_space<vmem>>, vector<16xf32>,
      %mul3A_2466 = arith.mulf %get3A_2465, %gather3A_2461 : vector<16xf32>
      %swap3A_2467 = arith.constant 49 : i32
      %swap3A_2468 = arith.index_cast %swap3A_2467 : i32 to index
      %swap3A_2469 = arith.constant 0 : index
      %swap3A_2470 = tpu.vector_load %arg14[%swap3A_2468, %swap3A_2469] {strides = array<i32>} : memref<128x16xf32, #tpu.memory_space<vmem>>, vector<16xf32>,
      tpu.vector_store %arg14[%swap3A_2468, %swap3A_2469], %mul3A_2466 {strides = array<i32>} : memref<128x16xf32, #tpu.memory_space<vmem>>, vector<16xf32>,
      %broadcast_in_dim3A_2471 = arith.constant 50 : i32
      %broadcast_in_dim3A_2472 = vector.broadcast %broadcast_in_dim3A_2471 : i32 to vector<16xi32>
      %gather3A_2473 = tpu.vector_load_idx %arg11[%broadcast_in_dim3A_2472] : memref<128xf32, #tpu.memory_space<vmem>>[vector<16xi32>], vector<16xf32>,
      %get3A_2474 = arith.constant 50 : i32
      %get3A_2475 = arith.index_cast %get3A_2474 : i32 to index
      %get3A_2476 = arith.constant 0 : index
      %get3A_2477 = tpu.vector_load %arg14[%get3A_2475, %get3A_2476] {strides = array<i32>} : memref<128x16xf32, #tpu.memory_space<vmem>>, vector<16xf32>,
      %mul3A_2478 = arith.mulf %get3A_2477, %gather3A_2473 : vector<16xf32>
      %swap3A_2479 = arith.constant 50 : i32
      %swap3A_2480 = arith.index_cast %swap3A_2479 : i32 to index
      %swap3A_2481 = arith.constant 0 : index
      %swap3A_2482 = tpu.vector_load %arg14[%swap3A_2480, %swap3A_2481] {strides = array<i32>} : memref<128x16xf32, #tpu.memory_space<vmem>>, vector<16xf32>,
      tpu.vector_store %arg14[%swap3A_2480, %swap3A_2481], %mul3A_2478 {strides = array<i32>} : memref<128x16xf32, #tpu.memory_space<vmem>>, vector<16xf32>,
      %broadcast_in_dim3A_2483 = arith.constant 51 : i32
      %broadcast_in_dim3A_2484 = vector.broadcast %broadcast_in_dim3A_2483 : i32 to vector<16xi32>
      %gather3A_2485 = tpu.vector_load_idx %arg11[%broadcast_in_dim3A_2484] : memref<128xf32, #tpu.memory_space<vmem>>[vector<16xi32>], vector<16xf32>,
      %get3A_2486 = arith.constant 51 : i32
      %get3A_2487 = arith.index_cast %get3A_2486 : i32 to index
      %get3A_2488 = arith.constant 0 : index
      %get3A_2489 = tpu.vector_load %arg14[%get3A_2487, %get3A_2488] {strides = array<i32>} : memref<128x16xf32, #tpu.memory_space<vmem>>, vector<16xf32>,
      %mul3A_2490 = arith.mulf %get3A_2489, %gather3A_2485 : vector<16xf32>
      %swap3A_2491 = arith.constant 51 : i32
      %swap3A_2492 = arith.index_cast %swap3A_2491 : i32 to index
      %swap3A_2493 = arith.constant 0 : index
      %swap3A_2494 = tpu.vector_load %arg14[%swap3A_2492, %swap3A_2493] {strides = array<i32>} : memref<128x16xf32, #tpu.memory_space<vmem>>, vector<16xf32>,
      tpu.vector_store %arg14[%swap3A_2492, %swap3A_2493], %mul3A_2490 {strides = array<i32>} : memref<128x16xf32, #tpu.memory_space<vmem>>, vector<16xf32>,
      %broadcast_in_dim3A_2495 = arith.constant 52 : i32
      %broadcast_in_dim3A_2496 = vector.broadcast %broadcast_in_dim3A_2495 : i32 to vector<16xi32>
      %gather3A_2497 = tpu.vector_load_idx %arg11[%broadcast_in_dim3A_2496] : memref<128xf32, #tpu.memory_space<vmem>>[vector<16xi32>], vector<16xf32>,
      %get3A_2498 = arith.constant 52 : i32
      %get3A_2499 = arith.index_cast %get3A_2498 : i32 to index
      %get3A_2500 = arith.constant 0 : index
      %get3A_2501 = tpu.vector_load %arg14[%get3A_2499, %get3A_2500] {strides = array<i32>} : memref<128x16xf32, #tpu.memory_space<vmem>>, vector<16xf32>,
      %mul3A_2502 = arith.mulf %get3A_2501, %gather3A_2497 : vector<16xf32>
      %swap3A_2503 = arith.constant 52 : i32
      %swap3A_2504 = arith.index_cast %swap3A_2503 : i32 to index
      %swap3A_2505 = arith.constant 0 : index
      %swap3A_2506 = tpu.vector_load %arg14[%swap3A_2504, %swap3A_2505] {strides = array<i32>} : memref<128x16xf32, #tpu.memory_space<vmem>>, vector<16xf32>,
      tpu.vector_store %arg14[%swap3A_2504, %swap3A_2505], %mul3A_2502 {strides = array<i32>} : memref<128x16xf32, #tpu.memory_space<vmem>>, vector<16xf32>,
      %broadcast_in_dim3A_2507 = arith.constant 53 : i32
      %broadcast_in_dim3A_2508 = vector.broadcast %broadcast_in_dim3A_2507 : i32 to vector<16xi32>
      %gather3A_2509 = tpu.vector_load_idx %arg11[%broadcast_in_dim3A_2508] : memref<128xf32, #tpu.memory_space<vmem>>[vector<16xi32>], vector<16xf32>,
      %get3A_2510 = arith.constant 53 : i32
      %get3A_2511 = arith.index_cast %get3A_2510 : i32 to index
      %get3A_2512 = arith.constant 0 : index
      %get3A_2513 = tpu.vector_load %arg14[%get3A_2511, %get3A_2512] {strides = array<i32>} : memref<128x16xf32, #tpu.memory_space<vmem>>, vector<16xf32>,
      %mul3A_2514 = arith.mulf %get3A_2513, %gather3A_2509 : vector<16xf32>
      %swap3A_2515 = arith.constant 53 : i32
      %swap3A_2516 = arith.index_cast %swap3A_2515 : i32 to index
      %swap3A_2517 = arith.constant 0 : index
      %swap3A_2518 = tpu.vector_load %arg14[%swap3A_2516, %swap3A_2517] {strides = array<i32>} : memref<128x16xf32, #tpu.memory_space<vmem>>, vector<16xf32>,
      tpu.vector_store %arg14[%swap3A_2516, %swap3A_2517], %mul3A_2514 {strides = array<i32>} : memref<128x16xf32, #tpu.memory_space<vmem>>, vector<16xf32>,
      %broadcast_in_dim3A_2519 = arith.constant 54 : i32
      %broadcast_in_dim3A_2520 = vector.broadcast %broadcast_in_dim3A_2519 : i32 to vector<16xi32>
      %gather3A_2521 = tpu.vector_load_idx %arg11[%broadcast_in_dim3A_2520] : memref<128xf32, #tpu.memory_space<vmem>>[vector<16xi32>], vector<16xf32>,
      %get3A_2522 = arith.constant 54 : i32
      %get3A_2523 = arith.index_cast %get3A_2522 : i32 to index
      %get3A_2524 = arith.constant 0 : index
      %get3A_2525 = tpu.vector_load %arg14[%get3A_2523, %get3A_2524] {strides = array<i32>} : memref<128x16xf32, #tpu.memory_space<vmem>>, vector<16xf32>,
      %mul3A_2526 = arith.mulf %get3A_2525, %gather3A_2521 : vector<16xf32>
      %swap3A_2527 = arith.constant 54 : i32
      %swap3A_2528 = arith.index_cast %swap3A_2527 : i32 to index
      %swap3A_2529 = arith.constant 0 : index
      %swap3A_2530 = tpu.vector_load %arg14[%swap3A_2528, %swap3A_2529] {strides = array<i32>} : memref<128x16xf32, #tpu.memory_space<vmem>>, vector<16xf32>,
      tpu.vector_store %arg14[%swap3A_2528, %swap3A_2529], %mul3A_2526 {strides = array<i32>} : memref<128x16xf32, #tpu.memory_space<vmem>>, vector<16xf32>,
      %broadcast_in_dim3A_2531 = arith.constant 55 : i32
      %broadcast_in_dim3A_2532 = vector.broadcast %broadcast_in_dim3A_2531 : i32 to vector<16xi32>
      %gather3A_2533 = tpu.vector_load_idx %arg11[%broadcast_in_dim3A_2532] : memref<128xf32, #tpu.memory_space<vmem>>[vector<16xi32>], vector<16xf32>,
      %get3A_2534 = arith.constant 55 : i32
      %get3A_2535 = arith.index_cast %get3A_2534 : i32 to index
      %get3A_2536 = arith.constant 0 : index
      %get3A_2537 = tpu.vector_load %arg14[%get3A_2535, %get3A_2536] {strides = array<i32>} : memref<128x16xf32, #tpu.memory_space<vmem>>, vector<16xf32>,
      %mul3A_2538 = arith.mulf %get3A_2537, %gather3A_2533 : vector<16xf32>
      %swap3A_2539 = arith.constant 55 : i32
      %swap3A_2540 = arith.index_cast %swap3A_2539 : i32 to index
      %swap3A_2541 = arith.constant 0 : index
      %swap3A_2542 = tpu.vector_load %arg14[%swap3A_2540, %swap3A_2541] {strides = array<i32>} : memref<128x16xf32, #tpu.memory_space<vmem>>, vector<16xf32>,
      tpu.vector_store %arg14[%swap3A_2540, %swap3A_2541], %mul3A_2538 {strides = array<i32>} : memref<128x16xf32, #tpu.memory_space<vmem>>, vector<16xf32>,
      %broadcast_in_dim3A_2543 = arith.constant 56 : i32
      %broadcast_in_dim3A_2544 = vector.broadcast %broadcast_in_dim3A_2543 : i32 to vector<16xi32>
      %gather3A_2545 = tpu.vector_load_idx %arg11[%broadcast_in_dim3A_2544] : memref<128xf32, #tpu.memory_space<vmem>>[vector<16xi32>], vector<16xf32>,
      %get3A_2546 = arith.constant 56 : i32
      %get3A_2547 = arith.index_cast %get3A_2546 : i32 to index
      %get3A_2548 = arith.constant 0 : index
      %get3A_2549 = tpu.vector_load %arg14[%get3A_2547, %get3A_2548] {strides = array<i32>} : memref<128x16xf32, #tpu.memory_space<vmem>>, vector<16xf32>,
      %mul3A_2550 = arith.mulf %get3A_2549, %gather3A_2545 : vector<16xf32>
      %swap3A_2551 = arith.constant 56 : i32
      %swap3A_2552 = arith.index_cast %swap3A_2551 : i32 to index
      %swap3A_2553 = arith.constant 0 : index
      %swap3A_2554 = tpu.vector_load %arg14[%swap3A_2552, %swap3A_2553] {strides = array<i32>} : memref<128x16xf32, #tpu.memory_space<vmem>>, vector<16xf32>,
      tpu.vector_store %arg14[%swap3A_2552, %swap3A_2553], %mul3A_2550 {strides = array<i32>} : memref<128x16xf32, #tpu.memory_space<vmem>>, vector<16xf32>,
      %broadcast_in_dim3A_2555 = arith.constant 57 : i32
      %broadcast_in_dim3A_2556 = vector.broadcast %broadcast_in_dim3A_2555 : i32 to vector<16xi32>
      %gather3A_2557 = tpu.vector_load_idx %arg11[%broadcast_in_dim3A_2556] : memref<128xf32, #tpu.memory_space<vmem>>[vector<16xi32>], vector<16xf32>,
      %get3A_2558 = arith.constant 57 : i32
      %get3A_2559 = arith.index_cast %get3A_2558 : i32 to index
      %get3A_2560 = arith.constant 0 : index
      %get3A_2561 = tpu.vector_load %arg14[%get3A_2559, %get3A_2560] {strides = array<i32>} : memref<128x16xf32, #tpu.memory_space<vmem>>, vector<16xf32>,
      %mul3A_2562 = arith.mulf %get3A_2561, %gather3A_2557 : vector<16xf32>
      %swap3A_2563 = arith.constant 57 : i32
      %swap3A_2564 = arith.index_cast %swap3A_2563 : i32 to index
      %swap3A_2565 = arith.constant 0 : index
      %swap3A_2566 = tpu.vector_load %arg14[%swap3A_2564, %swap3A_2565] {strides = array<i32>} : memref<128x16xf32, #tpu.memory_space<vmem>>, vector<16xf32>,
      tpu.vector_store %arg14[%swap3A_2564, %swap3A_2565], %mul3A_2562 {strides = array<i32>} : memref<128x16xf32, #tpu.memory_space<vmem>>, vector<16xf32>,
      %broadcast_in_dim3A_2567 = arith.constant 58 : i32
      %broadcast_in_dim3A_2568 = vector.broadcast %broadcast_in_dim3A_2567 : i32 to vector<16xi32>
      %gather3A_2569 = tpu.vector_load_idx %arg11[%broadcast_in_dim3A_2568] : memref<128xf32, #tpu.memory_space<vmem>>[vector<16xi32>], vector<16xf32>,
      %get3A_2570 = arith.constant 58 : i32
      %get3A_2571 = arith.index_cast %get3A_2570 : i32 to index
      %get3A_2572 = arith.constant 0 : index
      %get3A_2573 = tpu.vector_load %arg14[%get3A_2571, %get3A_2572] {strides = array<i32>} : memref<128x16xf32, #tpu.memory_space<vmem>>, vector<16xf32>,
      %mul3A_2574 = arith.mulf %get3A_2573, %gather3A_2569 : vector<16xf32>
      %swap3A_2575 = arith.constant 58 : i32
      %swap3A_2576 = arith.index_cast %swap3A_2575 : i32 to index
      %swap3A_2577 = arith.constant 0 : index
      %swap3A_2578 = tpu.vector_load %arg14[%swap3A_2576, %swap3A_2577] {strides = array<i32>} : memref<128x16xf32, #tpu.memory_space<vmem>>, vector<16xf32>,
      tpu.vector_store %arg14[%swap3A_2576, %swap3A_2577], %mul3A_2574 {strides = array<i32>} : memref<128x16xf32, #tpu.memory_space<vmem>>, vector<16xf32>,
      %broadcast_in_dim3A_2579 = arith.constant 59 : i32
      %broadcast_in_dim3A_2580 = vector.broadcast %broadcast_in_dim3A_2579 : i32 to vector<16xi32>
      %gather3A_2581 = tpu.vector_load_idx %arg11[%broadcast_in_dim3A_2580] : memref<128xf32, #tpu.memory_space<vmem>>[vector<16xi32>], vector<16xf32>,
      %get3A_2582 = arith.constant 59 : i32
      %get3A_2583 = arith.index_cast %get3A_2582 : i32 to index
      %get3A_2584 = arith.constant 0 : index
      %get3A_2585 = tpu.vector_load %arg14[%get3A_2583, %get3A_2584] {strides = array<i32>} : memref<128x16xf32, #tpu.memory_space<vmem>>, vector<16xf32>,
      %mul3A_2586 = arith.mulf %get3A_2585, %gather3A_2581 : vector<16xf32>
      %swap3A_2587 = arith.constant 59 : i32
      %swap3A_2588 = arith.index_cast %swap3A_2587 : i32 to index
      %swap3A_2589 = arith.constant 0 : index
      %swap3A_2590 = tpu.vector_load %arg14[%swap3A_2588, %swap3A_2589] {strides = array<i32>} : memref<128x16xf32, #tpu.memory_space<vmem>>, vector<16xf32>,
      tpu.vector_store %arg14[%swap3A_2588, %swap3A_2589], %mul3A_2586 {strides = array<i32>} : memref<128x16xf32, #tpu.memory_space<vmem>>, vector<16xf32>,
      %broadcast_in_dim3A_2591 = arith.constant 60 : i32
      %broadcast_in_dim3A_2592 = vector.broadcast %broadcast_in_dim3A_2591 : i32 to vector<16xi32>
      %gather3A_2593 = tpu.vector_load_idx %arg11[%broadcast_in_dim3A_2592] : memref<128xf32, #tpu.memory_space<vmem>>[vector<16xi32>], vector<16xf32>,
      %get3A_2594 = arith.constant 60 : i32
      %get3A_2595 = arith.index_cast %get3A_2594 : i32 to index
      %get3A_2596 = arith.constant 0 : index
      %get3A_2597 = tpu.vector_load %arg14[%get3A_2595, %get3A_2596] {strides = array<i32>} : memref<128x16xf32, #tpu.memory_space<vmem>>, vector<16xf32>,
      %mul3A_2598 = arith.mulf %get3A_2597, %gather3A_2593 : vector<16xf32>
      %swap3A_2599 = arith.constant 60 : i32
      %swap3A_2600 = arith.index_cast %swap3A_2599 : i32 to index
      %swap3A_2601 = arith.constant 0 : index
      %swap3A_2602 = tpu.vector_load %arg14[%swap3A_2600, %swap3A_2601] {strides = array<i32>} : memref<128x16xf32, #tpu.memory_space<vmem>>, vector<16xf32>,
      tpu.vector_store %arg14[%swap3A_2600, %swap3A_2601], %mul3A_2598 {strides = array<i32>} : memref<128x16xf32, #tpu.memory_space<vmem>>, vector<16xf32>,
      %broadcast_in_dim3A_2603 = arith.constant 61 : i32
      %broadcast_in_dim3A_2604 = vector.broadcast %broadcast_in_dim3A_2603 : i32 to vector<16xi32>
      %gather3A_2605 = tpu.vector_load_idx %arg11[%broadcast_in_dim3A_2604] : memref<128xf32, #tpu.memory_space<vmem>>[vector<16xi32>], vector<16xf32>,
      %get3A_2606 = arith.constant 61 : i32
      %get3A_2607 = arith.index_cast %get3A_2606 : i32 to index
      %get3A_2608 = arith.constant 0 : index
      %get3A_2609 = tpu.vector_load %arg14[%get3A_2607, %get3A_2608] {strides = array<i32>} : memref<128x16xf32, #tpu.memory_space<vmem>>, vector<16xf32>,
      %mul3A_2610 = arith.mulf %get3A_2609, %gather3A_2605 : vector<16xf32>
      %swap3A_2611 = arith.constant 61 : i32
      %swap3A_2612 = arith.index_cast %swap3A_2611 : i32 to index
      %swap3A_2613 = arith.constant 0 : index
      %swap3A_2614 = tpu.vector_load %arg14[%swap3A_2612, %swap3A_2613] {strides = array<i32>} : memref<128x16xf32, #tpu.memory_space<vmem>>, vector<16xf32>,
      tpu.vector_store %arg14[%swap3A_2612, %swap3A_2613], %mul3A_2610 {strides = array<i32>} : memref<128x16xf32, #tpu.memory_space<vmem>>, vector<16xf32>,
      %broadcast_in_dim3A_2615 = arith.constant 62 : i32
      %broadcast_in_dim3A_2616 = vector.broadcast %broadcast_in_dim3A_2615 : i32 to vector<16xi32>
      %gather3A_2617 = tpu.vector_load_idx %arg11[%broadcast_in_dim3A_2616] : memref<128xf32, #tpu.memory_space<vmem>>[vector<16xi32>], vector<16xf32>,
      %get3A_2618 = arith.constant 62 : i32
      %get3A_2619 = arith.index_cast %get3A_2618 : i32 to index
      %get3A_2620 = arith.constant 0 : index
      %get3A_2621 = tpu.vector_load %arg14[%get3A_2619, %get3A_2620] {strides = array<i32>} : memref<128x16xf32, #tpu.memory_space<vmem>>, vector<16xf32>,
      %mul3A_2622 = arith.mulf %get3A_2621, %gather3A_2617 : vector<16xf32>
      %swap3A_2623 = arith.constant 62 : i32
      %swap3A_2624 = arith.index_cast %swap3A_2623 : i32 to index
      %swap3A_2625 = arith.constant 0 : index
      %swap3A_2626 = tpu.vector_load %arg14[%swap3A_2624, %swap3A_2625] {strides = array<i32>} : memref<128x16xf32, #tpu.memory_space<vmem>>, vector<16xf32>,
      tpu.vector_store %arg14[%swap3A_2624, %swap3A_2625], %mul3A_2622 {strides = array<i32>} : memref<128x16xf32, #tpu.memory_space<vmem>>, vector<16xf32>,
      %broadcast_in_dim3A_2627 = arith.constant 63 : i32
      %broadcast_in_dim3A_2628 = vector.broadcast %broadcast_in_dim3A_2627 : i32 to vector<16xi32>
      %gather3A_2629 = tpu.vector_load_idx %arg11[%broadcast_in_dim3A_2628] : memref<128xf32, #tpu.memory_space<vmem>>[vector<16xi32>], vector<16xf32>,
      %get3A_2630 = arith.constant 63 : i32
      %get3A_2631 = arith.index_cast %get3A_2630 : i32 to index
      %get3A_2632 = arith.constant 0 : index
      %get3A_2633 = tpu.vector_load %arg14[%get3A_2631, %get3A_2632] {strides = array<i32>} : memref<128x16xf32, #tpu.memory_space<vmem>>, vector<16xf32>,
      %mul3A_2634 = arith.mulf %get3A_2633, %gather3A_2629 : vector<16xf32>
      %swap3A_2635 = arith.constant 63 : i32
      %swap3A_2636 = arith.index_cast %swap3A_2635 : i32 to index
      %swap3A_2637 = arith.constant 0 : index
      %swap3A_2638 = tpu.vector_load %arg14[%swap3A_2636, %swap3A_2637] {strides = array<i32>} : memref<128x16xf32, #tpu.memory_space<vmem>>, vector<16xf32>,
      tpu.vector_store %arg14[%swap3A_2636, %swap3A_2637], %mul3A_2634 {strides = array<i32>} : memref<128x16xf32, #tpu.memory_space<vmem>>, vector<16xf32>,
      %broadcast_in_dim3A_2639 = arith.constant 64 : i32
      %broadcast_in_dim3A_2640 = vector.broadcast %broadcast_in_dim3A_2639 : i32 to vector<16xi32>
      %gather3A_2641 = tpu.vector_load_idx %arg11[%broadcast_in_dim3A_2640] : memref<128xf32, #tpu.memory_space<vmem>>[vector<16xi32>], vector<16xf32>,
      %get3A_2642 = arith.constant 64 : i32
      %get3A_2643 = arith.index_cast %get3A_2642 : i32 to index
      %get3A_2644 = arith.constant 0 : index
      %get3A_2645 = tpu.vector_load %arg14[%get3A_2643, %get3A_2644] {strides = array<i32>} : memref<128x16xf32, #tpu.memory_space<vmem>>, vector<16xf32>,
      %mul3A_2646 = arith.mulf %get3A_2645, %gather3A_2641 : vector<16xf32>
      %swap3A_2647 = arith.constant 64 : i32
      %swap3A_2648 = arith.index_cast %swap3A_2647 : i32 to index
      %swap3A_2649 = arith.constant 0 : index
      %swap3A_2650 = tpu.vector_load %arg14[%swap3A_2648, %swap3A_2649] {strides = array<i32>} : memref<128x16xf32, #tpu.memory_space<vmem>>, vector<16xf32>,
      tpu.vector_store %arg14[%swap3A_2648, %swap3A_2649], %mul3A_2646 {strides = array<i32>} : memref<128x16xf32, #tpu.memory_space<vmem>>, vector<16xf32>,
      %broadcast_in_dim3A_2651 = arith.constant 65 : i32
      %broadcast_in_dim3A_2652 = vector.broadcast %broadcast_in_dim3A_2651 : i32 to vector<16xi32>
      %gather3A_2653 = tpu.vector_load_idx %arg11[%broadcast_in_dim3A_2652] : memref<128xf32, #tpu.memory_space<vmem>>[vector<16xi32>], vector<16xf32>,
      %get3A_2654 = arith.constant 65 : i32
      %get3A_2655 = arith.index_cast %get3A_2654 : i32 to index
      %get3A_2656 = arith.constant 0 : index
      %get3A_2657 = tpu.vector_load %arg14[%get3A_2655, %get3A_2656] {strides = array<i32>} : memref<128x16xf32, #tpu.memory_space<vmem>>, vector<16xf32>,
      %mul3A_2658 = arith.mulf %get3A_2657, %gather3A_2653 : vector<16xf32>
      %swap3A_2659 = arith.constant 65 : i32
      %swap3A_2660 = arith.index_cast %swap3A_2659 : i32 to index
      %swap3A_2661 = arith.constant 0 : index
      %swap3A_2662 = tpu.vector_load %arg14[%swap3A_2660, %swap3A_2661] {strides = array<i32>} : memref<128x16xf32, #tpu.memory_space<vmem>>, vector<16xf32>,
      tpu.vector_store %arg14[%swap3A_2660, %swap3A_2661], %mul3A_2658 {strides = array<i32>} : memref<128x16xf32, #tpu.memory_space<vmem>>, vector<16xf32>,
      %broadcast_in_dim3A_2663 = arith.constant 66 : i32
      %broadcast_in_dim3A_2664 = vector.broadcast %broadcast_in_dim3A_2663 : i32 to vector<16xi32>
      %gather3A_2665 = tpu.vector_load_idx %arg11[%broadcast_in_dim3A_2664] : memref<128xf32, #tpu.memory_space<vmem>>[vector<16xi32>], vector<16xf32>,
      %get3A_2666 = arith.constant 66 : i32
      %get3A_2667 = arith.index_cast %get3A_2666 : i32 to index
      %get3A_2668 = arith.constant 0 : index
      %get3A_2669 = tpu.vector_load %arg14[%get3A_2667, %get3A_2668] {strides = array<i32>} : memref<128x16xf32, #tpu.memory_space<vmem>>, vector<16xf32>,
      %mul3A_2670 = arith.mulf %get3A_2669, %gather3A_2665 : vector<16xf32>
      %swap3A_2671 = arith.constant 66 : i32
      %swap3A_2672 = arith.index_cast %swap3A_2671 : i32 to index
      %swap3A_2673 = arith.constant 0 : index
      %swap3A_2674 = tpu.vector_load %arg14[%swap3A_2672, %swap3A_2673] {strides = array<i32>} : memref<128x16xf32, #tpu.memory_space<vmem>>, vector<16xf32>,
      tpu.vector_store %arg14[%swap3A_2672, %swap3A_2673], %mul3A_2670 {strides = array<i32>} : memref<128x16xf32, #tpu.memory_space<vmem>>, vector<16xf32>,
      %broadcast_in_dim3A_2675 = arith.constant 67 : i32
      %broadcast_in_dim3A_2676 = vector.broadcast %broadcast_in_dim3A_2675 : i32 to vector<16xi32>
      %gather3A_2677 = tpu.vector_load_idx %arg11[%broadcast_in_dim3A_2676] : memref<128xf32, #tpu.memory_space<vmem>>[vector<16xi32>], vector<16xf32>,
      %get3A_2678 = arith.constant 67 : i32
      %get3A_2679 = arith.index_cast %get3A_2678 : i32 to index
      %get3A_2680 = arith.constant 0 : index
      %get3A_2681 = tpu.vector_load %arg14[%get3A_2679, %get3A_2680] {strides = array<i32>} : memref<128x16xf32, #tpu.memory_space<vmem>>, vector<16xf32>,
      %mul3A_2682 = arith.mulf %get3A_2681, %gather3A_2677 : vector<16xf32>
      %swap3A_2683 = arith.constant 67 : i32
      %swap3A_2684 = arith.index_cast %swap3A_2683 : i32 to index
      %swap3A_2685 = arith.constant 0 : index
      %swap3A_2686 = tpu.vector_load %arg14[%swap3A_2684, %swap3A_2685] {strides = array<i32>} : memref<128x16xf32, #tpu.memory_space<vmem>>, vector<16xf32>,
      tpu.vector_store %arg14[%swap3A_2684, %swap3A_2685], %mul3A_2682 {strides = array<i32>} : memref<128x16xf32, #tpu.memory_space<vmem>>, vector<16xf32>,
      %broadcast_in_dim3A_2687 = arith.constant 68 : i32
      %broadcast_in_dim3A_2688 = vector.broadcast %broadcast_in_dim3A_2687 : i32 to vector<16xi32>
      %gather3A_2689 = tpu.vector_load_idx %arg11[%broadcast_in_dim3A_2688] : memref<128xf32, #tpu.memory_space<vmem>>[vector<16xi32>], vector<16xf32>,
      %get3A_2690 = arith.constant 68 : i32
      %get3A_2691 = arith.index_cast %get3A_2690 : i32 to index
      %get3A_2692 = arith.constant 0 : index
      %get3A_2693 = tpu.vector_load %arg14[%get3A_2691, %get3A_2692] {strides = array<i32>} : memref<128x16xf32, #tpu.memory_space<vmem>>, vector<16xf32>,
      %mul3A_2694 = arith.mulf %get3A_2693, %gather3A_2689 : vector<16xf32>
      %swap3A_2695 = arith.constant 68 : i32
      %swap3A_2696 = arith.index_cast %swap3A_2695 : i32 to index
      %swap3A_2697 = arith.constant 0 : index
      %swap3A_2698 = tpu.vector_load %arg14[%swap3A_2696, %swap3A_2697] {strides = array<i32>} : memref<128x16xf32, #tpu.memory_space<vmem>>, vector<16xf32>,
      tpu.vector_store %arg14[%swap3A_2696, %swap3A_2697], %mul3A_2694 {strides = array<i32>} : memref<128x16xf32, #tpu.memory_space<vmem>>, vector<16xf32>,
      %broadcast_in_dim3A_2699 = arith.constant 69 : i32
      %broadcast_in_dim3A_2700 = vector.broadcast %broadcast_in_dim3A_2699 : i32 to vector<16xi32>
      %gather3A_2701 = tpu.vector_load_idx %arg11[%broadcast_in_dim3A_2700] : memref<128xf32, #tpu.memory_space<vmem>>[vector<16xi32>], vector<16xf32>,
      %get3A_2702 = arith.constant 69 : i32
      %get3A_2703 = arith.index_cast %get3A_2702 : i32 to index
      %get3A_2704 = arith.constant 0 : index
      %get3A_2705 = tpu.vector_load %arg14[%get3A_2703, %get3A_2704] {strides = array<i32>} : memref<128x16xf32, #tpu.memory_space<vmem>>, vector<16xf32>,
      %mul3A_2706 = arith.mulf %get3A_2705, %gather3A_2701 : vector<16xf32>
      %swap3A_2707 = arith.constant 69 : i32
      %swap3A_2708 = arith.index_cast %swap3A_2707 : i32 to index
      %swap3A_2709 = arith.constant 0 : index
      %swap3A_2710 = tpu.vector_load %arg14[%swap3A_2708, %swap3A_2709] {strides = array<i32>} : memref<128x16xf32, #tpu.memory_space<vmem>>, vector<16xf32>,
      tpu.vector_store %arg14[%swap3A_2708, %swap3A_2709], %mul3A_2706 {strides = array<i32>} : memref<128x16xf32, #tpu.memory_space<vmem>>, vector<16xf32>,
      %broadcast_in_dim3A_2711 = arith.constant 70 : i32
      %broadcast_in_dim3A_2712 = vector.broadcast %broadcast_in_dim3A_2711 : i32 to vector<16xi32>
      %gather3A_2713 = tpu.vector_load_idx %arg11[%broadcast_in_dim3A_2712] : memref<128xf32, #tpu.memory_space<vmem>>[vector<16xi32>], vector<16xf32>,
      %get3A_2714 = arith.constant 70 : i32
      %get3A_2715 = arith.index_cast %get3A_2714 : i32 to index
      %get3A_2716 = arith.constant 0 : index
      %get3A_2717 = tpu.vector_load %arg14[%get3A_2715, %get3A_2716] {strides = array<i32>} : memref<128x16xf32, #tpu.memory_space<vmem>>, vector<16xf32>,
      %mul3A_2718 = arith.mulf %get3A_2717, %gather3A_2713 : vector<16xf32>
      %swap3A_2719 = arith.constant 70 : i32
      %swap3A_2720 = arith.index_cast %swap3A_2719 : i32 to index
      %swap3A_2721 = arith.constant 0 : index
      %swap3A_2722 = tpu.vector_load %arg14[%swap3A_2720, %swap3A_2721] {strides = array<i32>} : memref<128x16xf32, #tpu.memory_space<vmem>>, vector<16xf32>,
      tpu.vector_store %arg14[%swap3A_2720, %swap3A_2721], %mul3A_2718 {strides = array<i32>} : memref<128x16xf32, #tpu.memory_space<vmem>>, vector<16xf32>,
      %broadcast_in_dim3A_2723 = arith.constant 71 : i32
      %broadcast_in_dim3A_2724 = vector.broadcast %broadcast_in_dim3A_2723 : i32 to vector<16xi32>
      %gather3A_2725 = tpu.vector_load_idx %arg11[%broadcast_in_dim3A_2724] : memref<128xf32, #tpu.memory_space<vmem>>[vector<16xi32>], vector<16xf32>,
      %get3A_2726 = arith.constant 71 : i32
      %get3A_2727 = arith.index_cast %get3A_2726 : i32 to index
      %get3A_2728 = arith.constant 0 : index
      %get3A_2729 = tpu.vector_load %arg14[%get3A_2727, %get3A_2728] {strides = array<i32>} : memref<128x16xf32, #tpu.memory_space<vmem>>, vector<16xf32>,
      %mul3A_2730 = arith.mulf %get3A_2729, %gather3A_2725 : vector<16xf32>
      %swap3A_2731 = arith.constant 71 : i32
      %swap3A_2732 = arith.index_cast %swap3A_2731 : i32 to index
      %swap3A_2733 = arith.constant 0 : index
      %swap3A_2734 = tpu.vector_load %arg14[%swap3A_2732, %swap3A_2733] {strides = array<i32>} : memref<128x16xf32, #tpu.memory_space<vmem>>, vector<16xf32>,
      tpu.vector_store %arg14[%swap3A_2732, %swap3A_2733], %mul3A_2730 {strides = array<i32>} : memref<128x16xf32, #tpu.memory_space<vmem>>, vector<16xf32>,
      %broadcast_in_dim3A_2735 = arith.constant 72 : i32
      %broadcast_in_dim3A_2736 = vector.broadcast %broadcast_in_dim3A_2735 : i32 to vector<16xi32>
      %gather3A_2737 = tpu.vector_load_idx %arg11[%broadcast_in_dim3A_2736] : memref<128xf32, #tpu.memory_space<vmem>>[vector<16xi32>], vector<16xf32>,
      %get3A_2738 = arith.constant 72 : i32
      %get3A_2739 = arith.index_cast %get3A_2738 : i32 to index
      %get3A_2740 = arith.constant 0 : index
      %get3A_2741 = tpu.vector_load %arg14[%get3A_2739, %get3A_2740] {strides = array<i32>} : memref<128x16xf32, #tpu.memory_space<vmem>>, vector<16xf32>,
      %mul3A_2742 = arith.mulf %get3A_2741, %gather3A_2737 : vector<16xf32>
      %swap3A_2743 = arith.constant 72 : i32
      %swap3A_2744 = arith.index_cast %swap3A_2743 : i32 to index
      %swap3A_2745 = arith.constant 0 : index
      %swap3A_2746 = tpu.vector_load %arg14[%swap3A_2744, %swap3A_2745] {strides = array<i32>} : memref<128x16xf32, #tpu.memory_space<vmem>>, vector<16xf32>,
      tpu.vector_store %arg14[%swap3A_2744, %swap3A_2745], %mul3A_2742 {strides = array<i32>} : memref<128x16xf32, #tpu.memory_space<vmem>>, vector<16xf32>,
      %broadcast_in_dim3A_2747 = arith.constant 73 : i32
      %broadcast_in_dim3A_2748 = vector.broadcast %broadcast_in_dim3A_2747 : i32 to vector<16xi32>
      %gather3A_2749 = tpu.vector_load_idx %arg11[%broadcast_in_dim3A_2748] : memref<128xf32, #tpu.memory_space<vmem>>[vector<16xi32>], vector<16xf32>,
      %get3A_2750 = arith.constant 73 : i32
      %get3A_2751 = arith.index_cast %get3A_2750 : i32 to index
      %get3A_2752 = arith.constant 0 : index
      %get3A_2753 = tpu.vector_load %arg14[%get3A_2751, %get3A_2752] {strides = array<i32>} : memref<128x16xf32, #tpu.memory_space<vmem>>, vector<16xf32>,
      %mul3A_2754 = arith.mulf %get3A_2753, %gather3A_2749 : vector<16xf32>
      %swap3A_2755 = arith.constant 73 : i32
      %swap3A_2756 = arith.index_cast %swap3A_2755 : i32 to index
      %swap3A_2757 = arith.constant 0 : index
      %swap3A_2758 = tpu.vector_load %arg14[%swap3A_2756, %swap3A_2757] {strides = array<i32>} : memref<128x16xf32, #tpu.memory_space<vmem>>, vector<16xf32>,
      tpu.vector_store %arg14[%swap3A_2756, %swap3A_2757], %mul3A_2754 {strides = array<i32>} : memref<128x16xf32, #tpu.memory_space<vmem>>, vector<16xf32>,
      %broadcast_in_dim3A_2759 = arith.constant 74 : i32
      %broadcast_in_dim3A_2760 = vector.broadcast %broadcast_in_dim3A_2759 : i32 to vector<16xi32>
      %gather3A_2761 = tpu.vector_load_idx %arg11[%broadcast_in_dim3A_2760] : memref<128xf32, #tpu.memory_space<vmem>>[vector<16xi32>], vector<16xf32>,
      %get3A_2762 = arith.constant 74 : i32
      %get3A_2763 = arith.index_cast %get3A_2762 : i32 to index
      %get3A_2764 = arith.constant 0 : index
      %get3A_2765 = tpu.vector_load %arg14[%get3A_2763, %get3A_2764] {strides = array<i32>} : memref<128x16xf32, #tpu.memory_space<vmem>>, vector<16xf32>,
      %mul3A_2766 = arith.mulf %get3A_2765, %gather3A_2761 : vector<16xf32>
      %swap3A_2767 = arith.constant 74 : i32
      %swap3A_2768 = arith.index_cast %swap3A_2767 : i32 to index
      %swap3A_2769 = arith.constant 0 : index
      %swap3A_2770 = tpu.vector_load %arg14[%swap3A_2768, %swap3A_2769] {strides = array<i32>} : memref<128x16xf32, #tpu.memory_space<vmem>>, vector<16xf32>,
      tpu.vector_store %arg14[%swap3A_2768, %swap3A_2769], %mul3A_2766 {strides = array<i32>} : memref<128x16xf32, #tpu.memory_space<vmem>>, vector<16xf32>,
      %broadcast_in_dim3A_2771 = arith.constant 75 : i32
      %broadcast_in_dim3A_2772 = vector.broadcast %broadcast_in_dim3A_2771 : i32 to vector<16xi32>
      %gather3A_2773 = tpu.vector_load_idx %arg11[%broadcast_in_dim3A_2772] : memref<128xf32, #tpu.memory_space<vmem>>[vector<16xi32>], vector<16xf32>,
      %get3A_2774 = arith.constant 75 : i32
      %get3A_2775 = arith.index_cast %get3A_2774 : i32 to index
      %get3A_2776 = arith.constant 0 : index
      %get3A_2777 = tpu.vector_load %arg14[%get3A_2775, %get3A_2776] {strides = array<i32>} : memref<128x16xf32, #tpu.memory_space<vmem>>, vector<16xf32>,
      %mul3A_2778 = arith.mulf %get3A_2777, %gather3A_2773 : vector<16xf32>
      %swap3A_2779 = arith.constant 75 : i32
      %swap3A_2780 = arith.index_cast %swap3A_2779 : i32 to index
      %swap3A_2781 = arith.constant 0 : index
      %swap3A_2782 = tpu.vector_load %arg14[%swap3A_2780, %swap3A_2781] {strides = array<i32>} : memref<128x16xf32, #tpu.memory_space<vmem>>, vector<16xf32>,
      tpu.vector_store %arg14[%swap3A_2780, %swap3A_2781], %mul3A_2778 {strides = array<i32>} : memref<128x16xf32, #tpu.memory_space<vmem>>, vector<16xf32>,
      %broadcast_in_dim3A_2783 = arith.constant 76 : i32
      %broadcast_in_dim3A_2784 = vector.broadcast %broadcast_in_dim3A_2783 : i32 to vector<16xi32>
      %gather3A_2785 = tpu.vector_load_idx %arg11[%broadcast_in_dim3A_2784] : memref<128xf32, #tpu.memory_space<vmem>>[vector<16xi32>], vector<16xf32>,
      %get3A_2786 = arith.constant 76 : i32
      %get3A_2787 = arith.index_cast %get3A_2786 : i32 to index
      %get3A_2788 = arith.constant 0 : index
      %get3A_2789 = tpu.vector_load %arg14[%get3A_2787, %get3A_2788] {strides = array<i32>} : memref<128x16xf32, #tpu.memory_space<vmem>>, vector<16xf32>,
      %mul3A_2790 = arith.mulf %get3A_2789, %gather3A_2785 : vector<16xf32>
      %swap3A_2791 = arith.constant 76 : i32
      %swap3A_2792 = arith.index_cast %swap3A_2791 : i32 to index
      %swap3A_2793 = arith.constant 0 : index
      %swap3A_2794 = tpu.vector_load %arg14[%swap3A_2792, %swap3A_2793] {strides = array<i32>} : memref<128x16xf32, #tpu.memory_space<vmem>>, vector<16xf32>,
      tpu.vector_store %arg14[%swap3A_2792, %swap3A_2793], %mul3A_2790 {strides = array<i32>} : memref<128x16xf32, #tpu.memory_space<vmem>>, vector<16xf32>,
      %broadcast_in_dim3A_2795 = arith.constant 77 : i32
      %broadcast_in_dim3A_2796 = vector.broadcast %broadcast_in_dim3A_2795 : i32 to vector<16xi32>
      %gather3A_2797 = tpu.vector_load_idx %arg11[%broadcast_in_dim3A_2796] : memref<128xf32, #tpu.memory_space<vmem>>[vector<16xi32>], vector<16xf32>,
      %get3A_2798 = arith.constant 77 : i32
      %get3A_2799 = arith.index_cast %get3A_2798 : i32 to index
      %get3A_2800 = arith.constant 0 : index
      %get3A_2801 = tpu.vector_load %arg14[%get3A_2799, %get3A_2800] {strides = array<i32>} : memref<128x16xf32, #tpu.memory_space<vmem>>, vector<16xf32>,
      %mul3A_2802 = arith.mulf %get3A_2801, %gather3A_2797 : vector<16xf32>
      %swap3A_2803 = arith.constant 77 : i32
      %swap3A_2804 = arith.index_cast %swap3A_2803 : i32 to index
      %swap3A_2805 = arith.constant 0 : index
      %swap3A_2806 = tpu.vector_load %arg14[%swap3A_2804, %swap3A_2805] {strides = array<i32>} : memref<128x16xf32, #tpu.memory_space<vmem>>, vector<16xf32>,
      tpu.vector_store %arg14[%swap3A_2804, %swap3A_2805], %mul3A_2802 {strides = array<i32>} : memref<128x16xf32, #tpu.memory_space<vmem>>, vector<16xf32>,
      %broadcast_in_dim3A_2807 = arith.constant 78 : i32
      %broadcast_in_dim3A_2808 = vector.broadcast %broadcast_in_dim3A_2807 : i32 to vector<16xi32>
      %gather3A_2809 = tpu.vector_load_idx %arg11[%broadcast_in_dim3A_2808] : memref<128xf32, #tpu.memory_space<vmem>>[vector<16xi32>], vector<16xf32>,
      %get3A_2810 = arith.constant 78 : i32
      %get3A_2811 = arith.index_cast %get3A_2810 : i32 to index
      %get3A_2812 = arith.constant 0 : index
      %get3A_2813 = tpu.vector_load %arg14[%get3A_2811, %get3A_2812] {strides = array<i32>} : memref<128x16xf32, #tpu.memory_space<vmem>>, vector<16xf32>,
      %mul3A_2814 = arith.mulf %get3A_2813, %gather3A_2809 : vector<16xf32>
      %swap3A_2815 = arith.constant 78 : i32
      %swap3A_2816 = arith.index_cast %swap3A_2815 : i32 to index
      %swap3A_2817 = arith.constant 0 : index
      %swap3A_2818 = tpu.vector_load %arg14[%swap3A_2816, %swap3A_2817] {strides = array<i32>} : memref<128x16xf32, #tpu.memory_space<vmem>>, vector<16xf32>,
      tpu.vector_store %arg14[%swap3A_2816, %swap3A_2817], %mul3A_2814 {strides = array<i32>} : memref<128x16xf32, #tpu.memory_space<vmem>>, vector<16xf32>,
      %broadcast_in_dim3A_2819 = arith.constant 79 : i32
      %broadcast_in_dim3A_2820 = vector.broadcast %broadcast_in_dim3A_2819 : i32 to vector<16xi32>
      %gather3A_2821 = tpu.vector_load_idx %arg11[%broadcast_in_dim3A_2820] : memref<128xf32, #tpu.memory_space<vmem>>[vector<16xi32>], vector<16xf32>,
      %get3A_2822 = arith.constant 79 : i32
      %get3A_2823 = arith.index_cast %get3A_2822 : i32 to index
      %get3A_2824 = arith.constant 0 : index
      %get3A_2825 = tpu.vector_load %arg14[%get3A_2823, %get3A_2824] {strides = array<i32>} : memref<128x16xf32, #tpu.memory_space<vmem>>, vector<16xf32>,
      %mul3A_2826 = arith.mulf %get3A_2825, %gather3A_2821 : vector<16xf32>
      %swap3A_2827 = arith.constant 79 : i32
      %swap3A_2828 = arith.index_cast %swap3A_2827 : i32 to index
      %swap3A_2829 = arith.constant 0 : index
      %swap3A_2830 = tpu.vector_load %arg14[%swap3A_2828, %swap3A_2829] {strides = array<i32>} : memref<128x16xf32, #tpu.memory_space<vmem>>, vector<16xf32>,
      tpu.vector_store %arg14[%swap3A_2828, %swap3A_2829], %mul3A_2826 {strides = array<i32>} : memref<128x16xf32, #tpu.memory_space<vmem>>, vector<16xf32>,
      %broadcast_in_dim3A_2831 = arith.constant 80 : i32
      %broadcast_in_dim3A_2832 = vector.broadcast %broadcast_in_dim3A_2831 : i32 to vector<16xi32>
      %gather3A_2833 = tpu.vector_load_idx %arg11[%broadcast_in_dim3A_2832] : memref<128xf32, #tpu.memory_space<vmem>>[vector<16xi32>], vector<16xf32>,
      %get3A_2834 = arith.constant 80 : i32
      %get3A_2835 = arith.index_cast %get3A_2834 : i32 to index
      %get3A_2836 = arith.constant 0 : index
      %get3A_2837 = tpu.vector_load %arg14[%get3A_2835, %get3A_2836] {strides = array<i32>} : memref<128x16xf32, #tpu.memory_space<vmem>>, vector<16xf32>,
      %mul3A_2838 = arith.mulf %get3A_2837, %gather3A_2833 : vector<16xf32>
      %swap3A_2839 = arith.constant 80 : i32
      %swap3A_2840 = arith.index_cast %swap3A_2839 : i32 to index
      %swap3A_2841 = arith.constant 0 : index
      %swap3A_2842 = tpu.vector_load %arg14[%swap3A_2840, %swap3A_2841] {strides = array<i32>} : memref<128x16xf32, #tpu.memory_space<vmem>>, vector<16xf32>,
      tpu.vector_store %arg14[%swap3A_2840, %swap3A_2841], %mul3A_2838 {strides = array<i32>} : memref<128x16xf32, #tpu.memory_space<vmem>>, vector<16xf32>,
      %broadcast_in_dim3A_2843 = arith.constant 81 : i32
      %broadcast_in_dim3A_2844 = vector.broadcast %broadcast_in_dim3A_2843 : i32 to vector<16xi32>
      %gather3A_2845 = tpu.vector_load_idx %arg11[%broadcast_in_dim3A_2844] : memref<128xf32, #tpu.memory_space<vmem>>[vector<16xi32>], vector<16xf32>,
      %get3A_2846 = arith.constant 81 : i32
      %get3A_2847 = arith.index_cast %get3A_2846 : i32 to index
      %get3A_2848 = arith.constant 0 : index
      %get3A_2849 = tpu.vector_load %arg14[%get3A_2847, %get3A_2848] {strides = array<i32>} : memref<128x16xf32, #tpu.memory_space<vmem>>, vector<16xf32>,
      %mul3A_2850 = arith.mulf %get3A_2849, %gather3A_2845 : vector<16xf32>
      %swap3A_2851 = arith.constant 81 : i32
      %swap3A_2852 = arith.index_cast %swap3A_2851 : i32 to index
      %swap3A_2853 = arith.constant 0 : index
      %swap3A_2854 = tpu.vector_load %arg14[%swap3A_2852, %swap3A_2853] {strides = array<i32>} : memref<128x16xf32, #tpu.memory_space<vmem>>, vector<16xf32>,
      tpu.vector_store %arg14[%swap3A_2852, %swap3A_2853], %mul3A_2850 {strides = array<i32>} : memref<128x16xf32, #tpu.memory_space<vmem>>, vector<16xf32>,
      %broadcast_in_dim3A_2855 = arith.constant 82 : i32
      %broadcast_in_dim3A_2856 = vector.broadcast %broadcast_in_dim3A_2855 : i32 to vector<16xi32>
      %gather3A_2857 = tpu.vector_load_idx %arg11[%broadcast_in_dim3A_2856] : memref<128xf32, #tpu.memory_space<vmem>>[vector<16xi32>], vector<16xf32>,
      %get3A_2858 = arith.constant 82 : i32
      %get3A_2859 = arith.index_cast %get3A_2858 : i32 to index
      %get3A_2860 = arith.constant 0 : index
      %get3A_2861 = tpu.vector_load %arg14[%get3A_2859, %get3A_2860] {strides = array<i32>} : memref<128x16xf32, #tpu.memory_space<vmem>>, vector<16xf32>,
      %mul3A_2862 = arith.mulf %get3A_2861, %gather3A_2857 : vector<16xf32>
      %swap3A_2863 = arith.constant 82 : i32
      %swap3A_2864 = arith.index_cast %swap3A_2863 : i32 to index
      %swap3A_2865 = arith.constant 0 : index
      %swap3A_2866 = tpu.vector_load %arg14[%swap3A_2864, %swap3A_2865] {strides = array<i32>} : memref<128x16xf32, #tpu.memory_space<vmem>>, vector<16xf32>,
      tpu.vector_store %arg14[%swap3A_2864, %swap3A_2865], %mul3A_2862 {strides = array<i32>} : memref<128x16xf32, #tpu.memory_space<vmem>>, vector<16xf32>,
      %broadcast_in_dim3A_2867 = arith.constant 83 : i32
      %broadcast_in_dim3A_2868 = vector.broadcast %broadcast_in_dim3A_2867 : i32 to vector<16xi32>
      %gather3A_2869 = tpu.vector_load_idx %arg11[%broadcast_in_dim3A_2868] : memref<128xf32, #tpu.memory_space<vmem>>[vector<16xi32>], vector<16xf32>,
      %get3A_2870 = arith.constant 83 : i32
      %get3A_2871 = arith.index_cast %get3A_2870 : i32 to index
      %get3A_2872 = arith.constant 0 : index
      %get3A_2873 = tpu.vector_load %arg14[%get3A_2871, %get3A_2872] {strides = array<i32>} : memref<128x16xf32, #tpu.memory_space<vmem>>, vector<16xf32>,
      %mul3A_2874 = arith.mulf %get3A_2873, %gather3A_2869 : vector<16xf32>
      %swap3A_2875 = arith.constant 83 : i32
      %swap3A_2876 = arith.index_cast %swap3A_2875 : i32 to index
      %swap3A_2877 = arith.constant 0 : index
      %swap3A_2878 = tpu.vector_load %arg14[%swap3A_2876, %swap3A_2877] {strides = array<i32>} : memref<128x16xf32, #tpu.memory_space<vmem>>, vector<16xf32>,
      tpu.vector_store %arg14[%swap3A_2876, %swap3A_2877], %mul3A_2874 {strides = array<i32>} : memref<128x16xf32, #tpu.memory_space<vmem>>, vector<16xf32>,
      %broadcast_in_dim3A_2879 = arith.constant 84 : i32
      %broadcast_in_dim3A_2880 = vector.broadcast %broadcast_in_dim3A_2879 : i32 to vector<16xi32>
      %gather3A_2881 = tpu.vector_load_idx %arg11[%broadcast_in_dim3A_2880] : memref<128xf32, #tpu.memory_space<vmem>>[vector<16xi32>], vector<16xf32>,
      %get3A_2882 = arith.constant 84 : i32
      %get3A_2883 = arith.index_cast %get3A_2882 : i32 to index
      %get3A_2884 = arith.constant 0 : index
      %get3A_2885 = tpu.vector_load %arg14[%get3A_2883, %get3A_2884] {strides = array<i32>} : memref<128x16xf32, #tpu.memory_space<vmem>>, vector<16xf32>,
      %mul3A_2886 = arith.mulf %get3A_2885, %gather3A_2881 : vector<16xf32>
      %swap3A_2887 = arith.constant 84 : i32
      %swap3A_2888 = arith.index_cast %swap3A_2887 : i32 to index
      %swap3A_2889 = arith.constant 0 : index
      %swap3A_2890 = tpu.vector_load %arg14[%swap3A_2888, %swap3A_2889] {strides = array<i32>} : memref<128x16xf32, #tpu.memory_space<vmem>>, vector<16xf32>,
      tpu.vector_store %arg14[%swap3A_2888, %swap3A_2889], %mul3A_2886 {strides = array<i32>} : memref<128x16xf32, #tpu.memory_space<vmem>>, vector<16xf32>,
      %broadcast_in_dim3A_2891 = arith.constant 85 : i32
      %broadcast_in_dim3A_2892 = vector.broadcast %broadcast_in_dim3A_2891 : i32 to vector<16xi32>
      %gather3A_2893 = tpu.vector_load_idx %arg11[%broadcast_in_dim3A_2892] : memref<128xf32, #tpu.memory_space<vmem>>[vector<16xi32>], vector<16xf32>,
      %get3A_2894 = arith.constant 85 : i32
      %get3A_2895 = arith.index_cast %get3A_2894 : i32 to index
      %get3A_2896 = arith.constant 0 : index
      %get3A_2897 = tpu.vector_load %arg14[%get3A_2895, %get3A_2896] {strides = array<i32>} : memref<128x16xf32, #tpu.memory_space<vmem>>, vector<16xf32>,
      %mul3A_2898 = arith.mulf %get3A_2897, %gather3A_2893 : vector<16xf32>
      %swap3A_2899 = arith.constant 85 : i32
      %swap3A_2900 = arith.index_cast %swap3A_2899 : i32 to index
      %swap3A_2901 = arith.constant 0 : index
      %swap3A_2902 = tpu.vector_load %arg14[%swap3A_2900, %swap3A_2901] {strides = array<i32>} : memref<128x16xf32, #tpu.memory_space<vmem>>, vector<16xf32>,
      tpu.vector_store %arg14[%swap3A_2900, %swap3A_2901], %mul3A_2898 {strides = array<i32>} : memref<128x16xf32, #tpu.memory_space<vmem>>, vector<16xf32>,
      %broadcast_in_dim3A_2903 = arith.constant 86 : i32
      %broadcast_in_dim3A_2904 = vector.broadcast %broadcast_in_dim3A_2903 : i32 to vector<16xi32>
      %gather3A_2905 = tpu.vector_load_idx %arg11[%broadcast_in_dim3A_2904] : memref<128xf32, #tpu.memory_space<vmem>>[vector<16xi32>], vector<16xf32>,
      %get3A_2906 = arith.constant 86 : i32
      %get3A_2907 = arith.index_cast %get3A_2906 : i32 to index
      %get3A_2908 = arith.constant 0 : index
      %get3A_2909 = tpu.vector_load %arg14[%get3A_2907, %get3A_2908] {strides = array<i32>} : memref<128x16xf32, #tpu.memory_space<vmem>>, vector<16xf32>,
      %mul3A_2910 = arith.mulf %get3A_2909, %gather3A_2905 : vector<16xf32>
      %swap3A_2911 = arith.constant 86 : i32
      %swap3A_2912 = arith.index_cast %swap3A_2911 : i32 to index
      %swap3A_2913 = arith.constant 0 : index
      %swap3A_2914 = tpu.vector_load %arg14[%swap3A_2912, %swap3A_2913] {strides = array<i32>} : memref<128x16xf32, #tpu.memory_space<vmem>>, vector<16xf32>,
      tpu.vector_store %arg14[%swap3A_2912, %swap3A_2913], %mul3A_2910 {strides = array<i32>} : memref<128x16xf32, #tpu.memory_space<vmem>>, vector<16xf32>,
      %broadcast_in_dim3A_2915 = arith.constant 87 : i32
      %broadcast_in_dim3A_2916 = vector.broadcast %broadcast_in_dim3A_2915 : i32 to vector<16xi32>
      %gather3A_2917 = tpu.vector_load_idx %arg11[%broadcast_in_dim3A_2916] : memref<128xf32, #tpu.memory_space<vmem>>[vector<16xi32>], vector<16xf32>,
      %get3A_2918 = arith.constant 87 : i32
      %get3A_2919 = arith.index_cast %get3A_2918 : i32 to index
      %get3A_2920 = arith.constant 0 : index
      %get3A_2921 = tpu.vector_load %arg14[%get3A_2919, %get3A_2920] {strides = array<i32>} : memref<128x16xf32, #tpu.memory_space<vmem>>, vector<16xf32>,
      %mul3A_2922 = arith.mulf %get3A_2921, %gather3A_2917 : vector<16xf32>
      %swap3A_2923 = arith.constant 87 : i32
      %swap3A_2924 = arith.index_cast %swap3A_2923 : i32 to index
      %swap3A_2925 = arith.constant 0 : index
      %swap3A_2926 = tpu.vector_load %arg14[%swap3A_2924, %swap3A_2925] {strides = array<i32>} : memref<128x16xf32, #tpu.memory_space<vmem>>, vector<16xf32>,
      tpu.vector_store %arg14[%swap3A_2924, %swap3A_2925], %mul3A_2922 {strides = array<i32>} : memref<128x16xf32, #tpu.memory_space<vmem>>, vector<16xf32>,
      %broadcast_in_dim3A_2927 = arith.constant 88 : i32
      %broadcast_in_dim3A_2928 = vector.broadcast %broadcast_in_dim3A_2927 : i32 to vector<16xi32>
      %gather3A_2929 = tpu.vector_load_idx %arg11[%broadcast_in_dim3A_2928] : memref<128xf32, #tpu.memory_space<vmem>>[vector<16xi32>], vector<16xf32>,
      %get3A_2930 = arith.constant 88 : i32
      %get3A_2931 = arith.index_cast %get3A_2930 : i32 to index
      %get3A_2932 = arith.constant 0 : index
      %get3A_2933 = tpu.vector_load %arg14[%get3A_2931, %get3A_2932] {strides = array<i32>} : memref<128x16xf32, #tpu.memory_space<vmem>>, vector<16xf32>,
      %mul3A_2934 = arith.mulf %get3A_2933, %gather3A_2929 : vector<16xf32>
      %swap3A_2935 = arith.constant 88 : i32
      %swap3A_2936 = arith.index_cast %swap3A_2935 : i32 to index
      %swap3A_2937 = arith.constant 0 : index
      %swap3A_2938 = tpu.vector_load %arg14[%swap3A_2936, %swap3A_2937] {strides = array<i32>} : memref<128x16xf32, #tpu.memory_space<vmem>>, vector<16xf32>,
      tpu.vector_store %arg14[%swap3A_2936, %swap3A_2937], %mul3A_2934 {strides = array<i32>} : memref<128x16xf32, #tpu.memory_space<vmem>>, vector<16xf32>,
      %broadcast_in_dim3A_2939 = arith.constant 89 : i32
      %broadcast_in_dim3A_2940 = vector.broadcast %broadcast_in_dim3A_2939 : i32 to vector<16xi32>
      %gather3A_2941 = tpu.vector_load_idx %arg11[%broadcast_in_dim3A_2940] : memref<128xf32, #tpu.memory_space<vmem>>[vector<16xi32>], vector<16xf32>,
      %get3A_2942 = arith.constant 89 : i32
      %get3A_2943 = arith.index_cast %get3A_2942 : i32 to index
      %get3A_2944 = arith.constant 0 : index
      %get3A_2945 = tpu.vector_load %arg14[%get3A_2943, %get3A_2944] {strides = array<i32>} : memref<128x16xf32, #tpu.memory_space<vmem>>, vector<16xf32>,
      %mul3A_2946 = arith.mulf %get3A_2945, %gather3A_2941 : vector<16xf32>
      %swap3A_2947 = arith.constant 89 : i32
      %swap3A_2948 = arith.index_cast %swap3A_2947 : i32 to index
      %swap3A_2949 = arith.constant 0 : index
      %swap3A_2950 = tpu.vector_load %arg14[%swap3A_2948, %swap3A_2949] {strides = array<i32>} : memref<128x16xf32, #tpu.memory_space<vmem>>, vector<16xf32>,
      tpu.vector_store %arg14[%swap3A_2948, %swap3A_2949], %mul3A_2946 {strides = array<i32>} : memref<128x16xf32, #tpu.memory_space<vmem>>, vector<16xf32>,
      %broadcast_in_dim3A_2951 = arith.constant 90 : i32
      %broadcast_in_dim3A_2952 = vector.broadcast %broadcast_in_dim3A_2951 : i32 to vector<16xi32>
      %gather3A_2953 = tpu.vector_load_idx %arg11[%broadcast_in_dim3A_2952] : memref<128xf32, #tpu.memory_space<vmem>>[vector<16xi32>], vector<16xf32>,
      %get3A_2954 = arith.constant 90 : i32
      %get3A_2955 = arith.index_cast %get3A_2954 : i32 to index
      %get3A_2956 = arith.constant 0 : index
      %get3A_2957 = tpu.vector_load %arg14[%get3A_2955, %get3A_2956] {strides = array<i32>} : memref<128x16xf32, #tpu.memory_space<vmem>>, vector<16xf32>,
      %mul3A_2958 = arith.mulf %get3A_2957, %gather3A_2953 : vector<16xf32>
      %swap3A_2959 = arith.constant 90 : i32
      %swap3A_2960 = arith.index_cast %swap3A_2959 : i32 to index
      %swap3A_2961 = arith.constant 0 : index
      %swap3A_2962 = tpu.vector_load %arg14[%swap3A_2960, %swap3A_2961] {strides = array<i32>} : memref<128x16xf32, #tpu.memory_space<vmem>>, vector<16xf32>,
      tpu.vector_store %arg14[%swap3A_2960, %swap3A_2961], %mul3A_2958 {strides = array<i32>} : memref<128x16xf32, #tpu.memory_space<vmem>>, vector<16xf32>,
      %broadcast_in_dim3A_2963 = arith.constant 91 : i32
      %broadcast_in_dim3A_2964 = vector.broadcast %broadcast_in_dim3A_2963 : i32 to vector<16xi32>
      %gather3A_2965 = tpu.vector_load_idx %arg11[%broadcast_in_dim3A_2964] : memref<128xf32, #tpu.memory_space<vmem>>[vector<16xi32>], vector<16xf32>,
      %get3A_2966 = arith.constant 91 : i32
      %get3A_2967 = arith.index_cast %get3A_2966 : i32 to index
      %get3A_2968 = arith.constant 0 : index
      %get3A_2969 = tpu.vector_load %arg14[%get3A_2967, %get3A_2968] {strides = array<i32>} : memref<128x16xf32, #tpu.memory_space<vmem>>, vector<16xf32>,
      %mul3A_2970 = arith.mulf %get3A_2969, %gather3A_2965 : vector<16xf32>
      %swap3A_2971 = arith.constant 91 : i32
      %swap3A_2972 = arith.index_cast %swap3A_2971 : i32 to index
      %swap3A_2973 = arith.constant 0 : index
      %swap3A_2974 = tpu.vector_load %arg14[%swap3A_2972, %swap3A_2973] {strides = array<i32>} : memref<128x16xf32, #tpu.memory_space<vmem>>, vector<16xf32>,
      tpu.vector_store %arg14[%swap3A_2972, %swap3A_2973], %mul3A_2970 {strides = array<i32>} : memref<128x16xf32, #tpu.memory_space<vmem>>, vector<16xf32>,
      %broadcast_in_dim3A_2975 = arith.constant 92 : i32
      %broadcast_in_dim3A_2976 = vector.broadcast %broadcast_in_dim3A_2975 : i32 to vector<16xi32>
      %gather3A_2977 = tpu.vector_load_idx %arg11[%broadcast_in_dim3A_2976] : memref<128xf32, #tpu.memory_space<vmem>>[vector<16xi32>], vector<16xf32>,
      %get3A_2978 = arith.constant 92 : i32
      %get3A_2979 = arith.index_cast %get3A_2978 : i32 to index
      %get3A_2980 = arith.constant 0 : index
      %get3A_2981 = tpu.vector_load %arg14[%get3A_2979, %get3A_2980] {strides = array<i32>} : memref<128x16xf32, #tpu.memory_space<vmem>>, vector<16xf32>,
      %mul3A_2982 = arith.mulf %get3A_2981, %gather3A_2977 : vector<16xf32>
      %swap3A_2983 = arith.constant 92 : i32
      %swap3A_2984 = arith.index_cast %swap3A_2983 : i32 to index
      %swap3A_2985 = arith.constant 0 : index
      %swap3A_2986 = tpu.vector_load %arg14[%swap3A_2984, %swap3A_2985] {strides = array<i32>} : memref<128x16xf32, #tpu.memory_space<vmem>>, vector<16xf32>,
      tpu.vector_store %arg14[%swap3A_2984, %swap3A_2985], %mul3A_2982 {strides = array<i32>} : memref<128x16xf32, #tpu.memory_space<vmem>>, vector<16xf32>,
      %broadcast_in_dim3A_2987 = arith.constant 93 : i32
      %broadcast_in_dim3A_2988 = vector.broadcast %broadcast_in_dim3A_2987 : i32 to vector<16xi32>
      %gather3A_2989 = tpu.vector_load_idx %arg11[%broadcast_in_dim3A_2988] : memref<128xf32, #tpu.memory_space<vmem>>[vector<16xi32>], vector<16xf32>,
      %get3A_2990 = arith.constant 93 : i32
      %get3A_2991 = arith.index_cast %get3A_2990 : i32 to index
      %get3A_2992 = arith.constant 0 : index
      %get3A_2993 = tpu.vector_load %arg14[%get3A_2991, %get3A_2992] {strides = array<i32>} : memref<128x16xf32, #tpu.memory_space<vmem>>, vector<16xf32>,
      %mul3A_2994 = arith.mulf %get3A_2993, %gather3A_2989 : vector<16xf32>
      %swap3A_2995 = arith.constant 93 : i32
      %swap3A_2996 = arith.index_cast %swap3A_2995 : i32 to index
      %swap3A_2997 = arith.constant 0 : index
      %swap3A_2998 = tpu.vector_load %arg14[%swap3A_2996, %swap3A_2997] {strides = array<i32>} : memref<128x16xf32, #tpu.memory_space<vmem>>, vector<16xf32>,
      tpu.vector_store %arg14[%swap3A_2996, %swap3A_2997], %mul3A_2994 {strides = array<i32>} : memref<128x16xf32, #tpu.memory_space<vmem>>, vector<16xf32>,
      %broadcast_in_dim3A_2999 = arith.constant 94 : i32
      %broadcast_in_dim3A_3000 = vector.broadcast %broadcast_in_dim3A_2999 : i32 to vector<16xi32>
      %gather3A_3001 = tpu.vector_load_idx %arg11[%broadcast_in_dim3A_3000] : memref<128xf32, #tpu.memory_space<vmem>>[vector<16xi32>], vector<16xf32>,
      %get3A_3002 = arith.constant 94 : i32
      %get3A_3003 = arith.index_cast %get3A_3002 : i32 to index
      %get3A_3004 = arith.constant 0 : index
      %get3A_3005 = tpu.vector_load %arg14[%get3A_3003, %get3A_3004] {strides = array<i32>} : memref<128x16xf32, #tpu.memory_space<vmem>>, vector<16xf32>,
      %mul3A_3006 = arith.mulf %get3A_3005, %gather3A_3001 : vector<16xf32>
      %swap3A_3007 = arith.constant 94 : i32
      %swap3A_3008 = arith.index_cast %swap3A_3007 : i32 to index
      %swap3A_3009 = arith.constant 0 : index
      %swap3A_3010 = tpu.vector_load %arg14[%swap3A_3008, %swap3A_3009] {strides = array<i32>} : memref<128x16xf32, #tpu.memory_space<vmem>>, vector<16xf32>,
      tpu.vector_store %arg14[%swap3A_3008, %swap3A_3009], %mul3A_3006 {strides = array<i32>} : memref<128x16xf32, #tpu.memory_space<vmem>>, vector<16xf32>,
      %broadcast_in_dim3A_3011 = arith.constant 95 : i32
      %broadcast_in_dim3A_3012 = vector.broadcast %broadcast_in_dim3A_3011 : i32 to vector<16xi32>
      %gather3A_3013 = tpu.vector_load_idx %arg11[%broadcast_in_dim3A_3012] : memref<128xf32, #tpu.memory_space<vmem>>[vector<16xi32>], vector<16xf32>,
      %get3A_3014 = arith.constant 95 : i32
      %get3A_3015 = arith.index_cast %get3A_3014 : i32 to index
      %get3A_3016 = arith.constant 0 : index
      %get3A_3017 = tpu.vector_load %arg14[%get3A_3015, %get3A_3016] {strides = array<i32>} : memref<128x16xf32, #tpu.memory_space<vmem>>, vector<16xf32>,
      %mul3A_3018 = arith.mulf %get3A_3017, %gather3A_3013 : vector<16xf32>
      %swap3A_3019 = arith.constant 95 : i32
      %swap3A_3020 = arith.index_cast %swap3A_3019 : i32 to index
      %swap3A_3021 = arith.constant 0 : index
      %swap3A_3022 = tpu.vector_load %arg14[%swap3A_3020, %swap3A_3021] {strides = array<i32>} : memref<128x16xf32, #tpu.memory_space<vmem>>, vector<16xf32>,
      tpu.vector_store %arg14[%swap3A_3020, %swap3A_3021], %mul3A_3018 {strides = array<i32>} : memref<128x16xf32, #tpu.memory_space<vmem>>, vector<16xf32>,
      %broadcast_in_dim3A_3023 = arith.constant 96 : i32
      %broadcast_in_dim3A_3024 = vector.broadcast %broadcast_in_dim3A_3023 : i32 to vector<16xi32>
      %gather3A_3025 = tpu.vector_load_idx %arg11[%broadcast_in_dim3A_3024] : memref<128xf32, #tpu.memory_space<vmem>>[vector<16xi32>], vector<16xf32>,
      %get3A_3026 = arith.constant 96 : i32
      %get3A_3027 = arith.index_cast %get3A_3026 : i32 to index
      %get3A_3028 = arith.constant 0 : index
      %get3A_3029 = tpu.vector_load %arg14[%get3A_3027, %get3A_3028] {strides = array<i32>} : memref<128x16xf32, #tpu.memory_space<vmem>>, vector<16xf32>,
      %mul3A_3030 = arith.mulf %get3A_3029, %gather3A_3025 : vector<16xf32>
      %swap3A_3031 = arith.constant 96 : i32
      %swap3A_3032 = arith.index_cast %swap3A_3031 : i32 to index
      %swap3A_3033 = arith.constant 0 : index
      %swap3A_3034 = tpu.vector_load %arg14[%swap3A_3032, %swap3A_3033] {strides = array<i32>} : memref<128x16xf32, #tpu.memory_space<vmem>>, vector<16xf32>,
      tpu.vector_store %arg14[%swap3A_3032, %swap3A_3033], %mul3A_3030 {strides = array<i32>} : memref<128x16xf32, #tpu.memory_space<vmem>>, vector<16xf32>,
      %broadcast_in_dim3A_3035 = arith.constant 97 : i32
      %broadcast_in_dim3A_3036 = vector.broadcast %broadcast_in_dim3A_3035 : i32 to vector<16xi32>
      %gather3A_3037 = tpu.vector_load_idx %arg11[%broadcast_in_dim3A_3036] : memref<128xf32, #tpu.memory_space<vmem>>[vector<16xi32>], vector<16xf32>,
      %get3A_3038 = arith.constant 97 : i32
      %get3A_3039 = arith.index_cast %get3A_3038 : i32 to index
      %get3A_3040 = arith.constant 0 : index
      %get3A_3041 = tpu.vector_load %arg14[%get3A_3039, %get3A_3040] {strides = array<i32>} : memref<128x16xf32, #tpu.memory_space<vmem>>, vector<16xf32>,
      %mul3A_3042 = arith.mulf %get3A_3041, %gather3A_3037 : vector<16xf32>
      %swap3A_3043 = arith.constant 97 : i32
      %swap3A_3044 = arith.index_cast %swap3A_3043 : i32 to index
      %swap3A_3045 = arith.constant 0 : index
      %swap3A_3046 = tpu.vector_load %arg14[%swap3A_3044, %swap3A_3045] {strides = array<i32>} : memref<128x16xf32, #tpu.memory_space<vmem>>, vector<16xf32>,
      tpu.vector_store %arg14[%swap3A_3044, %swap3A_3045], %mul3A_3042 {strides = array<i32>} : memref<128x16xf32, #tpu.memory_space<vmem>>, vector<16xf32>,
      %broadcast_in_dim3A_3047 = arith.constant 98 : i32
      %broadcast_in_dim3A_3048 = vector.broadcast %broadcast_in_dim3A_3047 : i32 to vector<16xi32>
      %gather3A_3049 = tpu.vector_load_idx %arg11[%broadcast_in_dim3A_3048] : memref<128xf32, #tpu.memory_space<vmem>>[vector<16xi32>], vector<16xf32>,
      %get3A_3050 = arith.constant 98 : i32
      %get3A_3051 = arith.index_cast %get3A_3050 : i32 to index
      %get3A_3052 = arith.constant 0 : index
      %get3A_3053 = tpu.vector_load %arg14[%get3A_3051, %get3A_3052] {strides = array<i32>} : memref<128x16xf32, #tpu.memory_space<vmem>>, vector<16xf32>,
      %mul3A_3054 = arith.mulf %get3A_3053, %gather3A_3049 : vector<16xf32>
      %swap3A_3055 = arith.constant 98 : i32
      %swap3A_3056 = arith.index_cast %swap3A_3055 : i32 to index
      %swap3A_3057 = arith.constant 0 : index
      %swap3A_3058 = tpu.vector_load %arg14[%swap3A_3056, %swap3A_3057] {strides = array<i32>} : memref<128x16xf32, #tpu.memory_space<vmem>>, vector<16xf32>,
      tpu.vector_store %arg14[%swap3A_3056, %swap3A_3057], %mul3A_3054 {strides = array<i32>} : memref<128x16xf32, #tpu.memory_space<vmem>>, vector<16xf32>,
      %broadcast_in_dim3A_3059 = arith.constant 99 : i32
      %broadcast_in_dim3A_3060 = vector.broadcast %broadcast_in_dim3A_3059 : i32 to vector<16xi32>
      %gather3A_3061 = tpu.vector_load_idx %arg11[%broadcast_in_dim3A_3060] : memref<128xf32, #tpu.memory_space<vmem>>[vector<16xi32>], vector<16xf32>,
      %get3A_3062 = arith.constant 99 : i32
      %get3A_3063 = arith.index_cast %get3A_3062 : i32 to index
      %get3A_3064 = arith.constant 0 : index
      %get3A_3065 = tpu.vector_load %arg14[%get3A_3063, %get3A_3064] {strides = array<i32>} : memref<128x16xf32, #tpu.memory_space<vmem>>, vector<16xf32>,
      %mul3A_3066 = arith.mulf %get3A_3065, %gather3A_3061 : vector<16xf32>
      %swap3A_3067 = arith.constant 99 : i32
      %swap3A_3068 = arith.index_cast %swap3A_3067 : i32 to index
      %swap3A_3069 = arith.constant 0 : index
      %swap3A_3070 = tpu.vector_load %arg14[%swap3A_3068, %swap3A_3069] {strides = array<i32>} : memref<128x16xf32, #tpu.memory_space<vmem>>, vector<16xf32>,
      tpu.vector_store %arg14[%swap3A_3068, %swap3A_3069], %mul3A_3066 {strides = array<i32>} : memref<128x16xf32, #tpu.memory_space<vmem>>, vector<16xf32>,
      %broadcast_in_dim3A_3071 = arith.constant 100 : i32
      %broadcast_in_dim3A_3072 = vector.broadcast %broadcast_in_dim3A_3071 : i32 to vector<16xi32>
      %gather3A_3073 = tpu.vector_load_idx %arg11[%broadcast_in_dim3A_3072] : memref<128xf32, #tpu.memory_space<vmem>>[vector<16xi32>], vector<16xf32>,
      %get3A_3074 = arith.constant 100 : i32
      %get3A_3075 = arith.index_cast %get3A_3074 : i32 to index
      %get3A_3076 = arith.constant 0 : index
      %get3A_3077 = tpu.vector_load %arg14[%get3A_3075, %get3A_3076] {strides = array<i32>} : memref<128x16xf32, #tpu.memory_space<vmem>>, vector<16xf32>,
      %mul3A_3078 = arith.mulf %get3A_3077, %gather3A_3073 : vector<16xf32>
      %swap3A_3079 = arith.constant 100 : i32
      %swap3A_3080 = arith.index_cast %swap3A_3079 : i32 to index
      %swap3A_3081 = arith.constant 0 : index
      %swap3A_3082 = tpu.vector_load %arg14[%swap3A_3080, %swap3A_3081] {strides = array<i32>} : memref<128x16xf32, #tpu.memory_space<vmem>>, vector<16xf32>,
      tpu.vector_store %arg14[%swap3A_3080, %swap3A_3081], %mul3A_3078 {strides = array<i32>} : memref<128x16xf32, #tpu.memory_space<vmem>>, vector<16xf32>,
      %broadcast_in_dim3A_3083 = arith.constant 101 : i32
      %broadcast_in_dim3A_3084 = vector.broadcast %broadcast_in_dim3A_3083 : i32 to vector<16xi32>
      %gather3A_3085 = tpu.vector_load_idx %arg11[%broadcast_in_dim3A_3084] : memref<128xf32, #tpu.memory_space<vmem>>[vector<16xi32>], vector<16xf32>,
      %get3A_3086 = arith.constant 101 : i32
      %get3A_3087 = arith.index_cast %get3A_3086 : i32 to index
      %get3A_3088 = arith.constant 0 : index
      %get3A_3089 = tpu.vector_load %arg14[%get3A_3087, %get3A_3088] {strides = array<i32>} : memref<128x16xf32, #tpu.memory_space<vmem>>, vector<16xf32>,
      %mul3A_3090 = arith.mulf %get3A_3089, %gather3A_3085 : vector<16xf32>
      %swap3A_3091 = arith.constant 101 : i32
      %swap3A_3092 = arith.index_cast %swap3A_3091 : i32 to index
      %swap3A_3093 = arith.constant 0 : index
      %swap3A_3094 = tpu.vector_load %arg14[%swap3A_3092, %swap3A_3093] {strides = array<i32>} : memref<128x16xf32, #tpu.memory_space<vmem>>, vector<16xf32>,
      tpu.vector_store %arg14[%swap3A_3092, %swap3A_3093], %mul3A_3090 {strides = array<i32>} : memref<128x16xf32, #tpu.memory_space<vmem>>, vector<16xf32>,
      %broadcast_in_dim3A_3095 = arith.constant 102 : i32
      %broadcast_in_dim3A_3096 = vector.broadcast %broadcast_in_dim3A_3095 : i32 to vector<16xi32>
      %gather3A_3097 = tpu.vector_load_idx %arg11[%broadcast_in_dim3A_3096] : memref<128xf32, #tpu.memory_space<vmem>>[vector<16xi32>], vector<16xf32>,
      %get3A_3098 = arith.constant 102 : i32
      %get3A_3099 = arith.index_cast %get3A_3098 : i32 to index
      %get3A_3100 = arith.constant 0 : index
      %get3A_3101 = tpu.vector_load %arg14[%get3A_3099, %get3A_3100] {strides = array<i32>} : memref<128x16xf32, #tpu.memory_space<vmem>>, vector<16xf32>,
      %mul3A_3102 = arith.mulf %get3A_3101, %gather3A_3097 : vector<16xf32>
      %swap3A_3103 = arith.constant 102 : i32
      %swap3A_3104 = arith.index_cast %swap3A_3103 : i32 to index
      %swap3A_3105 = arith.constant 0 : index
      %swap3A_3106 = tpu.vector_load %arg14[%swap3A_3104, %swap3A_3105] {strides = array<i32>} : memref<128x16xf32, #tpu.memory_space<vmem>>, vector<16xf32>,
      tpu.vector_store %arg14[%swap3A_3104, %swap3A_3105], %mul3A_3102 {strides = array<i32>} : memref<128x16xf32, #tpu.memory_space<vmem>>, vector<16xf32>,
      %broadcast_in_dim3A_3107 = arith.constant 103 : i32
      %broadcast_in_dim3A_3108 = vector.broadcast %broadcast_in_dim3A_3107 : i32 to vector<16xi32>
      %gather3A_3109 = tpu.vector_load_idx %arg11[%broadcast_in_dim3A_3108] : memref<128xf32, #tpu.memory_space<vmem>>[vector<16xi32>], vector<16xf32>,
      %get3A_3110 = arith.constant 103 : i32
      %get3A_3111 = arith.index_cast %get3A_3110 : i32 to index
      %get3A_3112 = arith.constant 0 : index
      %get3A_3113 = tpu.vector_load %arg14[%get3A_3111, %get3A_3112] {strides = array<i32>} : memref<128x16xf32, #tpu.memory_space<vmem>>, vector<16xf32>,
      %mul3A_3114 = arith.mulf %get3A_3113, %gather3A_3109 : vector<16xf32>
      %swap3A_3115 = arith.constant 103 : i32
      %swap3A_3116 = arith.index_cast %swap3A_3115 : i32 to index
      %swap3A_3117 = arith.constant 0 : index
      %swap3A_3118 = tpu.vector_load %arg14[%swap3A_3116, %swap3A_3117] {strides = array<i32>} : memref<128x16xf32, #tpu.memory_space<vmem>>, vector<16xf32>,
      tpu.vector_store %arg14[%swap3A_3116, %swap3A_3117], %mul3A_3114 {strides = array<i32>} : memref<128x16xf32, #tpu.memory_space<vmem>>, vector<16xf32>,
      %broadcast_in_dim3A_3119 = arith.constant 104 : i32
      %broadcast_in_dim3A_3120 = vector.broadcast %broadcast_in_dim3A_3119 : i32 to vector<16xi32>
      %gather3A_3121 = tpu.vector_load_idx %arg11[%broadcast_in_dim3A_3120] : memref<128xf32, #tpu.memory_space<vmem>>[vector<16xi32>], vector<16xf32>,
      %get3A_3122 = arith.constant 104 : i32
      %get3A_3123 = arith.index_cast %get3A_3122 : i32 to index
      %get3A_3124 = arith.constant 0 : index
      %get3A_3125 = tpu.vector_load %arg14[%get3A_3123, %get3A_3124] {strides = array<i32>} : memref<128x16xf32, #tpu.memory_space<vmem>>, vector<16xf32>,
      %mul3A_3126 = arith.mulf %get3A_3125, %gather3A_3121 : vector<16xf32>
      %swap3A_3127 = arith.constant 104 : i32
      %swap3A_3128 = arith.index_cast %swap3A_3127 : i32 to index
      %swap3A_3129 = arith.constant 0 : index
      %swap3A_3130 = tpu.vector_load %arg14[%swap3A_3128, %swap3A_3129] {strides = array<i32>} : memref<128x16xf32, #tpu.memory_space<vmem>>, vector<16xf32>,
      tpu.vector_store %arg14[%swap3A_3128, %swap3A_3129], %mul3A_3126 {strides = array<i32>} : memref<128x16xf32, #tpu.memory_space<vmem>>, vector<16xf32>,
      %broadcast_in_dim3A_3131 = arith.constant 105 : i32
      %broadcast_in_dim3A_3132 = vector.broadcast %broadcast_in_dim3A_3131 : i32 to vector<16xi32>
      %gather3A_3133 = tpu.vector_load_idx %arg11[%broadcast_in_dim3A_3132] : memref<128xf32, #tpu.memory_space<vmem>>[vector<16xi32>], vector<16xf32>,
      %get3A_3134 = arith.constant 105 : i32
      %get3A_3135 = arith.index_cast %get3A_3134 : i32 to index
      %get3A_3136 = arith.constant 0 : index
      %get3A_3137 = tpu.vector_load %arg14[%get3A_3135, %get3A_3136] {strides = array<i32>} : memref<128x16xf32, #tpu.memory_space<vmem>>, vector<16xf32>,
      %mul3A_3138 = arith.mulf %get3A_3137, %gather3A_3133 : vector<16xf32>
      %swap3A_3139 = arith.constant 105 : i32
      %swap3A_3140 = arith.index_cast %swap3A_3139 : i32 to index
      %swap3A_3141 = arith.constant 0 : index
      %swap3A_3142 = tpu.vector_load %arg14[%swap3A_3140, %swap3A_3141] {strides = array<i32>} : memref<128x16xf32, #tpu.memory_space<vmem>>, vector<16xf32>,
      tpu.vector_store %arg14[%swap3A_3140, %swap3A_3141], %mul3A_3138 {strides = array<i32>} : memref<128x16xf32, #tpu.memory_space<vmem>>, vector<16xf32>,
      %broadcast_in_dim3A_3143 = arith.constant 106 : i32
      %broadcast_in_dim3A_3144 = vector.broadcast %broadcast_in_dim3A_3143 : i32 to vector<16xi32>
      %gather3A_3145 = tpu.vector_load_idx %arg11[%broadcast_in_dim3A_3144] : memref<128xf32, #tpu.memory_space<vmem>>[vector<16xi32>], vector<16xf32>,
      %get3A_3146 = arith.constant 106 : i32
      %get3A_3147 = arith.index_cast %get3A_3146 : i32 to index
      %get3A_3148 = arith.constant 0 : index
      %get3A_3149 = tpu.vector_load %arg14[%get3A_3147, %get3A_3148] {strides = array<i32>} : memref<128x16xf32, #tpu.memory_space<vmem>>, vector<16xf32>,
      %mul3A_3150 = arith.mulf %get3A_3149, %gather3A_3145 : vector<16xf32>
      %swap3A_3151 = arith.constant 106 : i32
      %swap3A_3152 = arith.index_cast %swap3A_3151 : i32 to index
      %swap3A_3153 = arith.constant 0 : index
      %swap3A_3154 = tpu.vector_load %arg14[%swap3A_3152, %swap3A_3153] {strides = array<i32>} : memref<128x16xf32, #tpu.memory_space<vmem>>, vector<16xf32>,
      tpu.vector_store %arg14[%swap3A_3152, %swap3A_3153], %mul3A_3150 {strides = array<i32>} : memref<128x16xf32, #tpu.memory_space<vmem>>, vector<16xf32>,
      %broadcast_in_dim3A_3155 = arith.constant 107 : i32
      %broadcast_in_dim3A_3156 = vector.broadcast %broadcast_in_dim3A_3155 : i32 to vector<16xi32>
      %gather3A_3157 = tpu.vector_load_idx %arg11[%broadcast_in_dim3A_3156] : memref<128xf32, #tpu.memory_space<vmem>>[vector<16xi32>], vector<16xf32>,
      %get3A_3158 = arith.constant 107 : i32
      %get3A_3159 = arith.index_cast %get3A_3158 : i32 to index
      %get3A_3160 = arith.constant 0 : index
      %get3A_3161 = tpu.vector_load %arg14[%get3A_3159, %get3A_3160] {strides = array<i32>} : memref<128x16xf32, #tpu.memory_space<vmem>>, vector<16xf32>,
      %mul3A_3162 = arith.mulf %get3A_3161, %gather3A_3157 : vector<16xf32>
      %swap3A_3163 = arith.constant 107 : i32
      %swap3A_3164 = arith.index_cast %swap3A_3163 : i32 to index
      %swap3A_3165 = arith.constant 0 : index
      %swap3A_3166 = tpu.vector_load %arg14[%swap3A_3164, %swap3A_3165] {strides = array<i32>} : memref<128x16xf32, #tpu.memory_space<vmem>>, vector<16xf32>,
      tpu.vector_store %arg14[%swap3A_3164, %swap3A_3165], %mul3A_3162 {strides = array<i32>} : memref<128x16xf32, #tpu.memory_space<vmem>>, vector<16xf32>,
      %broadcast_in_dim3A_3167 = arith.constant 108 : i32
      %broadcast_in_dim3A_3168 = vector.broadcast %broadcast_in_dim3A_3167 : i32 to vector<16xi32>
      %gather3A_3169 = tpu.vector_load_idx %arg11[%broadcast_in_dim3A_3168] : memref<128xf32, #tpu.memory_space<vmem>>[vector<16xi32>], vector<16xf32>,
      %get3A_3170 = arith.constant 108 : i32
      %get3A_3171 = arith.index_cast %get3A_3170 : i32 to index
      %get3A_3172 = arith.constant 0 : index
      %get3A_3173 = tpu.vector_load %arg14[%get3A_3171, %get3A_3172] {strides = array<i32>} : memref<128x16xf32, #tpu.memory_space<vmem>>, vector<16xf32>,
      %mul3A_3174 = arith.mulf %get3A_3173, %gather3A_3169 : vector<16xf32>
      %swap3A_3175 = arith.constant 108 : i32
      %swap3A_3176 = arith.index_cast %swap3A_3175 : i32 to index
      %swap3A_3177 = arith.constant 0 : index
      %swap3A_3178 = tpu.vector_load %arg14[%swap3A_3176, %swap3A_3177] {strides = array<i32>} : memref<128x16xf32, #tpu.memory_space<vmem>>, vector<16xf32>,
      tpu.vector_store %arg14[%swap3A_3176, %swap3A_3177], %mul3A_3174 {strides = array<i32>} : memref<128x16xf32, #tpu.memory_space<vmem>>, vector<16xf32>,
      %broadcast_in_dim3A_3179 = arith.constant 109 : i32
      %broadcast_in_dim3A_3180 = vector.broadcast %broadcast_in_dim3A_3179 : i32 to vector<16xi32>
      %gather3A_3181 = tpu.vector_load_idx %arg11[%broadcast_in_dim3A_3180] : memref<128xf32, #tpu.memory_space<vmem>>[vector<16xi32>], vector<16xf32>,
      %get3A_3182 = arith.constant 109 : i32
      %get3A_3183 = arith.index_cast %get3A_3182 : i32 to index
      %get3A_3184 = arith.constant 0 : index
      %get3A_3185 = tpu.vector_load %arg14[%get3A_3183, %get3A_3184] {strides = array<i32>} : memref<128x16xf32, #tpu.memory_space<vmem>>, vector<16xf32>,
      %mul3A_3186 = arith.mulf %get3A_3185, %gather3A_3181 : vector<16xf32>
      %swap3A_3187 = arith.constant 109 : i32
      %swap3A_3188 = arith.index_cast %swap3A_3187 : i32 to index
      %swap3A_3189 = arith.constant 0 : index
      %swap3A_3190 = tpu.vector_load %arg14[%swap3A_3188, %swap3A_3189] {strides = array<i32>} : memref<128x16xf32, #tpu.memory_space<vmem>>, vector<16xf32>,
      tpu.vector_store %arg14[%swap3A_3188, %swap3A_3189], %mul3A_3186 {strides = array<i32>} : memref<128x16xf32, #tpu.memory_space<vmem>>, vector<16xf32>,
      %broadcast_in_dim3A_3191 = arith.constant 110 : i32
      %broadcast_in_dim3A_3192 = vector.broadcast %broadcast_in_dim3A_3191 : i32 to vector<16xi32>
      %gather3A_3193 = tpu.vector_load_idx %arg11[%broadcast_in_dim3A_3192] : memref<128xf32, #tpu.memory_space<vmem>>[vector<16xi32>], vector<16xf32>,
      %get3A_3194 = arith.constant 110 : i32
      %get3A_3195 = arith.index_cast %get3A_3194 : i32 to index
      %get3A_3196 = arith.constant 0 : index
      %get3A_3197 = tpu.vector_load %arg14[%get3A_3195, %get3A_3196] {strides = array<i32>} : memref<128x16xf32, #tpu.memory_space<vmem>>, vector<16xf32>,
      %mul3A_3198 = arith.mulf %get3A_3197, %gather3A_3193 : vector<16xf32>
      %swap3A_3199 = arith.constant 110 : i32
      %swap3A_3200 = arith.index_cast %swap3A_3199 : i32 to index
      %swap3A_3201 = arith.constant 0 : index
      %swap3A_3202 = tpu.vector_load %arg14[%swap3A_3200, %swap3A_3201] {strides = array<i32>} : memref<128x16xf32, #tpu.memory_space<vmem>>, vector<16xf32>,
      tpu.vector_store %arg14[%swap3A_3200, %swap3A_3201], %mul3A_3198 {strides = array<i32>} : memref<128x16xf32, #tpu.memory_space<vmem>>, vector<16xf32>,
      %broadcast_in_dim3A_3203 = arith.constant 111 : i32
      %broadcast_in_dim3A_3204 = vector.broadcast %broadcast_in_dim3A_3203 : i32 to vector<16xi32>
      %gather3A_3205 = tpu.vector_load_idx %arg11[%broadcast_in_dim3A_3204] : memref<128xf32, #tpu.memory_space<vmem>>[vector<16xi32>], vector<16xf32>,
      %get3A_3206 = arith.constant 111 : i32
      %get3A_3207 = arith.index_cast %get3A_3206 : i32 to index
      %get3A_3208 = arith.constant 0 : index
      %get3A_3209 = tpu.vector_load %arg14[%get3A_3207, %get3A_3208] {strides = array<i32>} : memref<128x16xf32, #tpu.memory_space<vmem>>, vector<16xf32>,
      %mul3A_3210 = arith.mulf %get3A_3209, %gather3A_3205 : vector<16xf32>
      %swap3A_3211 = arith.constant 111 : i32
      %swap3A_3212 = arith.index_cast %swap3A_3211 : i32 to index
      %swap3A_3213 = arith.constant 0 : index
      %swap3A_3214 = tpu.vector_load %arg14[%swap3A_3212, %swap3A_3213] {strides = array<i32>} : memref<128x16xf32, #tpu.memory_space<vmem>>, vector<16xf32>,
      tpu.vector_store %arg14[%swap3A_3212, %swap3A_3213], %mul3A_3210 {strides = array<i32>} : memref<128x16xf32, #tpu.memory_space<vmem>>, vector<16xf32>,
      %broadcast_in_dim3A_3215 = arith.constant 112 : i32
      %broadcast_in_dim3A_3216 = vector.broadcast %broadcast_in_dim3A_3215 : i32 to vector<16xi32>
      %gather3A_3217 = tpu.vector_load_idx %arg11[%broadcast_in_dim3A_3216] : memref<128xf32, #tpu.memory_space<vmem>>[vector<16xi32>], vector<16xf32>,
      %get3A_3218 = arith.constant 112 : i32
      %get3A_3219 = arith.index_cast %get3A_3218 : i32 to index
      %get3A_3220 = arith.constant 0 : index
      %get3A_3221 = tpu.vector_load %arg14[%get3A_3219, %get3A_3220] {strides = array<i32>} : memref<128x16xf32, #tpu.memory_space<vmem>>, vector<16xf32>,
      %mul3A_3222 = arith.mulf %get3A_3221, %gather3A_3217 : vector<16xf32>
      %swap3A_3223 = arith.constant 112 : i32
      %swap3A_3224 = arith.index_cast %swap3A_3223 : i32 to index
      %swap3A_3225 = arith.constant 0 : index
      %swap3A_3226 = tpu.vector_load %arg14[%swap3A_3224, %swap3A_3225] {strides = array<i32>} : memref<128x16xf32, #tpu.memory_space<vmem>>, vector<16xf32>,
      tpu.vector_store %arg14[%swap3A_3224, %swap3A_3225], %mul3A_3222 {strides = array<i32>} : memref<128x16xf32, #tpu.memory_space<vmem>>, vector<16xf32>,
      %broadcast_in_dim3A_3227 = arith.constant 113 : i32
      %broadcast_in_dim3A_3228 = vector.broadcast %broadcast_in_dim3A_3227 : i32 to vector<16xi32>
      %gather3A_3229 = tpu.vector_load_idx %arg11[%broadcast_in_dim3A_3228] : memref<128xf32, #tpu.memory_space<vmem>>[vector<16xi32>], vector<16xf32>,
      %get3A_3230 = arith.constant 113 : i32
      %get3A_3231 = arith.index_cast %get3A_3230 : i32 to index
      %get3A_3232 = arith.constant 0 : index
      %get3A_3233 = tpu.vector_load %arg14[%get3A_3231, %get3A_3232] {strides = array<i32>} : memref<128x16xf32, #tpu.memory_space<vmem>>, vector<16xf32>,
      %mul3A_3234 = arith.mulf %get3A_3233, %gather3A_3229 : vector<16xf32>
      %swap3A_3235 = arith.constant 113 : i32
      %swap3A_3236 = arith.index_cast %swap3A_3235 : i32 to index
      %swap3A_3237 = arith.constant 0 : index
      %swap3A_3238 = tpu.vector_load %arg14[%swap3A_3236, %swap3A_3237] {strides = array<i32>} : memref<128x16xf32, #tpu.memory_space<vmem>>, vector<16xf32>,
      tpu.vector_store %arg14[%swap3A_3236, %swap3A_3237], %mul3A_3234 {strides = array<i32>} : memref<128x16xf32, #tpu.memory_space<vmem>>, vector<16xf32>,
      %broadcast_in_dim3A_3239 = arith.constant 114 : i32
      %broadcast_in_dim3A_3240 = vector.broadcast %broadcast_in_dim3A_3239 : i32 to vector<16xi32>
      %gather3A_3241 = tpu.vector_load_idx %arg11[%broadcast_in_dim3A_3240] : memref<128xf32, #tpu.memory_space<vmem>>[vector<16xi32>], vector<16xf32>,
      %get3A_3242 = arith.constant 114 : i32
      %get3A_3243 = arith.index_cast %get3A_3242 : i32 to index
      %get3A_3244 = arith.constant 0 : index
      %get3A_3245 = tpu.vector_load %arg14[%get3A_3243, %get3A_3244] {strides = array<i32>} : memref<128x16xf32, #tpu.memory_space<vmem>>, vector<16xf32>,
      %mul3A_3246 = arith.mulf %get3A_3245, %gather3A_3241 : vector<16xf32>
      %swap3A_3247 = arith.constant 114 : i32
      %swap3A_3248 = arith.index_cast %swap3A_3247 : i32 to index
      %swap3A_3249 = arith.constant 0 : index
      %swap3A_3250 = tpu.vector_load %arg14[%swap3A_3248, %swap3A_3249] {strides = array<i32>} : memref<128x16xf32, #tpu.memory_space<vmem>>, vector<16xf32>,
      tpu.vector_store %arg14[%swap3A_3248, %swap3A_3249], %mul3A_3246 {strides = array<i32>} : memref<128x16xf32, #tpu.memory_space<vmem>>, vector<16xf32>,
      %broadcast_in_dim3A_3251 = arith.constant 115 : i32
      %broadcast_in_dim3A_3252 = vector.broadcast %broadcast_in_dim3A_3251 : i32 to vector<16xi32>
      %gather3A_3253 = tpu.vector_load_idx %arg11[%broadcast_in_dim3A_3252] : memref<128xf32, #tpu.memory_space<vmem>>[vector<16xi32>], vector<16xf32>,
      %get3A_3254 = arith.constant 115 : i32
      %get3A_3255 = arith.index_cast %get3A_3254 : i32 to index
      %get3A_3256 = arith.constant 0 : index
      %get3A_3257 = tpu.vector_load %arg14[%get3A_3255, %get3A_3256] {strides = array<i32>} : memref<128x16xf32, #tpu.memory_space<vmem>>, vector<16xf32>,
      %mul3A_3258 = arith.mulf %get3A_3257, %gather3A_3253 : vector<16xf32>
      %swap3A_3259 = arith.constant 115 : i32
      %swap3A_3260 = arith.index_cast %swap3A_3259 : i32 to index
      %swap3A_3261 = arith.constant 0 : index
      %swap3A_3262 = tpu.vector_load %arg14[%swap3A_3260, %swap3A_3261] {strides = array<i32>} : memref<128x16xf32, #tpu.memory_space<vmem>>, vector<16xf32>,
      tpu.vector_store %arg14[%swap3A_3260, %swap3A_3261], %mul3A_3258 {strides = array<i32>} : memref<128x16xf32, #tpu.memory_space<vmem>>, vector<16xf32>,
      %broadcast_in_dim3A_3263 = arith.constant 116 : i32
      %broadcast_in_dim3A_3264 = vector.broadcast %broadcast_in_dim3A_3263 : i32 to vector<16xi32>
      %gather3A_3265 = tpu.vector_load_idx %arg11[%broadcast_in_dim3A_3264] : memref<128xf32, #tpu.memory_space<vmem>>[vector<16xi32>], vector<16xf32>,
      %get3A_3266 = arith.constant 116 : i32
      %get3A_3267 = arith.index_cast %get3A_3266 : i32 to index
      %get3A_3268 = arith.constant 0 : index
      %get3A_3269 = tpu.vector_load %arg14[%get3A_3267, %get3A_3268] {strides = array<i32>} : memref<128x16xf32, #tpu.memory_space<vmem>>, vector<16xf32>,
      %mul3A_3270 = arith.mulf %get3A_3269, %gather3A_3265 : vector<16xf32>
      %swap3A_3271 = arith.constant 116 : i32
      %swap3A_3272 = arith.index_cast %swap3A_3271 : i32 to index
      %swap3A_3273 = arith.constant 0 : index
      %swap3A_3274 = tpu.vector_load %arg14[%swap3A_3272, %swap3A_3273] {strides = array<i32>} : memref<128x16xf32, #tpu.memory_space<vmem>>, vector<16xf32>,
      tpu.vector_store %arg14[%swap3A_3272, %swap3A_3273], %mul3A_3270 {strides = array<i32>} : memref<128x16xf32, #tpu.memory_space<vmem>>, vector<16xf32>,
      %broadcast_in_dim3A_3275 = arith.constant 117 : i32
      %broadcast_in_dim3A_3276 = vector.broadcast %broadcast_in_dim3A_3275 : i32 to vector<16xi32>
      %gather3A_3277 = tpu.vector_load_idx %arg11[%broadcast_in_dim3A_3276] : memref<128xf32, #tpu.memory_space<vmem>>[vector<16xi32>], vector<16xf32>,
      %get3A_3278 = arith.constant 117 : i32
      %get3A_3279 = arith.index_cast %get3A_3278 : i32 to index
      %get3A_3280 = arith.constant 0 : index
      %get3A_3281 = tpu.vector_load %arg14[%get3A_3279, %get3A_3280] {strides = array<i32>} : memref<128x16xf32, #tpu.memory_space<vmem>>, vector<16xf32>,
      %mul3A_3282 = arith.mulf %get3A_3281, %gather3A_3277 : vector<16xf32>
      %swap3A_3283 = arith.constant 117 : i32
      %swap3A_3284 = arith.index_cast %swap3A_3283 : i32 to index
      %swap3A_3285 = arith.constant 0 : index
      %swap3A_3286 = tpu.vector_load %arg14[%swap3A_3284, %swap3A_3285] {strides = array<i32>} : memref<128x16xf32, #tpu.memory_space<vmem>>, vector<16xf32>,
      tpu.vector_store %arg14[%swap3A_3284, %swap3A_3285], %mul3A_3282 {strides = array<i32>} : memref<128x16xf32, #tpu.memory_space<vmem>>, vector<16xf32>,
      %broadcast_in_dim3A_3287 = arith.constant 118 : i32
      %broadcast_in_dim3A_3288 = vector.broadcast %broadcast_in_dim3A_3287 : i32 to vector<16xi32>
      %gather3A_3289 = tpu.vector_load_idx %arg11[%broadcast_in_dim3A_3288] : memref<128xf32, #tpu.memory_space<vmem>>[vector<16xi32>], vector<16xf32>,
      %get3A_3290 = arith.constant 118 : i32
      %get3A_3291 = arith.index_cast %get3A_3290 : i32 to index
      %get3A_3292 = arith.constant 0 : index
      %get3A_3293 = tpu.vector_load %arg14[%get3A_3291, %get3A_3292] {strides = array<i32>} : memref<128x16xf32, #tpu.memory_space<vmem>>, vector<16xf32>,
      %mul3A_3294 = arith.mulf %get3A_3293, %gather3A_3289 : vector<16xf32>
      %swap3A_3295 = arith.constant 118 : i32
      %swap3A_3296 = arith.index_cast %swap3A_3295 : i32 to index
      %swap3A_3297 = arith.constant 0 : index
      %swap3A_3298 = tpu.vector_load %arg14[%swap3A_3296, %swap3A_3297] {strides = array<i32>} : memref<128x16xf32, #tpu.memory_space<vmem>>, vector<16xf32>,
      tpu.vector_store %arg14[%swap3A_3296, %swap3A_3297], %mul3A_3294 {strides = array<i32>} : memref<128x16xf32, #tpu.memory_space<vmem>>, vector<16xf32>,
      %broadcast_in_dim3A_3299 = arith.constant 119 : i32
      %broadcast_in_dim3A_3300 = vector.broadcast %broadcast_in_dim3A_3299 : i32 to vector<16xi32>
      %gather3A_3301 = tpu.vector_load_idx %arg11[%broadcast_in_dim3A_3300] : memref<128xf32, #tpu.memory_space<vmem>>[vector<16xi32>], vector<16xf32>,
      %get3A_3302 = arith.constant 119 : i32
      %get3A_3303 = arith.index_cast %get3A_3302 : i32 to index
      %get3A_3304 = arith.constant 0 : index
      %get3A_3305 = tpu.vector_load %arg14[%get3A_3303, %get3A_3304] {strides = array<i32>} : memref<128x16xf32, #tpu.memory_space<vmem>>, vector<16xf32>,
      %mul3A_3306 = arith.mulf %get3A_3305, %gather3A_3301 : vector<16xf32>
      %swap3A_3307 = arith.constant 119 : i32
      %swap3A_3308 = arith.index_cast %swap3A_3307 : i32 to index
      %swap3A_3309 = arith.constant 0 : index
      %swap3A_3310 = tpu.vector_load %arg14[%swap3A_3308, %swap3A_3309] {strides = array<i32>} : memref<128x16xf32, #tpu.memory_space<vmem>>, vector<16xf32>,
      tpu.vector_store %arg14[%swap3A_3308, %swap3A_3309], %mul3A_3306 {strides = array<i32>} : memref<128x16xf32, #tpu.memory_space<vmem>>, vector<16xf32>,
      %broadcast_in_dim3A_3311 = arith.constant 120 : i32
      %broadcast_in_dim3A_3312 = vector.broadcast %broadcast_in_dim3A_3311 : i32 to vector<16xi32>
      %gather3A_3313 = tpu.vector_load_idx %arg11[%broadcast_in_dim3A_3312] : memref<128xf32, #tpu.memory_space<vmem>>[vector<16xi32>], vector<16xf32>,
      %get3A_3314 = arith.constant 120 : i32
      %get3A_3315 = arith.index_cast %get3A_3314 : i32 to index
      %get3A_3316 = arith.constant 0 : index
      %get3A_3317 = tpu.vector_load %arg14[%get3A_3315, %get3A_3316] {strides = array<i32>} : memref<128x16xf32, #tpu.memory_space<vmem>>, vector<16xf32>,
      %mul3A_3318 = arith.mulf %get3A_3317, %gather3A_3313 : vector<16xf32>
      %swap3A_3319 = arith.constant 120 : i32
      %swap3A_3320 = arith.index_cast %swap3A_3319 : i32 to index
      %swap3A_3321 = arith.constant 0 : index
      %swap3A_3322 = tpu.vector_load %arg14[%swap3A_3320, %swap3A_3321] {strides = array<i32>} : memref<128x16xf32, #tpu.memory_space<vmem>>, vector<16xf32>,
      tpu.vector_store %arg14[%swap3A_3320, %swap3A_3321], %mul3A_3318 {strides = array<i32>} : memref<128x16xf32, #tpu.memory_space<vmem>>, vector<16xf32>,
      %broadcast_in_dim3A_3323 = arith.constant 121 : i32
      %broadcast_in_dim3A_3324 = vector.broadcast %broadcast_in_dim3A_3323 : i32 to vector<16xi32>
      %gather3A_3325 = tpu.vector_load_idx %arg11[%broadcast_in_dim3A_3324] : memref<128xf32, #tpu.memory_space<vmem>>[vector<16xi32>], vector<16xf32>,
      %get3A_3326 = arith.constant 121 : i32
      %get3A_3327 = arith.index_cast %get3A_3326 : i32 to index
      %get3A_3328 = arith.constant 0 : index
      %get3A_3329 = tpu.vector_load %arg14[%get3A_3327, %get3A_3328] {strides = array<i32>} : memref<128x16xf32, #tpu.memory_space<vmem>>, vector<16xf32>,
      %mul3A_3330 = arith.mulf %get3A_3329, %gather3A_3325 : vector<16xf32>
      %swap3A_3331 = arith.constant 121 : i32
      %swap3A_3332 = arith.index_cast %swap3A_3331 : i32 to index
      %swap3A_3333 = arith.constant 0 : index
      %swap3A_3334 = tpu.vector_load %arg14[%swap3A_3332, %swap3A_3333] {strides = array<i32>} : memref<128x16xf32, #tpu.memory_space<vmem>>, vector<16xf32>,
      tpu.vector_store %arg14[%swap3A_3332, %swap3A_3333], %mul3A_3330 {strides = array<i32>} : memref<128x16xf32, #tpu.memory_space<vmem>>, vector<16xf32>,
      %broadcast_in_dim3A_3335 = arith.constant 122 : i32
      %broadcast_in_dim3A_3336 = vector.broadcast %broadcast_in_dim3A_3335 : i32 to vector<16xi32>
      %gather3A_3337 = tpu.vector_load_idx %arg11[%broadcast_in_dim3A_3336] : memref<128xf32, #tpu.memory_space<vmem>>[vector<16xi32>], vector<16xf32>,
      %get3A_3338 = arith.constant 122 : i32
      %get3A_3339 = arith.index_cast %get3A_3338 : i32 to index
      %get3A_3340 = arith.constant 0 : index
      %get3A_3341 = tpu.vector_load %arg14[%get3A_3339, %get3A_3340] {strides = array<i32>} : memref<128x16xf32, #tpu.memory_space<vmem>>, vector<16xf32>,
      %mul3A_3342 = arith.mulf %get3A_3341, %gather3A_3337 : vector<16xf32>
      %swap3A_3343 = arith.constant 122 : i32
      %swap3A_3344 = arith.index_cast %swap3A_3343 : i32 to index
      %swap3A_3345 = arith.constant 0 : index
      %swap3A_3346 = tpu.vector_load %arg14[%swap3A_3344, %swap3A_3345] {strides = array<i32>} : memref<128x16xf32, #tpu.memory_space<vmem>>, vector<16xf32>,
      tpu.vector_store %arg14[%swap3A_3344, %swap3A_3345], %mul3A_3342 {strides = array<i32>} : memref<128x16xf32, #tpu.memory_space<vmem>>, vector<16xf32>,
      %broadcast_in_dim3A_3347 = arith.constant 123 : i32
      %broadcast_in_dim3A_3348 = vector.broadcast %broadcast_in_dim3A_3347 : i32 to vector<16xi32>
      %gather3A_3349 = tpu.vector_load_idx %arg11[%broadcast_in_dim3A_3348] : memref<128xf32, #tpu.memory_space<vmem>>[vector<16xi32>], vector<16xf32>,
      %get3A_3350 = arith.constant 123 : i32
      %get3A_3351 = arith.index_cast %get3A_3350 : i32 to index
      %get3A_3352 = arith.constant 0 : index
      %get3A_3353 = tpu.vector_load %arg14[%get3A_3351, %get3A_3352] {strides = array<i32>} : memref<128x16xf32, #tpu.memory_space<vmem>>, vector<16xf32>,
      %mul3A_3354 = arith.mulf %get3A_3353, %gather3A_3349 : vector<16xf32>
      %swap3A_3355 = arith.constant 123 : i32
      %swap3A_3356 = arith.index_cast %swap3A_3355 : i32 to index
      %swap3A_3357 = arith.constant 0 : index
      %swap3A_3358 = tpu.vector_load %arg14[%swap3A_3356, %swap3A_3357] {strides = array<i32>} : memref<128x16xf32, #tpu.memory_space<vmem>>, vector<16xf32>,
      tpu.vector_store %arg14[%swap3A_3356, %swap3A_3357], %mul3A_3354 {strides = array<i32>} : memref<128x16xf32, #tpu.memory_space<vmem>>, vector<16xf32>,
      %broadcast_in_dim3A_3359 = arith.constant 124 : i32
      %broadcast_in_dim3A_3360 = vector.broadcast %broadcast_in_dim3A_3359 : i32 to vector<16xi32>
      %gather3A_3361 = tpu.vector_load_idx %arg11[%broadcast_in_dim3A_3360] : memref<128xf32, #tpu.memory_space<vmem>>[vector<16xi32>], vector<16xf32>,
      %get3A_3362 = arith.constant 124 : i32
      %get3A_3363 = arith.index_cast %get3A_3362 : i32 to index
      %get3A_3364 = arith.constant 0 : index
      %get3A_3365 = tpu.vector_load %arg14[%get3A_3363, %get3A_3364] {strides = array<i32>} : memref<128x16xf32, #tpu.memory_space<vmem>>, vector<16xf32>,
      %mul3A_3366 = arith.mulf %get3A_3365, %gather3A_3361 : vector<16xf32>
      %swap3A_3367 = arith.constant 124 : i32
      %swap3A_3368 = arith.index_cast %swap3A_3367 : i32 to index
      %swap3A_3369 = arith.constant 0 : index
      %swap3A_3370 = tpu.vector_load %arg14[%swap3A_3368, %swap3A_3369] {strides = array<i32>} : memref<128x16xf32, #tpu.memory_space<vmem>>, vector<16xf32>,
      tpu.vector_store %arg14[%swap3A_3368, %swap3A_3369], %mul3A_3366 {strides = array<i32>} : memref<128x16xf32, #tpu.memory_space<vmem>>, vector<16xf32>,
      %broadcast_in_dim3A_3371 = arith.constant 125 : i32
      %broadcast_in_dim3A_3372 = vector.broadcast %broadcast_in_dim3A_3371 : i32 to vector<16xi32>
      %gather3A_3373 = tpu.vector_load_idx %arg11[%broadcast_in_dim3A_3372] : memref<128xf32, #tpu.memory_space<vmem>>[vector<16xi32>], vector<16xf32>,
      %get3A_3374 = arith.constant 125 : i32
      %get3A_3375 = arith.index_cast %get3A_3374 : i32 to index
      %get3A_3376 = arith.constant 0 : index
      %get3A_3377 = tpu.vector_load %arg14[%get3A_3375, %get3A_3376] {strides = array<i32>} : memref<128x16xf32, #tpu.memory_space<vmem>>, vector<16xf32>,
      %mul3A_3378 = arith.mulf %get3A_3377, %gather3A_3373 : vector<16xf32>
      %swap3A_3379 = arith.constant 125 : i32
      %swap3A_3380 = arith.index_cast %swap3A_3379 : i32 to index
      %swap3A_3381 = arith.constant 0 : index
      %swap3A_3382 = tpu.vector_load %arg14[%swap3A_3380, %swap3A_3381] {strides = array<i32>} : memref<128x16xf32, #tpu.memory_space<vmem>>, vector<16xf32>,
      tpu.vector_store %arg14[%swap3A_3380, %swap3A_3381], %mul3A_3378 {strides = array<i32>} : memref<128x16xf32, #tpu.memory_space<vmem>>, vector<16xf32>,
      %broadcast_in_dim3A_3383 = arith.constant 126 : i32
      %broadcast_in_dim3A_3384 = vector.broadcast %broadcast_in_dim3A_3383 : i32 to vector<16xi32>
      %gather3A_3385 = tpu.vector_load_idx %arg11[%broadcast_in_dim3A_3384] : memref<128xf32, #tpu.memory_space<vmem>>[vector<16xi32>], vector<16xf32>,
      %get3A_3386 = arith.constant 126 : i32
      %get3A_3387 = arith.index_cast %get3A_3386 : i32 to index
      %get3A_3388 = arith.constant 0 : index
      %get3A_3389 = tpu.vector_load %arg14[%get3A_3387, %get3A_3388] {strides = array<i32>} : memref<128x16xf32, #tpu.memory_space<vmem>>, vector<16xf32>,
      %mul3A_3390 = arith.mulf %get3A_3389, %gather3A_3385 : vector<16xf32>
      %swap3A_3391 = arith.constant 126 : i32
      %swap3A_3392 = arith.index_cast %swap3A_3391 : i32 to index
      %swap3A_3393 = arith.constant 0 : index
      %swap3A_3394 = tpu.vector_load %arg14[%swap3A_3392, %swap3A_3393] {strides = array<i32>} : memref<128x16xf32, #tpu.memory_space<vmem>>, vector<16xf32>,
      tpu.vector_store %arg14[%swap3A_3392, %swap3A_3393], %mul3A_3390 {strides = array<i32>} : memref<128x16xf32, #tpu.memory_space<vmem>>, vector<16xf32>,
      %broadcast_in_dim3A_3395 = arith.constant 127 : i32
      %broadcast_in_dim3A_3396 = vector.broadcast %broadcast_in_dim3A_3395 : i32 to vector<16xi32>
      %gather3A_3397 = tpu.vector_load_idx %arg11[%broadcast_in_dim3A_3396] : memref<128xf32, #tpu.memory_space<vmem>>[vector<16xi32>], vector<16xf32>,
      %get3A_3398 = arith.constant 127 : i32
      %get3A_3399 = arith.index_cast %get3A_3398 : i32 to index
      %get3A_3400 = arith.constant 0 : index
      %get3A_3401 = tpu.vector_load %arg14[%get3A_3399, %get3A_3400] {strides = array<i32>} : memref<128x16xf32, #tpu.memory_space<vmem>>, vector<16xf32>,
      %mul3A_3402 = arith.mulf %get3A_3401, %gather3A_3397 : vector<16xf32>
      %swap3A_3403 = arith.constant 127 : i32
      %swap3A_3404 = arith.index_cast %swap3A_3403 : i32 to index
      %swap3A_3405 = arith.constant 0 : index
      %swap3A_3406 = tpu.vector_load %arg14[%swap3A_3404, %swap3A_3405] {strides = array<i32>} : memref<128x16xf32, #tpu.memory_space<vmem>>, vector<16xf32>,
      tpu.vector_store %arg14[%swap3A_3404, %swap3A_3405], %mul3A_3402 {strides = array<i32>} : memref<128x16xf32, #tpu.memory_space<vmem>>, vector<16xf32>,
      "tpu.region"() ({
        %run_scoped3A = tpu.sem_alloc : memref<!tpu.dma_semaphore, #tpu.memory_space<semaphore_mem>>
        %dma_start3A_3407 = arith.constant 0 : i32
        %dma_start3A_3408 = arith.constant 0 : i32
        %dma_start3A_3409 = tpu.memref_slice %arg16[%dma_start3A_3407, %dma_start3A_3408] : memref<50048x16xf32, #tpu.memory_space<vmem_shared>> -> memref<50048x16xf32, #tpu.memory_space<vmem_shared>>
        tpu.enqueue_indirect_dma source(%arg14 : memref<128x16xf32, #tpu.memory_space<vmem>>) target(%dma_start3A_3409 : memref<50048x16xf32, #tpu.memory_space<vmem_shared>>) offsets(%arg10 : memref<128xi32, #tpu.memory_space<vmem>>) semaphore(%run_scoped3A : memref<!tpu.dma_semaphore, #tpu.memory_space<semaphore_mem>>) {add = true}
        %dma_wait3A_3410 = arith.constant 0 : i32
        %dma_wait3A_3411 = arith.constant 0 : i32
        %dma_wait3A_3412 = tpu.memref_slice %arg16[%dma_wait3A_3410, %dma_wait3A_3411] : memref<50048x16xf32, #tpu.memory_space<vmem_shared>> -> memref<50048x16xf32, #tpu.memory_space<vmem_shared>>
        tpu.wait_indirect_dma semaphore(%run_scoped3A : memref<!tpu.dma_semaphore, #tpu.memory_space<semaphore_mem>>) src(%arg14 : memref<128x16xf32, #tpu.memory_space<vmem>>) dst(%dma_wait3A_3412 : memref<50048x16xf32, #tpu.memory_space<vmem_shared>>)
        tpu.yield
      }) : () -> ()
    }
    %scan3A_19 = arith.constant 202 : i32
    %dma_wait3A = arith.constant 0 : i32
    %dma_wait3A_20 = arith.constant 0 : i32
    %dma_wait3A_21 = tpu.memref_slice %arg2[%dma_wait3A, %dma_wait3A_20] : memref<50048x16xf32, #tpu.memory_space<hbm>> -> memref<128x16xf32, #tpu.memory_space<hbm>>
    %dma_wait3A_22 = arith.constant 0 : i32
    %dma_wait3A_23 = arith.constant 0 : i32
    %dma_wait3A_24 = tpu.memref_slice %arg2[%dma_wait3A_22, %dma_wait3A_23] : memref<50048x16xf32, #tpu.memory_space<hbm>> -> memref<128x16xf32, #tpu.memory_space<hbm>>
    tpu.wait_dma2 semaphore(%arg17 : memref<!tpu.dma_semaphore, #tpu.memory_space<semaphore_mem>>) src(%dma_wait3A_24 : memref<128x16xf32, #tpu.memory_space<hbm>>) dst(%arg12 : memref<128x16xf32, #tpu.memory_space<vmem>>)
    %dma_wait3A_25 = arith.constant 0 : i32
    %dma_wait3A_26 = arith.constant 0 : i32
    %dma_wait3A_27 = tpu.memref_slice %arg2[%dma_wait3A_25, %dma_wait3A_26] : memref<50048x16xf32, #tpu.memory_space<hbm>> -> memref<128x16xf32, #tpu.memory_space<hbm>>
    %dma_wait3A_28 = arith.constant 0 : i32
    %dma_wait3A_29 = arith.constant 0 : i32
    %dma_wait3A_30 = tpu.memref_slice %arg2[%dma_wait3A_28, %dma_wait3A_29] : memref<50048x16xf32, #tpu.memory_space<hbm>> -> memref<128x16xf32, #tpu.memory_space<hbm>>
    tpu.wait_dma2 semaphore(%arg18 : memref<!tpu.dma_semaphore, #tpu.memory_space<semaphore_mem>>) src(%dma_wait3A_30 : memref<128x16xf32, #tpu.memory_space<hbm>>) dst(%arg13 : memref<128x16xf32, #tpu.memory_space<vmem>>)
    %barrier3A_31 = arith.constant 0 : index
    tpu.barrier barrier_id(%barrier3A_31)
    %mul3A_32 = arith.constant 3128 : i32
    %mul3A_33 = arith.muli %arg1, %mul3A_32 : i32
    %mul3A_34 = arith.constant 50048 : i32
    %mul3A_35 = arith.muli %arg0, %mul3A_34 : i32
    %mul3A_36 = arith.constant 3128 : i32
    %mul3A_37 = arith.muli %arg1, %mul3A_36 : i32
    %add3A_38 = arith.addi %mul3A_35, %mul3A_37 : i32
    "tpu.region"() ({
      %run_scoped3A = tpu.sem_alloc : memref<!tpu.dma_semaphore, #tpu.memory_space<semaphore_mem>>
      %dma_start3A_39 = arith.constant 0 : i32
      %dma_start3A_40 = tpu.memref_slice %arg6[%add3A_38, %dma_start3A_39] : memref<100096x16xf32, #tpu.memory_space<hbm>> -> memref<3128x16xf32, #tpu.memory_space<hbm>>
      %dma_start3A_41 = arith.constant 0 : i32
      %dma_start3A_42 = tpu.memref_slice %arg16[%mul3A_33, %dma_start3A_41] : memref<50048x16xf32, #tpu.memory_space<vmem_shared>> -> memref<3128x16xf32, #tpu.memory_space<vmem_shared>>
      tpu.enqueue_dma source(%dma_start3A_42 : memref<3128x16xf32, #tpu.memory_space<vmem_shared>>) target(%dma_start3A_40 : memref<3128x16xf32, #tpu.memory_space<hbm>>) target_semaphore(%run_scoped3A : memref<!tpu.dma_semaphore, #tpu.memory_space<semaphore_mem>>)
      %dma_wait3A_43 = arith.constant 0 : i32
      %dma_wait3A_44 = tpu.memref_slice %arg6[%add3A_38, %dma_wait3A_43] : memref<100096x16xf32, #tpu.memory_space<hbm>> -> memref<3128x16xf32, #tpu.memory_space<hbm>>
      %dma_wait3A_45 = arith.constant 0 : i32
      %dma_wait3A_46 = tpu.memref_slice %arg16[%mul3A_33, %dma_wait3A_45] : memref<50048x16xf32, #tpu.memory_space<vmem_shared>> -> memref<3128x16xf32, #tpu.memory_space<vmem_shared>>
      tpu.wait_dma2 semaphore(%run_scoped3A : memref<!tpu.dma_semaphore, #tpu.memory_space<semaphore_mem>>) src(%dma_wait3A_46 : memref<3128x16xf32, #tpu.memory_space<vmem_shared>>) dst(%dma_wait3A_44 : memref<3128x16xf32, #tpu.memory_space<hbm>>)
      tpu.yield
    }) : () -> ()
    return
  }
}

module attributes {stable_mosaic.version = 14 : i64} {
  func.func @_feat_body(%arg0: i32, %arg1: memref<6256x24xf32, #tpu.memory_space<vmem>>, %arg2: memref<24x16xf32, #tpu.memory_space<vmem>>, %arg3: memref<6256x16xf32, #tpu.memory_space<vmem>>) attributes {dimension_semantics = [#tpu.dimension_semantics<arbitrary>], iteration_bounds = array<i64: 8>, scalar_prefetch = 0 : i64, scratch_operands = 0 : i64, tpu.core_type = #tpu.core_type<tc>, window_params = [{transform_indices = @transform_0, window_bounds = array<i64: 6256, 24>}, {pipeline_mode = #tpu.pipeline_mode<synchronous>, transform_indices = @transform_1, window_bounds = array<i64: 24, 16>}, {transform_indices = @transform_2, window_bounds = array<i64: 6256, 16>}]} {
    %iota3A = tpu.iota {dimensions = array<i32: 1>} : vector<1x16xi32>
    %get3A = arith.constant 0 : index
    %get3A_0 = arith.constant 0 : index
    %get3A_1 = vector.load %arg1[%get3A, %get3A_0] : memref<6256x24xf32, #tpu.memory_space<vmem>>, vector<6256x24xf32>
    %get3A_2 = arith.constant 0 : index
    %get3A_3 = arith.constant 0 : index
    %get3A_4 = vector.load %arg2[%get3A_2, %get3A_3] : memref<24x16xf32, #tpu.memory_space<vmem>>, vector<24x16xf32>
    %dot_general3A = arith.constant dense<0.000000e+00> : vector<6256x16xf32>
    %dot_general3A_5 = tpu.matmul %get3A_1, %get3A_4, %dot_general3A {dimension_numbers = #tpu.dot_dimension_numbers<[1], [0], [0], [1], [0, 0, 1, 1], [], []>, transpose_lhs_hint = false} : vector<6256x24xf32>, vector<24x16xf32>, vector<6256x16xf32> -> vector<6256x16xf32>
    %eq3A = arith.constant 12 : i32
    %eq3A_6 = vector.broadcast %eq3A : i32 to vector<1x16xi32>
    %eq3A_7 = arith.cmpi eq, %iota3A, %eq3A_6 : vector<1x16xi32>
    %jit3A = arith.constant 1.000000e+00 : f32
    %jit3A_8 = arith.constant 0.000000e+00 : f32
    %broadcast_in_dim3A = vector.broadcast %jit3A : f32 to vector<1x16xf32>
    %broadcast_in_dim3A_9 = vector.broadcast %jit3A_8 : f32 to vector<1x16xf32>
    %select_n3A = arith.select %eq3A_7, %broadcast_in_dim3A, %broadcast_in_dim3A_9 : vector<1x16xi1>, vector<1x16xf32>
    %add3A = vector.broadcast %select_n3A : vector<1x16xf32> to vector<6256x16xf32>
    %add3A_10 = arith.addf %dot_general3A_5, %add3A : vector<6256x16xf32>
    %swap3A = arith.constant 0 : index
    %swap3A_11 = arith.constant 0 : index
    %swap3A_12 = vector.load %arg3[%swap3A, %swap3A_11] : memref<6256x16xf32, #tpu.memory_space<vmem>>, vector<6256x16xf32>
    tpu.vector_store %arg3[%swap3A, %swap3A_11], %add3A_10 {strides = array<i32>} : memref<6256x16xf32, #tpu.memory_space<vmem>>, vector<6256x16xf32>,
    return
  }
  func.func @transform_0(%arg0: i32) -> (i32, i32) {
    %c0_i32 = arith.constant 0 : i32
    %c0_i32_0 = arith.constant 0 : i32
    return %arg0, %c0_i32 : i32, i32
  }
  func.func @transform_1(%arg0: i32) -> (i32, i32) {
    %c0_i32 = arith.constant 0 : i32
    %c0_i32_0 = arith.constant 0 : i32
    %c0_i32_1 = arith.constant 0 : i32
    return %c0_i32, %c0_i32_0 : i32, i32
  }
  func.func @transform_2(%arg0: i32) -> (i32, i32) {
    %c0_i32 = arith.constant 0 : i32
    %c0_i32_0 = arith.constant 0 : i32
    return %arg0, %c0_i32 : i32, i32
  }
}

module attributes {stable_mosaic.version = 14 : i64} {
  func.func @_scan_body(%arg0: memref<189x12x400xf32, #tpu.memory_space<vmem>>, %arg1: memref<189x12x400xf32, #tpu.memory_space<vmem>>, %arg2: memref<3x2xf32, #tpu.memory_space<smem>>, %arg3: memref<1x3xf32, #tpu.memory_space<smem>>, %arg4: memref<1x3xf32, #tpu.memory_space<smem>>, %arg5: memref<1x3xf32, #tpu.memory_space<smem>>, %arg6: memref<125x12x400xf32, #tpu.memory_space<vmem>>) attributes {dimension_semantics = [], scalar_prefetch = 0 : i64, scratch_operands = 0 : i64, tpu.core_type = #tpu.core_type<tc>} {
    %get3A = arith.constant 0 : index
    %get3A_0 = arith.constant 0 : index
    %get3A_1 = memref.load %arg2[%get3A, %get3A_0] : memref<3x2xf32, #tpu.memory_space<smem>>
    %get3A_2 = arith.constant 0 : index
    %get3A_3 = arith.constant 1 : index
    %get3A_4 = memref.load %arg2[%get3A_2, %get3A_3] : memref<3x2xf32, #tpu.memory_space<smem>>
    %get3A_5 = arith.constant 1 : index
    %get3A_6 = arith.constant 0 : index
    %get3A_7 = memref.load %arg2[%get3A_5, %get3A_6] : memref<3x2xf32, #tpu.memory_space<smem>>
    %get3A_8 = arith.constant 1 : index
    %get3A_9 = arith.constant 1 : index
    %get3A_10 = memref.load %arg2[%get3A_8, %get3A_9] : memref<3x2xf32, #tpu.memory_space<smem>>
    %get3A_11 = arith.constant 2 : index
    %get3A_12 = arith.constant 0 : index
    %get3A_13 = memref.load %arg2[%get3A_11, %get3A_12] : memref<3x2xf32, #tpu.memory_space<smem>>
    %get3A_14 = arith.constant 2 : index
    %get3A_15 = arith.constant 1 : index
    %get3A_16 = memref.load %arg2[%get3A_14, %get3A_15] : memref<3x2xf32, #tpu.memory_space<smem>>
    %get3A_17 = arith.constant 0 : index
    %get3A_18 = arith.constant 0 : index
    %get3A_19 = memref.load %arg3[%get3A_17, %get3A_18] : memref<1x3xf32, #tpu.memory_space<smem>>
    %get3A_20 = arith.constant 0 : index
    %get3A_21 = arith.constant 1 : index
    %get3A_22 = memref.load %arg3[%get3A_20, %get3A_21] : memref<1x3xf32, #tpu.memory_space<smem>>
    %get3A_23 = arith.constant 0 : index
    %get3A_24 = arith.constant 2 : index
    %get3A_25 = memref.load %arg3[%get3A_23, %get3A_24] : memref<1x3xf32, #tpu.memory_space<smem>>
    %get3A_26 = arith.constant 0 : index
    %get3A_27 = arith.constant 0 : index
    %get3A_28 = memref.load %arg4[%get3A_26, %get3A_27] : memref<1x3xf32, #tpu.memory_space<smem>>
    %get3A_29 = arith.constant 0 : index
    %get3A_30 = arith.constant 1 : index
    %get3A_31 = memref.load %arg4[%get3A_29, %get3A_30] : memref<1x3xf32, #tpu.memory_space<smem>>
    %get3A_32 = arith.constant 0 : index
    %get3A_33 = arith.constant 2 : index
    %get3A_34 = memref.load %arg4[%get3A_32, %get3A_33] : memref<1x3xf32, #tpu.memory_space<smem>>
    %get3A_35 = arith.constant 0 : index
    %get3A_36 = arith.constant 0 : index
    %get3A_37 = memref.load %arg5[%get3A_35, %get3A_36] : memref<1x3xf32, #tpu.memory_space<smem>>
    %get3A_38 = arith.constant 0 : index
    %get3A_39 = arith.constant 1 : index
    %get3A_40 = memref.load %arg5[%get3A_38, %get3A_39] : memref<1x3xf32, #tpu.memory_space<smem>>
    %get3A_41 = arith.constant 0 : index
    %get3A_42 = arith.constant 2 : index
    %get3A_43 = memref.load %arg5[%get3A_41, %get3A_42] : memref<1x3xf32, #tpu.memory_space<smem>>
    %iota3A = tpu.iota {dimensions = array<i32: 1>} : vector<12x400xi32>
    %eq3A = arith.constant 0 : i32
    %eq3A_44 = vector.broadcast %eq3A : i32 to vector<12x400xi32>
    %eq3A_45 = arith.cmpi eq, %iota3A, %eq3A_44 : vector<12x400xi32>
    %broadcast_in_dim3A = arith.constant 0.000000e+00 : f32
    %broadcast_in_dim3A_46 = vector.broadcast %broadcast_in_dim3A : f32 to vector<12x400xf32>
    %scan3A = arith.constant 0 : i32
    %scan3A_47 = arith.constant 189 : i32
    %scan3A_48 = arith.addi %scan3A, %scan3A_47 : i32
    %scan3A_49 = arith.constant 1 : i32
    %scan3A_50 = scf.for %scan3A_52 = %scan3A to %scan3A_48 step %scan3A_49 iter_args(%scan3A_53 = %broadcast_in_dim3A_46) -> (vector<12x400xf32>)  : i32 {
      %get3A_54 = arith.index_cast %scan3A_52 : i32 to index
      %get3A_55 = arith.constant 0 : index
      %get3A_56 = arith.constant 0 : index
      %get3A_57 = vector.load %arg0[%get3A_54, %get3A_55, %get3A_56] : memref<189x12x400xf32, #tpu.memory_space<vmem>>, vector<1x12x400xf32>
      %reshape3A = vector.shape_cast %get3A_57 : vector<1x12x400xf32> to vector<12x400xf32>
      %get3A_58 = arith.index_cast %scan3A_52 : i32 to index
      %get3A_59 = arith.constant 0 : index
      %get3A_60 = arith.constant 0 : index
      %get3A_61 = vector.load %arg1[%get3A_58, %get3A_59, %get3A_60] : memref<189x12x400xf32, #tpu.memory_space<vmem>>, vector<1x12x400xf32>
      %reshape3A_62 = vector.shape_cast %get3A_61 : vector<1x12x400xf32> to vector<12x400xf32>
      %mul3A = vector.broadcast %get3A_1 : f32 to vector<12x400xf32>
      %mul3A_63 = arith.mulf %reshape3A, %mul3A : vector<12x400xf32>
      %mul3A_64 = vector.broadcast %get3A_4 : f32 to vector<12x400xf32>
      %mul3A_65 = arith.mulf %reshape3A_62, %mul3A_64 : vector<12x400xf32>
      %add3A = arith.addf %mul3A_63, %mul3A_65 : vector<12x400xf32>
      %add3A_66 = vector.broadcast %get3A_19 : f32 to vector<12x400xf32>
      %add3A_67 = arith.addf %add3A, %add3A_66 : vector<12x400xf32>
      %mul3A_68 = vector.broadcast %get3A_28 : f32 to vector<12x400xf32>
      %mul3A_69 = arith.mulf %scan3A_53, %mul3A_68 : vector<12x400xf32>
      %add3A_70 = arith.addf %add3A_67, %mul3A_69 : vector<12x400xf32>
      %add3A_71 = vector.broadcast %get3A_37 : f32 to vector<12x400xf32>
      %add3A_72 = arith.addf %add3A_70, %add3A_71 : vector<12x400xf32>
      %logistic3A = arith.negf %add3A_72 : vector<12x400xf32>
      %logistic3A_73 = math.exp %logistic3A : vector<12x400xf32>
      %logistic3A_74 = arith.constant 1.000000e+00 : f32
      %logistic3A_75 = vector.broadcast %logistic3A_74 : f32 to vector<12x400xf32>
      %logistic3A_76 = arith.addf %logistic3A_75, %logistic3A_73 : vector<12x400xf32>
      %logistic3A_77 = arith.divf %logistic3A_75, %logistic3A_76 : vector<12x400xf32>
      %mul3A_78 = vector.broadcast %get3A_7 : f32 to vector<12x400xf32>
      %mul3A_79 = arith.mulf %reshape3A, %mul3A_78 : vector<12x400xf32>
      %mul3A_80 = vector.broadcast %get3A_10 : f32 to vector<12x400xf32>
      %mul3A_81 = arith.mulf %reshape3A_62, %mul3A_80 : vector<12x400xf32>
      %add3A_82 = arith.addf %mul3A_79, %mul3A_81 : vector<12x400xf32>
      %add3A_83 = vector.broadcast %get3A_22 : f32 to vector<12x400xf32>
      %add3A_84 = arith.addf %add3A_82, %add3A_83 : vector<12x400xf32>
      %mul3A_85 = vector.broadcast %get3A_31 : f32 to vector<12x400xf32>
      %mul3A_86 = arith.mulf %scan3A_53, %mul3A_85 : vector<12x400xf32>
      %add3A_87 = arith.addf %add3A_84, %mul3A_86 : vector<12x400xf32>
      %add3A_88 = vector.broadcast %get3A_40 : f32 to vector<12x400xf32>
      %add3A_89 = arith.addf %add3A_87, %add3A_88 : vector<12x400xf32>
      %logistic3A_90 = arith.negf %add3A_89 : vector<12x400xf32>
      %logistic3A_91 = math.exp %logistic3A_90 : vector<12x400xf32>
      %logistic3A_92 = arith.constant 1.000000e+00 : f32
      %logistic3A_93 = vector.broadcast %logistic3A_92 : f32 to vector<12x400xf32>
      %logistic3A_94 = arith.addf %logistic3A_93, %logistic3A_91 : vector<12x400xf32>
      %logistic3A_95 = arith.divf %logistic3A_93, %logistic3A_94 : vector<12x400xf32>
      %mul3A_96 = vector.broadcast %get3A_13 : f32 to vector<12x400xf32>
      %mul3A_97 = arith.mulf %reshape3A, %mul3A_96 : vector<12x400xf32>
      %mul3A_98 = vector.broadcast %get3A_16 : f32 to vector<12x400xf32>
      %mul3A_99 = arith.mulf %reshape3A_62, %mul3A_98 : vector<12x400xf32>
      %add3A_100 = arith.addf %mul3A_97, %mul3A_99 : vector<12x400xf32>
      %add3A_101 = vector.broadcast %get3A_25 : f32 to vector<12x400xf32>
      %add3A_102 = arith.addf %add3A_100, %add3A_101 : vector<12x400xf32>
      %mul3A_103 = vector.broadcast %get3A_34 : f32 to vector<12x400xf32>
      %mul3A_104 = arith.mulf %scan3A_53, %mul3A_103 : vector<12x400xf32>
      %add3A_105 = vector.broadcast %get3A_43 : f32 to vector<12x400xf32>
      %add3A_106 = arith.addf %mul3A_104, %add3A_105 : vector<12x400xf32>
      %mul3A_107 = arith.mulf %logistic3A_77, %add3A_106 : vector<12x400xf32>
      %add3A_108 = arith.addf %add3A_102, %mul3A_107 : vector<12x400xf32>
      %tanh3A = math.tanh %add3A_108 : vector<12x400xf32>
      %sub3A = arith.constant 1.000000e+00 : f32
      %sub3A_109 = vector.broadcast %sub3A : f32 to vector<12x400xf32>
      %sub3A_110 = arith.subf %sub3A_109, %logistic3A_95 : vector<12x400xf32>
      %mul3A_111 = arith.mulf %sub3A_110, %tanh3A : vector<12x400xf32>
      %mul3A_112 = arith.mulf %logistic3A_95, %scan3A_53 : vector<12x400xf32>
      %add3A_113 = arith.addf %mul3A_111, %mul3A_112 : vector<12x400xf32>
      %lt3A = arith.constant 64 : i32
      %lt3A_114 = arith.cmpi slt, %scan3A_52, %lt3A : i32
      %and3A = vector.broadcast %lt3A_114 : i1 to vector<12x400xi1>
      %and3A_115 = arith.andi %eq3A_45, %and3A : vector<12x400xi1>
      %jit3A = arith.constant 0.000000e+00 : f32
      %broadcast_in_dim3A_116 = vector.broadcast %jit3A : f32 to vector<12x400xf32>
      %select_n3A = arith.select %and3A_115, %broadcast_in_dim3A_116, %add3A_113 : vector<12x400xi1>, vector<12x400xf32>
      %ge3A = arith.constant 64 : i32
      %ge3A_117 = arith.cmpi sge, %scan3A_52, %ge3A : i32
      %convert_element_type3A = arith.extui %ge3A_117 : i1 to i32
      %cond3A = arith.constant 0 : i32
      %cond3A_118 = arith.cmpi ne, %convert_element_type3A, %cond3A : i32
      scf.if %cond3A_118 {
        %reshape3A_119 = vector.shape_cast %select_n3A : vector<12x400xf32> to vector<1x12x400xf32>
        %sub3A_120 = arith.constant 64 : i32
        %sub3A_121 = arith.subi %scan3A_52, %sub3A_120 : i32
        %swap3A = arith.index_cast %sub3A_121 : i32 to index
        %swap3A_122 = arith.constant 0 : index
        %swap3A_123 = arith.constant 0 : index
        %swap3A_124 = vector.load %arg6[%swap3A, %swap3A_122, %swap3A_123] : memref<125x12x400xf32, #tpu.memory_space<vmem>>, vector<1x12x400xf32>
        tpu.vector_store %arg6[%swap3A, %swap3A_122, %swap3A_123], %reshape3A_119 {strides = array<i32>} : memref<125x12x400xf32, #tpu.memory_space<vmem>>, vector<1x12x400xf32>,
      } else {
      }
      scf.yield %select_n3A : vector<12x400xf32>
    }
    %scan3A_51 = arith.constant 189 : i32
    return
  }
}

module attributes {stable_mosaic.version = 14 : i64} {
  func.func @_combine_body(%arg0: i32, %arg1: memref<6256x16xf32, #tpu.memory_space<vmem>>, %arg2: memref<6256x16xf32, #tpu.memory_space<vmem>>, %arg3: memref<6256x12xf32, #tpu.memory_space<vmem>>, %arg4: memref<1x12xf32, #tpu.memory_space<vmem>>, %arg5: memref<1x12xf32, #tpu.memory_space<vmem>>, %arg6: memref<12x16xf32, #tpu.memory_space<vmem>>, %arg7: memref<1x16xf32, #tpu.memory_space<vmem>>, %arg8: memref<6256x16xf32, #tpu.memory_space<vmem>>) attributes {dimension_semantics = [#tpu.dimension_semantics<arbitrary>], iteration_bounds = array<i64: 8>, scalar_prefetch = 0 : i64, scratch_operands = 0 : i64, tpu.core_type = #tpu.core_type<tc>, window_params = [{transform_indices = @transform_0, window_bounds = array<i64: 6256, 16>}, {transform_indices = @transform_1, window_bounds = array<i64: 6256, 16>}, {transform_indices = @transform_2, window_bounds = array<i64: 6256, 12>}, {pipeline_mode = #tpu.pipeline_mode<synchronous>, transform_indices = @transform_3, window_bounds = array<i64: 1, 12>}, {pipeline_mode = #tpu.pipeline_mode<synchronous>, transform_indices = @transform_4, window_bounds = array<i64: 1, 12>}, {pipeline_mode = #tpu.pipeline_mode<synchronous>, transform_indices = @transform_5, window_bounds = array<i64: 12, 16>}, {pipeline_mode = #tpu.pipeline_mode<synchronous>, transform_indices = @transform_6, window_bounds = array<i64: 1, 16>}, {transform_indices = @transform_7, window_bounds = array<i64: 6256, 16>}]} {
    %get3A = arith.constant 0 : index
    %get3A_0 = arith.constant 0 : index
    %get3A_1 = vector.load %arg1[%get3A, %get3A_0] : memref<6256x16xf32, #tpu.memory_space<vmem>>, vector<6256x16xf32>
    %get3A_2 = arith.constant 0 : index
    %get3A_3 = arith.constant 0 : index
    %get3A_4 = vector.load %arg2[%get3A_2, %get3A_3] : memref<6256x16xf32, #tpu.memory_space<vmem>>, vector<6256x16xf32>
    %add3A = arith.addf %get3A_1, %get3A_4 : vector<6256x16xf32>
    %slice3A = vector.extract_strided_slice %add3A {offsets = [0, 12], sizes = [6256, 1], strides = [1, 1]} : vector<6256x16xf32> to vector<6256x1xf32>
    %slice3A_5 = vector.extract_strided_slice %add3A {offsets = [0, 0], sizes = [6256, 12], strides = [1, 1]} : vector<6256x16xf32> to vector<6256x12xf32>
    %add3A_6 = arith.constant 1.000000e-16 : f32
    %add3A_7 = vector.broadcast %add3A_6 : f32 to vector<6256x1xf32>
    %add3A_8 = arith.addf %slice3A, %add3A_7 : vector<6256x1xf32>
    %div3A = vector.broadcast %add3A_8 : vector<6256x1xf32> to vector<6256x12xf32>
    %div3A_9 = arith.divf %slice3A_5, %div3A : vector<6256x12xf32>
    %get3A_10 = arith.constant 0 : index
    %get3A_11 = arith.constant 0 : index
    %get3A_12 = vector.load %arg4[%get3A_10, %get3A_11] : memref<1x12xf32, #tpu.memory_space<vmem>>, vector<1x12xf32>
    %add3A_13 = vector.broadcast %get3A_12 : vector<1x12xf32> to vector<6256x12xf32>
    %add3A_14 = arith.addf %div3A_9, %add3A_13 : vector<6256x12xf32>
    %get3A_15 = arith.constant 0 : index
    %get3A_16 = arith.constant 0 : index
    %get3A_17 = vector.load %arg5[%get3A_15, %get3A_16] : memref<1x12xf32, #tpu.memory_space<vmem>>, vector<1x12xf32>
    %logistic3A = arith.negf %get3A_17 : vector<1x12xf32>
    %logistic3A_18 = math.exp %logistic3A : vector<1x12xf32>
    %logistic3A_19 = arith.constant 1.000000e+00 : f32
    %logistic3A_20 = vector.broadcast %logistic3A_19 : f32 to vector<1x12xf32>
    %logistic3A_21 = arith.addf %logistic3A_20, %logistic3A_18 : vector<1x12xf32>
    %logistic3A_22 = arith.divf %logistic3A_20, %logistic3A_21 : vector<1x12xf32>
    %mul3A = vector.broadcast %logistic3A_22 : vector<1x12xf32> to vector<6256x12xf32>
    %mul3A_23 = arith.mulf %mul3A, %add3A_14 : vector<6256x12xf32>
    %sub3A = arith.constant 1.000000e+00 : f32
    %sub3A_24 = vector.broadcast %sub3A : f32 to vector<1x12xf32>
    %sub3A_25 = arith.subf %sub3A_24, %get3A_17 : vector<1x12xf32>
    %logistic3A_26 = arith.negf %sub3A_25 : vector<1x12xf32>
    %logistic3A_27 = math.exp %logistic3A_26 : vector<1x12xf32>
    %logistic3A_28 = arith.constant 1.000000e+00 : f32
    %logistic3A_29 = vector.broadcast %logistic3A_28 : f32 to vector<1x12xf32>
    %logistic3A_30 = arith.addf %logistic3A_29, %logistic3A_27 : vector<1x12xf32>
    %logistic3A_31 = arith.divf %logistic3A_29, %logistic3A_30 : vector<1x12xf32>
    %get3A_32 = arith.constant 0 : index
    %get3A_33 = arith.constant 0 : index
    %get3A_34 = vector.load %arg3[%get3A_32, %get3A_33] : memref<6256x12xf32, #tpu.memory_space<vmem>>, vector<6256x12xf32>
    %mul3A_35 = vector.broadcast %logistic3A_31 : vector<1x12xf32> to vector<6256x12xf32>
    %mul3A_36 = arith.mulf %mul3A_35, %get3A_34 : vector<6256x12xf32>
    %add3A_37 = arith.addf %mul3A_23, %mul3A_36 : vector<6256x12xf32>
    %get3A_38 = arith.constant 0 : index
    %get3A_39 = arith.constant 0 : index
    %get3A_40 = vector.load %arg6[%get3A_38, %get3A_39] : memref<12x16xf32, #tpu.memory_space<vmem>>, vector<12x16xf32>
    %dot_general3A = arith.constant dense<0.000000e+00> : vector<6256x16xf32>
    %dot_general3A_41 = tpu.matmul %add3A_37, %get3A_40, %dot_general3A {dimension_numbers = #tpu.dot_dimension_numbers<[1], [0], [0], [1], [0, 0, 1, 1], [], []>, transpose_lhs_hint = false} : vector<6256x12xf32>, vector<12x16xf32>, vector<6256x16xf32> -> vector<6256x16xf32>
    %get3A_42 = arith.constant 0 : index
    %get3A_43 = arith.constant 0 : index
    %get3A_44 = vector.load %arg7[%get3A_42, %get3A_43] : memref<1x16xf32, #tpu.memory_space<vmem>>, vector<1x16xf32>
    %add3A_45 = vector.broadcast %get3A_44 : vector<1x16xf32> to vector<6256x16xf32>
    %add3A_46 = arith.addf %dot_general3A_41, %add3A_45 : vector<6256x16xf32>
    %swap3A = arith.constant 0 : index
    %swap3A_47 = arith.constant 0 : index
    %swap3A_48 = vector.load %arg8[%swap3A, %swap3A_47] : memref<6256x16xf32, #tpu.memory_space<vmem>>, vector<6256x16xf32>
    tpu.vector_store %arg8[%swap3A, %swap3A_47], %add3A_46 {strides = array<i32>} : memref<6256x16xf32, #tpu.memory_space<vmem>>, vector<6256x16xf32>,
    return
  }
  func.func @transform_0(%arg0: i32) -> (i32, i32) {
    %c0_i32 = arith.constant 0 : i32
    %c0_i32_0 = arith.constant 0 : i32
    return %arg0, %c0_i32 : i32, i32
  }
  func.func @transform_1(%arg0: i32) -> (i32, i32) {
    %c0_i32 = arith.constant 0 : i32
    %c0_i32_0 = arith.constant 0 : i32
    return %arg0, %c0_i32 : i32, i32
  }
  func.func @transform_2(%arg0: i32) -> (i32, i32) {
    %c0_i32 = arith.constant 0 : i32
    %c0_i32_0 = arith.constant 0 : i32
    return %arg0, %c0_i32 : i32, i32
  }
  func.func @transform_3(%arg0: i32) -> (i32, i32) {
    %c0_i32 = arith.constant 0 : i32
    %c0_i32_0 = arith.constant 0 : i32
    %c0_i32_1 = arith.constant 0 : i32
    return %c0_i32, %c0_i32_0 : i32, i32
  }
  func.func @transform_4(%arg0: i32) -> (i32, i32) {
    %c0_i32 = arith.constant 0 : i32
    %c0_i32_0 = arith.constant 0 : i32
    %c0_i32_1 = arith.constant 0 : i32
    return %c0_i32, %c0_i32_0 : i32, i32
  }
  func.func @transform_5(%arg0: i32) -> (i32, i32) {
    %c0_i32 = arith.constant 0 : i32
    %c0_i32_0 = arith.constant 0 : i32
    %c0_i32_1 = arith.constant 0 : i32
    return %c0_i32, %c0_i32_0 : i32, i32
  }
  func.func @transform_6(%arg0: i32) -> (i32, i32) {
    %c0_i32 = arith.constant 0 : i32
    %c0_i32_0 = arith.constant 0 : i32
    %c0_i32_1 = arith.constant 0 : i32
    return %c0_i32, %c0_i32_0 : i32, i32
  }
  func.func @transform_7(%arg0: i32) -> (i32, i32) {
    %c0_i32 = arith.constant 0 : i32
    %c0_i32_0 = arith.constant 0 : i32
    return %arg0, %c0_i32 : i32, i32
  }
}

</mosaic_0001>

<sc_bundles>
// kernel: _run.6.cloned.1.call-start
scs
__scs_entry_jumppad:
0x0: {  	(pc) =	sbr.rel $0x88, $3  }
0x1: {  	(tag) =	ssettag $0x0;
	lr =	simm.s32 $0x1  }
0x2: {  	[smem:$0x3F94] =	sst lr;
	_ =	strace $0xD0000000  }
0x3: {  	_ = 	snop  }
0x4: {  	_ = 	snop  }
0x5: {  	_ = 	snop  }
0x6: {  	_ = 	snop  }
0x7: {  	_ = 	snop  }
__scs_overlays_trampoline_lowered:
0x8: {  	[smem:$0x3FA3] =	sst s0  }
0x9: {  	[smem:$0x3FA4] =	sst s1  }
0xa: {  	[smem:$0x3FA5] =	sst s2  }
0xb: {  	[smem:$0x3FA6] =	sst s3  }
0xc: {  	[smem:$0x3FA7] =	sst s4  }
0xd: {  	[smem:$0x3FA8] =	sst s5  }
0xe: {  	[smem:$0x3FA9] =	sst s6  }
0xf: {  	[smem:$0x3FAA] =	sst s7  }
0x10: {  	[smem:$0x3FAB] =	sst s8  }
0x11: {  	[smem:$0x3FAC] =	sst s9;
	s0 =	simm.s32 @!p0 $0x0  }
0x12: {  	s1 =	sld [smem:$0x3F92];
	s0 =	simm.s32 @p0 $0x1  }
0x13: {  	[smem:$0x3FAD] =	sst s0;
	s0 =	simm.s32 @!p1 $0x0  }
0x14: {  	s2 =	sld [smem:$0x3F91];
	s0 =	simm.s32 @p1 $0x1  }
0x15: {  	[smem:$0x3FAE] =	sst s0;
	s0 =	simm.s32 @!p2 $0x0  }
0x16: {  	s3 =	sld [smem:$0x3FDB];
	s0 =	simm.s32 @p2 $0x1  }
0x17: {  	s4 =	simm.s32 $0x1BF5;
	[smem:$0x3FB0] =	sst s0  }
0x18: {  	s0 =	sld [smem:$0x3F93];
	_ =	swait.ge [sflag:s4], $0x0  }
0x19: {  	s7 =	sld [smem:$0x3F94]  }
0x1a: {  	s8 =	sadd.s32 $0xFFFFE003, lr  }
0x1b: {  	s9 =	sadd.s32 $0xFFFFFEF7, lr;
	s5 =	simm.s32 $0xFFFFFFFF;
	p2 =	slt.u32 s8, $0xFFFFF086  }
0x1c: {  	p1 =	slt.u32 s9, $0xF7A;
	s5 =	simm.s32 @!p2 $0x0  }
0x1d: {  	s5 =	simm.s32 @p1 $0x1;
	p0 =	seq.s32 s7, s2  }
0x1e: {  	s7 =	smul.u32 @!p0 $0xF7A, s2;
	p2 =	seq.s32 @!p0 s5, $0x0  }
0x1f: {  	s9 =	smul.u32 $0xF7A, s1;
	s8 =	simm.s32 @!p0 $0x1BF5;
	p2 =	por !p2, p0  }
0x20: {  	[sflag:s8] =	ssyncset.s32 @!p0 $0xFFFFF086;
	s6 =	sadd.s32 @!p0 s3, s7;
	s7 =	simm.s32 @!p0 $0x108  }
0x21: {  	s3 =	sadd.s32 s3, s9;
	s6 =	sadd.s32 @!p0 $0x88, s6;
	s7 =	simm.s32 @p2 $0x1082  }
0x22: {  	[simem:s7], [sflag:s8] =	dma.local @!p0 [hbm:s6], $0xF7A  }
0x23: {  	s9 =	sor.u32 $0xD0000000, s2;
	s6 =	simm.s32 $0x108;
	_ =	swait.ge @!p0 [sflag:s8], $0x0  }
0x24: {  	s3 =	sadd.s32 $0x88, s3;
	s6 =	simm.s32 @!p1 $0x1082;
	[sflag:s4] =	ssyncset.s32 $0xFFFFF086  }
0x25: {  	[simem:s6], [sflag:s4] =	dma.local [hbm:s3], $0xF7A  }
0x26: {  	[smem:$0x3F94] =	sst s1;
	(tag) =	ssettag s2;
	_ =	strace s9  }
0x27: {  	s1 =	sld [smem:$0x3FA4]  }
0x28: {  	s2 =	sld [smem:$0x3FA5]  }
0x29: {  	s4 =	sld [smem:$0x3FA7]  }
0x2a: {  	p0 =	seq.s32 s5, $0x0;
	s5 =	sld [smem:$0x3FA8]  }
0x2b: {  	s6 =	sld [smem:$0x3FA9]  }
0x2c: {  	s7 =	sld [smem:$0x3FAA]  }
0x2d: {  	s3 =	simm.s32 $0x108;
	s8 =	sld [smem:$0x3FAB]  }
0x2e: {  	s3 =	simm.s32 @!p0 $0x1082;
	s9 =	sld [smem:$0x3FAC]  }
0x2f: {  	lr =	sadd.s32 s0, s3;
	s0 =	sld [smem:$0x3FA3]  }
0x30: {  	s3 =	sld [smem:$0x3FA6]  }
0x31: {  	[smem:$0x3FAF] =	sst s10  }
0x32: {  	s10 =	sld [smem:$0x3FAD];
	_ =	sdelay $0x3  }
0x33: {  	p0 =	seq.s32 s10, $0x1;
	s10 =	sld [smem:$0x3FAF];
	_ =	sdelay $0x3  }
0x34: {  	[smem:$0x3FAF] =	sst s10  }
0x35: {  	s10 =	sld [smem:$0x3FAE];
	_ =	sdelay $0x3  }
0x36: {  	p1 =	seq.s32 s10, $0x1;
	s10 =	sld [smem:$0x3FAF];
	_ =	sdelay $0x3  }
0x37: {  	[smem:$0x3FAF] =	sst s10  }
0x38: {  	s10 =	sld [smem:$0x3FB0]  }
0x39: {  	_ = 	snop;
	(pc) =	sbr.ind lr, $3  }
0x3a: {  	_ = 	snop  }
0x3b: {  	_ = 	snop  }
0x3c: {  	p2 =	seq.s32 s10, $0x1;
	s10 =	sld [smem:$0x3FAF]  }
0x3d: {  	_ =	shalt  }
0x3e: {  	_ =	shalt  }
0x3f: {  	_ =	shalt  }
0x40: {  	_ =	shalt  }
0x41: {  	_ =	shalt  }
0x42: {  	_ =	shalt  }
0x43: {  	_ =	shalt  }
0x44: {  	_ =	shalt  }
0x45: {  	_ =	shalt  }
0x46: {  	_ =	shalt  }
0x47: {  	_ =	shalt  }
0x48: {  	_ =	shalt  }
0x49: {  	_ =	shalt  }
0x4a: {  	_ =	shalt  }
0x4b: {  	_ =	shalt  }
0x4c: {  	_ =	shalt  }
0x4d: {  	_ =	shalt  }
0x4e: {  	_ =	shalt  }
0x4f: {  	_ =	shalt  }
0x50: {  	_ =	shalt  }
0x51: {  	_ =	shalt  }
0x52: {  	_ =	shalt  }
0x53: {  	_ =	shalt  }
0x54: {  	_ =	shalt  }
0x55: {  	_ =	shalt  }
0x56: {  	_ =	shalt  }
0x57: {  	_ =	shalt  }
0x58: {  	_ =	shalt  }
0x59: {  	_ =	shalt  }
0x5a: {  	_ =	shalt  }
0x5b: {  	_ =	shalt  }
0x5c: {  	_ =	shalt  }
0x5d: {  	_ =	shalt  }
0x5e: {  	_ =	shalt  }
0x5f: {  	_ =	shalt  }
0x60: {  	_ =	shalt  }
0x61: {  	_ =	shalt  }
0x62: {  	_ =	shalt  }
0x63: {  	_ =	shalt  }
0x64: {  	_ =	shalt  }
0x65: {  	_ =	shalt  }
0x66: {  	_ =	shalt  }
0x67: {  	_ =	shalt  }
0x68: {  	_ =	shalt  }
0x69: {  	_ =	shalt  }
0x6a: {  	_ =	shalt  }
0x6b: {  	_ =	shalt  }
0x6c: {  	_ =	shalt  }
0x6d: {  	_ =	shalt  }
0x6e: {  	_ =	shalt  }
0x6f: {  	_ =	shalt  }
0x70: {  	_ =	shalt  }
0x71: {  	_ =	shalt  }
0x72: {  	_ =	shalt  }
0x73: {  	_ =	shalt  }
0x74: {  	_ =	shalt  }
0x75: {  	_ =	shalt  }
0x76: {  	_ =	shalt  }
0x77: {  	_ =	shalt  }
0x78: {  	_ =	shalt  }
0x79: {  	_ =	shalt  }
0x7a: {  	_ =	shalt  }
0x7b: {  	_ =	shalt  }
0x7c: {  	_ =	shalt  }
0x7d: {  	_ =	shalt  }
0x7e: {  	_ =	shalt  }
0x7f: {  	_ =	shalt  }
0x80: {  	_ =	shalt  }
0x81: {  	_ =	shalt  }
0x82: {  	_ =	shalt  }
0x83: {  	_ =	shalt  }
0x84: {  	_ =	shalt  }
0x85: {  	_ =	shalt  }
0x86: {  	_ =	shalt  }
0x87: {  	_ =	shalt  }
.Lfunc_end0:
.L_simem_size_0:
called_computation_lowered:
.L_overlay_start_0:
0x88: {  	s2 =	sld [smem:$0x3FD9]  }
0x89: {  	s3 =	sld [smem:$0x3FFE];
	_ =	sdelay $0x1  }
0x8a: {  	s1 =	srdreg.scid  }
0x8b: {  	s0 =	sand.u32 $0x1, s1  }
0x8c: {  	s17 =	sshll.u32 s0, $0xA;
	s2 =	sadd.s32 s3, s2  }
0x8d: {  	s2 =	sadd.s32 s2, s17  }
0x8e: {  	[smem:$0x3FBB] =	sst s2  }
0x8f: {  	_ = 	snop  }
0x90: {  	s2 =	sld [smem:$0x3FD0];
	(tm) =	ssettm $0x1  }
0x91: {  	s18 =	sld [smem:$0x3FFB];
	_ =	sdelay $0x3  }
0x92: {  	_ =	strace s18  }
0x93: {  	s3 =	sld [smem:$0x3FFC];
	_ =	sdelay $0x3  }
0x94: {  	_ =	strace s3  }
0x95: {  	s3 =	sld [smem:$0x3FFD];
	_ =	sdelay $0x3  }
0x96: {  	_ =	strace s3  }
0x97: {  	_ =	strace $0x8FFFFFFF  }
0x98: {  	s19 =	sld [smem:$0x3FDB];
	_ =	sdelay $0x1  }
0x99: {  	s4 =	simm.s32 $_scs_section_size  }
0x9a: {  	s5 =	simm.s32 $_size__tile_overlayer_lowered;
	s6 =	simm.s32 $_tile_overlayer_lowered  }
0x9b: {  	s22 =	simm.s32 $0x1BFF;
	s21 =	sshll.u32 s6, $0x1;
	s3 =	sadd.s32 s4, s19  }
0x9c: {  	s7 =	simm.s32 $0x0;
	s20 =	sshll.u32 s5, $0x1;
	s5 =	sadd.s32 s21, s3  }
0x9d: {  	[timem:s7], [sflag:s22] =	dma.local [hbm:s5], s20  }
0x9e: {  	_ =	swait.ge [sflag:s22], s20  }
0x9f: {  	s4 =	ssub.s32 $0x0, s20;
	[sflag:s22] =	ssyncset.done $0x0  }
0xa0: {  	[sflag:s22] =	ssyncadd.s32 s4;
	_ =	sdelay $0x1  }
0xa1: {  	s23 =	simm.s32 $0x1B8B  }
0xa2: {  	_ =	swait.ge [sflag:s23], $0x1  }
0xa3: {  	[sflag:s23] =	ssyncset.done $0x0  }
0xa4: {  	s25 =	simm.s32 $0x1B8E;
	s24 =	sld [smem:$0x3FFE];
	[sflag:s23] =	ssyncadd.s32 $0xFFFFFFFF  }
0xa5: {  	s26 =	simm.s32 $execute0_lowered;
	[smem:$0x3FD2] =	sst s25  }
0xa6: {  	s5 =	sshll.u32 s26, $0x1;
	_ =	strace $0x80000046;
	[dreg:$0x1] =	wrdreg $0xFFFFFFFF  }
0xa7: {  	s28 =	simm.s32 $_size_execute0_lowered;
	s3 =	sadd.s32 s3, s5;
	[dreg:$0x0] =	wrdreg $0x0  }
0xa8: {  	s5 =	sshll.u32 s28, $0x1;
	[dreg:$0x2] =	wrdreg s3  }
0xa9: {  	[dreg:$0x3] =	wrdreg s5  }
0xaa: {  	[dreg:$0x4] =	wrdreg $0xC0  }
0xab: {  	_ =	task [dreg:s7], $0x5FFFF  }
0xac: {  	[dreg:$0x1] =	wrdreg $0xFFFFFFFF  }
0xad: {  	[dreg:$0x0] =	wrdreg $0x60  }
0xae: {  	[dreg:$0x2] =	wrdreg s2  }
0xaf: {  	[dreg:$0x3] =	wrdreg s24  }
0xb0: {  	[dreg:$0x4] =	wrdreg $0x22800  }
0xb1: {  	[dreg:$0x5] =	wrdreg $0x9  }
0xb2: {  	_ =	task.clear_ibuf [dreg:s7], $0x6FFFF;
	_ =	strace $0x90000046  }
0xb3: {  	s29 =	simm.s32 $0x9;
	_ =	strace $0x80000048  }
0xb4: {  	_ =	swait.ge [sflag:s29], $0x1  }
0xb5: {  	[sflag:s29] =	ssyncadd.s32 $0xFFFFFFFF  }
0xb6: {  	_ =	strace $0x90000048  }
0xb7: {  	_ =	sfence  }
0xb8: {  	s30 =	sld [smem:$0x0];
	_ =	sdelay $0x2  }
0xb9: {  	s31 =	sshll.u32 s1, $0xD;
	s1 =	sshrl.u32 s1, $0x2  }
0xba: {  	s3 =	sand.u32 $0x4000, s31;
	s1 =	sadd.s32 s1, s30  }
0xbb: {  	s0 =	sor.u32 s3, s0;
	s1 =	sshll.u32 s1, $0x11  }
0xbc: {  	s0 =	sor.u32 s1, s0  }
0xbd: {  	s0 =	sadd.s32 $0x8F2B, s0  }
0xbe: {  	[sflag:s0] =	ssyncadd.remote.s32 $0x1  }
0xbf: {  	_ =	sfence.sel $0xFFFF  }
0xc0: {  	[dreg:$0x0] =	wrdreg $0xFFFFFFFF;
	(pc) =	sbr.abs _section_cstart, $3  }
0xc1: {  	[dreg:$0x1] =	wrdreg $0xFFFFFFFF  }
0xc2: {  	_ =	task.clear_ibuf [dreg:s7], $0x2FFFF;
	_ =	strace $0x9FFFFFFF  }
0xc3: {  	(tm) =	ssettm $0x7FFFFFFF  }
tec
execute0_lowered:
.L_overlay_start_1:
0x0: {  	(tag) =	ssettag $0x1  }
0x1: {  	s0 =	rddreg [dreg:$0x0]  }
0x2: {  	v0 =	vlaneseq.u32;
	s5 =	rddreg [dreg:$0x1];
	v36 =	vimm.s32 $0x1;
	v37 =	vimm.s32 $0x2  }
0x3: {  	s2 =	rddreg [dreg:$0x2];
	v38 =	vimm.s32 $0x3;
	v39 =	vimm.s32 $0x4;
	v40 =	vimm.s32 $0x5  }
0x4: {  	s3 =	simm.s32 $0x0;
	s4 =	stileid.u32;
	s7 =	srdreg.scid;
	v41 =	vimm.s32 $0x6;
	v42 =	vimm.s32 $0x7;
	v43 =	vimm.s32 $0x8  }
0x5: {  	s18 =	simm.s32 $0x280;
	s28 =	simm.s32 $0x3;
	s29 =	simm.s32 $0x4;
	v44 =	vimm.s32 $0x9;
	v45 =	vimm.s32 $0xA;
	v46 =	vimm.s32 $0xB  }
0x6: {  	s30 =	simm.s32 $0x0;
	v49 =	vimm.s32 $0xC;
	v50 =	vimm.s32 $0xD;
	v51 =	vimm.s32 $0xE;
	[smem:$0x7FF] =	sst s3;
	s6 =	smul.u32 $0xC380, s4  }
0x7: {  	v52 =	vimm.s32 $0xF;
	v53 =	vimm.s32 $0x10;
	v54 =	vimm.s32 $0x11;
	s14 =	sadd.s32 $0x34E00, s5;
	s7 =	sand.u32 $0x1, s7;
	s8 =	smul.u32 $0x1870, s4  }
0x8: {  	v55 =	vimm.s32 $0x12;
	v56 =	vimm.s32 $0x13;
	v57 =	vimm.s32 $0x14;
	s11 =	sshll.u32 s4, $0x1;
	s13 =	sadd.s32 $0x2400, s5;
	s21 =	smul.u32 $0x19400, s4  }
0x9: {  	v58 =	vimm.s32 $0x15;
	v59 =	vimm.s32 $0x16;
	v60 =	vimm.s32 $0x17;
	s22 =	sshll.u32 s4, $0x6;
	_ =	strace $0x80000047;
	s10 =	smul.u32 $0x18700, s7  }
0xa: {  	v61 =	vimm.s32 $0x18;
	v62 =	vimm.s32 $0x19;
	v63 =	vimm.s32 $0x1A;
	s11 =	sor.u32 s7, s11;
	s19 =	ssub.s32 $0x2, s7;
	s16 =	smul.u32 $0xCA00, s7  }
0xb: {  	v17 =	vimm.s32 $0x1C;
	v18 =	vimm.s32 $0x1D;
	v19 =	vimm.s32 $0x1E;
	s9 =	sshrl.u32 s6, $0x3;
	s11 =	smul.u32 $0xCA00, s11;
	s20 =	sshrl.u32 s19, $0x1  }
0xc: {  	v20 =	vimm.s32 $0x1F;
	v21 =	vimm.s32 $0x20;
	v22 =	vimm.s32 $0x21;
	s15 =	sadd.s32 s6, s2;
	s6 =	sor.u32 $0x1C05, s22;
	s22 =	simm.s32 $0x1280  }
0xd: {  	v23 =	vimm.s32 $0x22;
	v24 =	vimm.s32 $0x23;
	v25 =	vimm.s32 $0x24;
	s9 =	sadd.s32 s9, s5;
	s8 =	sadd.s32 s8, s10;
	s10 =	ssub.s32 s19, s20  }
0xe: {  	v26 =	vimm.s32 $0x25;
	v27 =	vimm.s32 $0x26;
	v28 =	vimm.s32 $0x27;
	s24 =	sadd.s32 s16, s21;
	s15 =	sshrl.u32 s15, $0x3;
	s16 =	simm.s32 $0x5  }
0xf: {  	v29 =	vimm.s32 $0x28;
	v30 =	vimm.s32 $0x29;
	v15 =	vmul.u32 $0x10, v0;
	s19 =	simm.s32 $0xA80;
	s20 =	simm.s32 $0x100;
	s21 =	simm.s32 $0x180  }
0x10: {  	v31 =	vimm.s32 $0x2A;
	v32 =	vimm.s32 $0x2B;
	v33 =	vimm.s32 $0x2C;
	s12 =	sadd.s32 s8, s5;
	s5 =	sadd.s32 $0x67800, s9;
	s23 =	sshrl.u32 s11, $0x3  }
0x11: {  	v34 =	vimm.s32 $0x2D;
	v35 =	vimm.s32 $0x2E;
	v0 =	vor.u32 $0xD, v15;
	s25 =	sshrl.u32 s24, $0x3;
	s10 =	smax.u32 s10, $0x1;
	s17 =	sor.u32 $0x100, s24  }
0x12: {  	v1 =	vor.u32 $0xE, v15;
	v2 =	vor.u32 $0x10D, v15;
	v3 =	vor.u32 $0x10E, v15;
	s24 =	simm.s32 $0x1;
	s7 =	sadd.s32 s14, s23;
	s8 =	sadd.s32 s13, s23  }
0x13: {  	v4 =	vor.u32 $0x20D, v15;
	v5 =	vor.u32 $0x20E, v15;
	v6 =	vor.u32 $0x30D, v15;
	s9 =	sadd.s32 $0x80000, s12;
	s26 =	sadd.s32 s25, s14;
	s12 =	sadd.s32 s25, s13  }
0x14: {  	v7 =	vor.u32 $0x30E, v15;
	v8 =	vor.u32 $0x40D, v15;
	v9 =	vor.u32 $0x40E, v15;
	s31 =	sshrl.u32 s17, $0x3;
	s17 =	simm.s32 $0x80;
	s23 =	simm.s32 $0x1A80  }
0x15: {  	v10 =	vor.u32 $0x50D, v15;
	v11 =	vor.u32 $0x50E, v15;
	v12 =	vor.u32 $0x60D, v15;
	s25 =	simm.s32 $0x2;
	s11 =	sadd.s32 $0x10, s26;
	s12 =	sadd.s32 $0x10, s12  }
0x16: {  	v13 =	vor.u32 $0x60E, v15;
	v14 =	vor.u32 $0x70D, v15;
	v15 =	vor.u32 $0x70E, v15;
	s13 =	sadd.s32 s31, s13;
	s14 =	sadd.s32 s31, s14;
	s26 =	simm.s32 $0x200  }
.LBB2_1:
0x17: {  	[spmem:s15], [sflag:s6] =	dma.local [hbm:s5], $0x1870  }
0x18: {  	_ =	swait.ge [sflag:s16], $0x1870  }
0x19: {  	[sflag:s16] =	ssyncset.done $0x0  }
0x1a: {  	[sflag:s16] =	ssyncadd.s32 $0xFFFFE790  }
0x1b: {  	[bflag:$0x0] =	sbarrier.arrive $0xFFFF  }
0x1c: {  	[tilespmem:s3], [sflag:$0x5] =	stream.linear.gather [hbm4b:s7+s3], $0x80, $0x38;
	[tilespmem:$0xE600] =	vst v63  }
0x1d: {  	_ =	swait.ge [sflag:s16], $0x80  }
0x1e: {  	[sflag:s16] =	ssyncset.done $0x0  }
0x1f: {  	[sflag:s16] =	ssyncadd.s32 $0xFFFFFF80  }
0x20: {  	[tilespmem:s17], [sflag:$0x5] =	stream.linear.gather [hbm4b:s8+s3], $0x80, $0x38;
	[tilespmem:$0xE600] =	vst v63  }
0x21: {  	_ =	swait.ge [sflag:s16], $0x80  }
0x22: {  	[sflag:s16] =	ssyncset.done $0x0  }
0x23: {  	[sflag:s16] =	ssyncadd.s32 $0xFFFFFF80  }
0x24: {  	[tilespmem:s18], [sflag:$0x1] =	stream.indirect.gather [hbm4b:s0+s17], $0x10, s3, s17, $0xb8;
	[tilespmem:$0xE600] =	vst v63  }
0x25: {  	s31 =	simm.s32 $0x0  }
0x26: {  	[tilespmem:s19], [sflag:$0x2] =	stream.indirect.gather [hbm4b:s0+s17], $0x10, s17, s17, $0xb8;
	[tilespmem:$0xE600] =	vst v63  }
.LBB2_2:
0x27: {  	s1 =	sadd.s32 s31, s11  }
0x28: {  	[tilespmem:s20], [sflag:$0x5] =	stream.linear.gather [hbm4b:s1+s3], $0x80, $0x38;
	[tilespmem:$0xE600] =	vst v63  }
0x29: {  	_ =	swait.ge [sflag:s16], $0x80  }
0x2a: {  	[sflag:s16] =	ssyncset.done $0x0  }
0x2b: {  	s1 =	sadd.s32 s31, s12;
	[sflag:s16] =	ssyncadd.s32 $0xFFFFFF80  }
0x2c: {  	[tilespmem:s21], [sflag:$0x5] =	stream.linear.gather [hbm4b:s1+s3], $0x80, $0x38;
	[tilespmem:$0xE600] =	vst v63  }
0x2d: {  	_ =	swait.ge [sflag:s16], $0x80  }
0x2e: {  	[sflag:s16] =	ssyncset.done $0x0  }
0x2f: {  	[sflag:s16] =	ssyncadd.s32 $0xFFFFFF80  }
0x30: {  	[tilespmem:s22], [sflag:$0x3] =	stream.indirect.gather [hbm4b:s0+s17], $0x10, s20, s17, $0xb8;
	[tilespmem:$0xE600] =	vst v63  }
0x31: {  	_ = 	snop  }
0x32: {  	[tilespmem:s23], [sflag:$0x4] =	stream.indirect.gather [hbm4b:s0+s17], $0x10, s21, s17, $0xb8;
	[tilespmem:$0xE600] =	vst v63  }
0x33: {  	_ =	swait.ge [sflag:s24], $0x800  }
0x34: {  	[sflag:s24] =	ssyncset.done $0x0  }
0x35: {  	[sflag:s24] =	ssyncadd.s32 $0xFFFFF800  }
0x36: {  	_ =	swait.ge [sflag:s25], $0x800  }
0x37: {  	[sflag:s25] =	ssyncset.done $0x0  }
0x38: {  	[sflag:s25] =	ssyncadd.s32 $0xFFFFF800  }
0x39: {  	v47 =	vld.idx.msk [tilespmem:v0+s18+$0x0], $0xffff  }
0x3a: {  	v48 =	vld.idx.msk [tilespmem:v1+s19+$0x0], $0xffff;
	_ =	sdelay $0x4  }
0x3b: {  	v47 =	vadd.f32 v48, v47;
	_ =	sdelay $0x1  }
0x3c: {  	v48 =	vmul.f32 $2.000000030e-01, v47  }
0x3d: {  	vm0 =	vgt.f32 v47, $0.0e+00  }
0x3e: {  	v47 =	vsel vm0, v47, v48  }
0x3f: {  	v47 =	vmul.f32 $1.442695020e+00, v47;
	_ =	sdelay $0x1  }
0x40: {  	(erf) = vpow2.f32 v47;
	_ =	sdelay $0x8  }
0x41: {  	v47 =	vpop (erf)  }
0x42: {  	[tilespmem:$0x200] =	vst v47  }
0x43: {  	v47 =	vld.idx.msk [tilespmem:v2+s18+$0x0], $0xffff  }
0x44: {  	v48 =	vld.idx.msk [tilespmem:v3+s19+$0x0], $0xffff;
	_ =	sdelay $0x4  }
0x45: {  	v47 =	vadd.f32 v48, v47;
	_ =	sdelay $0x1  }
0x46: {  	v48 =	vmul.f32 $2.000000030e-01, v47  }
0x47: {  	vm13 =	vgt.f32 v47, $0.0e+00  }
0x48: {  	v47 =	vsel vm13, v47, v48  }
0x49: {  	v47 =	vmul.f32 $1.442695020e+00, v47;
	_ =	sdelay $0x1  }
0x4a: {  	(erf) = vpow2.f32 v47;
	_ =	sdelay $0x8  }
0x4b: {  	v47 =	vpop (erf)  }
0x4c: {  	[tilespmem:$0x210] =	vst v47  }
0x4d: {  	v47 =	vld.idx.msk [tilespmem:v4+s18+$0x0], $0xffff  }
0x4e: {  	v48 =	vld.idx.msk [tilespmem:v5+s19+$0x0], $0xffff;
	_ =	sdelay $0x4  }
0x4f: {  	v47 =	vadd.f32 v48, v47;
	_ =	sdelay $0x1  }
0x50: {  	v48 =	vmul.f32 $2.000000030e-01, v47  }
0x51: {  	vm14 =	vgt.f32 v47, $0.0e+00  }
0x52: {  	v47 =	vsel vm14, v47, v48  }
0x53: {  	v47 =	vmul.f32 $1.442695020e+00, v47;
	_ =	sdelay $0x1  }
0x54: {  	(erf) = vpow2.f32 v47;
	_ =	sdelay $0x8  }
0x55: {  	v47 =	vpop (erf)  }
0x56: {  	[tilespmem:$0x220] =	vst v47  }
0x57: {  	v47 =	vld.idx.msk [tilespmem:v6+s18+$0x0], $0xffff  }
0x58: {  	v48 =	vld.idx.msk [tilespmem:v7+s19+$0x0], $0xffff;
	_ =	sdelay $0x4  }
0x59: {  	v47 =	vadd.f32 v48, v47;
	_ =	sdelay $0x1  }
0x5a: {  	v48 =	vmul.f32 $2.000000030e-01, v47  }
0x5b: {  	vm15 =	vgt.f32 v47, $0.0e+00  }
0x5c: {  	v47 =	vsel vm15, v47, v48  }
0x5d: {  	v47 =	vmul.f32 $1.442695020e+00, v47;
	_ =	sdelay $0x1  }
0x5e: {  	(erf) = vpow2.f32 v47;
	_ =	sdelay $0x8  }
0x5f: {  	v47 =	vpop (erf)  }
0x60: {  	[tilespmem:$0x230] =	vst v47  }
0x61: {  	v47 =	vld.idx.msk [tilespmem:v8+s18+$0x0], $0xffff  }
0x62: {  	v48 =	vld.idx.msk [tilespmem:v9+s19+$0x0], $0xffff;
	_ =	sdelay $0x4  }
0x63: {  	v47 =	vadd.f32 v48, v47;
	_ =	sdelay $0x1  }
0x64: {  	v48 =	vmul.f32 $2.000000030e-01, v47  }
0x65: {  	vm4 =	vgt.f32 v47, $0.0e+00  }
0x66: {  	v47 =	vsel vm4, v47, v48  }
0x67: {  	v47 =	vmul.f32 $1.442695020e+00, v47;
	_ =	sdelay $0x1  }
0x68: {  	(erf) = vpow2.f32 v47;
	_ =	sdelay $0x8  }
0x69: {  	v47 =	vpop (erf)  }
0x6a: {  	[tilespmem:$0x240] =	vst v47  }
0x6b: {  	v47 =	vld.idx.msk [tilespmem:v10+s18+$0x0], $0xffff  }
0x6c: {  	v48 =	vld.idx.msk [tilespmem:v11+s19+$0x0], $0xffff;
	_ =	sdelay $0x4  }
0x6d: {  	v47 =	vadd.f32 v48, v47;
	_ =	sdelay $0x1  }
0x6e: {  	v48 =	vmul.f32 $2.000000030e-01, v47  }
0x6f: {  	vm5 =	vgt.f32 v47, $0.0e+00  }
0x70: {  	v47 =	vsel vm5, v47, v48  }
0x71: {  	v47 =	vmul.f32 $1.442695020e+00, v47;
	_ =	sdelay $0x1  }
0x72: {  	(erf) = vpow2.f32 v47;
	_ =	sdelay $0x8  }
0x73: {  	v47 =	vpop (erf)  }
0x74: {  	[tilespmem:$0x250] =	vst v47  }
0x75: {  	v47 =	vld.idx.msk [tilespmem:v12+s18+$0x0], $0xffff  }
0x76: {  	v48 =	vld.idx.msk [tilespmem:v13+s19+$0x0], $0xffff;
	_ =	sdelay $0x4  }
0x77: {  	v47 =	vadd.f32 v48, v47;
	_ =	sdelay $0x1  }
0x78: {  	v48 =	vmul.f32 $2.000000030e-01, v47  }
0x79: {  	vm6 =	vgt.f32 v47, $0.0e+00  }
0x7a: {  	v47 =	vsel vm6, v47, v48  }
0x7b: {  	v47 =	vmul.f32 $1.442695020e+00, v47;
	_ =	sdelay $0x1  }
0x7c: {  	(erf) = vpow2.f32 v47;
	_ =	sdelay $0x8  }
0x7d: {  	v47 =	vpop (erf)  }
0x7e: {  	[tilespmem:$0x260] =	vst v47  }
0x7f: {  	v47 =	vld.idx.msk [tilespmem:v14+s18+$0x0], $0xffff  }
0x80: {  	v48 =	vld.idx.msk [tilespmem:v15+s19+$0x0], $0xffff;
	_ =	sdelay $0x4  }
0x81: {  	v47 =	vadd.f32 v48, v47;
	_ =	sdelay $0x1  }
0x82: {  	v48 =	vmul.f32 $2.000000030e-01, v47  }
0x83: {  	vm7 =	vgt.f32 v47, $0.0e+00  }
0x84: {  	v47 =	vsel vm7, v47, v48  }
0x85: {  	v47 =	vmul.f32 $1.442695020e+00, v47;
	_ =	sdelay $0x1  }
0x86: {  	(erf) = vpow2.f32 v47;
	_ =	sdelay $0x8  }
0x87: {  	v47 =	vpop (erf)  }
0x88: {  	v48 =	vld [tilespmem:$0x280];
	[tilespmem:$0x270] =	vst v47  }
0x89: {  	v47 =	vld.msk [tilespmem:s26+$0x0], $0xffff;
	_ =	sdelay $0x4  }
0x8a: {  	v47 =	vmul.f32 v48, v47;
	_ =	sdelay $0x1  }
0x8b: {  	v48 =	vld [tilespmem:$0x290];
	[tilespmem:$0x280] =	vst v47  }
0x8c: {  	v47 =	vld.idx.msk [tilespmem:v36+s26+$0x0], $0xffff;
	_ =	sdelay $0x4  }
0x8d: {  	v47 =	vmul.f32 v48, v47;
	_ =	sdelay $0x1  }
0x8e: {  	v48 =	vld [tilespmem:$0x2A0];
	[tilespmem:$0x290] =	vst v47  }
0x8f: {  	v47 =	vld.idx.msk [tilespmem:v37+s26+$0x0], $0xffff;
	_ =	sdelay $0x4  }
0x90: {  	v47 =	vmul.f32 v48, v47;
	_ =	sdelay $0x1  }
0x91: {  	v48 =	vld [tilespmem:$0x2B0];
	[tilespmem:$0x2A0] =	vst v47  }
0x92: {  	v47 =	vld.idx.msk [tilespmem:v38+s26+$0x0], $0xffff;
	_ =	sdelay $0x4  }
0x93: {  	v47 =	vmul.f32 v48, v47;
	_ =	sdelay $0x1  }
0x94: {  	v48 =	vld [tilespmem:$0x2C0];
	[tilespmem:$0x2B0] =	vst v47  }
0x95: {  	v47 =	vld.idx.msk [tilespmem:v39+s26+$0x0], $0xffff;
	_ =	sdelay $0x4  }
0x96: {  	v47 =	vmul.f32 v48, v47;
	_ =	sdelay $0x1  }
0x97: {  	v48 =	vld [tilespmem:$0x2D0];
	[tilespmem:$0x2C0] =	vst v47  }
0x98: {  	v47 =	vld.idx.msk [tilespmem:v40+s26+$0x0], $0xffff;
	_ =	sdelay $0x4  }
0x99: {  	v47 =	vmul.f32 v48, v47;
	_ =	sdelay $0x1  }
0x9a: {  	v48 =	vld [tilespmem:$0x2E0];
	[tilespmem:$0x2D0] =	vst v47  }
0x9b: {  	v47 =	vld.idx.msk [tilespmem:v41+s26+$0x0], $0xffff;
	_ =	sdelay $0x4  }
0x9c: {  	v47 =	vmul.f32 v48, v47;
	_ =	sdelay $0x1  }
0x9d: {  	v48 =	vld [tilespmem:$0x2F0];
	[tilespmem:$0x2E0] =	vst v47  }
0x9e: {  	v47 =	vld.idx.msk [tilespmem:v42+s26+$0x0], $0xffff;
	_ =	sdelay $0x4  }
0x9f: {  	v47 =	vmul.f32 v48, v47;
	_ =	sdelay $0x1  }
0xa0: {  	v48 =	vld [tilespmem:$0x300];
	[tilespmem:$0x2F0] =	vst v47  }
0xa1: {  	v47 =	vld.idx.msk [tilespmem:v43+s26+$0x0], $0xffff;
	_ =	sdelay $0x4  }
0xa2: {  	v47 =	vmul.f32 v48, v47;
	_ =	sdelay $0x1  }
0xa3: {  	v48 =	vld [tilespmem:$0x310];
	[tilespmem:$0x300] =	vst v47  }
0xa4: {  	v47 =	vld.idx.msk [tilespmem:v44+s26+$0x0], $0xffff;
	_ =	sdelay $0x4  }
0xa5: {  	v47 =	vmul.f32 v48, v47;
	_ =	sdelay $0x1  }
0xa6: {  	v48 =	vld [tilespmem:$0x320];
	[tilespmem:$0x310] =	vst v47  }
0xa7: {  	v47 =	vld.idx.msk [tilespmem:v45+s26+$0x0], $0xffff;
	_ =	sdelay $0x4  }
0xa8: {  	v47 =	vmul.f32 v48, v47;
	_ =	sdelay $0x1  }
0xa9: {  	v48 =	vld [tilespmem:$0x330];
	[tilespmem:$0x320] =	vst v47  }
0xaa: {  	v47 =	vld.idx.msk [tilespmem:v46+s26+$0x0], $0xffff;
	_ =	sdelay $0x4  }
0xab: {  	v47 =	vmul.f32 v48, v47;
	_ =	sdelay $0x1  }
0xac: {  	v48 =	vld [tilespmem:$0x340];
	[tilespmem:$0x330] =	vst v47  }
0xad: {  	v47 =	vld.idx.msk [tilespmem:v49+s26+$0x0], $0xffff;
	_ =	sdelay $0x4  }
0xae: {  	v47 =	vmul.f32 v48, v47;
	_ =	sdelay $0x1  }
0xaf: {  	v48 =	vld [tilespmem:$0x350];
	[tilespmem:$0x340] =	vst v47  }
0xb0: {  	v47 =	vld.idx.msk [tilespmem:v50+s26+$0x0], $0xffff;
	_ =	sdelay $0x4  }
0xb1: {  	v47 =	vmul.f32 v48, v47;
	_ =	sdelay $0x1  }
0xb2: {  	v48 =	vld [tilespmem:$0x360];
	[tilespmem:$0x350] =	vst v47  }
0xb3: {  	v47 =	vld.idx.msk [tilespmem:v51+s26+$0x0], $0xffff;
	_ =	sdelay $0x4  }
0xb4: {  	v47 =	vmul.f32 v48, v47;
	_ =	sdelay $0x1  }
0xb5: {  	v48 =	vld [tilespmem:$0x370];
	[tilespmem:$0x360] =	vst v47  }
0xb6: {  	v47 =	vld.idx.msk [tilespmem:v52+s26+$0x0], $0xffff;
	_ =	sdelay $0x4  }
0xb7: {  	v47 =	vmul.f32 v48, v47;
	_ =	sdelay $0x1  }
0xb8: {  	v48 =	vld [tilespmem:$0x380];
	[tilespmem:$0x370] =	vst v47  }
0xb9: {  	v47 =	vld.idx.msk [tilespmem:v53+s26+$0x0], $0xffff;
	_ =	sdelay $0x4  }
0xba: {  	v47 =	vmul.f32 v48, v47;
	_ =	sdelay $0x1  }
0xbb: {  	v48 =	vld [tilespmem:$0x390];
	[tilespmem:$0x380] =	vst v47  }
0xbc: {  	v47 =	vld.idx.msk [tilespmem:v54+s26+$0x0], $0xffff;
	_ =	sdelay $0x4  }
0xbd: {  	v47 =	vmul.f32 v48, v47;
	_ =	sdelay $0x1  }
0xbe: {  	v48 =	vld [tilespmem:$0x3A0];
	[tilespmem:$0x390] =	vst v47  }
0xbf: {  	v47 =	vld.idx.msk [tilespmem:v55+s26+$0x0], $0xffff;
	_ =	sdelay $0x4  }
0xc0: {  	v47 =	vmul.f32 v48, v47;
	_ =	sdelay $0x1  }
0xc1: {  	v48 =	vld [tilespmem:$0x3B0];
	[tilespmem:$0x3A0] =	vst v47  }
0xc2: {  	v47 =	vld.idx.msk [tilespmem:v56+s26+$0x0], $0xffff;
	_ =	sdelay $0x4  }
0xc3: {  	v47 =	vmul.f32 v48, v47;
	_ =	sdelay $0x1  }
0xc4: {  	v48 =	vld [tilespmem:$0x3C0];
	[tilespmem:$0x3B0] =	vst v47  }
0xc5: {  	v47 =	vld.idx.msk [tilespmem:v57+s26+$0x0], $0xffff;
	_ =	sdelay $0x4  }
0xc6: {  	v47 =	vmul.f32 v48, v47;
	_ =	sdelay $0x1  }
0xc7: {  	v48 =	vld [tilespmem:$0x3D0];
	[tilespmem:$0x3C0] =	vst v47  }
0xc8: {  	v47 =	vld.idx.msk [tilespmem:v58+s26+$0x0], $0xffff;
	_ =	sdelay $0x4  }
0xc9: {  	v47 =	vmul.f32 v48, v47;
	_ =	sdelay $0x1  }
0xca: {  	v48 =	vld [tilespmem:$0x3E0];
	[tilespmem:$0x3D0] =	vst v47  }
0xcb: {  	v47 =	vld.idx.msk [tilespmem:v59+s26+$0x0], $0xffff;
	_ =	sdelay $0x4  }
0xcc: {  	v47 =	vmul.f32 v48, v47;
	_ =	sdelay $0x1  }
0xcd: {  	v48 =	vld [tilespmem:$0x3F0];
	[tilespmem:$0x3E0] =	vst v47  }
0xce: {  	v47 =	vld.idx.msk [tilespmem:v60+s26+$0x0], $0xffff;
	_ =	sdelay $0x4  }
0xcf: {  	v47 =	vmul.f32 v48, v47;
	_ =	sdelay $0x1  }
0xd0: {  	v48 =	vld [tilespmem:$0x400];
	[tilespmem:$0x3F0] =	vst v47  }
0xd1: {  	v47 =	vld.idx.msk [tilespmem:v61+s26+$0x0], $0xffff;
	_ =	sdelay $0x4  }
0xd2: {  	v47 =	vmul.f32 v48, v47;
	_ =	sdelay $0x1  }
0xd3: {  	v48 =	vld [tilespmem:$0x410];
	[tilespmem:$0x400] =	vst v47  }
0xd4: {  	v47 =	vld.idx.msk [tilespmem:v62+s26+$0x0], $0xffff;
	_ =	sdelay $0x4  }
0xd5: {  	v47 =	vmul.f32 v48, v47;
	_ =	sdelay $0x1  }
0xd6: {  	v48 =	vld [tilespmem:$0x420];
	[tilespmem:$0x410] =	vst v47  }
0xd7: {  	v47 =	vld.idx.msk [tilespmem:v63+s26+$0x0], $0xffff;
	_ =	sdelay $0x2  }
0xd8: {  	v16 =	vimm.s32 $0x1B;
	_ =	sdelay $0x1  }
0xd9: {  	v47 =	vmul.f32 v48, v47;
	_ =	sdelay $0x1  }
0xda: {  	v48 =	vld [tilespmem:$0x430];
	[tilespmem:$0x420] =	vst v47  }
0xdb: {  	v47 =	vld.idx.msk [tilespmem:v16+s26+$0x0], $0xffff;
	_ =	sdelay $0x4  }
0xdc: {  	v47 =	vmul.f32 v48, v47;
	_ =	sdelay $0x1  }
0xdd: {  	v48 =	vld [tilespmem:$0x440];
	[tilespmem:$0x430] =	vst v47  }
0xde: {  	v47 =	vld.idx.msk [tilespmem:v17+s26+$0x0], $0xffff;
	_ =	sdelay $0x4  }
0xdf: {  	v47 =	vmul.f32 v48, v47;
	_ =	sdelay $0x1  }
0xe0: {  	v48 =	vld [tilespmem:$0x450];
	[tilespmem:$0x440] =	vst v47  }
0xe1: {  	v47 =	vld.idx.msk [tilespmem:v18+s26+$0x0], $0xffff;
	_ =	sdelay $0x4  }
0xe2: {  	v47 =	vmul.f32 v48, v47;
	_ =	sdelay $0x1  }
0xe3: {  	v48 =	vld [tilespmem:$0x460];
	[tilespmem:$0x450] =	vst v47  }
0xe4: {  	v47 =	vld.idx.msk [tilespmem:v19+s26+$0x0], $0xffff;
	_ =	sdelay $0x4  }
0xe5: {  	v47 =	vmul.f32 v48, v47;
	_ =	sdelay $0x1  }
0xe6: {  	v48 =	vld [tilespmem:$0x470];
	[tilespmem:$0x460] =	vst v47  }
0xe7: {  	v47 =	vld.idx.msk [tilespmem:v20+s26+$0x0], $0xffff;
	_ =	sdelay $0x4  }
0xe8: {  	v47 =	vmul.f32 v48, v47;
	_ =	sdelay $0x1  }
0xe9: {  	v48 =	vld [tilespmem:$0x480];
	[tilespmem:$0x470] =	vst v47  }
0xea: {  	v47 =	vld.idx.msk [tilespmem:v21+s26+$0x0], $0xffff;
	_ =	sdelay $0x4  }
0xeb: {  	v47 =	vmul.f32 v48, v47;
	_ =	sdelay $0x1  }
0xec: {  	v48 =	vld [tilespmem:$0x490];
	[tilespmem:$0x480] =	vst v47  }
0xed: {  	v47 =	vld.idx.msk [tilespmem:v22+s26+$0x0], $0xffff;
	_ =	sdelay $0x4  }
0xee: {  	v47 =	vmul.f32 v48, v47;
	_ =	sdelay $0x1  }
0xef: {  	v48 =	vld [tilespmem:$0x4A0];
	[tilespmem:$0x490] =	vst v47  }
0xf0: {  	v47 =	vld.idx.msk [tilespmem:v23+s26+$0x0], $0xffff;
	_ =	sdelay $0x4  }
0xf1: {  	v47 =	vmul.f32 v48, v47;
	_ =	sdelay $0x1  }
0xf2: {  	v48 =	vld [tilespmem:$0x4B0];
	[tilespmem:$0x4A0] =	vst v47  }
0xf3: {  	v47 =	vld.idx.msk [tilespmem:v24+s26+$0x0], $0xffff;
	_ =	sdelay $0x4  }
0xf4: {  	v47 =	vmul.f32 v48, v47;
	_ =	sdelay $0x1  }
0xf5: {  	v48 =	vld [tilespmem:$0x4C0];
	[tilespmem:$0x4B0] =	vst v47  }
0xf6: {  	v47 =	vld.idx.msk [tilespmem:v25+s26+$0x0], $0xffff;
	_ =	sdelay $0x4  }
0xf7: {  	v47 =	vmul.f32 v48, v47;
	_ =	sdelay $0x1  }
0xf8: {  	v48 =	vld [tilespmem:$0x4D0];
	[tilespmem:$0x4C0] =	vst v47  }
0xf9: {  	v47 =	vld.idx.msk [tilespmem:v26+s26+$0x0], $0xffff;
	_ =	sdelay $0x4  }
0xfa: {  	v47 =	vmul.f32 v48, v47;
	_ =	sdelay $0x1  }
0xfb: {  	v48 =	vld [tilespmem:$0x4E0];
	[tilespmem:$0x4D0] =	vst v47  }
0xfc: {  	v47 =	vld.idx.msk [tilespmem:v27+s26+$0x0], $0xffff;
	_ =	sdelay $0x4  }
0xfd: {  	v47 =	vmul.f32 v48, v47;
	_ =	sdelay $0x1  }
0xfe: {  	v48 =	vld [tilespmem:$0x4F0];
	[tilespmem:$0x4E0] =	vst v47  }
0xff: {  	v47 =	vld.idx.msk [tilespmem:v28+s26+$0x0], $0xffff;
	_ =	sdelay $0x4  }
0x100: {  	v47 =	vmul.f32 v48, v47;
	_ =	sdelay $0x1  }
0x101: {  	v48 =	vld [tilespmem:$0x500];
	[tilespmem:$0x4F0] =	vst v47  }
0x102: {  	v47 =	vld.idx.msk [tilespmem:v29+s26+$0x0], $0xffff;
	_ =	sdelay $0x4  }
0x103: {  	v47 =	vmul.f32 v48, v47;
	_ =	sdelay $0x1  }
0x104: {  	v48 =	vld [tilespmem:$0x510];
	[tilespmem:$0x500] =	vst v47  }
0x105: {  	v47 =	vld.idx.msk [tilespmem:v30+s26+$0x0], $0xffff;
	_ =	sdelay $0x4  }
0x106: {  	v47 =	vmul.f32 v48, v47;
	_ =	sdelay $0x1  }
0x107: {  	v48 =	vld [tilespmem:$0x520];
	[tilespmem:$0x510] =	vst v47  }
0x108: {  	v47 =	vld.idx.msk [tilespmem:v31+s26+$0x0], $0xffff;
	_ =	sdelay $0x4  }
0x109: {  	v47 =	vmul.f32 v48, v47;
	_ =	sdelay $0x1  }
0x10a: {  	v48 =	vld [tilespmem:$0x530];
	[tilespmem:$0x520] =	vst v47  }
0x10b: {  	v47 =	vld.idx.msk [tilespmem:v32+s26+$0x0], $0xffff;
	_ =	sdelay $0x4  }
0x10c: {  	v47 =	vmul.f32 v48, v47;
	_ =	sdelay $0x1  }
0x10d: {  	v48 =	vld [tilespmem:$0x540];
	[tilespmem:$0x530] =	vst v47  }
0x10e: {  	v47 =	vld.idx.msk [tilespmem:v33+s26+$0x0], $0xffff;
	_ =	sdelay $0x4  }
0x10f: {  	v47 =	vmul.f32 v48, v47;
	_ =	sdelay $0x1  }
0x110: {  	v48 =	vld [tilespmem:$0x550];
	[tilespmem:$0x540] =	vst v47  }
0x111: {  	v47 =	vld.idx.msk [tilespmem:v34+s26+$0x0], $0xffff;
	_ =	sdelay $0x4  }
0x112: {  	v47 =	vmul.f32 v48, v47;
	_ =	sdelay $0x1  }
0x113: {  	v48 =	vld [tilespmem:$0x560];
	[tilespmem:$0x550] =	vst v47  }
0x114: {  	v47 =	vld.idx.msk [tilespmem:v35+s26+$0x0], $0xffff;
	_ =	sdelay $0x4  }
0x115: {  	v47 =	vmul.f32 v48, v47;
	v48 =	vimm.s32 $0x2F;
	_ =	sdelay $0x3  }
0x116: {  	[tilespmem:$0x560] =	vst v47  }
0x117: {  	v47 =	vld.idx.msk [tilespmem:v48+s26+$0x0], $0xffff  }
0x118: {  	v48 =	vld [tilespmem:$0x570];
	_ =	sdelay $0x4  }
0x119: {  	v47 =	vmul.f32 v48, v47;
	v48 =	vimm.s32 $0x30;
	_ =	sdelay $0x3  }
0x11a: {  	[tilespmem:$0x570] =	vst v47  }
0x11b: {  	v47 =	vld.idx.msk [tilespmem:v48+s26+$0x0], $0xffff  }
0x11c: {  	v48 =	vld [tilespmem:$0x580];
	_ =	sdelay $0x4  }
0x11d: {  	v47 =	vmul.f32 v48, v47;
	v48 =	vimm.s32 $0x31;
	_ =	sdelay $0x3  }
0x11e: {  	[tilespmem:$0x580] =	vst v47  }
0x11f: {  	v47 =	vld.idx.msk [tilespmem:v48+s26+$0x0], $0xffff  }
0x120: {  	v48 =	vld [tilespmem:$0x590];
	_ =	sdelay $0x4  }
0x121: {  	v47 =	vmul.f32 v48, v47;
	v48 =	vimm.s32 $0x32;
	_ =	sdelay $0x3  }
0x122: {  	[tilespmem:$0x590] =	vst v47  }
0x123: {  	v47 =	vld.idx.msk [tilespmem:v48+s26+$0x0], $0xffff  }
0x124: {  	v48 =	vld [tilespmem:$0x5A0];
	_ =	sdelay $0x4  }
0x125: {  	v47 =	vmul.f32 v48, v47;
	v48 =	vimm.s32 $0x33;
	_ =	sdelay $0x3  }
0x126: {  	[tilespmem:$0x5A0] =	vst v47  }
0x127: {  	v47 =	vld.idx.msk [tilespmem:v48+s26+$0x0], $0xffff  }
0x128: {  	v48 =	vld [tilespmem:$0x5B0];
	_ =	sdelay $0x4  }
0x129: {  	v47 =	vmul.f32 v48, v47;
	v48 =	vimm.s32 $0x34;
	_ =	sdelay $0x3  }
0x12a: {  	[tilespmem:$0x5B0] =	vst v47  }
0x12b: {  	v47 =	vld.idx.msk [tilespmem:v48+s26+$0x0], $0xffff  }
0x12c: {  	v48 =	vld [tilespmem:$0x5C0];
	_ =	sdelay $0x4  }
0x12d: {  	v47 =	vmul.f32 v48, v47;
	v48 =	vimm.s32 $0x35;
	_ =	sdelay $0x3  }
0x12e: {  	[tilespmem:$0x5C0] =	vst v47  }
0x12f: {  	v47 =	vld.idx.msk [tilespmem:v48+s26+$0x0], $0xffff  }
0x130: {  	v48 =	vld [tilespmem:$0x5D0];
	_ =	sdelay $0x4  }
0x131: {  	v47 =	vmul.f32 v48, v47;
	v48 =	vimm.s32 $0x36;
	_ =	sdelay $0x3  }
0x132: {  	[tilespmem:$0x5D0] =	vst v47  }
0x133: {  	v47 =	vld.idx.msk [tilespmem:v48+s26+$0x0], $0xffff  }
0x134: {  	v48 =	vld [tilespmem:$0x5E0];
	_ =	sdelay $0x4  }
0x135: {  	v47 =	vmul.f32 v48, v47;
	v48 =	vimm.s32 $0x37;
	_ =	sdelay $0x3  }
0x136: {  	[tilespmem:$0x5E0] =	vst v47  }
0x137: {  	v47 =	vld.idx.msk [tilespmem:v48+s26+$0x0], $0xffff  }
0x138: {  	v48 =	vld [tilespmem:$0x5F0];
	_ =	sdelay $0x4  }
0x139: {  	v47 =	vmul.f32 v48, v47;
	v48 =	vimm.s32 $0x38;
	_ =	sdelay $0x3  }
0x13a: {  	[tilespmem:$0x5F0] =	vst v47  }
0x13b: {  	v47 =	vld.idx.msk [tilespmem:v48+s26+$0x0], $0xffff  }
0x13c: {  	v48 =	vld [tilespmem:$0x600];
	_ =	sdelay $0x4  }
0x13d: {  	v47 =	vmul.f32 v48, v47;
	v48 =	vimm.s32 $0x39;
	_ =	sdelay $0x3  }
0x13e: {  	[tilespmem:$0x600] =	vst v47  }
0x13f: {  	v47 =	vld.idx.msk [tilespmem:v48+s26+$0x0], $0xffff  }
0x140: {  	v48 =	vld [tilespmem:$0x610];
	_ =	sdelay $0x4  }
0x141: {  	v47 =	vmul.f32 v48, v47;
	v48 =	vimm.s32 $0x3A;
	_ =	sdelay $0x3  }
0x142: {  	[tilespmem:$0x610] =	vst v47  }
0x143: {  	v47 =	vld.idx.msk [tilespmem:v48+s26+$0x0], $0xffff  }
0x144: {  	v48 =	vld [tilespmem:$0x620];
	_ =	sdelay $0x4  }
0x145: {  	v47 =	vmul.f32 v48, v47;
	v48 =	vimm.s32 $0x3B;
	_ =	sdelay $0x3  }
0x146: {  	[tilespmem:$0x620] =	vst v47  }
0x147: {  	v47 =	vld.idx.msk [tilespmem:v48+s26+$0x0], $0xffff  }
0x148: {  	v48 =	vld [tilespmem:$0x630];
	_ =	sdelay $0x4  }
0x149: {  	v47 =	vmul.f32 v48, v47;
	v48 =	vimm.s32 $0x3C;
	_ =	sdelay $0x3  }
0x14a: {  	[tilespmem:$0x630] =	vst v47  }
0x14b: {  	v47 =	vld.idx.msk [tilespmem:v48+s26+$0x0], $0xffff  }
0x14c: {  	v48 =	vld [tilespmem:$0x640];
	_ =	sdelay $0x4  }
0x14d: {  	v47 =	vmul.f32 v48, v47;
	v48 =	vimm.s32 $0x3D;
	_ =	sdelay $0x3  }
0x14e: {  	[tilespmem:$0x640] =	vst v47  }
0x14f: {  	v47 =	vld.idx.msk [tilespmem:v48+s26+$0x0], $0xffff  }
0x150: {  	v48 =	vld [tilespmem:$0x650];
	_ =	sdelay $0x4  }
0x151: {  	v47 =	vmul.f32 v48, v47;
	v48 =	vimm.s32 $0x3E;
	_ =	sdelay $0x3  }
0x152: {  	[tilespmem:$0x650] =	vst v47  }
0x153: {  	v47 =	vld.idx.msk [tilespmem:v48+s26+$0x0], $0xffff  }
0x154: {  	v48 =	vld [tilespmem:$0x660];
	_ =	sdelay $0x4  }
0x155: {  	v47 =	vmul.f32 v48, v47;
	v48 =	vimm.s32 $0x3F;
	_ =	sdelay $0x3  }
0x156: {  	[tilespmem:$0x660] =	vst v47  }
0x157: {  	v47 =	vld.idx.msk [tilespmem:v48+s26+$0x0], $0xffff  }
0x158: {  	v48 =	vld [tilespmem:$0x670];
	_ =	sdelay $0x4  }
0x159: {  	v47 =	vmul.f32 v48, v47;
	v48 =	vimm.s32 $0x40;
	_ =	sdelay $0x3  }
0x15a: {  	[tilespmem:$0x670] =	vst v47  }
0x15b: {  	v47 =	vld.idx.msk [tilespmem:v48+s26+$0x0], $0xffff  }
0x15c: {  	v48 =	vld [tilespmem:$0x680];
	_ =	sdelay $0x4  }
0x15d: {  	v47 =	vmul.f32 v48, v47;
	v48 =	vimm.s32 $0x41;
	_ =	sdelay $0x3  }
0x15e: {  	[tilespmem:$0x680] =	vst v47  }
0x15f: {  	v47 =	vld.idx.msk [tilespmem:v48+s26+$0x0], $0xffff  }
0x160: {  	v48 =	vld [tilespmem:$0x690];
	_ =	sdelay $0x4  }
0x161: {  	v47 =	vmul.f32 v48, v47;
	v48 =	vimm.s32 $0x42;
	_ =	sdelay $0x3  }
0x162: {  	[tilespmem:$0x690] =	vst v47  }
0x163: {  	v47 =	vld.idx.msk [tilespmem:v48+s26+$0x0], $0xffff  }
0x164: {  	v48 =	vld [tilespmem:$0x6A0];
	_ =	sdelay $0x4  }
0x165: {  	v47 =	vmul.f32 v48, v47;
	v48 =	vimm.s32 $0x43;
	_ =	sdelay $0x3  }
0x166: {  	[tilespmem:$0x6A0] =	vst v47  }
0x167: {  	v47 =	vld.idx.msk [tilespmem:v48+s26+$0x0], $0xffff  }
0x168: {  	v48 =	vld [tilespmem:$0x6B0];
	_ =	sdelay $0x4  }
0x169: {  	v47 =	vmul.f32 v48, v47;
	v48 =	vimm.s32 $0x44;
	_ =	sdelay $0x3  }
0x16a: {  	[tilespmem:$0x6B0] =	vst v47  }
0x16b: {  	v47 =	vld.idx.msk [tilespmem:v48+s26+$0x0], $0xffff  }
0x16c: {  	v48 =	vld [tilespmem:$0x6C0];
	_ =	sdelay $0x4  }
0x16d: {  	v47 =	vmul.f32 v48, v47;
	v48 =	vimm.s32 $0x45;
	_ =	sdelay $0x3  }
0x16e: {  	[tilespmem:$0x6C0] =	vst v47  }
0x16f: {  	v47 =	vld.idx.msk [tilespmem:v48+s26+$0x0], $0xffff  }
0x170: {  	v48 =	vld [tilespmem:$0x6D0];
	_ =	sdelay $0x4  }
0x171: {  	v47 =	vmul.f32 v48, v47;
	v48 =	vimm.s32 $0x46;
	_ =	sdelay $0x3  }
0x172: {  	[tilespmem:$0x6D0] =	vst v47  }
0x173: {  	v47 =	vld.idx.msk [tilespmem:v48+s26+$0x0], $0xffff  }
0x174: {  	v48 =	vld [tilespmem:$0x6E0];
	_ =	sdelay $0x4  }
0x175: {  	v47 =	vmul.f32 v48, v47;
	v48 =	vimm.s32 $0x47;
	_ =	sdelay $0x3  }
0x176: {  	[tilespmem:$0x6E0] =	vst v47  }
0x177: {  	v47 =	vld.idx.msk [tilespmem:v48+s26+$0x0], $0xffff  }
0x178: {  	v48 =	vld [tilespmem:$0x6F0];
	_ =	sdelay $0x4  }
0x179: {  	v47 =	vmul.f32 v48, v47;
	v48 =	vimm.s32 $0x48;
	_ =	sdelay $0x3  }
0x17a: {  	[tilespmem:$0x6F0] =	vst v47  }
0x17b: {  	v47 =	vld.idx.msk [tilespmem:v48+s26+$0x0], $0xffff  }
0x17c: {  	v48 =	vld [tilespmem:$0x700];
	_ =	sdelay $0x4  }
0x17d: {  	v47 =	vmul.f32 v48, v47;
	v48 =	vimm.s32 $0x49;
	_ =	sdelay $0x3  }
0x17e: {  	[tilespmem:$0x700] =	vst v47  }
0x17f: {  	v47 =	vld.idx.msk [tilespmem:v48+s26+$0x0], $0xffff  }
0x180: {  	v48 =	vld [tilespmem:$0x710];
	_ =	sdelay $0x4  }
0x181: {  	v47 =	vmul.f32 v48, v47;
	v48 =	vimm.s32 $0x4A;
	_ =	sdelay $0x3  }
0x182: {  	[tilespmem:$0x710] =	vst v47  }
0x183: {  	v47 =	vld.idx.msk [tilespmem:v48+s26+$0x0], $0xffff  }
0x184: {  	v48 =	vld [tilespmem:$0x720];
	_ =	sdelay $0x4  }
0x185: {  	v47 =	vmul.f32 v48, v47;
	v48 =	vimm.s32 $0x4B;
	_ =	sdelay $0x3  }
0x186: {  	[tilespmem:$0x720] =	vst v47  }
0x187: {  	v47 =	vld.idx.msk [tilespmem:v48+s26+$0x0], $0xffff  }
0x188: {  	v48 =	vld [tilespmem:$0x730];
	_ =	sdelay $0x4  }
0x189: {  	v47 =	vmul.f32 v48, v47;
	v48 =	vimm.s32 $0x4C;
	_ =	sdelay $0x3  }
0x18a: {  	[tilespmem:$0x730] =	vst v47  }
0x18b: {  	v47 =	vld.idx.msk [tilespmem:v48+s26+$0x0], $0xffff  }
0x18c: {  	v48 =	vld [tilespmem:$0x740];
	_ =	sdelay $0x4  }
0x18d: {  	v47 =	vmul.f32 v48, v47;
	v48 =	vimm.s32 $0x4D;
	_ =	sdelay $0x3  }
0x18e: {  	[tilespmem:$0x740] =	vst v47  }
0x18f: {  	v47 =	vld.idx.msk [tilespmem:v48+s26+$0x0], $0xffff  }
0x190: {  	v48 =	vld [tilespmem:$0x750];
	_ =	sdelay $0x4  }
0x191: {  	v47 =	vmul.f32 v48, v47;
	v48 =	vimm.s32 $0x4E;
	_ =	sdelay $0x3  }
0x192: {  	[tilespmem:$0x750] =	vst v47  }
0x193: {  	v47 =	vld.idx.msk [tilespmem:v48+s26+$0x0], $0xffff  }
0x194: {  	v48 =	vld [tilespmem:$0x760];
	_ =	sdelay $0x4  }
0x195: {  	v47 =	vmul.f32 v48, v47;
	v48 =	vimm.s32 $0x4F;
	_ =	sdelay $0x3  }
0x196: {  	[tilespmem:$0x760] =	vst v47  }
0x197: {  	v47 =	vld.idx.msk [tilespmem:v48+s26+$0x0], $0xffff  }
0x198: {  	v48 =	vld [tilespmem:$0x770];
	_ =	sdelay $0x4  }
0x199: {  	v47 =	vmul.f32 v48, v47;
	v48 =	vimm.s32 $0x50;
	_ =	sdelay $0x3  }
0x19a: {  	[tilespmem:$0x770] =	vst v47  }
0x19b: {  	v47 =	vld.idx.msk [tilespmem:v48+s26+$0x0], $0xffff  }
0x19c: {  	v48 =	vld [tilespmem:$0x780];
	_ =	sdelay $0x4  }
0x19d: {  	v47 =	vmul.f32 v48, v47;
	v48 =	vimm.s32 $0x51;
	_ =	sdelay $0x3  }
0x19e: {  	[tilespmem:$0x780] =	vst v47  }
0x19f: {  	v47 =	vld.idx.msk [tilespmem:v48+s26+$0x0], $0xffff  }
0x1a0: {  	v48 =	vld [tilespmem:$0x790];
	_ =	sdelay $0x4  }
0x1a1: {  	v47 =	vmul.f32 v48, v47;
	v48 =	vimm.s32 $0x52;
	_ =	sdelay $0x3  }
0x1a2: {  	[tilespmem:$0x790] =	vst v47  }
0x1a3: {  	v47 =	vld.idx.msk [tilespmem:v48+s26+$0x0], $0xffff  }
0x1a4: {  	v48 =	vld [tilespmem:$0x7A0];
	_ =	sdelay $0x4  }
0x1a5: {  	v47 =	vmul.f32 v48, v47;
	v48 =	vimm.s32 $0x53;
	_ =	sdelay $0x3  }
0x1a6: {  	[tilespmem:$0x7A0] =	vst v47  }
0x1a7: {  	v47 =	vld.idx.msk [tilespmem:v48+s26+$0x0], $0xffff  }
0x1a8: {  	v48 =	vld [tilespmem:$0x7B0];
	_ =	sdelay $0x4  }
0x1a9: {  	v47 =	vmul.f32 v48, v47;
	v48 =	vimm.s32 $0x54;
	_ =	sdelay $0x3  }
0x1aa: {  	[tilespmem:$0x7B0] =	vst v47  }
0x1ab: {  	v47 =	vld.idx.msk [tilespmem:v48+s26+$0x0], $0xffff  }
0x1ac: {  	v48 =	vld [tilespmem:$0x7C0];
	_ =	sdelay $0x4  }
0x1ad: {  	v47 =	vmul.f32 v48, v47;
	v48 =	vimm.s32 $0x55;
	_ =	sdelay $0x3  }
0x1ae: {  	[tilespmem:$0x7C0] =	vst v47  }
0x1af: {  	v47 =	vld.idx.msk [tilespmem:v48+s26+$0x0], $0xffff  }
0x1b0: {  	v48 =	vld [tilespmem:$0x7D0];
	_ =	sdelay $0x4  }
0x1b1: {  	v47 =	vmul.f32 v48, v47;
	v48 =	vimm.s32 $0x56;
	_ =	sdelay $0x3  }
0x1b2: {  	[tilespmem:$0x7D0] =	vst v47  }
0x1b3: {  	v47 =	vld.idx.msk [tilespmem:v48+s26+$0x0], $0xffff  }
0x1b4: {  	v48 =	vld [tilespmem:$0x7E0];
	_ =	sdelay $0x4  }
0x1b5: {  	v47 =	vmul.f32 v48, v47;
	v48 =	vimm.s32 $0x57;
	_ =	sdelay $0x3  }
0x1b6: {  	[tilespmem:$0x7E0] =	vst v47  }
0x1b7: {  	v47 =	vld.idx.msk [tilespmem:v48+s26+$0x0], $0xffff  }
0x1b8: {  	v48 =	vld [tilespmem:$0x7F0];
	_ =	sdelay $0x4  }
0x1b9: {  	v47 =	vmul.f32 v48, v47;
	v48 =	vimm.s32 $0x58;
	_ =	sdelay $0x3  }
0x1ba: {  	[tilespmem:$0x7F0] =	vst v47  }
0x1bb: {  	v47 =	vld.idx.msk [tilespmem:v48+s26+$0x0], $0xffff  }
0x1bc: {  	v48 =	vld [tilespmem:$0x800];
	_ =	sdelay $0x4  }
0x1bd: {  	v47 =	vmul.f32 v48, v47;
	v48 =	vimm.s32 $0x59;
	_ =	sdelay $0x3  }
0x1be: {  	[tilespmem:$0x800] =	vst v47  }
0x1bf: {  	v47 =	vld.idx.msk [tilespmem:v48+s26+$0x0], $0xffff  }
0x1c0: {  	v48 =	vld [tilespmem:$0x810];
	_ =	sdelay $0x4  }
0x1c1: {  	v47 =	vmul.f32 v48, v47;
	v48 =	vimm.s32 $0x5A;
	_ =	sdelay $0x3  }
0x1c2: {  	[tilespmem:$0x810] =	vst v47  }
0x1c3: {  	v47 =	vld.idx.msk [tilespmem:v48+s26+$0x0], $0xffff  }
0x1c4: {  	v48 =	vld [tilespmem:$0x820];
	_ =	sdelay $0x4  }
0x1c5: {  	v47 =	vmul.f32 v48, v47;
	v48 =	vimm.s32 $0x5B;
	_ =	sdelay $0x3  }
0x1c6: {  	[tilespmem:$0x820] =	vst v47  }
0x1c7: {  	v47 =	vld.idx.msk [tilespmem:v48+s26+$0x0], $0xffff  }
0x1c8: {  	v48 =	vld [tilespmem:$0x830];
	_ =	sdelay $0x4  }
0x1c9: {  	v47 =	vmul.f32 v48, v47;
	v48 =	vimm.s32 $0x5C;
	_ =	sdelay $0x3  }
0x1ca: {  	[tilespmem:$0x830] =	vst v47  }
0x1cb: {  	v47 =	vld.idx.msk [tilespmem:v48+s26+$0x0], $0xffff  }
0x1cc: {  	v48 =	vld [tilespmem:$0x840];
	_ =	sdelay $0x4  }
0x1cd: {  	v47 =	vmul.f32 v48, v47;
	v48 =	vimm.s32 $0x5D;
	_ =	sdelay $0x3  }
0x1ce: {  	[tilespmem:$0x840] =	vst v47  }
0x1cf: {  	v47 =	vld.idx.msk [tilespmem:v48+s26+$0x0], $0xffff  }
0x1d0: {  	v48 =	vld [tilespmem:$0x850];
	_ =	sdelay $0x4  }
0x1d1: {  	v47 =	vmul.f32 v48, v47;
	v48 =	vimm.s32 $0x5E;
	_ =	sdelay $0x3  }
0x1d2: {  	[tilespmem:$0x850] =	vst v47  }
0x1d3: {  	v47 =	vld.idx.msk [tilespmem:v48+s26+$0x0], $0xffff  }
0x1d4: {  	v48 =	vld [tilespmem:$0x860];
	_ =	sdelay $0x4  }
0x1d5: {  	v47 =	vmul.f32 v48, v47;
	v48 =	vimm.s32 $0x5F;
	_ =	sdelay $0x3  }
0x1d6: {  	[tilespmem:$0x860] =	vst v47  }
0x1d7: {  	v47 =	vld.idx.msk [tilespmem:v48+s26+$0x0], $0xffff  }
0x1d8: {  	v48 =	vld [tilespmem:$0x870];
	_ =	sdelay $0x4  }
0x1d9: {  	v47 =	vmul.f32 v48, v47;
	v48 =	vimm.s32 $0x60;
	_ =	sdelay $0x3  }
0x1da: {  	[tilespmem:$0x870] =	vst v47  }
0x1db: {  	v47 =	vld.idx.msk [tilespmem:v48+s26+$0x0], $0xffff  }
0x1dc: {  	v48 =	vld [tilespmem:$0x880];
	_ =	sdelay $0x4  }
0x1dd: {  	v47 =	vmul.f32 v48, v47;
	v48 =	vimm.s32 $0x61;
	_ =	sdelay $0x3  }
0x1de: {  	[tilespmem:$0x880] =	vst v47  }
0x1df: {  	v47 =	vld.idx.msk [tilespmem:v48+s26+$0x0], $0xffff  }
0x1e0: {  	v48 =	vld [tilespmem:$0x890];
	_ =	sdelay $0x4  }
0x1e1: {  	v47 =	vmul.f32 v48, v47;
	v48 =	vimm.s32 $0x62;
	_ =	sdelay $0x3  }
0x1e2: {  	[tilespmem:$0x890] =	vst v47  }
0x1e3: {  	v47 =	vld.idx.msk [tilespmem:v48+s26+$0x0], $0xffff  }
0x1e4: {  	v48 =	vld [tilespmem:$0x8A0];
	_ =	sdelay $0x4  }
0x1e5: {  	v47 =	vmul.f32 v48, v47;
	v48 =	vimm.s32 $0x63;
	_ =	sdelay $0x3  }
0x1e6: {  	[tilespmem:$0x8A0] =	vst v47  }
0x1e7: {  	v47 =	vld.idx.msk [tilespmem:v48+s26+$0x0], $0xffff  }
0x1e8: {  	v48 =	vld [tilespmem:$0x8B0];
	_ =	sdelay $0x4  }
0x1e9: {  	v47 =	vmul.f32 v48, v47;
	v48 =	vimm.s32 $0x64;
	_ =	sdelay $0x3  }
0x1ea: {  	[tilespmem:$0x8B0] =	vst v47  }
0x1eb: {  	v47 =	vld.idx.msk [tilespmem:v48+s26+$0x0], $0xffff  }
0x1ec: {  	v48 =	vld [tilespmem:$0x8C0];
	_ =	sdelay $0x4  }
0x1ed: {  	v47 =	vmul.f32 v48, v47;
	v48 =	vimm.s32 $0x65;
	_ =	sdelay $0x3  }
0x1ee: {  	[tilespmem:$0x8C0] =	vst v47  }
0x1ef: {  	v47 =	vld.idx.msk [tilespmem:v48+s26+$0x0], $0xffff  }
0x1f0: {  	v48 =	vld [tilespmem:$0x8D0];
	_ =	sdelay $0x4  }
0x1f1: {  	v47 =	vmul.f32 v48, v47;
	v48 =	vimm.s32 $0x66;
	_ =	sdelay $0x3  }
0x1f2: {  	[tilespmem:$0x8D0] =	vst v47  }
0x1f3: {  	v47 =	vld.idx.msk [tilespmem:v48+s26+$0x0], $0xffff  }
0x1f4: {  	v48 =	vld [tilespmem:$0x8E0];
	_ =	sdelay $0x4  }
0x1f5: {  	v47 =	vmul.f32 v48, v47;
	v48 =	vimm.s32 $0x67;
	_ =	sdelay $0x3  }
0x1f6: {  	[tilespmem:$0x8E0] =	vst v47  }
0x1f7: {  	v47 =	vld.idx.msk [tilespmem:v48+s26+$0x0], $0xffff  }
0x1f8: {  	v48 =	vld [tilespmem:$0x8F0];
	_ =	sdelay $0x4  }
0x1f9: {  	v47 =	vmul.f32 v48, v47;
	v48 =	vimm.s32 $0x68;
	_ =	sdelay $0x3  }
0x1fa: {  	[tilespmem:$0x8F0] =	vst v47  }
0x1fb: {  	v47 =	vld.idx.msk [tilespmem:v48+s26+$0x0], $0xffff  }
0x1fc: {  	v48 =	vld [tilespmem:$0x900];
	_ =	sdelay $0x4  }
0x1fd: {  	v47 =	vmul.f32 v48, v47;
	v48 =	vimm.s32 $0x69;
	_ =	sdelay $0x3  }
0x1fe: {  	[tilespmem:$0x900] =	vst v47  }
0x1ff: {  	v47 =	vld.idx.msk [tilespmem:v48+s26+$0x0], $0xffff  }
0x200: {  	v48 =	vld [tilespmem:$0x910];
	_ =	sdelay $0x4  }
0x201: {  	v47 =	vmul.f32 v48, v47;
	v48 =	vimm.s32 $0x6A;
	_ =	sdelay $0x3  }
0x202: {  	[tilespmem:$0x910] =	vst v47  }
0x203: {  	v47 =	vld.idx.msk [tilespmem:v48+s26+$0x0], $0xffff  }
0x204: {  	v48 =	vld [tilespmem:$0x920];
	_ =	sdelay $0x4  }
0x205: {  	v47 =	vmul.f32 v48, v47;
	v48 =	vimm.s32 $0x6B;
	_ =	sdelay $0x3  }
0x206: {  	[tilespmem:$0x920] =	vst v47  }
0x207: {  	v47 =	vld.idx.msk [tilespmem:v48+s26+$0x0], $0xffff  }
0x208: {  	v48 =	vld [tilespmem:$0x930];
	_ =	sdelay $0x4  }
0x209: {  	v47 =	vmul.f32 v48, v47;
	v48 =	vimm.s32 $0x6C;
	_ =	sdelay $0x3  }
0x20a: {  	[tilespmem:$0x930] =	vst v47  }
0x20b: {  	v47 =	vld.idx.msk [tilespmem:v48+s26+$0x0], $0xffff  }
0x20c: {  	v48 =	vld [tilespmem:$0x940];
	_ =	sdelay $0x4  }
0x20d: {  	v47 =	vmul.f32 v48, v47;
	v48 =	vimm.s32 $0x6D;
	_ =	sdelay $0x3  }
0x20e: {  	[tilespmem:$0x940] =	vst v47  }
0x20f: {  	v47 =	vld.idx.msk [tilespmem:v48+s26+$0x0], $0xffff  }
0x210: {  	v48 =	vld [tilespmem:$0x950];
	_ =	sdelay $0x4  }
0x211: {  	v47 =	vmul.f32 v48, v47;
	v48 =	vimm.s32 $0x6E;
	_ =	sdelay $0x3  }
0x212: {  	[tilespmem:$0x950] =	vst v47  }
0x213: {  	v47 =	vld.idx.msk [tilespmem:v48+s26+$0x0], $0xffff  }
0x214: {  	v48 =	vld [tilespmem:$0x960];
	_ =	sdelay $0x4  }
0x215: {  	v47 =	vmul.f32 v48, v47;
	v48 =	vimm.s32 $0x6F;
	_ =	sdelay $0x3  }
0x216: {  	[tilespmem:$0x960] =	vst v47  }
0x217: {  	v47 =	vld.idx.msk [tilespmem:v48+s26+$0x0], $0xffff  }
0x218: {  	v48 =	vld [tilespmem:$0x970];
	_ =	sdelay $0x4  }
0x219: {  	v47 =	vmul.f32 v48, v47;
	v48 =	vimm.s32 $0x70;
	_ =	sdelay $0x3  }
0x21a: {  	[tilespmem:$0x970] =	vst v47  }
0x21b: {  	v47 =	vld.idx.msk [tilespmem:v48+s26+$0x0], $0xffff  }
0x21c: {  	v48 =	vld [tilespmem:$0x980];
	_ =	sdelay $0x4  }
0x21d: {  	v47 =	vmul.f32 v48, v47;
	v48 =	vimm.s32 $0x71;
	_ =	sdelay $0x3  }
0x21e: {  	[tilespmem:$0x980] =	vst v47  }
0x21f: {  	v47 =	vld.idx.msk [tilespmem:v48+s26+$0x0], $0xffff  }
0x220: {  	v48 =	vld [tilespmem:$0x990];
	_ =	sdelay $0x4  }
0x221: {  	v47 =	vmul.f32 v48, v47;
	v48 =	vimm.s32 $0x72;
	_ =	sdelay $0x3  }
0x222: {  	[tilespmem:$0x990] =	vst v47  }
0x223: {  	v47 =	vld.idx.msk [tilespmem:v48+s26+$0x0], $0xffff  }
0x224: {  	v48 =	vld [tilespmem:$0x9A0];
	_ =	sdelay $0x4  }
0x225: {  	v47 =	vmul.f32 v48, v47;
	v48 =	vimm.s32 $0x73;
	_ =	sdelay $0x3  }
0x226: {  	[tilespmem:$0x9A0] =	vst v47  }
0x227: {  	v47 =	vld.idx.msk [tilespmem:v48+s26+$0x0], $0xffff  }
0x228: {  	v48 =	vld [tilespmem:$0x9B0];
	_ =	sdelay $0x4  }
0x229: {  	v47 =	vmul.f32 v48, v47;
	v48 =	vimm.s32 $0x74;
	_ =	sdelay $0x3  }
0x22a: {  	[tilespmem:$0x9B0] =	vst v47  }
0x22b: {  	v47 =	vld.idx.msk [tilespmem:v48+s26+$0x0], $0xffff  }
0x22c: {  	v48 =	vld [tilespmem:$0x9C0];
	_ =	sdelay $0x4  }
0x22d: {  	v47 =	vmul.f32 v48, v47;
	v48 =	vimm.s32 $0x75;
	_ =	sdelay $0x3  }
0x22e: {  	[tilespmem:$0x9C0] =	vst v47  }
0x22f: {  	v47 =	vld.idx.msk [tilespmem:v48+s26+$0x0], $0xffff  }
0x230: {  	v48 =	vld [tilespmem:$0x9D0];
	_ =	sdelay $0x4  }
0x231: {  	v47 =	vmul.f32 v48, v47;
	v48 =	vimm.s32 $0x76;
	_ =	sdelay $0x3  }
0x232: {  	[tilespmem:$0x9D0] =	vst v47  }
0x233: {  	v47 =	vld.idx.msk [tilespmem:v48+s26+$0x0], $0xffff  }
0x234: {  	v48 =	vld [tilespmem:$0x9E0];
	_ =	sdelay $0x4  }
0x235: {  	v47 =	vmul.f32 v48, v47;
	v48 =	vimm.s32 $0x77;
	_ =	sdelay $0x3  }
0x236: {  	[tilespmem:$0x9E0] =	vst v47  }
0x237: {  	v47 =	vld.idx.msk [tilespmem:v48+s26+$0x0], $0xffff  }
0x238: {  	v48 =	vld [tilespmem:$0x9F0];
	_ =	sdelay $0x4  }
0x239: {  	v47 =	vmul.f32 v48, v47;
	v48 =	vimm.s32 $0x78;
	_ =	sdelay $0x3  }
0x23a: {  	[tilespmem:$0x9F0] =	vst v47  }
0x23b: {  	v47 =	vld.idx.msk [tilespmem:v48+s26+$0x0], $0xffff  }
0x23c: {  	v48 =	vld [tilespmem:$0xA00];
	_ =	sdelay $0x4  }
0x23d: {  	v47 =	vmul.f32 v48, v47;
	v48 =	vimm.s32 $0x79;
	_ =	sdelay $0x3  }
0x23e: {  	[tilespmem:$0xA00] =	vst v47  }
0x23f: {  	v47 =	vld.idx.msk [tilespmem:v48+s26+$0x0], $0xffff  }
0x240: {  	v48 =	vld [tilespmem:$0xA10];
	_ =	sdelay $0x4  }
0x241: {  	v47 =	vmul.f32 v48, v47;
	v48 =	vimm.s32 $0x7A;
	_ =	sdelay $0x3  }
0x242: {  	[tilespmem:$0xA10] =	vst v47  }
0x243: {  	v47 =	vld.idx.msk [tilespmem:v48+s26+$0x0], $0xffff  }
0x244: {  	v48 =	vld [tilespmem:$0xA20];
	_ =	sdelay $0x4  }
0x245: {  	v47 =	vmul.f32 v48, v47;
	v48 =	vimm.s32 $0x7B;
	_ =	sdelay $0x3  }
0x246: {  	[tilespmem:$0xA20] =	vst v47  }
0x247: {  	v47 =	vld.idx.msk [tilespmem:v48+s26+$0x0], $0xffff  }
0x248: {  	v48 =	vld [tilespmem:$0xA30];
	_ =	sdelay $0x4  }
0x249: {  	v47 =	vmul.f32 v48, v47;
	v48 =	vimm.s32 $0x7C;
	_ =	sdelay $0x3  }
0x24a: {  	[tilespmem:$0xA30] =	vst v47  }
0x24b: {  	v47 =	vld.idx.msk [tilespmem:v48+s26+$0x0], $0xffff  }
0x24c: {  	v48 =	vld [tilespmem:$0xA40];
	_ =	sdelay $0x4  }
0x24d: {  	v47 =	vmul.f32 v48, v47;
	v48 =	vimm.s32 $0x7D;
	_ =	sdelay $0x3  }
0x24e: {  	[tilespmem:$0xA40] =	vst v47  }
0x24f: {  	v47 =	vld.idx.msk [tilespmem:v48+s26+$0x0], $0xffff  }
0x250: {  	v48 =	vld [tilespmem:$0xA50];
	_ =	sdelay $0x4  }
0x251: {  	v47 =	vmul.f32 v48, v47;
	v48 =	vimm.s32 $0x7E;
	_ =	sdelay $0x3  }
0x252: {  	[tilespmem:$0xA50] =	vst v47  }
0x253: {  	v47 =	vld.idx.msk [tilespmem:v48+s26+$0x0], $0xffff  }
0x254: {  	v48 =	vld [tilespmem:$0xA60];
	_ =	sdelay $0x4  }
0x255: {  	v47 =	vmul.f32 v48, v47;
	v48 =	vimm.s32 $0x7F;
	_ =	sdelay $0x3  }
0x256: {  	[tilespmem:$0xA60] =	vst v47  }
0x257: {  	v47 =	vld.idx.msk [tilespmem:v48+s26+$0x0], $0xffff  }
0x258: {  	v48 =	vld [tilespmem:$0xA70];
	_ =	sdelay $0x4  }
0x259: {  	v47 =	vmul.f32 v48, v47;
	_ =	sdelay $0x1  }
0x25a: {  	[tilespmem:$0xA70] =	vst v47  }
0x25b: {  	[spmem:s2] =	stream.indirect.scatter.add.f32 [tilespmem:s18], [sflag:$0x5], $0x10, s17, s17, $0xb8;
	[tilespmem:$0xE600] =	vst v63  }
0x25c: {  	_ =	swait.ge [sflag:s16], $0x800  }
0x25d: {  	[sflag:s16] =	ssyncset.done $0x0  }
0x25e: {  	s1 =	sadd.s32 s31, s14;
	[sflag:s16] =	ssyncadd.s32 $0xFFFFF800  }
0x25f: {  	[tilespmem:s3], [sflag:$0x5] =	stream.linear.gather [hbm4b:s1+s3], $0x80, $0x38;
	[tilespmem:$0xE600] =	vst v63  }
0x260: {  	_ =	swait.ge [sflag:s16], $0x80  }
0x261: {  	[sflag:s16] =	ssyncset.done $0x0  }
0x262: {  	s1 =	sadd.s32 s31, s13;
	[sflag:s16] =	ssyncadd.s32 $0xFFFFFF80  }
0x263: {  	[tilespmem:s17], [sflag:$0x5] =	stream.linear.gather [hbm4b:s1+s3], $0x80, $0x38;
	[tilespmem:$0xE600] =	vst v63  }
0x264: {  	_ =	swait.ge [sflag:s16], $0x80  }
0x265: {  	[sflag:s16] =	ssyncset.done $0x0  }
0x266: {  	[sflag:s16] =	ssyncadd.s32 $0xFFFFFF80  }
0x267: {  	[tilespmem:s18], [sflag:$0x1] =	stream.indirect.gather [hbm4b:s0+s17], $0x10, s3, s17, $0xb8;
	[tilespmem:$0xE600] =	vst v63  }
0x268: {  	_ = 	snop  }
0x269: {  	[tilespmem:s19], [sflag:$0x2] =	stream.indirect.gather [hbm4b:s0+s17], $0x10, s17, s17, $0xb8;
	[tilespmem:$0xE600] =	vst v63  }
0x26a: {  	_ =	swait.ge [sflag:s28], $0x800  }
0x26b: {  	[sflag:s28] =	ssyncset.done $0x0  }
0x26c: {  	[sflag:s28] =	ssyncadd.s32 $0xFFFFF800  }
0x26d: {  	_ =	swait.ge [sflag:s29], $0x800  }
0x26e: {  	[sflag:s29] =	ssyncset.done $0x0  }
0x26f: {  	[sflag:s29] =	ssyncadd.s32 $0xFFFFF800  }
0x270: {  	v47 =	vld.idx.msk [tilespmem:v0+s22+$0x0], $0xffff  }
0x271: {  	v48 =	vld.idx.msk [tilespmem:v1+s23+$0x0], $0xffff;
	_ =	sdelay $0x4  }
0x272: {  	v47 =	vadd.f32 v48, v47;
	_ =	sdelay $0x1  }
0x273: {  	v48 =	vmul.f32 $2.000000030e-01, v47  }
0x274: {  	vm8 =	vgt.f32 v47, $0.0e+00  }
0x275: {  	v47 =	vsel vm8, v47, v48  }
0x276: {  	v47 =	vmul.f32 $1.442695020e+00, v47;
	_ =	sdelay $0x1  }
0x277: {  	(erf) = vpow2.f32 v47;
	_ =	sdelay $0x8  }
0x278: {  	v47 =	vpop (erf)  }
0x279: {  	[tilespmem:$0x200] =	vst v47  }
0x27a: {  	v47 =	vld.idx.msk [tilespmem:v2+s22+$0x0], $0xffff  }
0x27b: {  	v48 =	vld.idx.msk [tilespmem:v3+s23+$0x0], $0xffff;
	_ =	sdelay $0x4  }
0x27c: {  	v47 =	vadd.f32 v48, v47;
	_ =	sdelay $0x1  }
0x27d: {  	v48 =	vmul.f32 $2.000000030e-01, v47  }
0x27e: {  	vm9 =	vgt.f32 v47, $0.0e+00  }
0x27f: {  	v47 =	vsel vm9, v47, v48  }
0x280: {  	v47 =	vmul.f32 $1.442695020e+00, v47;
	_ =	sdelay $0x1  }
0x281: {  	(erf) = vpow2.f32 v47;
	_ =	sdelay $0x8  }
0x282: {  	v47 =	vpop (erf)  }
0x283: {  	[tilespmem:$0x210] =	vst v47  }
0x284: {  	v47 =	vld.idx.msk [tilespmem:v4+s22+$0x0], $0xffff  }
0x285: {  	v48 =	vld.idx.msk [tilespmem:v5+s23+$0x0], $0xffff;
	_ =	sdelay $0x4  }
0x286: {  	v47 =	vadd.f32 v48, v47;
	_ =	sdelay $0x1  }
0x287: {  	v48 =	vmul.f32 $2.000000030e-01, v47  }
0x288: {  	vm10 =	vgt.f32 v47, $0.0e+00  }
0x289: {  	v47 =	vsel vm10, v47, v48  }
0x28a: {  	v47 =	vmul.f32 $1.442695020e+00, v47;
	_ =	sdelay $0x1  }
0x28b: {  	(erf) = vpow2.f32 v47;
	_ =	sdelay $0x8  }
0x28c: {  	v47 =	vpop (erf)  }
0x28d: {  	[tilespmem:$0x220] =	vst v47  }
0x28e: {  	v47 =	vld.idx.msk [tilespmem:v6+s22+$0x0], $0xffff  }
0x28f: {  	v48 =	vld.idx.msk [tilespmem:v7+s23+$0x0], $0xffff;
	_ =	sdelay $0x4  }
0x290: {  	v47 =	vadd.f32 v48, v47;
	_ =	sdelay $0x1  }
0x291: {  	v48 =	vmul.f32 $2.000000030e-01, v47  }
0x292: {  	vm11 =	vgt.f32 v47, $0.0e+00  }
0x293: {  	v47 =	vsel vm11, v47, v48  }
0x294: {  	v47 =	vmul.f32 $1.442695020e+00, v47;
	_ =	sdelay $0x1  }
0x295: {  	(erf) = vpow2.f32 v47;
	_ =	sdelay $0x8  }
0x296: {  	v47 =	vpop (erf)  }
0x297: {  	[tilespmem:$0x230] =	vst v47  }
0x298: {  	v47 =	vld.idx.msk [tilespmem:v8+s22+$0x0], $0xffff  }
0x299: {  	v48 =	vld.idx.msk [tilespmem:v9+s23+$0x0], $0xffff;
	_ =	sdelay $0x4  }
0x29a: {  	v47 =	vadd.f32 v48, v47;
	_ =	sdelay $0x1  }
0x29b: {  	v48 =	vmul.f32 $2.000000030e-01, v47  }
0x29c: {  	vm12 =	vgt.f32 v47, $0.0e+00  }
0x29d: {  	v47 =	vsel vm12, v47, v48  }
0x29e: {  	v47 =	vmul.f32 $1.442695020e+00, v47;
	_ =	sdelay $0x1  }
0x29f: {  	(erf) = vpow2.f32 v47;
	_ =	sdelay $0x8  }
0x2a0: {  	v47 =	vpop (erf)  }
0x2a1: {  	[tilespmem:$0x240] =	vst v47  }
0x2a2: {  	v47 =	vld.idx.msk [tilespmem:v10+s22+$0x0], $0xffff  }
0x2a3: {  	v48 =	vld.idx.msk [tilespmem:v11+s23+$0x0], $0xffff;
	_ =	sdelay $0x4  }
0x2a4: {  	v47 =	vadd.f32 v48, v47;
	_ =	sdelay $0x1  }
0x2a5: {  	v48 =	vmul.f32 $2.000000030e-01, v47  }
0x2a6: {  	vm13 =	vgt.f32 v47, $0.0e+00  }
0x2a7: {  	v47 =	vsel vm13, v47, v48  }
0x2a8: {  	v47 =	vmul.f32 $1.442695020e+00, v47;
	_ =	sdelay $0x1  }
0x2a9: {  	(erf) = vpow2.f32 v47;
	_ =	sdelay $0x8  }
0x2aa: {  	v47 =	vpop (erf)  }
0x2ab: {  	[tilespmem:$0x250] =	vst v47  }
0x2ac: {  	v47 =	vld.idx.msk [tilespmem:v12+s22+$0x0], $0xffff  }
0x2ad: {  	v48 =	vld.idx.msk [tilespmem:v13+s23+$0x0], $0xffff;
	_ =	sdelay $0x4  }
0x2ae: {  	v47 =	vadd.f32 v48, v47;
	_ =	sdelay $0x1  }
0x2af: {  	v48 =	vmul.f32 $2.000000030e-01, v47  }
0x2b0: {  	vm14 =	vgt.f32 v47, $0.0e+00  }
0x2b1: {  	v47 =	vsel vm14, v47, v48  }
0x2b2: {  	v47 =	vmul.f32 $1.442695020e+00, v47;
	_ =	sdelay $0x1  }
0x2b3: {  	(erf) = vpow2.f32 v47;
	_ =	sdelay $0x8  }
0x2b4: {  	v47 =	vpop (erf)  }
0x2b5: {  	[tilespmem:$0x260] =	vst v47  }
0x2b6: {  	v47 =	vld.idx.msk [tilespmem:v14+s22+$0x0], $0xffff  }
0x2b7: {  	v48 =	vld.idx.msk [tilespmem:v15+s23+$0x0], $0xffff;
	_ =	sdelay $0x4  }
0x2b8: {  	v47 =	vadd.f32 v48, v47;
	_ =	sdelay $0x1  }
0x2b9: {  	v48 =	vmul.f32 $2.000000030e-01, v47  }
0x2ba: {  	vm15 =	vgt.f32 v47, $0.0e+00  }
0x2bb: {  	v47 =	vsel vm15, v47, v48  }
0x2bc: {  	v47 =	vmul.f32 $1.442695020e+00, v47;
	_ =	sdelay $0x1  }
0x2bd: {  	(erf) = vpow2.f32 v47;
	_ =	sdelay $0x8  }
0x2be: {  	v47 =	vpop (erf)  }
0x2bf: {  	v48 =	vld [tilespmem:$0x1280];
	[tilespmem:$0x270] =	vst v47  }
0x2c0: {  	v47 =	vld.msk [tilespmem:s26+$0x0], $0xffff;
	_ =	sdelay $0x4  }
0x2c1: {  	v47 =	vmul.f32 v48, v47;
	_ =	sdelay $0x1  }
0x2c2: {  	v48 =	vld [tilespmem:$0x1290];
	[tilespmem:$0x1280] =	vst v47  }
0x2c3: {  	v47 =	vld.idx.msk [tilespmem:v36+s26+$0x0], $0xffff;
	_ =	sdelay $0x4  }
0x2c4: {  	v47 =	vmul.f32 v48, v47;
	_ =	sdelay $0x1  }
0x2c5: {  	v48 =	vld [tilespmem:$0x12A0];
	[tilespmem:$0x1290] =	vst v47  }
0x2c6: {  	v47 =	vld.idx.msk [tilespmem:v37+s26+$0x0], $0xffff;
	_ =	sdelay $0x4  }
0x2c7: {  	v47 =	vmul.f32 v48, v47;
	_ =	sdelay $0x1  }
0x2c8: {  	v48 =	vld [tilespmem:$0x12B0];
	[tilespmem:$0x12A0] =	vst v47  }
0x2c9: {  	v47 =	vld.idx.msk [tilespmem:v38+s26+$0x0], $0xffff;
	_ =	sdelay $0x4  }
0x2ca: {  	v47 =	vmul.f32 v48, v47;
	_ =	sdelay $0x1  }
0x2cb: {  	v48 =	vld [tilespmem:$0x12C0];
	[tilespmem:$0x12B0] =	vst v47  }
0x2cc: {  	v47 =	vld.idx.msk [tilespmem:v39+s26+$0x0], $0xffff;
	_ =	sdelay $0x4  }
0x2cd: {  	v47 =	vmul.f32 v48, v47;
	_ =	sdelay $0x1  }
0x2ce: {  	v48 =	vld [tilespmem:$0x12D0];
	[tilespmem:$0x12C0] =	vst v47  }
0x2cf: {  	v47 =	vld.idx.msk [tilespmem:v40+s26+$0x0], $0xffff;
	_ =	sdelay $0x4  }
0x2d0: {  	v47 =	vmul.f32 v48, v47;
	_ =	sdelay $0x1  }
0x2d1: {  	v48 =	vld [tilespmem:$0x12E0];
	[tilespmem:$0x12D0] =	vst v47  }
0x2d2: {  	v47 =	vld.idx.msk [tilespmem:v41+s26+$0x0], $0xffff;
	_ =	sdelay $0x4  }
0x2d3: {  	v47 =	vmul.f32 v48, v47;
	_ =	sdelay $0x1  }
0x2d4: {  	v48 =	vld [tilespmem:$0x12F0];
	[tilespmem:$0x12E0] =	vst v47  }
0x2d5: {  	v47 =	vld.idx.msk [tilespmem:v42+s26+$0x0], $0xffff;
	_ =	sdelay $0x4  }
0x2d6: {  	v47 =	vmul.f32 v48, v47;
	_ =	sdelay $0x1  }
0x2d7: {  	v48 =	vld [tilespmem:$0x1300];
	[tilespmem:$0x12F0] =	vst v47  }
0x2d8: {  	v47 =	vld.idx.msk [tilespmem:v43+s26+$0x0], $0xffff;
	_ =	sdelay $0x4  }
0x2d9: {  	v47 =	vmul.f32 v48, v47;
	_ =	sdelay $0x1  }
0x2da: {  	v48 =	vld [tilespmem:$0x1310];
	[tilespmem:$0x1300] =	vst v47  }
0x2db: {  	v47 =	vld.idx.msk [tilespmem:v44+s26+$0x0], $0xffff;
	_ =	sdelay $0x4  }
0x2dc: {  	v47 =	vmul.f32 v48, v47;
	_ =	sdelay $0x1  }
0x2dd: {  	v48 =	vld [tilespmem:$0x1320];
	[tilespmem:$0x1310] =	vst v47  }
0x2de: {  	v47 =	vld.idx.msk [tilespmem:v45+s26+$0x0], $0xffff;
	_ =	sdelay $0x4  }
0x2df: {  	v47 =	vmul.f32 v48, v47;
	_ =	sdelay $0x1  }
0x2e0: {  	v48 =	vld [tilespmem:$0x1330];
	[tilespmem:$0x1320] =	vst v47  }
0x2e1: {  	v47 =	vld.idx.msk [tilespmem:v46+s26+$0x0], $0xffff;
	_ =	sdelay $0x4  }
0x2e2: {  	v47 =	vmul.f32 v48, v47;
	_ =	sdelay $0x1  }
0x2e3: {  	v48 =	vld [tilespmem:$0x1340];
	[tilespmem:$0x1330] =	vst v47  }
0x2e4: {  	v47 =	vld.idx.msk [tilespmem:v49+s26+$0x0], $0xffff;
	_ =	sdelay $0x4  }
0x2e5: {  	v47 =	vmul.f32 v48, v47;
	_ =	sdelay $0x1  }
0x2e6: {  	v48 =	vld [tilespmem:$0x1350];
	[tilespmem:$0x1340] =	vst v47  }
0x2e7: {  	v47 =	vld.idx.msk [tilespmem:v50+s26+$0x0], $0xffff;
	_ =	sdelay $0x4  }
0x2e8: {  	v47 =	vmul.f32 v48, v47;
	_ =	sdelay $0x1  }
0x2e9: {  	v48 =	vld [tilespmem:$0x1360];
	[tilespmem:$0x1350] =	vst v47  }
0x2ea: {  	v47 =	vld.idx.msk [tilespmem:v51+s26+$0x0], $0xffff;
	_ =	sdelay $0x4  }
0x2eb: {  	v47 =	vmul.f32 v48, v47;
	_ =	sdelay $0x1  }
0x2ec: {  	v48 =	vld [tilespmem:$0x1370];
	[tilespmem:$0x1360] =	vst v47  }
0x2ed: {  	v47 =	vld.idx.msk [tilespmem:v52+s26+$0x0], $0xffff;
	_ =	sdelay $0x4  }
0x2ee: {  	v47 =	vmul.f32 v48, v47;
	_ =	sdelay $0x1  }
0x2ef: {  	v48 =	vld [tilespmem:$0x1380];
	[tilespmem:$0x1370] =	vst v47  }
0x2f0: {  	v47 =	vld.idx.msk [tilespmem:v53+s26+$0x0], $0xffff;
	_ =	sdelay $0x4  }
0x2f1: {  	v47 =	vmul.f32 v48, v47;
	_ =	sdelay $0x1  }
0x2f2: {  	v48 =	vld [tilespmem:$0x1390];
	[tilespmem:$0x1380] =	vst v47  }
0x2f3: {  	v47 =	vld.idx.msk [tilespmem:v54+s26+$0x0], $0xffff;
	_ =	sdelay $0x4  }
0x2f4: {  	v47 =	vmul.f32 v48, v47;
	_ =	sdelay $0x1  }
0x2f5: {  	v48 =	vld [tilespmem:$0x13A0];
	[tilespmem:$0x1390] =	vst v47  }
0x2f6: {  	v47 =	vld.idx.msk [tilespmem:v55+s26+$0x0], $0xffff;
	_ =	sdelay $0x4  }
0x2f7: {  	v47 =	vmul.f32 v48, v47;
	_ =	sdelay $0x1  }
0x2f8: {  	v48 =	vld [tilespmem:$0x13B0];
	[tilespmem:$0x13A0] =	vst v47  }
0x2f9: {  	v47 =	vld.idx.msk [tilespmem:v56+s26+$0x0], $0xffff;
	_ =	sdelay $0x4  }
0x2fa: {  	v47 =	vmul.f32 v48, v47;
	_ =	sdelay $0x1  }
0x2fb: {  	v48 =	vld [tilespmem:$0x13C0];
	[tilespmem:$0x13B0] =	vst v47  }
0x2fc: {  	v47 =	vld.idx.msk [tilespmem:v57+s26+$0x0], $0xffff;
	_ =	sdelay $0x4  }
0x2fd: {  	v47 =	vmul.f32 v48, v47;
	_ =	sdelay $0x1  }
0x2fe: {  	v48 =	vld [tilespmem:$0x13D0];
	[tilespmem:$0x13C0] =	vst v47  }
0x2ff: {  	v47 =	vld.idx.msk [tilespmem:v58+s26+$0x0], $0xffff;
	_ =	sdelay $0x4  }
0x300: {  	v47 =	vmul.f32 v48, v47;
	_ =	sdelay $0x1  }
0x301: {  	v48 =	vld [tilespmem:$0x13E0];
	[tilespmem:$0x13D0] =	vst v47  }
0x302: {  	v47 =	vld.idx.msk [tilespmem:v59+s26+$0x0], $0xffff;
	_ =	sdelay $0x4  }
0x303: {  	v47 =	vmul.f32 v48, v47;
	_ =	sdelay $0x1  }
0x304: {  	v48 =	vld [tilespmem:$0x13F0];
	[tilespmem:$0x13E0] =	vst v47  }
0x305: {  	v47 =	vld.idx.msk [tilespmem:v60+s26+$0x0], $0xffff;
	_ =	sdelay $0x4  }
0x306: {  	v47 =	vmul.f32 v48, v47;
	_ =	sdelay $0x1  }
0x307: {  	v48 =	vld [tilespmem:$0x1400];
	[tilespmem:$0x13F0] =	vst v47  }
0x308: {  	v47 =	vld.idx.msk [tilespmem:v61+s26+$0x0], $0xffff;
	_ =	sdelay $0x4  }
0x309: {  	v47 =	vmul.f32 v48, v47;
	_ =	sdelay $0x1  }
0x30a: {  	v48 =	vld [tilespmem:$0x1410];
	[tilespmem:$0x1400] =	vst v47  }
0x30b: {  	v47 =	vld.idx.msk [tilespmem:v62+s26+$0x0], $0xffff;
	_ =	sdelay $0x4  }
0x30c: {  	v47 =	vmul.f32 v48, v47;
	_ =	sdelay $0x1  }
0x30d: {  	v48 =	vld [tilespmem:$0x1420];
	[tilespmem:$0x1410] =	vst v47  }
0x30e: {  	v47 =	vld.idx.msk [tilespmem:v63+s26+$0x0], $0xffff;
	_ =	sdelay $0x4  }
0x30f: {  	v47 =	vmul.f32 v48, v47;
	_ =	sdelay $0x1  }
0x310: {  	v48 =	vld [tilespmem:$0x1430];
	[tilespmem:$0x1420] =	vst v47  }
0x311: {  	v47 =	vld.idx.msk [tilespmem:v16+s26+$0x0], $0xffff;
	_ =	sdelay $0x4  }
0x312: {  	v47 =	vmul.f32 v48, v47;
	_ =	sdelay $0x1  }
0x313: {  	v48 =	vld [tilespmem:$0x1440];
	[tilespmem:$0x1430] =	vst v47  }
0x314: {  	v47 =	vld.idx.msk [tilespmem:v17+s26+$0x0], $0xffff;
	_ =	sdelay $0x4  }
0x315: {  	v47 =	vmul.f32 v48, v47;
	_ =	sdelay $0x1  }
0x316: {  	v48 =	vld [tilespmem:$0x1450];
	[tilespmem:$0x1440] =	vst v47  }
0x317: {  	v47 =	vld.idx.msk [tilespmem:v18+s26+$0x0], $0xffff;
	_ =	sdelay $0x4  }
0x318: {  	v47 =	vmul.f32 v48, v47;
	_ =	sdelay $0x1  }
0x319: {  	v48 =	vld [tilespmem:$0x1460];
	[tilespmem:$0x1450] =	vst v47  }
0x31a: {  	v47 =	vld.idx.msk [tilespmem:v19+s26+$0x0], $0xffff;
	_ =	sdelay $0x4  }
0x31b: {  	v47 =	vmul.f32 v48, v47;
	_ =	sdelay $0x1  }
0x31c: {  	v48 =	vld [tilespmem:$0x1470];
	[tilespmem:$0x1460] =	vst v47  }
0x31d: {  	v47 =	vld.idx.msk [tilespmem:v20+s26+$0x0], $0xffff;
	_ =	sdelay $0x4  }
0x31e: {  	v47 =	vmul.f32 v48, v47;
	_ =	sdelay $0x1  }
0x31f: {  	v48 =	vld [tilespmem:$0x1480];
	[tilespmem:$0x1470] =	vst v47  }
0x320: {  	v47 =	vld.idx.msk [tilespmem:v21+s26+$0x0], $0xffff;
	_ =	sdelay $0x4  }
0x321: {  	v47 =	vmul.f32 v48, v47;
	_ =	sdelay $0x1  }
0x322: {  	v48 =	vld [tilespmem:$0x1490];
	[tilespmem:$0x1480] =	vst v47  }
0x323: {  	v47 =	vld.idx.msk [tilespmem:v22+s26+$0x0], $0xffff;
	_ =	sdelay $0x4  }
0x324: {  	v47 =	vmul.f32 v48, v47;
	_ =	sdelay $0x1  }
0x325: {  	v48 =	vld [tilespmem:$0x14A0];
	[tilespmem:$0x1490] =	vst v47  }
0x326: {  	v47 =	vld.idx.msk [tilespmem:v23+s26+$0x0], $0xffff;
	_ =	sdelay $0x4  }
0x327: {  	v47 =	vmul.f32 v48, v47;
	_ =	sdelay $0x1  }
0x328: {  	v48 =	vld [tilespmem:$0x14B0];
	[tilespmem:$0x14A0] =	vst v47  }
0x329: {  	v47 =	vld.idx.msk [tilespmem:v24+s26+$0x0], $0xffff;
	_ =	sdelay $0x4  }
0x32a: {  	v47 =	vmul.f32 v48, v47;
	_ =	sdelay $0x1  }
0x32b: {  	v48 =	vld [tilespmem:$0x14C0];
	[tilespmem:$0x14B0] =	vst v47  }
0x32c: {  	v47 =	vld.idx.msk [tilespmem:v25+s26+$0x0], $0xffff;
	_ =	sdelay $0x4  }
0x32d: {  	v47 =	vmul.f32 v48, v47;
	_ =	sdelay $0x1  }
0x32e: {  	v48 =	vld [tilespmem:$0x14D0];
	[tilespmem:$0x14C0] =	vst v47  }
0x32f: {  	v47 =	vld.idx.msk [tilespmem:v26+s26+$0x0], $0xffff;
	_ =	sdelay $0x4  }
0x330: {  	v47 =	vmul.f32 v48, v47;
	_ =	sdelay $0x1  }
0x331: {  	v48 =	vld [tilespmem:$0x14E0];
	[tilespmem:$0x14D0] =	vst v47  }
0x332: {  	v47 =	vld.idx.msk [tilespmem:v27+s26+$0x0], $0xffff;
	_ =	sdelay $0x4  }
0x333: {  	v47 =	vmul.f32 v48, v47;
	_ =	sdelay $0x1  }
0x334: {  	v48 =	vld [tilespmem:$0x14F0];
	[tilespmem:$0x14E0] =	vst v47  }
0x335: {  	v47 =	vld.idx.msk [tilespmem:v28+s26+$0x0], $0xffff;
	_ =	sdelay $0x4  }
0x336: {  	v47 =	vmul.f32 v48, v47;
	_ =	sdelay $0x1  }
0x337: {  	v48 =	vld [tilespmem:$0x1500];
	[tilespmem:$0x14F0] =	vst v47  }
0x338: {  	v47 =	vld.idx.msk [tilespmem:v29+s26+$0x0], $0xffff;
	_ =	sdelay $0x4  }
0x339: {  	v47 =	vmul.f32 v48, v47;
	_ =	sdelay $0x1  }
0x33a: {  	v48 =	vld [tilespmem:$0x1510];
	[tilespmem:$0x1500] =	vst v47  }
0x33b: {  	v47 =	vld.idx.msk [tilespmem:v30+s26+$0x0], $0xffff;
	_ =	sdelay $0x4  }
0x33c: {  	v47 =	vmul.f32 v48, v47;
	_ =	sdelay $0x1  }
0x33d: {  	v48 =	vld [tilespmem:$0x1520];
	[tilespmem:$0x1510] =	vst v47  }
0x33e: {  	v47 =	vld.idx.msk [tilespmem:v31+s26+$0x0], $0xffff;
	_ =	sdelay $0x4  }
0x33f: {  	v47 =	vmul.f32 v48, v47;
	_ =	sdelay $0x1  }
0x340: {  	v48 =	vld [tilespmem:$0x1530];
	[tilespmem:$0x1520] =	vst v47  }
0x341: {  	v47 =	vld.idx.msk [tilespmem:v32+s26+$0x0], $0xffff;
	_ =	sdelay $0x4  }
0x342: {  	v47 =	vmul.f32 v48, v47;
	_ =	sdelay $0x1  }
0x343: {  	v48 =	vld [tilespmem:$0x1540];
	[tilespmem:$0x1530] =	vst v47  }
0x344: {  	v47 =	vld.idx.msk [tilespmem:v33+s26+$0x0], $0xffff;
	_ =	sdelay $0x4  }
0x345: {  	v47 =	vmul.f32 v48, v47;
	_ =	sdelay $0x1  }
0x346: {  	v48 =	vld [tilespmem:$0x1550];
	[tilespmem:$0x1540] =	vst v47  }
0x347: {  	v47 =	vld.idx.msk [tilespmem:v34+s26+$0x0], $0xffff;
	_ =	sdelay $0x4  }
0x348: {  	v47 =	vmul.f32 v48, v47;
	_ =	sdelay $0x1  }
0x349: {  	v48 =	vld [tilespmem:$0x1560];
	[tilespmem:$0x1550] =	vst v47  }
0x34a: {  	v47 =	vld.idx.msk [tilespmem:v35+s26+$0x0], $0xffff;
	_ =	sdelay $0x2  }
0x34b: {  	v16 =	vimm.s32 $0x2F;
	_ =	sdelay $0x1  }
0x34c: {  	v47 =	vmul.f32 v48, v47;
	_ =	sdelay $0x1  }
0x34d: {  	v48 =	vld [tilespmem:$0x1570];
	[tilespmem:$0x1560] =	vst v47  }
0x34e: {  	v47 =	vld.idx.msk [tilespmem:v16+s26+$0x0], $0xffff;
	_ =	sdelay $0x2  }
0x34f: {  	v16 =	vimm.s32 $0x30;
	_ =	sdelay $0x1  }
0x350: {  	v47 =	vmul.f32 v48, v47;
	_ =	sdelay $0x1  }
0x351: {  	v48 =	vld [tilespmem:$0x1580];
	[tilespmem:$0x1570] =	vst v47  }
0x352: {  	v47 =	vld.idx.msk [tilespmem:v16+s26+$0x0], $0xffff;
	_ =	sdelay $0x2  }
0x353: {  	v16 =	vimm.s32 $0x31;
	_ =	sdelay $0x1  }
0x354: {  	v47 =	vmul.f32 v48, v47;
	_ =	sdelay $0x1  }
0x355: {  	v48 =	vld [tilespmem:$0x1590];
	[tilespmem:$0x1580] =	vst v47  }
0x356: {  	v47 =	vld.idx.msk [tilespmem:v16+s26+$0x0], $0xffff;
	_ =	sdelay $0x2  }
0x357: {  	v16 =	vimm.s32 $0x32;
	_ =	sdelay $0x1  }
0x358: {  	v47 =	vmul.f32 v48, v47;
	_ =	sdelay $0x1  }
0x359: {  	v48 =	vld [tilespmem:$0x15A0];
	[tilespmem:$0x1590] =	vst v47  }
0x35a: {  	v47 =	vld.idx.msk [tilespmem:v16+s26+$0x0], $0xffff;
	_ =	sdelay $0x2  }
0x35b: {  	v16 =	vimm.s32 $0x33;
	_ =	sdelay $0x1  }
0x35c: {  	v47 =	vmul.f32 v48, v47;
	_ =	sdelay $0x1  }
0x35d: {  	v48 =	vld [tilespmem:$0x15B0];
	[tilespmem:$0x15A0] =	vst v47  }
0x35e: {  	v47 =	vld.idx.msk [tilespmem:v16+s26+$0x0], $0xffff;
	_ =	sdelay $0x2  }
0x35f: {  	v16 =	vimm.s32 $0x34;
	_ =	sdelay $0x1  }
0x360: {  	v47 =	vmul.f32 v48, v47;
	_ =	sdelay $0x1  }
0x361: {  	v48 =	vld [tilespmem:$0x15C0];
	[tilespmem:$0x15B0] =	vst v47  }
0x362: {  	v47 =	vld.idx.msk [tilespmem:v16+s26+$0x0], $0xffff;
	_ =	sdelay $0x2  }
0x363: {  	v16 =	vimm.s32 $0x35;
	_ =	sdelay $0x1  }
0x364: {  	v47 =	vmul.f32 v48, v47;
	_ =	sdelay $0x1  }
0x365: {  	v48 =	vld [tilespmem:$0x15D0];
	[tilespmem:$0x15C0] =	vst v47  }
0x366: {  	v47 =	vld.idx.msk [tilespmem:v16+s26+$0x0], $0xffff;
	_ =	sdelay $0x2  }
0x367: {  	v16 =	vimm.s32 $0x36;
	_ =	sdelay $0x1  }
0x368: {  	v47 =	vmul.f32 v48, v47;
	_ =	sdelay $0x1  }
0x369: {  	v48 =	vld [tilespmem:$0x15E0];
	[tilespmem:$0x15D0] =	vst v47  }
0x36a: {  	v47 =	vld.idx.msk [tilespmem:v16+s26+$0x0], $0xffff;
	_ =	sdelay $0x2  }
0x36b: {  	v16 =	vimm.s32 $0x37;
	_ =	sdelay $0x1  }
0x36c: {  	v47 =	vmul.f32 v48, v47;
	_ =	sdelay $0x1  }
0x36d: {  	v48 =	vld [tilespmem:$0x15F0];
	[tilespmem:$0x15E0] =	vst v47  }
0x36e: {  	v47 =	vld.idx.msk [tilespmem:v16+s26+$0x0], $0xffff;
	_ =	sdelay $0x2  }
0x36f: {  	v16 =	vimm.s32 $0x38;
	_ =	sdelay $0x1  }
0x370: {  	v47 =	vmul.f32 v48, v47;
	_ =	sdelay $0x1  }
0x371: {  	v48 =	vld [tilespmem:$0x1600];
	[tilespmem:$0x15F0] =	vst v47  }
0x372: {  	v47 =	vld.idx.msk [tilespmem:v16+s26+$0x0], $0xffff;
	_ =	sdelay $0x2  }
0x373: {  	v16 =	vimm.s32 $0x39;
	_ =	sdelay $0x1  }
0x374: {  	v47 =	vmul.f32 v48, v47;
	_ =	sdelay $0x1  }
0x375: {  	v48 =	vld [tilespmem:$0x1610];
	[tilespmem:$0x1600] =	vst v47  }
0x376: {  	v47 =	vld.idx.msk [tilespmem:v16+s26+$0x0], $0xffff;
	_ =	sdelay $0x2  }
0x377: {  	v16 =	vimm.s32 $0x3A;
	_ =	sdelay $0x1  }
0x378: {  	v47 =	vmul.f32 v48, v47;
	_ =	sdelay $0x1  }
0x379: {  	v48 =	vld [tilespmem:$0x1620];
	[tilespmem:$0x1610] =	vst v47  }
0x37a: {  	v47 =	vld.idx.msk [tilespmem:v16+s26+$0x0], $0xffff;
	_ =	sdelay $0x2  }
0x37b: {  	v16 =	vimm.s32 $0x3B;
	_ =	sdelay $0x1  }
0x37c: {  	v47 =	vmul.f32 v48, v47;
	_ =	sdelay $0x1  }
0x37d: {  	v48 =	vld [tilespmem:$0x1630];
	[tilespmem:$0x1620] =	vst v47  }
0x37e: {  	v47 =	vld.idx.msk [tilespmem:v16+s26+$0x0], $0xffff;
	_ =	sdelay $0x2  }
0x37f: {  	v16 =	vimm.s32 $0x3C;
	_ =	sdelay $0x1  }
0x380: {  	v47 =	vmul.f32 v48, v47;
	_ =	sdelay $0x1  }
0x381: {  	v48 =	vld [tilespmem:$0x1640];
	[tilespmem:$0x1630] =	vst v47  }
0x382: {  	v47 =	vld.idx.msk [tilespmem:v16+s26+$0x0], $0xffff;
	_ =	sdelay $0x2  }
0x383: {  	v16 =	vimm.s32 $0x3D;
	_ =	sdelay $0x1  }
0x384: {  	v47 =	vmul.f32 v48, v47;
	_ =	sdelay $0x1  }
0x385: {  	v48 =	vld [tilespmem:$0x1650];
	[tilespmem:$0x1640] =	vst v47  }
0x386: {  	v47 =	vld.idx.msk [tilespmem:v16+s26+$0x0], $0xffff;
	_ =	sdelay $0x2  }
0x387: {  	v16 =	vimm.s32 $0x3E;
	_ =	sdelay $0x1  }
0x388: {  	v47 =	vmul.f32 v48, v47;
	_ =	sdelay $0x1  }
0x389: {  	v48 =	vld [tilespmem:$0x1660];
	[tilespmem:$0x1650] =	vst v47  }
0x38a: {  	v47 =	vld.idx.msk [tilespmem:v16+s26+$0x0], $0xffff;
	_ =	sdelay $0x2  }
0x38b: {  	v16 =	vimm.s32 $0x3F;
	_ =	sdelay $0x1  }
0x38c: {  	v47 =	vmul.f32 v48, v47;
	_ =	sdelay $0x1  }
0x38d: {  	v48 =	vld [tilespmem:$0x1670];
	[tilespmem:$0x1660] =	vst v47  }
0x38e: {  	v47 =	vld.idx.msk [tilespmem:v16+s26+$0x0], $0xffff;
	_ =	sdelay $0x2  }
0x38f: {  	v16 =	vimm.s32 $0x40;
	_ =	sdelay $0x1  }
0x390: {  	v47 =	vmul.f32 v48, v47;
	_ =	sdelay $0x1  }
0x391: {  	v48 =	vld [tilespmem:$0x1680];
	[tilespmem:$0x1670] =	vst v47  }
0x392: {  	v47 =	vld.idx.msk [tilespmem:v16+s26+$0x0], $0xffff;
	_ =	sdelay $0x2  }
0x393: {  	v16 =	vimm.s32 $0x41;
	_ =	sdelay $0x1  }
0x394: {  	v47 =	vmul.f32 v48, v47;
	_ =	sdelay $0x1  }
0x395: {  	v48 =	vld [tilespmem:$0x1690];
	[tilespmem:$0x1680] =	vst v47  }
0x396: {  	v47 =	vld.idx.msk [tilespmem:v16+s26+$0x0], $0xffff;
	_ =	sdelay $0x2  }
0x397: {  	v16 =	vimm.s32 $0x42;
	_ =	sdelay $0x1  }
0x398: {  	v47 =	vmul.f32 v48, v47;
	_ =	sdelay $0x1  }
0x399: {  	v48 =	vld [tilespmem:$0x16A0];
	[tilespmem:$0x1690] =	vst v47  }
0x39a: {  	v47 =	vld.idx.msk [tilespmem:v16+s26+$0x0], $0xffff;
	_ =	sdelay $0x2  }
0x39b: {  	v16 =	vimm.s32 $0x43;
	_ =	sdelay $0x1  }
0x39c: {  	v47 =	vmul.f32 v48, v47;
	_ =	sdelay $0x1  }
0x39d: {  	v48 =	vld [tilespmem:$0x16B0];
	[tilespmem:$0x16A0] =	vst v47  }
0x39e: {  	v47 =	vld.idx.msk [tilespmem:v16+s26+$0x0], $0xffff;
	_ =	sdelay $0x2  }
0x39f: {  	v16 =	vimm.s32 $0x44;
	_ =	sdelay $0x1  }
0x3a0: {  	v47 =	vmul.f32 v48, v47;
	_ =	sdelay $0x1  }
0x3a1: {  	v48 =	vld [tilespmem:$0x16C0];
	[tilespmem:$0x16B0] =	vst v47  }
0x3a2: {  	v47 =	vld.idx.msk [tilespmem:v16+s26+$0x0], $0xffff;
	_ =	sdelay $0x2  }
0x3a3: {  	v16 =	vimm.s32 $0x45;
	_ =	sdelay $0x1  }
0x3a4: {  	v47 =	vmul.f32 v48, v47;
	_ =	sdelay $0x1  }
0x3a5: {  	v48 =	vld [tilespmem:$0x16D0];
	[tilespmem:$0x16C0] =	vst v47  }
0x3a6: {  	v47 =	vld.idx.msk [tilespmem:v16+s26+$0x0], $0xffff;
	_ =	sdelay $0x2  }
0x3a7: {  	v16 =	vimm.s32 $0x46;
	_ =	sdelay $0x1  }
0x3a8: {  	v47 =	vmul.f32 v48, v47;
	_ =	sdelay $0x1  }
0x3a9: {  	v48 =	vld [tilespmem:$0x16E0];
	[tilespmem:$0x16D0] =	vst v47  }
0x3aa: {  	v47 =	vld.idx.msk [tilespmem:v16+s26+$0x0], $0xffff;
	_ =	sdelay $0x2  }
0x3ab: {  	v16 =	vimm.s32 $0x47;
	_ =	sdelay $0x1  }
0x3ac: {  	v47 =	vmul.f32 v48, v47;
	_ =	sdelay $0x1  }
0x3ad: {  	v48 =	vld [tilespmem:$0x16F0];
	[tilespmem:$0x16E0] =	vst v47  }
0x3ae: {  	v47 =	vld.idx.msk [tilespmem:v16+s26+$0x0], $0xffff;
	_ =	sdelay $0x2  }
0x3af: {  	v16 =	vimm.s32 $0x48;
	_ =	sdelay $0x1  }
0x3b0: {  	v47 =	vmul.f32 v48, v47;
	_ =	sdelay $0x1  }
0x3b1: {  	v48 =	vld [tilespmem:$0x1700];
	[tilespmem:$0x16F0] =	vst v47  }
0x3b2: {  	v47 =	vld.idx.msk [tilespmem:v16+s26+$0x0], $0xffff;
	_ =	sdelay $0x2  }
0x3b3: {  	v16 =	vimm.s32 $0x49;
	_ =	sdelay $0x1  }
0x3b4: {  	v47 =	vmul.f32 v48, v47;
	_ =	sdelay $0x1  }
0x3b5: {  	v48 =	vld [tilespmem:$0x1710];
	[tilespmem:$0x1700] =	vst v47  }
0x3b6: {  	v47 =	vld.idx.msk [tilespmem:v16+s26+$0x0], $0xffff;
	_ =	sdelay $0x2  }
0x3b7: {  	v16 =	vimm.s32 $0x4A;
	_ =	sdelay $0x1  }
0x3b8: {  	v47 =	vmul.f32 v48, v47;
	_ =	sdelay $0x1  }
0x3b9: {  	v48 =	vld [tilespmem:$0x1720];
	[tilespmem:$0x1710] =	vst v47  }
0x3ba: {  	v47 =	vld.idx.msk [tilespmem:v16+s26+$0x0], $0xffff;
	_ =	sdelay $0x2  }
0x3bb: {  	v16 =	vimm.s32 $0x4B;
	_ =	sdelay $0x1  }
0x3bc: {  	v47 =	vmul.f32 v48, v47;
	_ =	sdelay $0x1  }
0x3bd: {  	v48 =	vld [tilespmem:$0x1730];
	[tilespmem:$0x1720] =	vst v47  }
0x3be: {  	v47 =	vld.idx.msk [tilespmem:v16+s26+$0x0], $0xffff;
	_ =	sdelay $0x2  }
0x3bf: {  	v16 =	vimm.s32 $0x4C;
	_ =	sdelay $0x1  }
0x3c0: {  	v47 =	vmul.f32 v48, v47;
	_ =	sdelay $0x1  }
0x3c1: {  	v48 =	vld [tilespmem:$0x1740];
	[tilespmem:$0x1730] =	vst v47  }
0x3c2: {  	v47 =	vld.idx.msk [tilespmem:v16+s26+$0x0], $0xffff;
	_ =	sdelay $0x2  }
0x3c3: {  	v16 =	vimm.s32 $0x4D;
	_ =	sdelay $0x1  }
0x3c4: {  	v47 =	vmul.f32 v48, v47;
	_ =	sdelay $0x1  }
0x3c5: {  	v48 =	vld [tilespmem:$0x1750];
	[tilespmem:$0x1740] =	vst v47  }
0x3c6: {  	v47 =	vld.idx.msk [tilespmem:v16+s26+$0x0], $0xffff;
	_ =	sdelay $0x2  }
0x3c7: {  	v16 =	vimm.s32 $0x4E;
	_ =	sdelay $0x1  }
0x3c8: {  	v47 =	vmul.f32 v48, v47;
	_ =	sdelay $0x1  }
0x3c9: {  	v48 =	vld [tilespmem:$0x1760];
	[tilespmem:$0x1750] =	vst v47  }
0x3ca: {  	v47 =	vld.idx.msk [tilespmem:v16+s26+$0x0], $0xffff;
	_ =	sdelay $0x2  }
0x3cb: {  	v16 =	vimm.s32 $0x4F;
	_ =	sdelay $0x1  }
0x3cc: {  	v47 =	vmul.f32 v48, v47;
	_ =	sdelay $0x1  }
0x3cd: {  	v48 =	vld [tilespmem:$0x1770];
	[tilespmem:$0x1760] =	vst v47  }
0x3ce: {  	v47 =	vld.idx.msk [tilespmem:v16+s26+$0x0], $0xffff;
	_ =	sdelay $0x2  }
0x3cf: {  	v16 =	vimm.s32 $0x50;
	_ =	sdelay $0x1  }
0x3d0: {  	v47 =	vmul.f32 v48, v47;
	_ =	sdelay $0x1  }
0x3d1: {  	v48 =	vld [tilespmem:$0x1780];
	[tilespmem:$0x1770] =	vst v47  }
0x3d2: {  	v47 =	vld.idx.msk [tilespmem:v16+s26+$0x0], $0xffff;
	_ =	sdelay $0x2  }
0x3d3: {  	v16 =	vimm.s32 $0x51;
	_ =	sdelay $0x1  }
0x3d4: {  	v47 =	vmul.f32 v48, v47;
	_ =	sdelay $0x1  }
0x3d5: {  	v48 =	vld [tilespmem:$0x1790];
	[tilespmem:$0x1780] =	vst v47  }
0x3d6: {  	v47 =	vld.idx.msk [tilespmem:v16+s26+$0x0], $0xffff;
	_ =	sdelay $0x2  }
0x3d7: {  	v16 =	vimm.s32 $0x52;
	_ =	sdelay $0x1  }
0x3d8: {  	v47 =	vmul.f32 v48, v47;
	_ =	sdelay $0x1  }
0x3d9: {  	v48 =	vld [tilespmem:$0x17A0];
	[tilespmem:$0x1790] =	vst v47  }
0x3da: {  	v47 =	vld.idx.msk [tilespmem:v16+s26+$0x0], $0xffff;
	_ =	sdelay $0x2  }
0x3db: {  	v16 =	vimm.s32 $0x53;
	_ =	sdelay $0x1  }
0x3dc: {  	v47 =	vmul.f32 v48, v47;
	_ =	sdelay $0x1  }
0x3dd: {  	v48 =	vld [tilespmem:$0x17B0];
	[tilespmem:$0x17A0] =	vst v47  }
0x3de: {  	v47 =	vld.idx.msk [tilespmem:v16+s26+$0x0], $0xffff;
	_ =	sdelay $0x2  }
0x3df: {  	v16 =	vimm.s32 $0x54;
	_ =	sdelay $0x1  }
0x3e0: {  	v47 =	vmul.f32 v48, v47;
	_ =	sdelay $0x1  }
0x3e1: {  	v48 =	vld [tilespmem:$0x17C0];
	[tilespmem:$0x17B0] =	vst v47  }
0x3e2: {  	v47 =	vld.idx.msk [tilespmem:v16+s26+$0x0], $0xffff;
	_ =	sdelay $0x2  }
0x3e3: {  	v16 =	vimm.s32 $0x55;
	_ =	sdelay $0x1  }
0x3e4: {  	v47 =	vmul.f32 v48, v47;
	_ =	sdelay $0x1  }
0x3e5: {  	v48 =	vld [tilespmem:$0x17D0];
	[tilespmem:$0x17C0] =	vst v47  }
0x3e6: {  	v47 =	vld.idx.msk [tilespmem:v16+s26+$0x0], $0xffff;
	_ =	sdelay $0x2  }
0x3e7: {  	v16 =	vimm.s32 $0x56;
	_ =	sdelay $0x1  }
0x3e8: {  	v47 =	vmul.f32 v48, v47;
	_ =	sdelay $0x1  }
0x3e9: {  	v48 =	vld [tilespmem:$0x17E0];
	[tilespmem:$0x17D0] =	vst v47  }
0x3ea: {  	v47 =	vld.idx.msk [tilespmem:v16+s26+$0x0], $0xffff;
	_ =	sdelay $0x2  }
0x3eb: {  	v16 =	vimm.s32 $0x57;
	_ =	sdelay $0x1  }
0x3ec: {  	v47 =	vmul.f32 v48, v47;
	_ =	sdelay $0x1  }
0x3ed: {  	v48 =	vld [tilespmem:$0x17F0];
	[tilespmem:$0x17E0] =	vst v47  }
0x3ee: {  	v47 =	vld.idx.msk [tilespmem:v16+s26+$0x0], $0xffff;
	_ =	sdelay $0x2  }
0x3ef: {  	v16 =	vimm.s32 $0x58;
	_ =	sdelay $0x1  }
0x3f0: {  	v47 =	vmul.f32 v48, v47;
	_ =	sdelay $0x1  }
0x3f1: {  	v48 =	vld [tilespmem:$0x1800];
	[tilespmem:$0x17F0] =	vst v47  }
0x3f2: {  	v47 =	vld.idx.msk [tilespmem:v16+s26+$0x0], $0xffff;
	_ =	sdelay $0x2  }
0x3f3: {  	v16 =	vimm.s32 $0x59;
	_ =	sdelay $0x1  }
0x3f4: {  	v47 =	vmul.f32 v48, v47;
	_ =	sdelay $0x1  }
0x3f5: {  	v48 =	vld [tilespmem:$0x1810];
	[tilespmem:$0x1800] =	vst v47  }
0x3f6: {  	v47 =	vld.idx.msk [tilespmem:v16+s26+$0x0], $0xffff;
	_ =	sdelay $0x2  }
0x3f7: {  	v16 =	vimm.s32 $0x5A;
	_ =	sdelay $0x1  }
0x3f8: {  	v47 =	vmul.f32 v48, v47;
	_ =	sdelay $0x1  }
0x3f9: {  	v48 =	vld [tilespmem:$0x1820];
	[tilespmem:$0x1810] =	vst v47  }
0x3fa: {  	v47 =	vld.idx.msk [tilespmem:v16+s26+$0x0], $0xffff;
	_ =	sdelay $0x2  }
0x3fb: {  	v16 =	vimm.s32 $0x5B;
	_ =	sdelay $0x1  }
0x3fc: {  	v47 =	vmul.f32 v48, v47;
	_ =	sdelay $0x1  }
0x3fd: {  	v48 =	vld [tilespmem:$0x1830];
	[tilespmem:$0x1820] =	vst v47  }
0x3fe: {  	v47 =	vld.idx.msk [tilespmem:v16+s26+$0x0], $0xffff;
	_ =	sdelay $0x2  }
0x3ff: {  	v16 =	vimm.s32 $0x5C;
	_ =	sdelay $0x1  }
0x400: {  	v47 =	vmul.f32 v48, v47;
	_ =	sdelay $0x1  }
0x401: {  	v48 =	vld [tilespmem:$0x1840];
	[tilespmem:$0x1830] =	vst v47  }
0x402: {  	v47 =	vld.idx.msk [tilespmem:v16+s26+$0x0], $0xffff;
	_ =	sdelay $0x2  }
0x403: {  	v16 =	vimm.s32 $0x5D;
	_ =	sdelay $0x1  }
0x404: {  	v47 =	vmul.f32 v48, v47;
	_ =	sdelay $0x1  }
0x405: {  	v48 =	vld [tilespmem:$0x1850];
	[tilespmem:$0x1840] =	vst v47  }
0x406: {  	v47 =	vld.idx.msk [tilespmem:v16+s26+$0x0], $0xffff;
	_ =	sdelay $0x2  }
0x407: {  	v16 =	vimm.s32 $0x5E;
	_ =	sdelay $0x1  }
0x408: {  	v47 =	vmul.f32 v48, v47;
	_ =	sdelay $0x1  }
0x409: {  	v48 =	vld [tilespmem:$0x1860];
	[tilespmem:$0x1850] =	vst v47  }
0x40a: {  	v47 =	vld.idx.msk [tilespmem:v16+s26+$0x0], $0xffff;
	_ =	sdelay $0x2  }
0x40b: {  	v16 =	vimm.s32 $0x5F;
	_ =	sdelay $0x1  }
0x40c: {  	v47 =	vmul.f32 v48, v47;
	_ =	sdelay $0x1  }
0x40d: {  	v48 =	vld [tilespmem:$0x1870];
	[tilespmem:$0x1860] =	vst v47  }
0x40e: {  	v47 =	vld.idx.msk [tilespmem:v16+s26+$0x0], $0xffff;
	_ =	sdelay $0x2  }
0x40f: {  	v16 =	vimm.s32 $0x60;
	_ =	sdelay $0x1  }
0x410: {  	v47 =	vmul.f32 v48, v47;
	_ =	sdelay $0x1  }
0x411: {  	v48 =	vld [tilespmem:$0x1880];
	[tilespmem:$0x1870] =	vst v47  }
0x412: {  	v47 =	vld.idx.msk [tilespmem:v16+s26+$0x0], $0xffff;
	_ =	sdelay $0x2  }
0x413: {  	v16 =	vimm.s32 $0x61;
	_ =	sdelay $0x1  }
0x414: {  	v47 =	vmul.f32 v48, v47;
	_ =	sdelay $0x1  }
0x415: {  	v48 =	vld [tilespmem:$0x1890];
	[tilespmem:$0x1880] =	vst v47  }
0x416: {  	v47 =	vld.idx.msk [tilespmem:v16+s26+$0x0], $0xffff;
	_ =	sdelay $0x2  }
0x417: {  	v16 =	vimm.s32 $0x62;
	_ =	sdelay $0x1  }
0x418: {  	v47 =	vmul.f32 v48, v47;
	_ =	sdelay $0x1  }
0x419: {  	v48 =	vld [tilespmem:$0x18A0];
	[tilespmem:$0x1890] =	vst v47  }
0x41a: {  	v47 =	vld.idx.msk [tilespmem:v16+s26+$0x0], $0xffff;
	_ =	sdelay $0x2  }
0x41b: {  	v16 =	vimm.s32 $0x63;
	_ =	sdelay $0x1  }
0x41c: {  	v47 =	vmul.f32 v48, v47;
	_ =	sdelay $0x1  }
0x41d: {  	v48 =	vld [tilespmem:$0x18B0];
	[tilespmem:$0x18A0] =	vst v47  }
0x41e: {  	v47 =	vld.idx.msk [tilespmem:v16+s26+$0x0], $0xffff;
	_ =	sdelay $0x2  }
0x41f: {  	v16 =	vimm.s32 $0x64;
	_ =	sdelay $0x1  }
0x420: {  	v47 =	vmul.f32 v48, v47;
	_ =	sdelay $0x1  }
0x421: {  	v48 =	vld [tilespmem:$0x18C0];
	[tilespmem:$0x18B0] =	vst v47  }
0x422: {  	v47 =	vld.idx.msk [tilespmem:v16+s26+$0x0], $0xffff;
	_ =	sdelay $0x2  }
0x423: {  	v16 =	vimm.s32 $0x65;
	_ =	sdelay $0x1  }
0x424: {  	v47 =	vmul.f32 v48, v47;
	_ =	sdelay $0x1  }
0x425: {  	v48 =	vld [tilespmem:$0x18D0];
	[tilespmem:$0x18C0] =	vst v47  }
0x426: {  	v47 =	vld.idx.msk [tilespmem:v16+s26+$0x0], $0xffff;
	_ =	sdelay $0x2  }
0x427: {  	v16 =	vimm.s32 $0x66;
	_ =	sdelay $0x1  }
0x428: {  	v47 =	vmul.f32 v48, v47;
	_ =	sdelay $0x1  }
0x429: {  	v48 =	vld [tilespmem:$0x18E0];
	[tilespmem:$0x18D0] =	vst v47  }
0x42a: {  	v47 =	vld.idx.msk [tilespmem:v16+s26+$0x0], $0xffff;
	_ =	sdelay $0x2  }
0x42b: {  	v16 =	vimm.s32 $0x67;
	_ =	sdelay $0x1  }
0x42c: {  	v47 =	vmul.f32 v48, v47;
	_ =	sdelay $0x1  }
0x42d: {  	v48 =	vld [tilespmem:$0x18F0];
	[tilespmem:$0x18E0] =	vst v47  }
0x42e: {  	v47 =	vld.idx.msk [tilespmem:v16+s26+$0x0], $0xffff;
	_ =	sdelay $0x2  }
0x42f: {  	v16 =	vimm.s32 $0x68;
	_ =	sdelay $0x1  }
0x430: {  	v47 =	vmul.f32 v48, v47;
	_ =	sdelay $0x1  }
0x431: {  	v48 =	vld [tilespmem:$0x1900];
	[tilespmem:$0x18F0] =	vst v47  }
0x432: {  	v47 =	vld.idx.msk [tilespmem:v16+s26+$0x0], $0xffff;
	_ =	sdelay $0x2  }
0x433: {  	v16 =	vimm.s32 $0x69;
	_ =	sdelay $0x1  }
0x434: {  	v47 =	vmul.f32 v48, v47;
	_ =	sdelay $0x1  }
0x435: {  	v48 =	vld [tilespmem:$0x1910];
	[tilespmem:$0x1900] =	vst v47  }
0x436: {  	v47 =	vld.idx.msk [tilespmem:v16+s26+$0x0], $0xffff;
	_ =	sdelay $0x2  }
0x437: {  	v16 =	vimm.s32 $0x6A;
	_ =	sdelay $0x1  }
0x438: {  	v47 =	vmul.f32 v48, v47;
	_ =	sdelay $0x1  }
0x439: {  	v48 =	vld [tilespmem:$0x1920];
	[tilespmem:$0x1910] =	vst v47  }
0x43a: {  	v47 =	vld.idx.msk [tilespmem:v16+s26+$0x0], $0xffff;
	_ =	sdelay $0x2  }
0x43b: {  	v16 =	vimm.s32 $0x6B;
	_ =	sdelay $0x1  }
0x43c: {  	v47 =	vmul.f32 v48, v47;
	_ =	sdelay $0x1  }
0x43d: {  	v48 =	vld [tilespmem:$0x1930];
	[tilespmem:$0x1920] =	vst v47  }
0x43e: {  	v47 =	vld.idx.msk [tilespmem:v16+s26+$0x0], $0xffff;
	_ =	sdelay $0x2  }
0x43f: {  	v16 =	vimm.s32 $0x6C;
	_ =	sdelay $0x1  }
0x440: {  	v47 =	vmul.f32 v48, v47;
	_ =	sdelay $0x1  }
0x441: {  	v48 =	vld [tilespmem:$0x1940];
	[tilespmem:$0x1930] =	vst v47  }
0x442: {  	v47 =	vld.idx.msk [tilespmem:v16+s26+$0x0], $0xffff;
	_ =	sdelay $0x2  }
0x443: {  	v16 =	vimm.s32 $0x6D;
	_ =	sdelay $0x1  }
0x444: {  	v47 =	vmul.f32 v48, v47;
	_ =	sdelay $0x1  }
0x445: {  	v48 =	vld [tilespmem:$0x1950];
	[tilespmem:$0x1940] =	vst v47  }
0x446: {  	v47 =	vld.idx.msk [tilespmem:v16+s26+$0x0], $0xffff;
	_ =	sdelay $0x2  }
0x447: {  	v16 =	vimm.s32 $0x6E;
	_ =	sdelay $0x1  }
0x448: {  	v47 =	vmul.f32 v48, v47;
	_ =	sdelay $0x1  }
0x449: {  	v48 =	vld [tilespmem:$0x1960];
	[tilespmem:$0x1950] =	vst v47  }
0x44a: {  	v47 =	vld.idx.msk [tilespmem:v16+s26+$0x0], $0xffff;
	_ =	sdelay $0x2  }
0x44b: {  	v16 =	vimm.s32 $0x6F;
	_ =	sdelay $0x1  }
0x44c: {  	v47 =	vmul.f32 v48, v47;
	_ =	sdelay $0x1  }
0x44d: {  	v48 =	vld [tilespmem:$0x1970];
	[tilespmem:$0x1960] =	vst v47  }
0x44e: {  	v47 =	vld.idx.msk [tilespmem:v16+s26+$0x0], $0xffff;
	_ =	sdelay $0x2  }
0x44f: {  	v16 =	vimm.s32 $0x70;
	_ =	sdelay $0x1  }
0x450: {  	v47 =	vmul.f32 v48, v47;
	_ =	sdelay $0x1  }
0x451: {  	v48 =	vld [tilespmem:$0x1980];
	[tilespmem:$0x1970] =	vst v47  }
0x452: {  	v47 =	vld.idx.msk [tilespmem:v16+s26+$0x0], $0xffff;
	_ =	sdelay $0x2  }
0x453: {  	v16 =	vimm.s32 $0x71;
	_ =	sdelay $0x1  }
0x454: {  	v47 =	vmul.f32 v48, v47;
	_ =	sdelay $0x1  }
0x455: {  	v48 =	vld [tilespmem:$0x1990];
	[tilespmem:$0x1980] =	vst v47  }
0x456: {  	v47 =	vld.idx.msk [tilespmem:v16+s26+$0x0], $0xffff;
	_ =	sdelay $0x2  }
0x457: {  	v16 =	vimm.s32 $0x72;
	_ =	sdelay $0x1  }
0x458: {  	v47 =	vmul.f32 v48, v47;
	_ =	sdelay $0x1  }
0x459: {  	v48 =	vld [tilespmem:$0x19A0];
	[tilespmem:$0x1990] =	vst v47  }
0x45a: {  	v47 =	vld.idx.msk [tilespmem:v16+s26+$0x0], $0xffff;
	_ =	sdelay $0x2  }
0x45b: {  	v16 =	vimm.s32 $0x73;
	_ =	sdelay $0x1  }
0x45c: {  	v47 =	vmul.f32 v48, v47;
	_ =	sdelay $0x1  }
0x45d: {  	v48 =	vld [tilespmem:$0x19B0];
	[tilespmem:$0x19A0] =	vst v47  }
0x45e: {  	v47 =	vld.idx.msk [tilespmem:v16+s26+$0x0], $0xffff;
	_ =	sdelay $0x2  }
0x45f: {  	v16 =	vimm.s32 $0x74;
	_ =	sdelay $0x1  }
0x460: {  	v47 =	vmul.f32 v48, v47;
	_ =	sdelay $0x1  }
0x461: {  	v48 =	vld [tilespmem:$0x19C0];
	[tilespmem:$0x19B0] =	vst v47  }
0x462: {  	v47 =	vld.idx.msk [tilespmem:v16+s26+$0x0], $0xffff;
	_ =	sdelay $0x2  }
0x463: {  	v16 =	vimm.s32 $0x75;
	_ =	sdelay $0x1  }
0x464: {  	v47 =	vmul.f32 v48, v47;
	_ =	sdelay $0x1  }
0x465: {  	v48 =	vld [tilespmem:$0x19D0];
	[tilespmem:$0x19C0] =	vst v47  }
0x466: {  	v47 =	vld.idx.msk [tilespmem:v16+s26+$0x0], $0xffff;
	_ =	sdelay $0x2  }
0x467: {  	v16 =	vimm.s32 $0x76;
	_ =	sdelay $0x1  }
0x468: {  	v47 =	vmul.f32 v48, v47;
	_ =	sdelay $0x1  }
0x469: {  	v48 =	vld [tilespmem:$0x19E0];
	[tilespmem:$0x19D0] =	vst v47  }
0x46a: {  	v47 =	vld.idx.msk [tilespmem:v16+s26+$0x0], $0xffff;
	_ =	sdelay $0x2  }
0x46b: {  	v16 =	vimm.s32 $0x77;
	_ =	sdelay $0x1  }
0x46c: {  	v47 =	vmul.f32 v48, v47;
	_ =	sdelay $0x1  }
0x46d: {  	v48 =	vld [tilespmem:$0x19F0];
	[tilespmem:$0x19E0] =	vst v47  }
0x46e: {  	v47 =	vld.idx.msk [tilespmem:v16+s26+$0x0], $0xffff;
	_ =	sdelay $0x2  }
0x46f: {  	v16 =	vimm.s32 $0x78;
	_ =	sdelay $0x1  }
0x470: {  	v47 =	vmul.f32 v48, v47;
	_ =	sdelay $0x1  }
0x471: {  	v48 =	vld [tilespmem:$0x1A00];
	[tilespmem:$0x19F0] =	vst v47  }
0x472: {  	v47 =	vld.idx.msk [tilespmem:v16+s26+$0x0], $0xffff;
	_ =	sdelay $0x2  }
0x473: {  	v16 =	vimm.s32 $0x79;
	_ =	sdelay $0x1  }
0x474: {  	v47 =	vmul.f32 v48, v47;
	_ =	sdelay $0x1  }
0x475: {  	v48 =	vld [tilespmem:$0x1A10];
	[tilespmem:$0x1A00] =	vst v47  }
0x476: {  	v47 =	vld.idx.msk [tilespmem:v16+s26+$0x0], $0xffff;
	_ =	sdelay $0x2  }
0x477: {  	v16 =	vimm.s32 $0x7A;
	_ =	sdelay $0x1  }
0x478: {  	v47 =	vmul.f32 v48, v47;
	_ =	sdelay $0x1  }
0x479: {  	v48 =	vld [tilespmem:$0x1A20];
	[tilespmem:$0x1A10] =	vst v47  }
0x47a: {  	v47 =	vld.idx.msk [tilespmem:v16+s26+$0x0], $0xffff;
	_ =	sdelay $0x2  }
0x47b: {  	v16 =	vimm.s32 $0x7B;
	_ =	sdelay $0x1  }
0x47c: {  	v47 =	vmul.f32 v48, v47;
	_ =	sdelay $0x1  }
0x47d: {  	v48 =	vld [tilespmem:$0x1A30];
	[tilespmem:$0x1A20] =	vst v47  }
0x47e: {  	v47 =	vld.idx.msk [tilespmem:v16+s26+$0x0], $0xffff;
	_ =	sdelay $0x2  }
0x47f: {  	v16 =	vimm.s32 $0x7C;
	_ =	sdelay $0x1  }
0x480: {  	v47 =	vmul.f32 v48, v47;
	_ =	sdelay $0x1  }
0x481: {  	v48 =	vld [tilespmem:$0x1A40];
	[tilespmem:$0x1A30] =	vst v47  }
0x482: {  	v47 =	vld.idx.msk [tilespmem:v16+s26+$0x0], $0xffff;
	_ =	sdelay $0x2  }
0x483: {  	v16 =	vimm.s32 $0x7D;
	_ =	sdelay $0x1  }
0x484: {  	v47 =	vmul.f32 v48, v47;
	_ =	sdelay $0x1  }
0x485: {  	v48 =	vld [tilespmem:$0x1A50];
	[tilespmem:$0x1A40] =	vst v47  }
0x486: {  	v47 =	vld.idx.msk [tilespmem:v16+s26+$0x0], $0xffff;
	_ =	sdelay $0x2  }
0x487: {  	v16 =	vimm.s32 $0x7E;
	_ =	sdelay $0x1  }
0x488: {  	v47 =	vmul.f32 v48, v47;
	_ =	sdelay $0x1  }
0x489: {  	v48 =	vld [tilespmem:$0x1A60];
	[tilespmem:$0x1A50] =	vst v47  }
0x48a: {  	v47 =	vld.idx.msk [tilespmem:v16+s26+$0x0], $0xffff;
	_ =	sdelay $0x2  }
0x48b: {  	v16 =	vimm.s32 $0x7F;
	_ =	sdelay $0x1  }
0x48c: {  	v47 =	vmul.f32 v48, v47;
	_ =	sdelay $0x1  }
0x48d: {  	v48 =	vld [tilespmem:$0x1A70];
	[tilespmem:$0x1A60] =	vst v47  }
0x48e: {  	v47 =	vld.idx.msk [tilespmem:v16+s26+$0x0], $0xffff;
	_ =	sdelay $0x4  }
0x48f: {  	v47 =	vmul.f32 v48, v47  }
0x490: {  	p0 =	sne.s32 s31, $0x1920  }
.Ltmp0:
0x491: {  	[tilespmem:$0x1A70] =	vst v47;
	(pc) =	sbr.rel @p0 .LBB2_2-.Ltmp0, $4  }
0x492: {  	[spmem:s2] =	stream.indirect.scatter.add.f32 [tilespmem:s22], [sflag:$0x5], $0x10, s21, s17, $0xb8;
	[tilespmem:$0xE600] =	vst v63  }
0x493: {  	_ =	swait.ge [sflag:s16], $0x800  }
0x494: {  	[sflag:s16] =	ssyncset.done $0x0  }
0x495: {  	s31 =	sadd.s32 $0x20, s31;
	[sflag:s16] =	ssyncadd.s32 $0xFFFFF800  }
0x496: {  	_ =	swait.ge [sflag:s24], $0x800  }
0x497: {  	[sflag:s24] =	ssyncset.done $0x0  }
0x498: {  	[sflag:s24] =	ssyncadd.s32 $0xFFFFF800  }
0x499: {  	_ =	swait.ge [sflag:s25], $0x800  }
0x49a: {  	s30 =	sadd.s32 $0x1, s30;
	[sflag:s25] =	ssyncset.done $0x0  }
0x49b: {  	p0 =	sne.s32 s30, s10;
	[sflag:s25] =	ssyncadd.s32 $0xFFFFF800  }
.Ltmp1:
0x49c: {  	[bflag:$0x0] =	sbarrier.arrive $0xFFFF;
	(pc) =	sbr.rel @p0 .LBB2_1-.Ltmp1, $4  }
0x49d: {  	[hbm:s9], [sflag:s6] =	dma.local [spmem:s15], $0x1870  }
0x49e: {  	_ =	swait.ge [sflag:s16], $0x1870  }
0x49f: {  	[sflag:s16] =	ssyncset.done $0x0  }
0x4a0: {  	[sflag:s16] =	ssyncadd.s32 $0xFFFFE790  }
0x4a1: {  	_ =	sfence.sel $0x180000  }
0x4a2: {  	[bflag:$0x0] =	sbarrier.arrive $0xFFFF  }
0x4a3: {  	_ =	strace $0x90000047  }
0x4a4: {  	[bflag:$0x2] =	sbarrier.arrive $0xFFFF  }
0x4a5: {  	p0 =	sne.s32 s4, $0x0;
	s0 =	rddreg [dreg:$0x3]  }
0x4a6: {  	s0 =	sadd.s32 @!p0 $0x100000, s0  }
0x4a7: {  	[sflag:s0] =	ssyncadd.tile.s32 @!p0 $0x1;
	_ =	shalt  }
.Lfunc_end2:
_tile_overlayer_lowered:
.L_overlay_start_2:
0x4a8: {  	(tag) =	ssettag $0x2  }
0x4a9: {  	s0 =	rddreg [dreg:$0x0];
	s2 =	stileid.u32  }
0x4aa: {  	s1 =	rddreg [dreg:$0x1];
	p0 =	sne.s32 s2, $0x0  }
0x4ab: {  	s3 =	rddreg [dreg:$0x2];
	[bflag:$0x3] =	sbarrier.arrive $0xFFFF;
	s2 =	simm.s32 @!p0 $0x1C05  }
0x4ac: {  	[timem:s3], [sflag:s2] =	dma.local @!p0 [hbm:s0], s1  }
0x4ad: {  	s0 =	simm.s32 @!p0 $0x5  }
0x4ae: {  	_ =	swait.ge @!p0 [sflag:s0], s1  }
0x4af: {  	s1 =	ssub.s32 @!p0 $0x0, s1;
	[sflag:s0] =	ssyncset.done @!p0 $0x0  }
0x4b0: {  	[sflag:s0] =	ssyncadd.s32 @!p0 s1  }
0x4b1: {  	[bflag:$0x3] =	sbarrier.arrive $0xFFFF  }
0x4b2: {  	_ =	shalt  }

</sc_bundles>
